<compile_context>
chip_gen: v7x
topology: tpu7x:2x2x1
jax: 0.10.2.dev20260603
libtpu: 0.0.44.dev20260713+nightly
codegen_flags: <defaults>
</compile_context>

<pallas_src>
import functools

import jax
import jax.numpy as jnp
from jax import lax
from jax.experimental import pallas as pl
from jax.experimental.pallas import tpu as pltpu
from jax.experimental.pallas import tpu_sc as plsc

NC = 2
NS = 16
NW = NC * NS
LANES = 16
BLK = 128
NEG = -1e38



def _alpha_body(x_ref, w_ref, as_ref, ad_ref, a_s_ref, a_d_ref, easf_ref):
    ws = jnp.dot(w_ref[0], as_ref[0, 0][:, None],
                 preferred_element_type=jnp.float32)[:, 0]
    wd = jnp.dot(w_ref[0], ad_ref[0, 0][:, None],
                 preferred_element_type=jnp.float32)[:, 0]
    a_s = jnp.sum(x_ref[...] * ws[None, :], axis=1)
    a_d = jnp.sum(x_ref[...] * wd[None, :], axis=1)
    a_s_ref[0, 0] = a_s
    a_d_ref[0, 0] = a_d
    al = a_s + a_d
    al = jnp.where(al > 0, al, 0.2 * al)
    easf_ref[0, 0] = jnp.exp(al)


def _alpha_stage(x, W, att_src, att_dst):
    N, D = x.shape
    R = W.shape[0]
    return pl.pallas_call(
        _alpha_body,
        grid=(R,),
        in_specs=[
            pl.BlockSpec((N, D), lambda r: (0, 0)),
            pl.BlockSpec((1, D, D), lambda r: (r, 0, 0)),
            pl.BlockSpec((1, 1, D), lambda r: (r, 0, 0)),
            pl.BlockSpec((1, 1, D), lambda r: (r, 0, 0)),
        ],
        out_specs=[
            pl.BlockSpec((1, 1, N), lambda r: (r, 0, 0)),
            pl.BlockSpec((1, 1, N), lambda r: (r, 0, 0)),
            pl.BlockSpec((1, 1, N), lambda r: (r, 0, 0)),
        ],
        out_shape=[
            jax.ShapeDtypeStruct((R, 1, N), jnp.float32),
            jax.ShapeDtypeStruct((R, 1, N), jnp.float32),
            jax.ShapeDtypeStruct((R, 1, N), jnp.float32),
        ],
    )(x, W, att_src.reshape(R, 1, D), att_dst.reshape(R, 1, D))


def _xl_body(x_ref, w_ref, xl_ref):
    xl_ref[0] = jnp.dot(x_ref[...], w_ref[0], preferred_element_type=jnp.float32)


def _dense_stage(x, W):
    N, D = x.shape
    R = W.shape[0]
    return pl.pallas_call(
        _xl_body,
        grid=(R,),
        in_specs=[
            pl.BlockSpec((N, D), lambda r: (0, 0)),
            pl.BlockSpec((1, D, D), lambda r: (r, 0, 0)),
        ],
        out_specs=pl.BlockSpec((1, N, D), lambda r: (r, 0, 0)),
        out_shape=jax.ShapeDtypeStruct((R, N, D), jnp.float32),
    )(x, W)



def _make_kernel_a(E_pad, DN, ept):
    nblk = ept // BLK
    stripe = DN // NS
    mesh = plsc.VectorSubcoreMesh(core_axis_name="c", subcore_axis_name="s", num_cores=NC, num_subcores=NS)

    @functools.partial(
        pl.kernel,
        out_type=[
            jax.ShapeDtypeStruct((E_pad,), jnp.float32),
            jax.ShapeDtypeStruct((DN,), jnp.float32),
            jax.ShapeDtypeStruct((DN,), jnp.float32),
        ],
        mesh=mesh,
        scratch_types=[
            [pltpu.VMEM((BLK,), jnp.int32)] * 2,
            [pltpu.VMEM((BLK,), jnp.int32)] * 2,
            [pltpu.VMEM((BLK,), jnp.float32)] * 2,
            [pltpu.VMEM((BLK,), jnp.float32)] * 2,
            [pltpu.VMEM((BLK,), jnp.float32)] * 2,
            pltpu.VMEM((stripe,), jnp.float32),
            pltpu.VMEM_SHARED((DN,), jnp.float32),
            [[pltpu.SemaphoreType.DMA] * 2 for _ in range(6)],
        ],
    )
    def ka(fs_hbm, fd_hbm, asf_hbm, adf_hbm, easf_hbm,
           ee_hbm, den0_hbm, den1_hbm,
           fs_b, fd_b, as_b, ad_b, ee_b, zb, den_sh, sem):
        c = lax.axis_index("c")
        t = lax.axis_index("s")
        wid = t * NC + c

        @pl.when(c == 0)
        def _():
            pltpu.sync_copy(easf_hbm.at[pl.ds(t * stripe, stripe)], zb)

        @pl.when(c != 0)
        def _():
            def _zb(i, _):
                zb[pl.ds(i * LANES, LANES)] = jnp.zeros((LANES,), jnp.float32)
                return 0
            lax.fori_loop(0, stripe // LANES, _zb, 0)

        pltpu.sync_copy(zb, den_sh.at[pl.ds(t * stripe, stripe)])
        plsc.subcore_barrier()

        base0 = wid * ept
        pltpu.sync_copy(fs_hbm.at[pl.ds(base0, BLK)], fs_b[0])
        pltpu.sync_copy(fd_hbm.at[pl.ds(base0, BLK)], fd_b[0])
        pltpu.async_copy(asf_hbm.at[fs_b[0]], as_b[0], sem[2][0]).wait()
        pltpu.async_copy(adf_hbm.at[fd_b[0]], ad_b[0], sem[3][0]).wait()

        def half(i, p):
            q = 1 - p
            nbase = base0 + jnp.minimum(i + 1, nblk - 1) * BLK
            la = pltpu.async_copy(fs_hbm.at[pl.ds(nbase, BLK)], fs_b[q], sem[0][q])
            lb = pltpu.async_copy(fd_hbm.at[pl.ds(nbase, BLK)], fd_b[q], sem[1][q])
            for k in range(BLK // LANES):
                slc = pl.ds(k * LANES, LANES)
                a = as_b[p][slc] + ad_b[p][slc]
                a = jnp.where(a > 0, a, 0.2 * a)
                ee_b[p][slc] = jnp.exp(a)
            la.wait()
            lb.wait()
            ga = pltpu.async_copy(asf_hbm.at[fs_b[q]], as_b[q], sem[2][q])
            gb = pltpu.async_copy(adf_hbm.at[fd_b[q]], ad_b[q], sem[3][q])
            base = base0 + i * BLK
            st = pltpu.async_copy(ee_b[p], ee_hbm.at[pl.ds(base, BLK)], sem[4][p])
            sc = pltpu.async_copy(ee_b[p], den_sh.at[fd_b[p]], sem[5][p], add=True)
            ga.wait()
            gb.wait()
            st.wait()
            sc.wait()

        def g_body(g, _):
            half(2 * g, 0)
            half(2 * g + 1, 1)
            return 0

        lax.fori_loop(0, nblk // 2, g_body, 0)
        plsc.subcore_barrier()

        pltpu.sync_copy(den_sh.at[pl.ds(t * stripe, stripe)], zb)

        @pl.when(c == 0)
        def _():
            pltpu.sync_copy(zb, den0_hbm.at[pl.ds(t * stripe, stripe)])

        @pl.when(c != 0)
        def _():
            pltpu.sync_copy(zb, den1_hbm.at[pl.ds(t * stripe, stripe)])

    return ka



def _make_kernel_b(N, D, E_pad, DN, ept):
    nblk = ept // BLK
    rchunk = 80
    nchunk = N // rchunk
    cpt = -(-nchunk // NS)
    mesh = plsc.VectorSubcoreMesh(core_axis_name="c", subcore_axis_name="s", num_cores=NC, num_subcores=NS)

    @functools.partial(
        pl.kernel,
        out_type=jax.ShapeDtypeStruct((NC, N, D), jnp.float32),
        mesh=mesh,
        scratch_types=[
            [pltpu.VMEM((BLK,), jnp.int32)] * 2,
            [pltpu.VMEM((BLK,), jnp.int32)] * 2,
            [pltpu.VMEM((BLK,), jnp.int32)] * 2,
            [pltpu.VMEM((BLK,), jnp.float32)] * 2,
            [pltpu.VMEM((BLK,), jnp.float32)] * 2,
            [pltpu.VMEM((BLK,), jnp.float32)] * 2,
            [pltpu.VMEM((BLK + LANES,), jnp.float32)] * 2,
            [pltpu.VMEM((BLK, D), jnp.float32)] * 2,
            pltpu.VMEM_SHARED((N, D), jnp.float32),
            [[pltpu.SemaphoreType.DMA] * 2 for _ in range(8)],
        ],
    )
    def kb(xl_hbm, fs_hbm, fd_hbm, dst_hbm, ee_hbm, den0_hbm, den1_hbm,
           out_hbm,
           fs_b, fd_b, dst_b, ee_b, d0_b, d1_b, coef_b, rows, out_sh,
           sem):
        c = lax.axis_index("c")
        t = lax.axis_index("s")
        wid = t * NC + c

        def _zr(j, _):
            for k in range(D // LANES):
                rows[0][j, pl.ds(k * LANES, LANES)] = jnp.zeros((LANES,), jnp.float32)
            return 0
        lax.fori_loop(0, BLK, _zr, 0)
        for j in range(cpt):
            cid = t + j * NS

            @pl.when(cid < nchunk)
            def _():
                r0 = pl.multiple_of(cid * rchunk, 8)
                pltpu.sync_copy(rows[0].at[pl.ds(0, rchunk)],
                                out_sh.at[pl.ds(r0, rchunk)])
        plsc.subcore_barrier()

        base0 = wid * ept

        def issue_lin(i, p):
            base = base0 + i * BLK
            return (
                pltpu.async_copy(fs_hbm.at[pl.ds(base, BLK)], fs_b[p], sem[0][p]),
                pltpu.async_copy(fd_hbm.at[pl.ds(base, BLK)], fd_b[p], sem[1][p]),
                pltpu.async_copy(dst_hbm.at[pl.ds(base, BLK)], dst_b[p], sem[2][p]),
                pltpu.async_copy(ee_hbm.at[pl.ds(base, BLK)], ee_b[p], sem[3][p]),
            )

        def issue_ind(p):
            return (
                pltpu.async_copy(den0_hbm.at[fd_b[p]], d0_b[p], sem[4][p]),
                pltpu.async_copy(den1_hbm.at[fd_b[p]], d1_b[p], sem[5][p]),
                pltpu.async_copy(xl_hbm.at[fs_b[p]], rows[p], sem[6][p]),
            )

        for d in issue_lin(0, 0):
            d.wait()
        for d in issue_ind(0):
            d.wait()

        def half(i, p):
            q = 1 - p
            nxt = jnp.minimum(i + 1, nblk - 1)
            lds = issue_lin(nxt, q)
            for k in range(BLK // LANES):
                slc = pl.ds(k * LANES, LANES)
                coef_b[p][slc] = ee_b[p][slc] / (d0_b[p][slc] + d1_b[p][slc] + 1e-16)

            def escale(j, _):
                cf = coef_b[p][pl.ds(j, LANES)][0]
                for k in range(D // LANES):
                    slc = pl.ds(k * LANES, LANES)
                    rows[p][j, slc] = rows[p][j, slc] * cf
                return 0

            lax.fori_loop(0, BLK, escale, 0)
            for d in lds:
                d.wait()
            gds = issue_ind(q)
            sc = pltpu.async_copy(rows[p], out_sh.at[dst_b[p]], sem[7][p],
                                  add=True)
            for d in gds:
                d.wait()
            sc.wait()

        def g_body(g, _):
            half(2 * g, 0)
            half(2 * g + 1, 1)
            return 0

        lax.fori_loop(0, nblk // 2, g_body, 0)
        plsc.subcore_barrier()
        for j in range(cpt):
            cid = t + j * NS

            @pl.when(cid < nchunk)
            def _():
                r0 = pl.multiple_of(cid * rchunk, 8)
                pltpu.sync_copy(out_sh.at[pl.ds(r0, rchunk)],
                                rows[0].at[pl.ds(0, rchunk)])
                pltpu.sync_copy(rows[0].at[pl.ds(0, rchunk)],
                                out_hbm.at[c, pl.ds(r0, rchunk)])

    return kb



def _combine_body(x_ref, ws_ref, bs_ref, b_ref, p_ref, xl_ref,
                  easf_ref, d0_ref, d1_ref, o_ref):
    R = b_ref.shape[0]
    acc = jnp.dot(x_ref[...], ws_ref[...], preferred_element_type=jnp.float32)
    acc += (bs_ref[0] + jnp.sum(b_ref[...], axis=0))[None, :]
    acc += p_ref[0] + p_ref[1]
    cs = easf_ref[...] / (d0_ref[...] + d1_ref[...] + 1e-16)
    for r in range(R):
        acc += xl_ref[r] * cs[:, r][:, None]
    o_ref[...] = acc


def _combine_stage(x, W_self, b_self, b, partials, xl, easf_t, d0_t, d1_t):
    N, D = x.shape
    R = b.shape[0]
    BN = 2000
    nb = N // BN
    return pl.pallas_call(
        _combine_body,
        grid=(nb,),
        in_specs=[
            pl.BlockSpec((BN, D), lambda i: (i, 0)),
            pl.BlockSpec((D, D), lambda i: (0, 0)),
            pl.BlockSpec((1, D), lambda i: (0, 0)),
            pl.BlockSpec((R, D), lambda i: (0, 0)),
            pl.BlockSpec((NC, BN, D), lambda i: (0, i, 0)),
            pl.BlockSpec((R, BN, D), lambda i: (0, i, 0)),
            pl.BlockSpec((BN, R), lambda i: (i, 0)),
            pl.BlockSpec((BN, R), lambda i: (i, 0)),
            pl.BlockSpec((BN, R), lambda i: (i, 0)),
        ],
        out_specs=pl.BlockSpec((BN, D), lambda i: (i, 0)),
        out_shape=jax.ShapeDtypeStruct((N, D), jnp.float32),
    )(x, W_self, b_self.reshape(1, D), b, partials, xl, easf_t, d0_t, d1_t)



def kernel(x, edge_index, edge_type, W_self, b_self, W, att_src, att_dst, b):
    N, D = x.shape
    R = W.shape[0]
    E = edge_index.shape[1]
    RN = R * N
    DN = RN + 128

    ept = ((E + NW - 1) // NW + 2 * BLK - 1) // (2 * BLK) * (2 * BLK)
    E_pad = ept * NW
    pad = E_pad - E

    src = edge_index[0].astype(jnp.int32)
    dst = edge_index[1].astype(jnp.int32)
    et = edge_type.astype(jnp.int32)
    fs = et * N + src
    fd = et * N + dst
    fs_p = jnp.pad(fs, (0, pad), constant_values=0)
    fd_p = jnp.pad(fd, (0, pad), constant_values=RN)
    dst_p = jnp.pad(dst, (0, pad), constant_values=0)

    a_s, a_d, easf = _alpha_stage(x, W, att_src, att_dst)
    xl = _dense_stage(x, W)

    neg = jnp.full((8,), NEG, jnp.float32)
    asf_ext = jnp.concatenate([a_s.reshape(RN), neg])
    adf_ext = jnp.concatenate([a_d.reshape(RN), neg])
    easf_pad = jnp.concatenate([easf.reshape(RN),
                                jnp.zeros((DN - RN,), jnp.float32)])

    ka = _make_kernel_a(E_pad, DN, ept)
    ee, den0, den1 = ka(fs_p, fd_p, asf_ext, adf_ext, easf_pad)

    kb = _make_kernel_b(N, D, E_pad, DN, ept)
    partials = kb(xl.reshape(RN, D), fs_p, fd_p, dst_p, ee, den0, den1)

    easf_t = easf.reshape(R, N).T
    d0_t = den0[:RN].reshape(R, N).T
    d1_t = den1[:RN].reshape(R, N).T
    return _combine_stage(x, W_self, b_self, b, partials, xl, easf_t, d0_t, d1_t)

# --- scband reference (transcript-rebuilt; emitter-appended) ---
"""Pipeline reference for scband-rgatconv-10496900071977 (READ-ONLY COPY).

The authoritative reference and input builder live on the scoring server;
editing this copy changes nothing except your own understanding.
"""

import jax, jax.numpy as jnp
import numpy as np

N = 10000
E = 320000
D_IN = 128
D_OUT = 128
R = 8


def setup_inputs(seed: int = 0) -> dict:
    key = jax.random.key(seed)
    ks = jax.random.split(key, 12)
    x = jax.random.normal(ks[0], (N, D_IN), dtype=jnp.float32)
    edge_index = jax.random.randint(ks[1], (2, E), 0, N, dtype=jnp.int32)
    edge_type = jax.random.randint(ks[2], (E,), 0, R, dtype=jnp.int32)
    # self-loop linear
    W_self = jax.random.normal(ks[3], (D_IN, D_OUT), dtype=jnp.float32) * (1.0 / np.sqrt(D_IN))
    b_self = jnp.zeros((D_OUT,), dtype=jnp.float32)
    # per-relation GATConv params (heads=1, concat default)
    W = jax.random.normal(ks[4], (R, D_IN, D_OUT), dtype=jnp.float32) * (1.0 / np.sqrt(D_IN))
    att_src = jax.random.normal(ks[5], (R, D_OUT), dtype=jnp.float32) * (1.0 / np.sqrt(D_OUT))
    att_dst = jax.random.normal(ks[6], (R, D_OUT), dtype=jnp.float32) * (1.0 / np.sqrt(D_OUT))
    b = jnp.zeros((R, D_OUT), dtype=jnp.float32)
    return {"x": x, "edge_index": edge_index, "edge_type": edge_type,
            "W_self": W_self, "b_self": b_self, "W": W,
            "att_src": att_src, "att_dst": att_dst, "b": b}


def _gat_conv(x, src, dst, mask, Wi, a_src, a_dst, bi, num_nodes):
    # PyG GATConv, heads=1: lin -> edge attention -> segment softmax over dst -> weighted segment_sum
    xl = x @ Wi                                  # [N, D_OUT]
    alpha_s = (xl * a_src).sum(-1)               # [N]
    alpha_d = (xl * a_dst).sum(-1)               # [N]
    alpha = jax.nn.leaky_relu(alpha_s[src] + alpha_d[dst], negative_slope=0.2)
    alpha_m = jnp.where(mask, alpha, -jnp.inf)
    amax = jax.ops.segment_max(alpha_m, dst, num_segments=num_nodes)
    amax = jax.lax.stop_gradient(jnp.where(jnp.isneginf(amax), 0.0, amax))
    e = jnp.where(mask, jnp.exp(alpha - amax[dst]), 0.0)
    denom = jax.ops.segment_sum(e, dst, num_segments=num_nodes)
    coef = e / (denom[dst] + 1e-16)
    out = jax.ops.segment_sum(xl[src] * coef[:, None], dst, num_segments=num_nodes)
    return out + bi


def reference(x, edge_index, edge_type, W_self, b_self, W, att_src, att_dst, b):
    num_nodes = x.shape[0]
    x_new = x @ W_self + b_self
    loop = jnp.arange(num_nodes, dtype=edge_index.dtype)
    src = jnp.concatenate([edge_index[0], loop])
    dst = jnp.concatenate([edge_index[1], loop])
    loop_mask = jnp.ones((num_nodes,), dtype=bool)
    for i in range(R):
        mask = jnp.concatenate([edge_type == i, loop_mask])
        # GATConv default add_self_loops=True
        x_new = x_new + _gat_conv(x, src, dst, mask, W[i], att_src[i], att_dst[i], b[i], num_nodes)
    return x_new

if __name__ == "__main__":
    import jax
    _d = setup_inputs()
    print(jax.jit(kernel)(*tuple(_d.values())))

</pallas_src>

<mosaic_0001>
#map = affine_map<(d0, d1) -> (0)>
module attributes {stable_mosaic.version = 14 : i64} {
  func.func @ka(%arg0: i32, %arg1: i32, %arg2: memref<327680xi32, #tpu.memory_space<hbm>>, %arg3: memref<327680xi32, #tpu.memory_space<hbm>>, %arg4: memref<80008xf32, #tpu.memory_space<hbm>>, %arg5: memref<80008xf32, #tpu.memory_space<hbm>>, %arg6: memref<80128xf32, #tpu.memory_space<hbm>>, %arg7: memref<327680xf32, #tpu.memory_space<hbm>>, %arg8: memref<80128xf32, #tpu.memory_space<hbm>>, %arg9: memref<80128xf32, #tpu.memory_space<hbm>>, %arg10: memref<128xi32, #tpu.memory_space<vmem>>, %arg11: memref<128xi32, #tpu.memory_space<vmem>>, %arg12: memref<128xi32, #tpu.memory_space<vmem>>, %arg13: memref<128xi32, #tpu.memory_space<vmem>>, %arg14: memref<128xf32, #tpu.memory_space<vmem>>, %arg15: memref<128xf32, #tpu.memory_space<vmem>>, %arg16: memref<128xf32, #tpu.memory_space<vmem>>, %arg17: memref<128xf32, #tpu.memory_space<vmem>>, %arg18: memref<128xf32, #tpu.memory_space<vmem>>, %arg19: memref<128xf32, #tpu.memory_space<vmem>>, %arg20: memref<5008xf32, #tpu.memory_space<vmem>>, %arg21: memref<80128xf32, #tpu.memory_space<vmem_shared>>, %arg22: memref<!tpu.dma_semaphore, #tpu.memory_space<semaphore_mem>>, %arg23: memref<!tpu.dma_semaphore, #tpu.memory_space<semaphore_mem>>, %arg24: memref<!tpu.dma_semaphore, #tpu.memory_space<semaphore_mem>>, %arg25: memref<!tpu.dma_semaphore, #tpu.memory_space<semaphore_mem>>, %arg26: memref<!tpu.dma_semaphore, #tpu.memory_space<semaphore_mem>>, %arg27: memref<!tpu.dma_semaphore, #tpu.memory_space<semaphore_mem>>, %arg28: memref<!tpu.dma_semaphore, #tpu.memory_space<semaphore_mem>>, %arg29: memref<!tpu.dma_semaphore, #tpu.memory_space<semaphore_mem>>, %arg30: memref<!tpu.dma_semaphore, #tpu.memory_space<semaphore_mem>>, %arg31: memref<!tpu.dma_semaphore, #tpu.memory_space<semaphore_mem>>, %arg32: memref<!tpu.dma_semaphore, #tpu.memory_space<semaphore_mem>>, %arg33: memref<!tpu.dma_semaphore, #tpu.memory_space<semaphore_mem>>) attributes {dimension_semantics = [#tpu.dimension_semantics<core_parallel>, #tpu.dimension_semantics<subcore_parallel>], iteration_bounds = array<i64: 2, 16>, scalar_prefetch = 0 : i64, scratch_operands = 24 : i64, tpu.core_type = #tpu.core_type<sc_vector_subcore>, window_params = [{transform_indices = #map}, {transform_indices = #map}, {transform_indices = #map}, {transform_indices = #map}, {transform_indices = #map}, {transform_indices = #map}, {transform_indices = #map}, {transform_indices = #map}]} {
    %mul3A = arith.constant 2 : i32
    %mul3A_0 = arith.muli %arg1, %mul3A : i32
    %add3A = arith.addi %mul3A_0, %arg0 : i32
    %eq3A = arith.constant 0 : i32
    %eq3A_1 = arith.cmpi eq, %arg0, %eq3A : i32
    %convert_element_type3A = arith.extui %eq3A_1 : i1 to i32
    %cond3A = arith.constant 0 : i32
    %cond3A_2 = arith.cmpi ne, %convert_element_type3A, %cond3A : i32
    scf.if %cond3A_2 {
      %mul3A_36 = arith.constant 5008 : i32
      %mul3A_37 = arith.muli %arg1, %mul3A_36 : i32
      "tpu.region"() ({
        %run_scoped3A = tpu.sem_alloc : memref<!tpu.dma_semaphore, #tpu.memory_space<semaphore_mem>>
        %dma_start3A_38 = tpu.memref_slice %arg6[%mul3A_37] : memref<80128xf32, #tpu.memory_space<hbm>> -> memref<5008xf32, #tpu.memory_space<hbm>>
        %dma_start3A_39 = tpu.memref_slice %arg6[%mul3A_37] : memref<80128xf32, #tpu.memory_space<hbm>> -> memref<5008xf32, #tpu.memory_space<hbm>>
        tpu.enqueue_dma source(%dma_start3A_39 : memref<5008xf32, #tpu.memory_space<hbm>>) target(%arg20 : memref<5008xf32, #tpu.memory_space<vmem>>) target_semaphore(%run_scoped3A : memref<!tpu.dma_semaphore, #tpu.memory_space<semaphore_mem>>)
        %dma_wait3A_40 = tpu.memref_slice %arg6[%mul3A_37] : memref<80128xf32, #tpu.memory_space<hbm>> -> memref<5008xf32, #tpu.memory_space<hbm>>
        %dma_wait3A_41 = tpu.memref_slice %arg6[%mul3A_37] : memref<80128xf32, #tpu.memory_space<hbm>> -> memref<5008xf32, #tpu.memory_space<hbm>>
        tpu.wait_dma2 semaphore(%run_scoped3A : memref<!tpu.dma_semaphore, #tpu.memory_space<semaphore_mem>>) src(%dma_wait3A_41 : memref<5008xf32, #tpu.memory_space<hbm>>) dst(%arg20 : memref<5008xf32, #tpu.memory_space<vmem>>)
        tpu.yield
      }) : () -> ()
    } else {
    }
    %ne3A = arith.constant 0 : i32
    %ne3A_3 = arith.cmpi ne, %arg0, %ne3A : i32
    %convert_element_type3A_4 = arith.extui %ne3A_3 : i1 to i32
    %cond3A_5 = arith.constant 0 : i32
    %cond3A_6 = arith.cmpi ne, %convert_element_type3A_4, %cond3A_5 : i32
    scf.if %cond3A_6 {
      %scan3A_36 = arith.constant 0 : i32
      %scan3A_37 = arith.constant 0 : i32
      %scan3A_38 = arith.constant 313 : i32
      %scan3A_39 = arith.addi %scan3A_37, %scan3A_38 : i32
      %scan3A_40 = arith.constant 1 : i32
      %scan3A_41 = scf.for %scan3A_43 = %scan3A_37 to %scan3A_39 step %scan3A_40 iter_args(%scan3A_44 = %scan3A_36) -> (i32)  : i32 {
        %broadcast_in_dim3A = arith.constant 0.000000e+00 : f32
        %broadcast_in_dim3A_45 = vector.broadcast %broadcast_in_dim3A : f32 to vector<16xf32>
        %mul3A_46 = arith.constant 16 : i32
        %mul3A_47 = arith.muli %scan3A_43, %mul3A_46 : i32
        %swap3A = arith.index_cast %mul3A_47 : i32 to index
        %swap3A_48 = tpu.vector_load %arg20[%swap3A] {strides = array<i32>} : memref<5008xf32, #tpu.memory_space<vmem>>, vector<16xf32>,
        %swap3A_49 = vector.shape_cast %swap3A_48 : vector<16xf32> to vector<16xf32>
        %swap3A_50 = vector.shape_cast %broadcast_in_dim3A_45 : vector<16xf32> to vector<16xf32>
        tpu.vector_store %arg20[%swap3A], %swap3A_50 {strides = array<i32>} : memref<5008xf32, #tpu.memory_space<vmem>>, vector<16xf32>,
        %scan3A_51 = arith.constant 0 : i32
        scf.yield %scan3A_51 : i32
      }
      %scan3A_42 = arith.constant 313 : i32
    } else {
    }
    %mul3A_7 = arith.constant 5008 : i32
    %mul3A_8 = arith.muli %arg1, %mul3A_7 : i32
    "tpu.region"() ({
      %run_scoped3A = tpu.sem_alloc : memref<!tpu.dma_semaphore, #tpu.memory_space<semaphore_mem>>
      %dma_start3A_36 = tpu.memref_slice %arg21[%mul3A_8] : memref<80128xf32, #tpu.memory_space<vmem_shared>> -> memref<5008xf32, #tpu.memory_space<vmem_shared>>
      %dma_start3A_37 = tpu.memref_slice %arg21[%mul3A_8] : memref<80128xf32, #tpu.memory_space<vmem_shared>> -> memref<5008xf32, #tpu.memory_space<vmem_shared>>
      tpu.enqueue_dma source(%arg20 : memref<5008xf32, #tpu.memory_space<vmem>>) target(%dma_start3A_37 : memref<5008xf32, #tpu.memory_space<vmem_shared>>) target_semaphore(%run_scoped3A : memref<!tpu.dma_semaphore, #tpu.memory_space<semaphore_mem>>)
      %dma_wait3A_38 = tpu.memref_slice %arg21[%mul3A_8] : memref<80128xf32, #tpu.memory_space<vmem_shared>> -> memref<5008xf32, #tpu.memory_space<vmem_shared>>
      %dma_wait3A_39 = tpu.memref_slice %arg21[%mul3A_8] : memref<80128xf32, #tpu.memory_space<vmem_shared>> -> memref<5008xf32, #tpu.memory_space<vmem_shared>>
      tpu.wait_dma2 semaphore(%run_scoped3A : memref<!tpu.dma_semaphore, #tpu.memory_space<semaphore_mem>>) src(%arg20 : memref<5008xf32, #tpu.memory_space<vmem>>) dst(%dma_wait3A_39 : memref<5008xf32, #tpu.memory_space<vmem_shared>>)
      tpu.yield
    }) : () -> ()
    %barrier3A = arith.constant 0 : index
    tpu.barrier barrier_id(%barrier3A)
    %mul3A_9 = arith.constant 10240 : i32
    %mul3A_10 = arith.muli %add3A, %mul3A_9 : i32
    "tpu.region"() ({
      %run_scoped3A = tpu.sem_alloc : memref<!tpu.dma_semaphore, #tpu.memory_space<semaphore_mem>>
      %dma_start3A_36 = tpu.memref_slice %arg2[%mul3A_10] : memref<327680xi32, #tpu.memory_space<hbm>> -> memref<128xi32, #tpu.memory_space<hbm>>
      %dma_start3A_37 = tpu.memref_slice %arg2[%mul3A_10] : memref<327680xi32, #tpu.memory_space<hbm>> -> memref<128xi32, #tpu.memory_space<hbm>>
      tpu.enqueue_dma source(%dma_start3A_37 : memref<128xi32, #tpu.memory_space<hbm>>) target(%arg10 : memref<128xi32, #tpu.memory_space<vmem>>) target_semaphore(%run_scoped3A : memref<!tpu.dma_semaphore, #tpu.memory_space<semaphore_mem>>)
      %dma_wait3A_38 = tpu.memref_slice %arg2[%mul3A_10] : memref<327680xi32, #tpu.memory_space<hbm>> -> memref<128xi32, #tpu.memory_space<hbm>>
      %dma_wait3A_39 = tpu.memref_slice %arg2[%mul3A_10] : memref<327680xi32, #tpu.memory_space<hbm>> -> memref<128xi32, #tpu.memory_space<hbm>>
      tpu.wait_dma2 semaphore(%run_scoped3A : memref<!tpu.dma_semaphore, #tpu.memory_space<semaphore_mem>>) src(%dma_wait3A_39 : memref<128xi32, #tpu.memory_space<hbm>>) dst(%arg10 : memref<128xi32, #tpu.memory_space<vmem>>)
      tpu.yield
    }) : () -> ()
    "tpu.region"() ({
      %run_scoped3A = tpu.sem_alloc : memref<!tpu.dma_semaphore, #tpu.memory_space<semaphore_mem>>
      %dma_start3A_36 = tpu.memref_slice %arg3[%mul3A_10] : memref<327680xi32, #tpu.memory_space<hbm>> -> memref<128xi32, #tpu.memory_space<hbm>>
      %dma_start3A_37 = tpu.memref_slice %arg3[%mul3A_10] : memref<327680xi32, #tpu.memory_space<hbm>> -> memref<128xi32, #tpu.memory_space<hbm>>
      tpu.enqueue_dma source(%dma_start3A_37 : memref<128xi32, #tpu.memory_space<hbm>>) target(%arg12 : memref<128xi32, #tpu.memory_space<vmem>>) target_semaphore(%run_scoped3A : memref<!tpu.dma_semaphore, #tpu.memory_space<semaphore_mem>>)
      %dma_wait3A_38 = tpu.memref_slice %arg3[%mul3A_10] : memref<327680xi32, #tpu.memory_space<hbm>> -> memref<128xi32, #tpu.memory_space<hbm>>
      %dma_wait3A_39 = tpu.memref_slice %arg3[%mul3A_10] : memref<327680xi32, #tpu.memory_space<hbm>> -> memref<128xi32, #tpu.memory_space<hbm>>
      tpu.wait_dma2 semaphore(%run_scoped3A : memref<!tpu.dma_semaphore, #tpu.memory_space<semaphore_mem>>) src(%dma_wait3A_39 : memref<128xi32, #tpu.memory_space<hbm>>) dst(%arg12 : memref<128xi32, #tpu.memory_space<vmem>>)
      tpu.yield
    }) : () -> ()
    %dma_start3A = arith.constant 0 : i32
    %dma_start3A_11 = tpu.memref_slice %arg4[%dma_start3A] : memref<80008xf32, #tpu.memory_space<hbm>> -> memref<80008xf32, #tpu.memory_space<hbm>>
    tpu.enqueue_indirect_dma source(%dma_start3A_11 : memref<80008xf32, #tpu.memory_space<hbm>>) target(%arg14 : memref<128xf32, #tpu.memory_space<vmem>>) offsets(%arg10 : memref<128xi32, #tpu.memory_space<vmem>>) semaphore(%arg26 : memref<!tpu.dma_semaphore, #tpu.memory_space<semaphore_mem>>)
    %dma_wait3A = arith.constant 0 : i32
    %dma_wait3A_12 = tpu.memref_slice %arg4[%dma_wait3A] : memref<80008xf32, #tpu.memory_space<hbm>> -> memref<80008xf32, #tpu.memory_space<hbm>>
    tpu.wait_indirect_dma semaphore(%arg26 : memref<!tpu.dma_semaphore, #tpu.memory_space<semaphore_mem>>) src(%dma_wait3A_12 : memref<80008xf32, #tpu.memory_space<hbm>>) dst(%arg14 : memref<128xf32, #tpu.memory_space<vmem>>)
    %dma_start3A_13 = arith.constant 0 : i32
    %dma_start3A_14 = tpu.memref_slice %arg5[%dma_start3A_13] : memref<80008xf32, #tpu.memory_space<hbm>> -> memref<80008xf32, #tpu.memory_space<hbm>>
    tpu.enqueue_indirect_dma source(%dma_start3A_14 : memref<80008xf32, #tpu.memory_space<hbm>>) target(%arg16 : memref<128xf32, #tpu.memory_space<vmem>>) offsets(%arg12 : memref<128xi32, #tpu.memory_space<vmem>>) semaphore(%arg28 : memref<!tpu.dma_semaphore, #tpu.memory_space<semaphore_mem>>)
    %dma_wait3A_15 = arith.constant 0 : i32
    %dma_wait3A_16 = tpu.memref_slice %arg5[%dma_wait3A_15] : memref<80008xf32, #tpu.memory_space<hbm>> -> memref<80008xf32, #tpu.memory_space<hbm>>
    tpu.wait_indirect_dma semaphore(%arg28 : memref<!tpu.dma_semaphore, #tpu.memory_space<semaphore_mem>>) src(%dma_wait3A_16 : memref<80008xf32, #tpu.memory_space<hbm>>) dst(%arg16 : memref<128xf32, #tpu.memory_space<vmem>>)
    %scan3A = arith.constant 0 : i32
    %scan3A_17 = arith.constant 0 : i32
    %scan3A_18 = arith.constant 40 : i32
    %scan3A_19 = arith.addi %scan3A_17, %scan3A_18 : i32
    %scan3A_20 = arith.constant 1 : i32
    %scan3A_21 = scf.for %scan3A_36 = %scan3A_17 to %scan3A_19 step %scan3A_20 iter_args(%scan3A_37 = %scan3A) -> (i32)  : i32 {
      %mul3A_38 = arith.constant 2 : i32
      %mul3A_39 = arith.muli %mul3A_38, %scan3A_36 : i32
      %add3A_40 = arith.constant 1 : i32
      %add3A_41 = arith.addi %mul3A_39, %add3A_40 : i32
      %min3A = arith.constant 79 : i32
      %min3A_42 = arith.minsi %add3A_41, %min3A : i32
      %mul3A_43 = arith.constant 128 : i32
      %mul3A_44 = arith.muli %min3A_42, %mul3A_43 : i32
      %add3A_45 = arith.addi %mul3A_10, %mul3A_44 : i32
      %dma_start3A_46 = tpu.memref_slice %arg2[%add3A_45] : memref<327680xi32, #tpu.memory_space<hbm>> -> memref<128xi32, #tpu.memory_space<hbm>>
      %dma_start3A_47 = tpu.memref_slice %arg2[%add3A_45] : memref<327680xi32, #tpu.memory_space<hbm>> -> memref<128xi32, #tpu.memory_space<hbm>>
      tpu.enqueue_dma source(%dma_start3A_47 : memref<128xi32, #tpu.memory_space<hbm>>) target(%arg11 : memref<128xi32, #tpu.memory_space<vmem>>) target_semaphore(%arg23 : memref<!tpu.dma_semaphore, #tpu.memory_space<semaphore_mem>>)
      %dma_start3A_48 = tpu.memref_slice %arg3[%add3A_45] : memref<327680xi32, #tpu.memory_space<hbm>> -> memref<128xi32, #tpu.memory_space<hbm>>
      %dma_start3A_49 = tpu.memref_slice %arg3[%add3A_45] : memref<327680xi32, #tpu.memory_space<hbm>> -> memref<128xi32, #tpu.memory_space<hbm>>
      tpu.enqueue_dma source(%dma_start3A_49 : memref<128xi32, #tpu.memory_space<hbm>>) target(%arg13 : memref<128xi32, #tpu.memory_space<vmem>>) target_semaphore(%arg25 : memref<!tpu.dma_semaphore, #tpu.memory_space<semaphore_mem>>)
      %get3A = arith.constant 0 : index
      %get3A_50 = tpu.vector_load %arg14[%get3A] {strides = array<i32>} : memref<128xf32, #tpu.memory_space<vmem>>, vector<16xf32>,
      %get3A_51 = vector.shape_cast %get3A_50 : vector<16xf32> to vector<16xf32>
      %get3A_52 = arith.constant 0 : index
      %get3A_53 = tpu.vector_load %arg16[%get3A_52] {strides = array<i32>} : memref<128xf32, #tpu.memory_space<vmem>>, vector<16xf32>,
      %get3A_54 = vector.shape_cast %get3A_53 : vector<16xf32> to vector<16xf32>
      %add3A_55 = arith.addf %get3A_51, %get3A_54 : vector<16xf32>
      %gt3A = arith.constant 0.000000e+00 : f32
      %gt3A_56 = vector.broadcast %gt3A : f32 to vector<16xf32>
      %gt3A_57 = arith.cmpf ogt, %add3A_55, %gt3A_56 : vector<16xf32>
      %mul3A_58 = arith.constant 2.000000e-01 : f32
      %mul3A_59 = vector.broadcast %mul3A_58 : f32 to vector<16xf32>
      %mul3A_60 = arith.mulf %mul3A_59, %add3A_55 : vector<16xf32>
      %select_n3A = arith.select %gt3A_57, %add3A_55, %mul3A_60 : vector<16xi1>, vector<16xf32>
      %exp3A = math.exp %select_n3A : vector<16xf32>
      %swap3A = arith.constant 0 : index
      %swap3A_61 = tpu.vector_load %arg18[%swap3A] {strides = array<i32>} : memref<128xf32, #tpu.memory_space<vmem>>, vector<16xf32>,
      %swap3A_62 = vector.shape_cast %swap3A_61 : vector<16xf32> to vector<16xf32>
      %swap3A_63 = vector.shape_cast %exp3A : vector<16xf32> to vector<16xf32>
      tpu.vector_store %arg18[%swap3A], %swap3A_63 {strides = array<i32>} : memref<128xf32, #tpu.memory_space<vmem>>, vector<16xf32>,
      %get3A_64 = arith.constant 16 : index
      %get3A_65 = tpu.vector_load %arg14[%get3A_64] {strides = array<i32>} : memref<128xf32, #tpu.memory_space<vmem>>, vector<16xf32>,
      %get3A_66 = vector.shape_cast %get3A_65 : vector<16xf32> to vector<16xf32>
      %get3A_67 = arith.constant 16 : index
      %get3A_68 = tpu.vector_load %arg16[%get3A_67] {strides = array<i32>} : memref<128xf32, #tpu.memory_space<vmem>>, vector<16xf32>,
      %get3A_69 = vector.shape_cast %get3A_68 : vector<16xf32> to vector<16xf32>
      %add3A_70 = arith.addf %get3A_66, %get3A_69 : vector<16xf32>
      %gt3A_71 = arith.constant 0.000000e+00 : f32
      %gt3A_72 = vector.broadcast %gt3A_71 : f32 to vector<16xf32>
      %gt3A_73 = arith.cmpf ogt, %add3A_70, %gt3A_72 : vector<16xf32>
      %mul3A_74 = arith.constant 2.000000e-01 : f32
      %mul3A_75 = vector.broadcast %mul3A_74 : f32 to vector<16xf32>
      %mul3A_76 = arith.mulf %mul3A_75, %add3A_70 : vector<16xf32>
      %select_n3A_77 = arith.select %gt3A_73, %add3A_70, %mul3A_76 : vector<16xi1>, vector<16xf32>
      %exp3A_78 = math.exp %select_n3A_77 : vector<16xf32>
      %swap3A_79 = arith.constant 16 : index
      %swap3A_80 = tpu.vector_load %arg18[%swap3A_79] {strides = array<i32>} : memref<128xf32, #tpu.memory_space<vmem>>, vector<16xf32>,
      %swap3A_81 = vector.shape_cast %swap3A_80 : vector<16xf32> to vector<16xf32>
      %swap3A_82 = vector.shape_cast %exp3A_78 : vector<16xf32> to vector<16xf32>
      tpu.vector_store %arg18[%swap3A_79], %swap3A_82 {strides = array<i32>} : memref<128xf32, #tpu.memory_space<vmem>>, vector<16xf32>,
      %get3A_83 = arith.constant 32 : index
      %get3A_84 = tpu.vector_load %arg14[%get3A_83] {strides = array<i32>} : memref<128xf32, #tpu.memory_space<vmem>>, vector<16xf32>,
      %get3A_85 = vector.shape_cast %get3A_84 : vector<16xf32> to vector<16xf32>
      %get3A_86 = arith.constant 32 : index
      %get3A_87 = tpu.vector_load %arg16[%get3A_86] {strides = array<i32>} : memref<128xf32, #tpu.memory_space<vmem>>, vector<16xf32>,
      %get3A_88 = vector.shape_cast %get3A_87 : vector<16xf32> to vector<16xf32>
      %add3A_89 = arith.addf %get3A_85, %get3A_88 : vector<16xf32>
      %gt3A_90 = arith.constant 0.000000e+00 : f32
      %gt3A_91 = vector.broadcast %gt3A_90 : f32 to vector<16xf32>
      %gt3A_92 = arith.cmpf ogt, %add3A_89, %gt3A_91 : vector<16xf32>
      %mul3A_93 = arith.constant 2.000000e-01 : f32
      %mul3A_94 = vector.broadcast %mul3A_93 : f32 to vector<16xf32>
      %mul3A_95 = arith.mulf %mul3A_94, %add3A_89 : vector<16xf32>
      %select_n3A_96 = arith.select %gt3A_92, %add3A_89, %mul3A_95 : vector<16xi1>, vector<16xf32>
      %exp3A_97 = math.exp %select_n3A_96 : vector<16xf32>
      %swap3A_98 = arith.constant 32 : index
      %swap3A_99 = tpu.vector_load %arg18[%swap3A_98] {strides = array<i32>} : memref<128xf32, #tpu.memory_space<vmem>>, vector<16xf32>,
      %swap3A_100 = vector.shape_cast %swap3A_99 : vector<16xf32> to vector<16xf32>
      %swap3A_101 = vector.shape_cast %exp3A_97 : vector<16xf32> to vector<16xf32>
      tpu.vector_store %arg18[%swap3A_98], %swap3A_101 {strides = array<i32>} : memref<128xf32, #tpu.memory_space<vmem>>, vector<16xf32>,
      %get3A_102 = arith.constant 48 : index
      %get3A_103 = tpu.vector_load %arg14[%get3A_102] {strides = array<i32>} : memref<128xf32, #tpu.memory_space<vmem>>, vector<16xf32>,
      %get3A_104 = vector.shape_cast %get3A_103 : vector<16xf32> to vector<16xf32>
      %get3A_105 = arith.constant 48 : index
      %get3A_106 = tpu.vector_load %arg16[%get3A_105] {strides = array<i32>} : memref<128xf32, #tpu.memory_space<vmem>>, vector<16xf32>,
      %get3A_107 = vector.shape_cast %get3A_106 : vector<16xf32> to vector<16xf32>
      %add3A_108 = arith.addf %get3A_104, %get3A_107 : vector<16xf32>
      %gt3A_109 = arith.constant 0.000000e+00 : f32
      %gt3A_110 = vector.broadcast %gt3A_109 : f32 to vector<16xf32>
      %gt3A_111 = arith.cmpf ogt, %add3A_108, %gt3A_110 : vector<16xf32>
      %mul3A_112 = arith.constant 2.000000e-01 : f32
      %mul3A_113 = vector.broadcast %mul3A_112 : f32 to vector<16xf32>
      %mul3A_114 = arith.mulf %mul3A_113, %add3A_108 : vector<16xf32>
      %select_n3A_115 = arith.select %gt3A_111, %add3A_108, %mul3A_114 : vector<16xi1>, vector<16xf32>
      %exp3A_116 = math.exp %select_n3A_115 : vector<16xf32>
      %swap3A_117 = arith.constant 48 : index
      %swap3A_118 = tpu.vector_load %arg18[%swap3A_117] {strides = array<i32>} : memref<128xf32, #tpu.memory_space<vmem>>, vector<16xf32>,
      %swap3A_119 = vector.shape_cast %swap3A_118 : vector<16xf32> to vector<16xf32>
      %swap3A_120 = vector.shape_cast %exp3A_116 : vector<16xf32> to vector<16xf32>
      tpu.vector_store %arg18[%swap3A_117], %swap3A_120 {strides = array<i32>} : memref<128xf32, #tpu.memory_space<vmem>>, vector<16xf32>,
      %get3A_121 = arith.constant 64 : index
      %get3A_122 = tpu.vector_load %arg14[%get3A_121] {strides = array<i32>} : memref<128xf32, #tpu.memory_space<vmem>>, vector<16xf32>,
      %get3A_123 = vector.shape_cast %get3A_122 : vector<16xf32> to vector<16xf32>
      %get3A_124 = arith.constant 64 : index
      %get3A_125 = tpu.vector_load %arg16[%get3A_124] {strides = array<i32>} : memref<128xf32, #tpu.memory_space<vmem>>, vector<16xf32>,
      %get3A_126 = vector.shape_cast %get3A_125 : vector<16xf32> to vector<16xf32>
      %add3A_127 = arith.addf %get3A_123, %get3A_126 : vector<16xf32>
      %gt3A_128 = arith.constant 0.000000e+00 : f32
      %gt3A_129 = vector.broadcast %gt3A_128 : f32 to vector<16xf32>
      %gt3A_130 = arith.cmpf ogt, %add3A_127, %gt3A_129 : vector<16xf32>
      %mul3A_131 = arith.constant 2.000000e-01 : f32
      %mul3A_132 = vector.broadcast %mul3A_131 : f32 to vector<16xf32>
      %mul3A_133 = arith.mulf %mul3A_132, %add3A_127 : vector<16xf32>
      %select_n3A_134 = arith.select %gt3A_130, %add3A_127, %mul3A_133 : vector<16xi1>, vector<16xf32>
      %exp3A_135 = math.exp %select_n3A_134 : vector<16xf32>
      %swap3A_136 = arith.constant 64 : index
      %swap3A_137 = tpu.vector_load %arg18[%swap3A_136] {strides = array<i32>} : memref<128xf32, #tpu.memory_space<vmem>>, vector<16xf32>,
      %swap3A_138 = vector.shape_cast %swap3A_137 : vector<16xf32> to vector<16xf32>
      %swap3A_139 = vector.shape_cast %exp3A_135 : vector<16xf32> to vector<16xf32>
      tpu.vector_store %arg18[%swap3A_136], %swap3A_139 {strides = array<i32>} : memref<128xf32, #tpu.memory_space<vmem>>, vector<16xf32>,
      %get3A_140 = arith.constant 80 : index
      %get3A_141 = tpu.vector_load %arg14[%get3A_140] {strides = array<i32>} : memref<128xf32, #tpu.memory_space<vmem>>, vector<16xf32>,
      %get3A_142 = vector.shape_cast %get3A_141 : vector<16xf32> to vector<16xf32>
      %get3A_143 = arith.constant 80 : index
      %get3A_144 = tpu.vector_load %arg16[%get3A_143] {strides = array<i32>} : memref<128xf32, #tpu.memory_space<vmem>>, vector<16xf32>,
      %get3A_145 = vector.shape_cast %get3A_144 : vector<16xf32> to vector<16xf32>
      %add3A_146 = arith.addf %get3A_142, %get3A_145 : vector<16xf32>
      %gt3A_147 = arith.constant 0.000000e+00 : f32
      %gt3A_148 = vector.broadcast %gt3A_147 : f32 to vector<16xf32>
      %gt3A_149 = arith.cmpf ogt, %add3A_146, %gt3A_148 : vector<16xf32>
      %mul3A_150 = arith.constant 2.000000e-01 : f32
      %mul3A_151 = vector.broadcast %mul3A_150 : f32 to vector<16xf32>
      %mul3A_152 = arith.mulf %mul3A_151, %add3A_146 : vector<16xf32>
      %select_n3A_153 = arith.select %gt3A_149, %add3A_146, %mul3A_152 : vector<16xi1>, vector<16xf32>
      %exp3A_154 = math.exp %select_n3A_153 : vector<16xf32>
      %swap3A_155 = arith.constant 80 : index
      %swap3A_156 = tpu.vector_load %arg18[%swap3A_155] {strides = array<i32>} : memref<128xf32, #tpu.memory_space<vmem>>, vector<16xf32>,
      %swap3A_157 = vector.shape_cast %swap3A_156 : vector<16xf32> to vector<16xf32>
      %swap3A_158 = vector.shape_cast %exp3A_154 : vector<16xf32> to vector<16xf32>
      tpu.vector_store %arg18[%swap3A_155], %swap3A_158 {strides = array<i32>} : memref<128xf32, #tpu.memory_space<vmem>>, vector<16xf32>,
      %get3A_159 = arith.constant 96 : index
      %get3A_160 = tpu.vector_load %arg14[%get3A_159] {strides = array<i32>} : memref<128xf32, #tpu.memory_space<vmem>>, vector<16xf32>,
      %get3A_161 = vector.shape_cast %get3A_160 : vector<16xf32> to vector<16xf32>
      %get3A_162 = arith.constant 96 : index
      %get3A_163 = tpu.vector_load %arg16[%get3A_162] {strides = array<i32>} : memref<128xf32, #tpu.memory_space<vmem>>, vector<16xf32>,
      %get3A_164 = vector.shape_cast %get3A_163 : vector<16xf32> to vector<16xf32>
      %add3A_165 = arith.addf %get3A_161, %get3A_164 : vector<16xf32>
      %gt3A_166 = arith.constant 0.000000e+00 : f32
      %gt3A_167 = vector.broadcast %gt3A_166 : f32 to vector<16xf32>
      %gt3A_168 = arith.cmpf ogt, %add3A_165, %gt3A_167 : vector<16xf32>
      %mul3A_169 = arith.constant 2.000000e-01 : f32
      %mul3A_170 = vector.broadcast %mul3A_169 : f32 to vector<16xf32>
      %mul3A_171 = arith.mulf %mul3A_170, %add3A_165 : vector<16xf32>
      %select_n3A_172 = arith.select %gt3A_168, %add3A_165, %mul3A_171 : vector<16xi1>, vector<16xf32>
      %exp3A_173 = math.exp %select_n3A_172 : vector<16xf32>
      %swap3A_174 = arith.constant 96 : index
      %swap3A_175 = tpu.vector_load %arg18[%swap3A_174] {strides = array<i32>} : memref<128xf32, #tpu.memory_space<vmem>>, vector<16xf32>,
      %swap3A_176 = vector.shape_cast %swap3A_175 : vector<16xf32> to vector<16xf32>
      %swap3A_177 = vector.shape_cast %exp3A_173 : vector<16xf32> to vector<16xf32>
      tpu.vector_store %arg18[%swap3A_174], %swap3A_177 {strides = array<i32>} : memref<128xf32, #tpu.memory_space<vmem>>, vector<16xf32>,
      %get3A_178 = arith.constant 112 : index
      %get3A_179 = tpu.vector_load %arg14[%get3A_178] {strides = array<i32>} : memref<128xf32, #tpu.memory_space<vmem>>, vector<16xf32>,
      %get3A_180 = vector.shape_cast %get3A_179 : vector<16xf32> to vector<16xf32>
      %get3A_181 = arith.constant 112 : index
      %get3A_182 = tpu.vector_load %arg16[%get3A_181] {strides = array<i32>} : memref<128xf32, #tpu.memory_space<vmem>>, vector<16xf32>,
      %get3A_183 = vector.shape_cast %get3A_182 : vector<16xf32> to vector<16xf32>
      %add3A_184 = arith.addf %get3A_180, %get3A_183 : vector<16xf32>
      %gt3A_185 = arith.constant 0.000000e+00 : f32
      %gt3A_186 = vector.broadcast %gt3A_185 : f32 to vector<16xf32>
      %gt3A_187 = arith.cmpf ogt, %add3A_184, %gt3A_186 : vector<16xf32>
      %mul3A_188 = arith.constant 2.000000e-01 : f32
      %mul3A_189 = vector.broadcast %mul3A_188 : f32 to vector<16xf32>
      %mul3A_190 = arith.mulf %mul3A_189, %add3A_184 : vector<16xf32>
      %select_n3A_191 = arith.select %gt3A_187, %add3A_184, %mul3A_190 : vector<16xi1>, vector<16xf32>
      %exp3A_192 = math.exp %select_n3A_191 : vector<16xf32>
      %swap3A_193 = arith.constant 112 : index
      %swap3A_194 = tpu.vector_load %arg18[%swap3A_193] {strides = array<i32>} : memref<128xf32, #tpu.memory_space<vmem>>, vector<16xf32>,
      %swap3A_195 = vector.shape_cast %swap3A_194 : vector<16xf32> to vector<16xf32>
      %swap3A_196 = vector.shape_cast %exp3A_192 : vector<16xf32> to vector<16xf32>
      tpu.vector_store %arg18[%swap3A_193], %swap3A_196 {strides = array<i32>} : memref<128xf32, #tpu.memory_space<vmem>>, vector<16xf32>,
      %dma_wait3A_197 = tpu.memref_slice %arg2[%add3A_45] : memref<327680xi32, #tpu.memory_space<hbm>> -> memref<128xi32, #tpu.memory_space<hbm>>
      %dma_wait3A_198 = tpu.memref_slice %arg2[%add3A_45] : memref<327680xi32, #tpu.memory_space<hbm>> -> memref<128xi32, #tpu.memory_space<hbm>>
      tpu.wait_dma2 semaphore(%arg23 : memref<!tpu.dma_semaphore, #tpu.memory_space<semaphore_mem>>) src(%dma_wait3A_198 : memref<128xi32, #tpu.memory_space<hbm>>) dst(%arg11 : memref<128xi32, #tpu.memory_space<vmem>>)
      %dma_wait3A_199 = tpu.memref_slice %arg3[%add3A_45] : memref<327680xi32, #tpu.memory_space<hbm>> -> memref<128xi32, #tpu.memory_space<hbm>>
      %dma_wait3A_200 = tpu.memref_slice %arg3[%add3A_45] : memref<327680xi32, #tpu.memory_space<hbm>> -> memref<128xi32, #tpu.memory_space<hbm>>
      tpu.wait_dma2 semaphore(%arg25 : memref<!tpu.dma_semaphore, #tpu.memory_space<semaphore_mem>>) src(%dma_wait3A_200 : memref<128xi32, #tpu.memory_space<hbm>>) dst(%arg13 : memref<128xi32, #tpu.memory_space<vmem>>)
      %dma_start3A_201 = arith.constant 0 : i32
      %dma_start3A_202 = tpu.memref_slice %arg4[%dma_start3A_201] : memref<80008xf32, #tpu.memory_space<hbm>> -> memref<80008xf32, #tpu.memory_space<hbm>>
      tpu.enqueue_indirect_dma source(%dma_start3A_202 : memref<80008xf32, #tpu.memory_space<hbm>>) target(%arg15 : memref<128xf32, #tpu.memory_space<vmem>>) offsets(%arg11 : memref<128xi32, #tpu.memory_space<vmem>>) semaphore(%arg27 : memref<!tpu.dma_semaphore, #tpu.memory_space<semaphore_mem>>)
      %dma_start3A_203 = arith.constant 0 : i32
      %dma_start3A_204 = tpu.memref_slice %arg5[%dma_start3A_203] : memref<80008xf32, #tpu.memory_space<hbm>> -> memref<80008xf32, #tpu.memory_space<hbm>>
      tpu.enqueue_indirect_dma source(%dma_start3A_204 : memref<80008xf32, #tpu.memory_space<hbm>>) target(%arg17 : memref<128xf32, #tpu.memory_space<vmem>>) offsets(%arg13 : memref<128xi32, #tpu.memory_space<vmem>>) semaphore(%arg29 : memref<!tpu.dma_semaphore, #tpu.memory_space<semaphore_mem>>)
      %mul3A_205 = arith.constant 128 : i32
      %mul3A_206 = arith.muli %mul3A_39, %mul3A_205 : i32
      %add3A_207 = arith.addi %mul3A_10, %mul3A_206 : i32
      %dma_start3A_208 = tpu.memref_slice %arg7[%add3A_207] : memref<327680xf32, #tpu.memory_space<hbm>> -> memref<128xf32, #tpu.memory_space<hbm>>
      %dma_start3A_209 = tpu.memref_slice %arg7[%add3A_207] : memref<327680xf32, #tpu.memory_space<hbm>> -> memref<128xf32, #tpu.memory_space<hbm>>
      tpu.enqueue_dma source(%arg18 : memref<128xf32, #tpu.memory_space<vmem>>) target(%dma_start3A_209 : memref<128xf32, #tpu.memory_space<hbm>>) target_semaphore(%arg30 : memref<!tpu.dma_semaphore, #tpu.memory_space<semaphore_mem>>)
      %dma_start3A_210 = arith.constant 0 : i32
      %dma_start3A_211 = tpu.memref_slice %arg21[%dma_start3A_210] : memref<80128xf32, #tpu.memory_space<vmem_shared>> -> memref<80128xf32, #tpu.memory_space<vmem_shared>>
      tpu.enqueue_indirect_dma source(%arg18 : memref<128xf32, #tpu.memory_space<vmem>>) target(%dma_start3A_211 : memref<80128xf32, #tpu.memory_space<vmem_shared>>) offsets(%arg12 : memref<128xi32, #tpu.memory_space<vmem>>) semaphore(%arg32 : memref<!tpu.dma_semaphore, #tpu.memory_space<semaphore_mem>>) {add = true}
      %dma_wait3A_212 = arith.constant 0 : i32
      %dma_wait3A_213 = tpu.memref_slice %arg4[%dma_wait3A_212] : memref<80008xf32, #tpu.memory_space<hbm>> -> memref<80008xf32, #tpu.memory_space<hbm>>
      tpu.wait_indirect_dma semaphore(%arg27 : memref<!tpu.dma_semaphore, #tpu.memory_space<semaphore_mem>>) src(%dma_wait3A_213 : memref<80008xf32, #tpu.memory_space<hbm>>) dst(%arg15 : memref<128xf32, #tpu.memory_space<vmem>>)
      %dma_wait3A_214 = arith.constant 0 : i32
      %dma_wait3A_215 = tpu.memref_slice %arg5[%dma_wait3A_214] : memref<80008xf32, #tpu.memory_space<hbm>> -> memref<80008xf32, #tpu.memory_space<hbm>>
      tpu.wait_indirect_dma semaphore(%arg29 : memref<!tpu.dma_semaphore, #tpu.memory_space<semaphore_mem>>) src(%dma_wait3A_215 : memref<80008xf32, #tpu.memory_space<hbm>>) dst(%arg17 : memref<128xf32, #tpu.memory_space<vmem>>)
      %dma_wait3A_216 = tpu.memref_slice %arg7[%add3A_207] : memref<327680xf32, #tpu.memory_space<hbm>> -> memref<128xf32, #tpu.memory_space<hbm>>
      %dma_wait3A_217 = tpu.memref_slice %arg7[%add3A_207] : memref<327680xf32, #tpu.memory_space<hbm>> -> memref<128xf32, #tpu.memory_space<hbm>>
      tpu.wait_dma2 semaphore(%arg30 : memref<!tpu.dma_semaphore, #tpu.memory_space<semaphore_mem>>) src(%arg18 : memref<128xf32, #tpu.memory_space<vmem>>) dst(%dma_wait3A_217 : memref<128xf32, #tpu.memory_space<hbm>>)
      %dma_wait3A_218 = arith.constant 0 : i32
      %dma_wait3A_219 = tpu.memref_slice %arg21[%dma_wait3A_218] : memref<80128xf32, #tpu.memory_space<vmem_shared>> -> memref<80128xf32, #tpu.memory_space<vmem_shared>>
      tpu.wait_indirect_dma semaphore(%arg32 : memref<!tpu.dma_semaphore, #tpu.memory_space<semaphore_mem>>) src(%arg18 : memref<128xf32, #tpu.memory_space<vmem>>) dst(%dma_wait3A_219 : memref<80128xf32, #tpu.memory_space<vmem_shared>>)
      %mul3A_220 = arith.constant 2 : i32
      %mul3A_221 = arith.muli %mul3A_220, %scan3A_36 : i32
      %add3A_222 = arith.constant 1 : i32
      %add3A_223 = arith.addi %mul3A_221, %add3A_222 : i32
      %add3A_224 = arith.constant 1 : i32
      %add3A_225 = arith.addi %add3A_223, %add3A_224 : i32
      %min3A_226 = arith.constant 79 : i32
      %min3A_227 = arith.minsi %add3A_225, %min3A_226 : i32
      %mul3A_228 = arith.constant 128 : i32
      %mul3A_229 = arith.muli %min3A_227, %mul3A_228 : i32
      %add3A_230 = arith.addi %mul3A_10, %mul3A_229 : i32
      %dma_start3A_231 = tpu.memref_slice %arg2[%add3A_230] : memref<327680xi32, #tpu.memory_space<hbm>> -> memref<128xi32, #tpu.memory_space<hbm>>
      %dma_start3A_232 = tpu.memref_slice %arg2[%add3A_230] : memref<327680xi32, #tpu.memory_space<hbm>> -> memref<128xi32, #tpu.memory_space<hbm>>
      tpu.enqueue_dma source(%dma_start3A_232 : memref<128xi32, #tpu.memory_space<hbm>>) target(%arg10 : memref<128xi32, #tpu.memory_space<vmem>>) target_semaphore(%arg22 : memref<!tpu.dma_semaphore, #tpu.memory_space<semaphore_mem>>)
      %dma_start3A_233 = tpu.memref_slice %arg3[%add3A_230] : memref<327680xi32, #tpu.memory_space<hbm>> -> memref<128xi32, #tpu.memory_space<hbm>>
      %dma_start3A_234 = tpu.memref_slice %arg3[%add3A_230] : memref<327680xi32, #tpu.memory_space<hbm>> -> memref<128xi32, #tpu.memory_space<hbm>>
      tpu.enqueue_dma source(%dma_start3A_234 : memref<128xi32, #tpu.memory_space<hbm>>) target(%arg12 : memref<128xi32, #tpu.memory_space<vmem>>) target_semaphore(%arg24 : memref<!tpu.dma_semaphore, #tpu.memory_space<semaphore_mem>>)
      %get3A_235 = arith.constant 0 : index
      %get3A_236 = tpu.vector_load %arg15[%get3A_235] {strides = array<i32>} : memref<128xf32, #tpu.memory_space<vmem>>, vector<16xf32>,
      %get3A_237 = vector.shape_cast %get3A_236 : vector<16xf32> to vector<16xf32>
      %get3A_238 = arith.constant 0 : index
      %get3A_239 = tpu.vector_load %arg17[%get3A_238] {strides = array<i32>} : memref<128xf32, #tpu.memory_space<vmem>>, vector<16xf32>,
      %get3A_240 = vector.shape_cast %get3A_239 : vector<16xf32> to vector<16xf32>
      %add3A_241 = arith.addf %get3A_237, %get3A_240 : vector<16xf32>
      %gt3A_242 = arith.constant 0.000000e+00 : f32
      %gt3A_243 = vector.broadcast %gt3A_242 : f32 to vector<16xf32>
      %gt3A_244 = arith.cmpf ogt, %add3A_241, %gt3A_243 : vector<16xf32>
      %mul3A_245 = arith.constant 2.000000e-01 : f32
      %mul3A_246 = vector.broadcast %mul3A_245 : f32 to vector<16xf32>
      %mul3A_247 = arith.mulf %mul3A_246, %add3A_241 : vector<16xf32>
      %select_n3A_248 = arith.select %gt3A_244, %add3A_241, %mul3A_247 : vector<16xi1>, vector<16xf32>
      %exp3A_249 = math.exp %select_n3A_248 : vector<16xf32>
      %swap3A_250 = arith.constant 0 : index
      %swap3A_251 = tpu.vector_load %arg19[%swap3A_250] {strides = array<i32>} : memref<128xf32, #tpu.memory_space<vmem>>, vector<16xf32>,
      %swap3A_252 = vector.shape_cast %swap3A_251 : vector<16xf32> to vector<16xf32>
      %swap3A_253 = vector.shape_cast %exp3A_249 : vector<16xf32> to vector<16xf32>
      tpu.vector_store %arg19[%swap3A_250], %swap3A_253 {strides = array<i32>} : memref<128xf32, #tpu.memory_space<vmem>>, vector<16xf32>,
      %get3A_254 = arith.constant 16 : index
      %get3A_255 = tpu.vector_load %arg15[%get3A_254] {strides = array<i32>} : memref<128xf32, #tpu.memory_space<vmem>>, vector<16xf32>,
      %get3A_256 = vector.shape_cast %get3A_255 : vector<16xf32> to vector<16xf32>
      %get3A_257 = arith.constant 16 : index
      %get3A_258 = tpu.vector_load %arg17[%get3A_257] {strides = array<i32>} : memref<128xf32, #tpu.memory_space<vmem>>, vector<16xf32>,
      %get3A_259 = vector.shape_cast %get3A_258 : vector<16xf32> to vector<16xf32>
      %add3A_260 = arith.addf %get3A_256, %get3A_259 : vector<16xf32>
      %gt3A_261 = arith.constant 0.000000e+00 : f32
      %gt3A_262 = vector.broadcast %gt3A_261 : f32 to vector<16xf32>
      %gt3A_263 = arith.cmpf ogt, %add3A_260, %gt3A_262 : vector<16xf32>
      %mul3A_264 = arith.constant 2.000000e-01 : f32
      %mul3A_265 = vector.broadcast %mul3A_264 : f32 to vector<16xf32>
      %mul3A_266 = arith.mulf %mul3A_265, %add3A_260 : vector<16xf32>
      %select_n3A_267 = arith.select %gt3A_263, %add3A_260, %mul3A_266 : vector<16xi1>, vector<16xf32>
      %exp3A_268 = math.exp %select_n3A_267 : vector<16xf32>
      %swap3A_269 = arith.constant 16 : index
      %swap3A_270 = tpu.vector_load %arg19[%swap3A_269] {strides = array<i32>} : memref<128xf32, #tpu.memory_space<vmem>>, vector<16xf32>,
      %swap3A_271 = vector.shape_cast %swap3A_270 : vector<16xf32> to vector<16xf32>
      %swap3A_272 = vector.shape_cast %exp3A_268 : vector<16xf32> to vector<16xf32>
      tpu.vector_store %arg19[%swap3A_269], %swap3A_272 {strides = array<i32>} : memref<128xf32, #tpu.memory_space<vmem>>, vector<16xf32>,
      %get3A_273 = arith.constant 32 : index
      %get3A_274 = tpu.vector_load %arg15[%get3A_273] {strides = array<i32>} : memref<128xf32, #tpu.memory_space<vmem>>, vector<16xf32>,
      %get3A_275 = vector.shape_cast %get3A_274 : vector<16xf32> to vector<16xf32>
      %get3A_276 = arith.constant 32 : index
      %get3A_277 = tpu.vector_load %arg17[%get3A_276] {strides = array<i32>} : memref<128xf32, #tpu.memory_space<vmem>>, vector<16xf32>,
      %get3A_278 = vector.shape_cast %get3A_277 : vector<16xf32> to vector<16xf32>
      %add3A_279 = arith.addf %get3A_275, %get3A_278 : vector<16xf32>
      %gt3A_280 = arith.constant 0.000000e+00 : f32
      %gt3A_281 = vector.broadcast %gt3A_280 : f32 to vector<16xf32>
      %gt3A_282 = arith.cmpf ogt, %add3A_279, %gt3A_281 : vector<16xf32>
      %mul3A_283 = arith.constant 2.000000e-01 : f32
      %mul3A_284 = vector.broadcast %mul3A_283 : f32 to vector<16xf32>
      %mul3A_285 = arith.mulf %mul3A_284, %add3A_279 : vector<16xf32>
      %select_n3A_286 = arith.select %gt3A_282, %add3A_279, %mul3A_285 : vector<16xi1>, vector<16xf32>
      %exp3A_287 = math.exp %select_n3A_286 : vector<16xf32>
      %swap3A_288 = arith.constant 32 : index
      %swap3A_289 = tpu.vector_load %arg19[%swap3A_288] {strides = array<i32>} : memref<128xf32, #tpu.memory_space<vmem>>, vector<16xf32>,
      %swap3A_290 = vector.shape_cast %swap3A_289 : vector<16xf32> to vector<16xf32>
      %swap3A_291 = vector.shape_cast %exp3A_287 : vector<16xf32> to vector<16xf32>
      tpu.vector_store %arg19[%swap3A_288], %swap3A_291 {strides = array<i32>} : memref<128xf32, #tpu.memory_space<vmem>>, vector<16xf32>,
      %get3A_292 = arith.constant 48 : index
      %get3A_293 = tpu.vector_load %arg15[%get3A_292] {strides = array<i32>} : memref<128xf32, #tpu.memory_space<vmem>>, vector<16xf32>,
      %get3A_294 = vector.shape_cast %get3A_293 : vector<16xf32> to vector<16xf32>
      %get3A_295 = arith.constant 48 : index
      %get3A_296 = tpu.vector_load %arg17[%get3A_295] {strides = array<i32>} : memref<128xf32, #tpu.memory_space<vmem>>, vector<16xf32>,
      %get3A_297 = vector.shape_cast %get3A_296 : vector<16xf32> to vector<16xf32>
      %add3A_298 = arith.addf %get3A_294, %get3A_297 : vector<16xf32>
      %gt3A_299 = arith.constant 0.000000e+00 : f32
      %gt3A_300 = vector.broadcast %gt3A_299 : f32 to vector<16xf32>
      %gt3A_301 = arith.cmpf ogt, %add3A_298, %gt3A_300 : vector<16xf32>
      %mul3A_302 = arith.constant 2.000000e-01 : f32
      %mul3A_303 = vector.broadcast %mul3A_302 : f32 to vector<16xf32>
      %mul3A_304 = arith.mulf %mul3A_303, %add3A_298 : vector<16xf32>
      %select_n3A_305 = arith.select %gt3A_301, %add3A_298, %mul3A_304 : vector<16xi1>, vector<16xf32>
      %exp3A_306 = math.exp %select_n3A_305 : vector<16xf32>
      %swap3A_307 = arith.constant 48 : index
      %swap3A_308 = tpu.vector_load %arg19[%swap3A_307] {strides = array<i32>} : memref<128xf32, #tpu.memory_space<vmem>>, vector<16xf32>,
      %swap3A_309 = vector.shape_cast %swap3A_308 : vector<16xf32> to vector<16xf32>
      %swap3A_310 = vector.shape_cast %exp3A_306 : vector<16xf32> to vector<16xf32>
      tpu.vector_store %arg19[%swap3A_307], %swap3A_310 {strides = array<i32>} : memref<128xf32, #tpu.memory_space<vmem>>, vector<16xf32>,
      %get3A_311 = arith.constant 64 : index
      %get3A_312 = tpu.vector_load %arg15[%get3A_311] {strides = array<i32>} : memref<128xf32, #tpu.memory_space<vmem>>, vector<16xf32>,
      %get3A_313 = vector.shape_cast %get3A_312 : vector<16xf32> to vector<16xf32>
      %get3A_314 = arith.constant 64 : index
      %get3A_315 = tpu.vector_load %arg17[%get3A_314] {strides = array<i32>} : memref<128xf32, #tpu.memory_space<vmem>>, vector<16xf32>,
      %get3A_316 = vector.shape_cast %get3A_315 : vector<16xf32> to vector<16xf32>
      %add3A_317 = arith.addf %get3A_313, %get3A_316 : vector<16xf32>
      %gt3A_318 = arith.constant 0.000000e+00 : f32
      %gt3A_319 = vector.broadcast %gt3A_318 : f32 to vector<16xf32>
      %gt3A_320 = arith.cmpf ogt, %add3A_317, %gt3A_319 : vector<16xf32>
      %mul3A_321 = arith.constant 2.000000e-01 : f32
      %mul3A_322 = vector.broadcast %mul3A_321 : f32 to vector<16xf32>
      %mul3A_323 = arith.mulf %mul3A_322, %add3A_317 : vector<16xf32>
      %select_n3A_324 = arith.select %gt3A_320, %add3A_317, %mul3A_323 : vector<16xi1>, vector<16xf32>
      %exp3A_325 = math.exp %select_n3A_324 : vector<16xf32>
      %swap3A_326 = arith.constant 64 : index
      %swap3A_327 = tpu.vector_load %arg19[%swap3A_326] {strides = array<i32>} : memref<128xf32, #tpu.memory_space<vmem>>, vector<16xf32>,
      %swap3A_328 = vector.shape_cast %swap3A_327 : vector<16xf32> to vector<16xf32>
      %swap3A_329 = vector.shape_cast %exp3A_325 : vector<16xf32> to vector<16xf32>
      tpu.vector_store %arg19[%swap3A_326], %swap3A_329 {strides = array<i32>} : memref<128xf32, #tpu.memory_space<vmem>>, vector<16xf32>,
      %get3A_330 = arith.constant 80 : index
      %get3A_331 = tpu.vector_load %arg15[%get3A_330] {strides = array<i32>} : memref<128xf32, #tpu.memory_space<vmem>>, vector<16xf32>,
      %get3A_332 = vector.shape_cast %get3A_331 : vector<16xf32> to vector<16xf32>
      %get3A_333 = arith.constant 80 : index
      %get3A_334 = tpu.vector_load %arg17[%get3A_333] {strides = array<i32>} : memref<128xf32, #tpu.memory_space<vmem>>, vector<16xf32>,
      %get3A_335 = vector.shape_cast %get3A_334 : vector<16xf32> to vector<16xf32>
      %add3A_336 = arith.addf %get3A_332, %get3A_335 : vector<16xf32>
      %gt3A_337 = arith.constant 0.000000e+00 : f32
      %gt3A_338 = vector.broadcast %gt3A_337 : f32 to vector<16xf32>
      %gt3A_339 = arith.cmpf ogt, %add3A_336, %gt3A_338 : vector<16xf32>
      %mul3A_340 = arith.constant 2.000000e-01 : f32
      %mul3A_341 = vector.broadcast %mul3A_340 : f32 to vector<16xf32>
      %mul3A_342 = arith.mulf %mul3A_341, %add3A_336 : vector<16xf32>
      %select_n3A_343 = arith.select %gt3A_339, %add3A_336, %mul3A_342 : vector<16xi1>, vector<16xf32>
      %exp3A_344 = math.exp %select_n3A_343 : vector<16xf32>
      %swap3A_345 = arith.constant 80 : index
      %swap3A_346 = tpu.vector_load %arg19[%swap3A_345] {strides = array<i32>} : memref<128xf32, #tpu.memory_space<vmem>>, vector<16xf32>,
      %swap3A_347 = vector.shape_cast %swap3A_346 : vector<16xf32> to vector<16xf32>
      %swap3A_348 = vector.shape_cast %exp3A_344 : vector<16xf32> to vector<16xf32>
      tpu.vector_store %arg19[%swap3A_345], %swap3A_348 {strides = array<i32>} : memref<128xf32, #tpu.memory_space<vmem>>, vector<16xf32>,
      %get3A_349 = arith.constant 96 : index
      %get3A_350 = tpu.vector_load %arg15[%get3A_349] {strides = array<i32>} : memref<128xf32, #tpu.memory_space<vmem>>, vector<16xf32>,
      %get3A_351 = vector.shape_cast %get3A_350 : vector<16xf32> to vector<16xf32>
      %get3A_352 = arith.constant 96 : index
      %get3A_353 = tpu.vector_load %arg17[%get3A_352] {strides = array<i32>} : memref<128xf32, #tpu.memory_space<vmem>>, vector<16xf32>,
      %get3A_354 = vector.shape_cast %get3A_353 : vector<16xf32> to vector<16xf32>
      %add3A_355 = arith.addf %get3A_351, %get3A_354 : vector<16xf32>
      %gt3A_356 = arith.constant 0.000000e+00 : f32
      %gt3A_357 = vector.broadcast %gt3A_356 : f32 to vector<16xf32>
      %gt3A_358 = arith.cmpf ogt, %add3A_355, %gt3A_357 : vector<16xf32>
      %mul3A_359 = arith.constant 2.000000e-01 : f32
      %mul3A_360 = vector.broadcast %mul3A_359 : f32 to vector<16xf32>
      %mul3A_361 = arith.mulf %mul3A_360, %add3A_355 : vector<16xf32>
      %select_n3A_362 = arith.select %gt3A_358, %add3A_355, %mul3A_361 : vector<16xi1>, vector<16xf32>
      %exp3A_363 = math.exp %select_n3A_362 : vector<16xf32>
      %swap3A_364 = arith.constant 96 : index
      %swap3A_365 = tpu.vector_load %arg19[%swap3A_364] {strides = array<i32>} : memref<128xf32, #tpu.memory_space<vmem>>, vector<16xf32>,
      %swap3A_366 = vector.shape_cast %swap3A_365 : vector<16xf32> to vector<16xf32>
      %swap3A_367 = vector.shape_cast %exp3A_363 : vector<16xf32> to vector<16xf32>
      tpu.vector_store %arg19[%swap3A_364], %swap3A_367 {strides = array<i32>} : memref<128xf32, #tpu.memory_space<vmem>>, vector<16xf32>,
      %get3A_368 = arith.constant 112 : index
      %get3A_369 = tpu.vector_load %arg15[%get3A_368] {strides = array<i32>} : memref<128xf32, #tpu.memory_space<vmem>>, vector<16xf32>,
      %get3A_370 = vector.shape_cast %get3A_369 : vector<16xf32> to vector<16xf32>
      %get3A_371 = arith.constant 112 : index
      %get3A_372 = tpu.vector_load %arg17[%get3A_371] {strides = array<i32>} : memref<128xf32, #tpu.memory_space<vmem>>, vector<16xf32>,
      %get3A_373 = vector.shape_cast %get3A_372 : vector<16xf32> to vector<16xf32>
      %add3A_374 = arith.addf %get3A_370, %get3A_373 : vector<16xf32>
      %gt3A_375 = arith.constant 0.000000e+00 : f32
      %gt3A_376 = vector.broadcast %gt3A_375 : f32 to vector<16xf32>
      %gt3A_377 = arith.cmpf ogt, %add3A_374, %gt3A_376 : vector<16xf32>
      %mul3A_378 = arith.constant 2.000000e-01 : f32
      %mul3A_379 = vector.broadcast %mul3A_378 : f32 to vector<16xf32>
      %mul3A_380 = arith.mulf %mul3A_379, %add3A_374 : vector<16xf32>
      %select_n3A_381 = arith.select %gt3A_377, %add3A_374, %mul3A_380 : vector<16xi1>, vector<16xf32>
      %exp3A_382 = math.exp %select_n3A_381 : vector<16xf32>
      %swap3A_383 = arith.constant 112 : index
      %swap3A_384 = tpu.vector_load %arg19[%swap3A_383] {strides = array<i32>} : memref<128xf32, #tpu.memory_space<vmem>>, vector<16xf32>,
      %swap3A_385 = vector.shape_cast %swap3A_384 : vector<16xf32> to vector<16xf32>
      %swap3A_386 = vector.shape_cast %exp3A_382 : vector<16xf32> to vector<16xf32>
      tpu.vector_store %arg19[%swap3A_383], %swap3A_386 {strides = array<i32>} : memref<128xf32, #tpu.memory_space<vmem>>, vector<16xf32>,
      %dma_wait3A_387 = tpu.memref_slice %arg2[%add3A_230] : memref<327680xi32, #tpu.memory_space<hbm>> -> memref<128xi32, #tpu.memory_space<hbm>>
      %dma_wait3A_388 = tpu.memref_slice %arg2[%add3A_230] : memref<327680xi32, #tpu.memory_space<hbm>> -> memref<128xi32, #tpu.memory_space<hbm>>
      tpu.wait_dma2 semaphore(%arg22 : memref<!tpu.dma_semaphore, #tpu.memory_space<semaphore_mem>>) src(%dma_wait3A_388 : memref<128xi32, #tpu.memory_space<hbm>>) dst(%arg10 : memref<128xi32, #tpu.memory_space<vmem>>)
      %dma_wait3A_389 = tpu.memref_slice %arg3[%add3A_230] : memref<327680xi32, #tpu.memory_space<hbm>> -> memref<128xi32, #tpu.memory_space<hbm>>
      %dma_wait3A_390 = tpu.memref_slice %arg3[%add3A_230] : memref<327680xi32, #tpu.memory_space<hbm>> -> memref<128xi32, #tpu.memory_space<hbm>>
      tpu.wait_dma2 semaphore(%arg24 : memref<!tpu.dma_semaphore, #tpu.memory_space<semaphore_mem>>) src(%dma_wait3A_390 : memref<128xi32, #tpu.memory_space<hbm>>) dst(%arg12 : memref<128xi32, #tpu.memory_space<vmem>>)
      %dma_start3A_391 = arith.constant 0 : i32
      %dma_start3A_392 = tpu.memref_slice %arg4[%dma_start3A_391] : memref<80008xf32, #tpu.memory_space<hbm>> -> memref<80008xf32, #tpu.memory_space<hbm>>
      tpu.enqueue_indirect_dma source(%dma_start3A_392 : memref<80008xf32, #tpu.memory_space<hbm>>) target(%arg14 : memref<128xf32, #tpu.memory_space<vmem>>) offsets(%arg10 : memref<128xi32, #tpu.memory_space<vmem>>) semaphore(%arg26 : memref<!tpu.dma_semaphore, #tpu.memory_space<semaphore_mem>>)
      %dma_start3A_393 = arith.constant 0 : i32
      %dma_start3A_394 = tpu.memref_slice %arg5[%dma_start3A_393] : memref<80008xf32, #tpu.memory_space<hbm>> -> memref<80008xf32, #tpu.memory_space<hbm>>
      tpu.enqueue_indirect_dma source(%dma_start3A_394 : memref<80008xf32, #tpu.memory_space<hbm>>) target(%arg16 : memref<128xf32, #tpu.memory_space<vmem>>) offsets(%arg12 : memref<128xi32, #tpu.memory_space<vmem>>) semaphore(%arg28 : memref<!tpu.dma_semaphore, #tpu.memory_space<semaphore_mem>>)
      %mul3A_395 = arith.constant 128 : i32
      %mul3A_396 = arith.muli %add3A_223, %mul3A_395 : i32
      %add3A_397 = arith.addi %mul3A_10, %mul3A_396 : i32
      %dma_start3A_398 = tpu.memref_slice %arg7[%add3A_397] : memref<327680xf32, #tpu.memory_space<hbm>> -> memref<128xf32, #tpu.memory_space<hbm>>
      %dma_start3A_399 = tpu.memref_slice %arg7[%add3A_397] : memref<327680xf32, #tpu.memory_space<hbm>> -> memref<128xf32, #tpu.memory_space<hbm>>
      tpu.enqueue_dma source(%arg19 : memref<128xf32, #tpu.memory_space<vmem>>) target(%dma_start3A_399 : memref<128xf32, #tpu.memory_space<hbm>>) target_semaphore(%arg31 : memref<!tpu.dma_semaphore, #tpu.memory_space<semaphore_mem>>)
      %dma_start3A_400 = arith.constant 0 : i32
      %dma_start3A_401 = tpu.memref_slice %arg21[%dma_start3A_400] : memref<80128xf32, #tpu.memory_space<vmem_shared>> -> memref<80128xf32, #tpu.memory_space<vmem_shared>>
      tpu.enqueue_indirect_dma source(%arg19 : memref<128xf32, #tpu.memory_space<vmem>>) target(%dma_start3A_401 : memref<80128xf32, #tpu.memory_space<vmem_shared>>) offsets(%arg13 : memref<128xi32, #tpu.memory_space<vmem>>) semaphore(%arg33 : memref<!tpu.dma_semaphore, #tpu.memory_space<semaphore_mem>>) {add = true}
      %dma_wait3A_402 = arith.constant 0 : i32
      %dma_wait3A_403 = tpu.memref_slice %arg4[%dma_wait3A_402] : memref<80008xf32, #tpu.memory_space<hbm>> -> memref<80008xf32, #tpu.memory_space<hbm>>
      tpu.wait_indirect_dma semaphore(%arg26 : memref<!tpu.dma_semaphore, #tpu.memory_space<semaphore_mem>>) src(%dma_wait3A_403 : memref<80008xf32, #tpu.memory_space<hbm>>) dst(%arg14 : memref<128xf32, #tpu.memory_space<vmem>>)
      %dma_wait3A_404 = arith.constant 0 : i32
      %dma_wait3A_405 = tpu.memref_slice %arg5[%dma_wait3A_404] : memref<80008xf32, #tpu.memory_space<hbm>> -> memref<80008xf32, #tpu.memory_space<hbm>>
      tpu.wait_indirect_dma semaphore(%arg28 : memref<!tpu.dma_semaphore, #tpu.memory_space<semaphore_mem>>) src(%dma_wait3A_405 : memref<80008xf32, #tpu.memory_space<hbm>>) dst(%arg16 : memref<128xf32, #tpu.memory_space<vmem>>)
      %dma_wait3A_406 = tpu.memref_slice %arg7[%add3A_397] : memref<327680xf32, #tpu.memory_space<hbm>> -> memref<128xf32, #tpu.memory_space<hbm>>
      %dma_wait3A_407 = tpu.memref_slice %arg7[%add3A_397] : memref<327680xf32, #tpu.memory_space<hbm>> -> memref<128xf32, #tpu.memory_space<hbm>>
      tpu.wait_dma2 semaphore(%arg31 : memref<!tpu.dma_semaphore, #tpu.memory_space<semaphore_mem>>) src(%arg19 : memref<128xf32, #tpu.memory_space<vmem>>) dst(%dma_wait3A_407 : memref<128xf32, #tpu.memory_space<hbm>>)
      %dma_wait3A_408 = arith.constant 0 : i32
      %dma_wait3A_409 = tpu.memref_slice %arg21[%dma_wait3A_408] : memref<80128xf32, #tpu.memory_space<vmem_shared>> -> memref<80128xf32, #tpu.memory_space<vmem_shared>>
      tpu.wait_indirect_dma semaphore(%arg33 : memref<!tpu.dma_semaphore, #tpu.memory_space<semaphore_mem>>) src(%arg19 : memref<128xf32, #tpu.memory_space<vmem>>) dst(%dma_wait3A_409 : memref<80128xf32, #tpu.memory_space<vmem_shared>>)
      %scan3A_410 = arith.constant 0 : i32
      scf.yield %scan3A_410 : i32
    }
    %scan3A_22 = arith.constant 40 : i32
    %barrier3A_23 = arith.constant 0 : index
    tpu.barrier barrier_id(%barrier3A_23)
    %mul3A_24 = arith.constant 5008 : i32
    %mul3A_25 = arith.muli %arg1, %mul3A_24 : i32
    "tpu.region"() ({
      %run_scoped3A = tpu.sem_alloc : memref<!tpu.dma_semaphore, #tpu.memory_space<semaphore_mem>>
      %dma_start3A_36 = tpu.memref_slice %arg21[%mul3A_25] : memref<80128xf32, #tpu.memory_space<vmem_shared>> -> memref<5008xf32, #tpu.memory_space<vmem_shared>>
      %dma_start3A_37 = tpu.memref_slice %arg21[%mul3A_25] : memref<80128xf32, #tpu.memory_space<vmem_shared>> -> memref<5008xf32, #tpu.memory_space<vmem_shared>>
      tpu.enqueue_dma source(%dma_start3A_37 : memref<5008xf32, #tpu.memory_space<vmem_shared>>) target(%arg20 : memref<5008xf32, #tpu.memory_space<vmem>>) target_semaphore(%run_scoped3A : memref<!tpu.dma_semaphore, #tpu.memory_space<semaphore_mem>>)
      %dma_wait3A_38 = tpu.memref_slice %arg21[%mul3A_25] : memref<80128xf32, #tpu.memory_space<vmem_shared>> -> memref<5008xf32, #tpu.memory_space<vmem_shared>>
      %dma_wait3A_39 = tpu.memref_slice %arg21[%mul3A_25] : memref<80128xf32, #tpu.memory_space<vmem_shared>> -> memref<5008xf32, #tpu.memory_space<vmem_shared>>
      tpu.wait_dma2 semaphore(%run_scoped3A : memref<!tpu.dma_semaphore, #tpu.memory_space<semaphore_mem>>) src(%dma_wait3A_39 : memref<5008xf32, #tpu.memory_space<vmem_shared>>) dst(%arg20 : memref<5008xf32, #tpu.memory_space<vmem>>)
      tpu.yield
    }) : () -> ()
    %eq3A_26 = arith.constant 0 : i32
    %eq3A_27 = arith.cmpi eq, %arg0, %eq3A_26 : i32
    %convert_element_type3A_28 = arith.extui %eq3A_27 : i1 to i32
    %cond3A_29 = arith.constant 0 : i32
    %cond3A_30 = arith.cmpi ne, %convert_element_type3A_28, %cond3A_29 : i32
    scf.if %cond3A_30 {
      %mul3A_36 = arith.constant 5008 : i32
      %mul3A_37 = arith.muli %arg1, %mul3A_36 : i32
      "tpu.region"() ({
        %run_scoped3A = tpu.sem_alloc : memref<!tpu.dma_semaphore, #tpu.memory_space<semaphore_mem>>
        %dma_start3A_38 = tpu.memref_slice %arg8[%mul3A_37] : memref<80128xf32, #tpu.memory_space<hbm>> -> memref<5008xf32, #tpu.memory_space<hbm>>
        %dma_start3A_39 = tpu.memref_slice %arg8[%mul3A_37] : memref<80128xf32, #tpu.memory_space<hbm>> -> memref<5008xf32, #tpu.memory_space<hbm>>
        tpu.enqueue_dma source(%arg20 : memref<5008xf32, #tpu.memory_space<vmem>>) target(%dma_start3A_39 : memref<5008xf32, #tpu.memory_space<hbm>>) target_semaphore(%run_scoped3A : memref<!tpu.dma_semaphore, #tpu.memory_space<semaphore_mem>>)
        %dma_wait3A_40 = tpu.memref_slice %arg8[%mul3A_37] : memref<80128xf32, #tpu.memory_space<hbm>> -> memref<5008xf32, #tpu.memory_space<hbm>>
        %dma_wait3A_41 = tpu.memref_slice %arg8[%mul3A_37] : memref<80128xf32, #tpu.memory_space<hbm>> -> memref<5008xf32, #tpu.memory_space<hbm>>
        tpu.wait_dma2 semaphore(%run_scoped3A : memref<!tpu.dma_semaphore, #tpu.memory_space<semaphore_mem>>) src(%arg20 : memref<5008xf32, #tpu.memory_space<vmem>>) dst(%dma_wait3A_41 : memref<5008xf32, #tpu.memory_space<hbm>>)
        tpu.yield
      }) : () -> ()
    } else {
    }
    %ne3A_31 = arith.constant 0 : i32
    %ne3A_32 = arith.cmpi ne, %arg0, %ne3A_31 : i32
    %convert_element_type3A_33 = arith.extui %ne3A_32 : i1 to i32
    %cond3A_34 = arith.constant 0 : i32
    %cond3A_35 = arith.cmpi ne, %convert_element_type3A_33, %cond3A_34 : i32
    scf.if %cond3A_35 {
      %mul3A_36 = arith.constant 5008 : i32
      %mul3A_37 = arith.muli %arg1, %mul3A_36 : i32
      "tpu.region"() ({
        %run_scoped3A = tpu.sem_alloc : memref<!tpu.dma_semaphore, #tpu.memory_space<semaphore_mem>>
        %dma_start3A_38 = tpu.memref_slice %arg9[%mul3A_37] : memref<80128xf32, #tpu.memory_space<hbm>> -> memref<5008xf32, #tpu.memory_space<hbm>>
        %dma_start3A_39 = tpu.memref_slice %arg9[%mul3A_37] : memref<80128xf32, #tpu.memory_space<hbm>> -> memref<5008xf32, #tpu.memory_space<hbm>>
        tpu.enqueue_dma source(%arg20 : memref<5008xf32, #tpu.memory_space<vmem>>) target(%dma_start3A_39 : memref<5008xf32, #tpu.memory_space<hbm>>) target_semaphore(%run_scoped3A : memref<!tpu.dma_semaphore, #tpu.memory_space<semaphore_mem>>)
        %dma_wait3A_40 = tpu.memref_slice %arg9[%mul3A_37] : memref<80128xf32, #tpu.memory_space<hbm>> -> memref<5008xf32, #tpu.memory_space<hbm>>
        %dma_wait3A_41 = tpu.memref_slice %arg9[%mul3A_37] : memref<80128xf32, #tpu.memory_space<hbm>> -> memref<5008xf32, #tpu.memory_space<hbm>>
        tpu.wait_dma2 semaphore(%run_scoped3A : memref<!tpu.dma_semaphore, #tpu.memory_space<semaphore_mem>>) src(%arg20 : memref<5008xf32, #tpu.memory_space<vmem>>) dst(%dma_wait3A_41 : memref<5008xf32, #tpu.memory_space<hbm>>)
        tpu.yield
      }) : () -> ()
    } else {
    }
    return
  }
}

#map = affine_map<(d0, d1) -> (0, 0)>
#map1 = affine_map<(d0, d1) -> (0)>
#map2 = affine_map<(d0, d1) -> (0, 0, 0)>
module attributes {stable_mosaic.version = 14 : i64} {
  func.func @kb(%arg0: i32, %arg1: i32, %arg2: memref<80000x128xf32, #tpu.memory_space<hbm>>, %arg3: memref<327680xi32, #tpu.memory_space<hbm>>, %arg4: memref<327680xi32, #tpu.memory_space<hbm>>, %arg5: memref<327680xi32, #tpu.memory_space<hbm>>, %arg6: memref<327680xf32, #tpu.memory_space<hbm>>, %arg7: memref<80128xf32, #tpu.memory_space<hbm>>, %arg8: memref<80128xf32, #tpu.memory_space<hbm>>, %arg9: memref<2x10000x128xf32, #tpu.memory_space<hbm>>, %arg10: memref<128xi32, #tpu.memory_space<vmem>>, %arg11: memref<128xi32, #tpu.memory_space<vmem>>, %arg12: memref<128xi32, #tpu.memory_space<vmem>>, %arg13: memref<128xi32, #tpu.memory_space<vmem>>, %arg14: memref<128xi32, #tpu.memory_space<vmem>>, %arg15: memref<128xi32, #tpu.memory_space<vmem>>, %arg16: memref<128xf32, #tpu.memory_space<vmem>>, %arg17: memref<128xf32, #tpu.memory_space<vmem>>, %arg18: memref<128xf32, #tpu.memory_space<vmem>>, %arg19: memref<128xf32, #tpu.memory_space<vmem>>, %arg20: memref<128xf32, #tpu.memory_space<vmem>>, %arg21: memref<128xf32, #tpu.memory_space<vmem>>, %arg22: memref<144xf32, #tpu.memory_space<vmem>>, %arg23: memref<144xf32, #tpu.memory_space<vmem>>, %arg24: memref<128x128xf32, #tpu.memory_space<vmem>>, %arg25: memref<128x128xf32, #tpu.memory_space<vmem>>, %arg26: memref<10000x128xf32, #tpu.memory_space<vmem_shared>>, %arg27: memref<!tpu.dma_semaphore, #tpu.memory_space<semaphore_mem>>, %arg28: memref<!tpu.dma_semaphore, #tpu.memory_space<semaphore_mem>>, %arg29: memref<!tpu.dma_semaphore, #tpu.memory_space<semaphore_mem>>, %arg30: memref<!tpu.dma_semaphore, #tpu.memory_space<semaphore_mem>>, %arg31: memref<!tpu.dma_semaphore, #tpu.memory_space<semaphore_mem>>, %arg32: memref<!tpu.dma_semaphore, #tpu.memory_space<semaphore_mem>>, %arg33: memref<!tpu.dma_semaphore, #tpu.memory_space<semaphore_mem>>, %arg34: memref<!tpu.dma_semaphore, #tpu.memory_space<semaphore_mem>>, %arg35: memref<!tpu.dma_semaphore, #tpu.memory_space<semaphore_mem>>, %arg36: memref<!tpu.dma_semaphore, #tpu.memory_space<semaphore_mem>>, %arg37: memref<!tpu.dma_semaphore, #tpu.memory_space<semaphore_mem>>, %arg38: memref<!tpu.dma_semaphore, #tpu.memory_space<semaphore_mem>>, %arg39: memref<!tpu.dma_semaphore, #tpu.memory_space<semaphore_mem>>, %arg40: memref<!tpu.dma_semaphore, #tpu.memory_space<semaphore_mem>>, %arg41: memref<!tpu.dma_semaphore, #tpu.memory_space<semaphore_mem>>, %arg42: memref<!tpu.dma_semaphore, #tpu.memory_space<semaphore_mem>>) attributes {dimension_semantics = [#tpu.dimension_semantics<core_parallel>, #tpu.dimension_semantics<subcore_parallel>], iteration_bounds = array<i64: 2, 16>, scalar_prefetch = 0 : i64, scratch_operands = 33 : i64, tpu.core_type = #tpu.core_type<sc_vector_subcore>, window_params = [{transform_indices = #map}, {transform_indices = #map1}, {transform_indices = #map1}, {transform_indices = #map1}, {transform_indices = #map1}, {transform_indices = #map1}, {transform_indices = #map1}, {transform_indices = #map2}]} {
    %mul3A = arith.constant 2 : i32
    %mul3A_0 = arith.muli %arg1, %mul3A : i32
    %add3A = arith.addi %mul3A_0, %arg0 : i32
    %scan3A = arith.constant 0 : i32
    %scan3A_1 = arith.constant 0 : i32
    %scan3A_2 = arith.constant 128 : i32
    %scan3A_3 = arith.addi %scan3A_1, %scan3A_2 : i32
    %scan3A_4 = arith.constant 1 : i32
    %scan3A_5 = scf.for %scan3A_156 = %scan3A_1 to %scan3A_3 step %scan3A_4 iter_args(%scan3A_157 = %scan3A) -> (i32)  : i32 {
      %broadcast_in_dim3A = arith.constant 0.000000e+00 : f32
      %broadcast_in_dim3A_158 = vector.broadcast %broadcast_in_dim3A : f32 to vector<16xf32>
      %swap3A = arith.index_cast %scan3A_156 : i32 to index
      %swap3A_159 = arith.constant 0 : index
      %swap3A_160 = tpu.vector_load %arg24[%swap3A, %swap3A_159] {strides = array<i32>} : memref<128x128xf32, #tpu.memory_space<vmem>>, vector<1x16xf32>,
      %swap3A_161 = vector.shape_cast %swap3A_160 : vector<1x16xf32> to vector<16xf32>
      %swap3A_162 = vector.shape_cast %broadcast_in_dim3A_158 : vector<16xf32> to vector<1x16xf32>
      tpu.vector_store %arg24[%swap3A, %swap3A_159], %swap3A_162 {strides = array<i32>} : memref<128x128xf32, #tpu.memory_space<vmem>>, vector<1x16xf32>,
      %broadcast_in_dim3A_163 = arith.constant 0.000000e+00 : f32
      %broadcast_in_dim3A_164 = vector.broadcast %broadcast_in_dim3A_163 : f32 to vector<16xf32>
      %swap3A_165 = arith.index_cast %scan3A_156 : i32 to index
      %swap3A_166 = arith.constant 16 : index
      %swap3A_167 = tpu.vector_load %arg24[%swap3A_165, %swap3A_166] {strides = array<i32>} : memref<128x128xf32, #tpu.memory_space<vmem>>, vector<1x16xf32>,
      %swap3A_168 = vector.shape_cast %swap3A_167 : vector<1x16xf32> to vector<16xf32>
      %swap3A_169 = vector.shape_cast %broadcast_in_dim3A_164 : vector<16xf32> to vector<1x16xf32>
      tpu.vector_store %arg24[%swap3A_165, %swap3A_166], %swap3A_169 {strides = array<i32>} : memref<128x128xf32, #tpu.memory_space<vmem>>, vector<1x16xf32>,
      %broadcast_in_dim3A_170 = arith.constant 0.000000e+00 : f32
      %broadcast_in_dim3A_171 = vector.broadcast %broadcast_in_dim3A_170 : f32 to vector<16xf32>
      %swap3A_172 = arith.index_cast %scan3A_156 : i32 to index
      %swap3A_173 = arith.constant 32 : index
      %swap3A_174 = tpu.vector_load %arg24[%swap3A_172, %swap3A_173] {strides = array<i32>} : memref<128x128xf32, #tpu.memory_space<vmem>>, vector<1x16xf32>,
      %swap3A_175 = vector.shape_cast %swap3A_174 : vector<1x16xf32> to vector<16xf32>
      %swap3A_176 = vector.shape_cast %broadcast_in_dim3A_171 : vector<16xf32> to vector<1x16xf32>
      tpu.vector_store %arg24[%swap3A_172, %swap3A_173], %swap3A_176 {strides = array<i32>} : memref<128x128xf32, #tpu.memory_space<vmem>>, vector<1x16xf32>,
      %broadcast_in_dim3A_177 = arith.constant 0.000000e+00 : f32
      %broadcast_in_dim3A_178 = vector.broadcast %broadcast_in_dim3A_177 : f32 to vector<16xf32>
      %swap3A_179 = arith.index_cast %scan3A_156 : i32 to index
      %swap3A_180 = arith.constant 48 : index
      %swap3A_181 = tpu.vector_load %arg24[%swap3A_179, %swap3A_180] {strides = array<i32>} : memref<128x128xf32, #tpu.memory_space<vmem>>, vector<1x16xf32>,
      %swap3A_182 = vector.shape_cast %swap3A_181 : vector<1x16xf32> to vector<16xf32>
      %swap3A_183 = vector.shape_cast %broadcast_in_dim3A_178 : vector<16xf32> to vector<1x16xf32>
      tpu.vector_store %arg24[%swap3A_179, %swap3A_180], %swap3A_183 {strides = array<i32>} : memref<128x128xf32, #tpu.memory_space<vmem>>, vector<1x16xf32>,
      %broadcast_in_dim3A_184 = arith.constant 0.000000e+00 : f32
      %broadcast_in_dim3A_185 = vector.broadcast %broadcast_in_dim3A_184 : f32 to vector<16xf32>
      %swap3A_186 = arith.index_cast %scan3A_156 : i32 to index
      %swap3A_187 = arith.constant 64 : index
      %swap3A_188 = tpu.vector_load %arg24[%swap3A_186, %swap3A_187] {strides = array<i32>} : memref<128x128xf32, #tpu.memory_space<vmem>>, vector<1x16xf32>,
      %swap3A_189 = vector.shape_cast %swap3A_188 : vector<1x16xf32> to vector<16xf32>
      %swap3A_190 = vector.shape_cast %broadcast_in_dim3A_185 : vector<16xf32> to vector<1x16xf32>
      tpu.vector_store %arg24[%swap3A_186, %swap3A_187], %swap3A_190 {strides = array<i32>} : memref<128x128xf32, #tpu.memory_space<vmem>>, vector<1x16xf32>,
      %broadcast_in_dim3A_191 = arith.constant 0.000000e+00 : f32
      %broadcast_in_dim3A_192 = vector.broadcast %broadcast_in_dim3A_191 : f32 to vector<16xf32>
      %swap3A_193 = arith.index_cast %scan3A_156 : i32 to index
      %swap3A_194 = arith.constant 80 : index
      %swap3A_195 = tpu.vector_load %arg24[%swap3A_193, %swap3A_194] {strides = array<i32>} : memref<128x128xf32, #tpu.memory_space<vmem>>, vector<1x16xf32>,
      %swap3A_196 = vector.shape_cast %swap3A_195 : vector<1x16xf32> to vector<16xf32>
      %swap3A_197 = vector.shape_cast %broadcast_in_dim3A_192 : vector<16xf32> to vector<1x16xf32>
      tpu.vector_store %arg24[%swap3A_193, %swap3A_194], %swap3A_197 {strides = array<i32>} : memref<128x128xf32, #tpu.memory_space<vmem>>, vector<1x16xf32>,
      %broadcast_in_dim3A_198 = arith.constant 0.000000e+00 : f32
      %broadcast_in_dim3A_199 = vector.broadcast %broadcast_in_dim3A_198 : f32 to vector<16xf32>
      %swap3A_200 = arith.index_cast %scan3A_156 : i32 to index
      %swap3A_201 = arith.constant 96 : index
      %swap3A_202 = tpu.vector_load %arg24[%swap3A_200, %swap3A_201] {strides = array<i32>} : memref<128x128xf32, #tpu.memory_space<vmem>>, vector<1x16xf32>,
      %swap3A_203 = vector.shape_cast %swap3A_202 : vector<1x16xf32> to vector<16xf32>
      %swap3A_204 = vector.shape_cast %broadcast_in_dim3A_199 : vector<16xf32> to vector<1x16xf32>
      tpu.vector_store %arg24[%swap3A_200, %swap3A_201], %swap3A_204 {strides = array<i32>} : memref<128x128xf32, #tpu.memory_space<vmem>>, vector<1x16xf32>,
      %broadcast_in_dim3A_205 = arith.constant 0.000000e+00 : f32
      %broadcast_in_dim3A_206 = vector.broadcast %broadcast_in_dim3A_205 : f32 to vector<16xf32>
      %swap3A_207 = arith.index_cast %scan3A_156 : i32 to index
      %swap3A_208 = arith.constant 112 : index
      %swap3A_209 = tpu.vector_load %arg24[%swap3A_207, %swap3A_208] {strides = array<i32>} : memref<128x128xf32, #tpu.memory_space<vmem>>, vector<1x16xf32>,
      %swap3A_210 = vector.shape_cast %swap3A_209 : vector<1x16xf32> to vector<16xf32>
      %swap3A_211 = vector.shape_cast %broadcast_in_dim3A_206 : vector<16xf32> to vector<1x16xf32>
      tpu.vector_store %arg24[%swap3A_207, %swap3A_208], %swap3A_211 {strides = array<i32>} : memref<128x128xf32, #tpu.memory_space<vmem>>, vector<1x16xf32>,
      %scan3A_212 = arith.constant 0 : i32
      scf.yield %scan3A_212 : i32
    }
    %scan3A_6 = arith.constant 128 : i32
    %add3A_7 = arith.constant 0 : i32
    %add3A_8 = arith.addi %arg1, %add3A_7 : i32
    %lt3A = arith.constant 125 : i32
    %lt3A_9 = arith.cmpi slt, %add3A_8, %lt3A : i32
    %convert_element_type3A = arith.extui %lt3A_9 : i1 to i32
    %cond3A = arith.constant 0 : i32
    %cond3A_10 = arith.cmpi ne, %convert_element_type3A, %cond3A : i32
    scf.if %cond3A_10 {
      %mul3A_156 = arith.constant 80 : i32
      %mul3A_157 = arith.muli %add3A_8, %mul3A_156 : i32
      %multiple_of3A = tpu.assume_multiple %mul3A_157, 8 : i32
      "tpu.region"() ({
        %run_scoped3A = tpu.sem_alloc : memref<!tpu.dma_semaphore, #tpu.memory_space<semaphore_mem>>
        %dma_start3A_158 = arith.constant 0 : i32
        %dma_start3A_159 = arith.constant 0 : i32
        %dma_start3A_160 = tpu.memref_slice %arg24[%dma_start3A_158, %dma_start3A_159] : memref<128x128xf32, #tpu.memory_space<vmem>> -> memref<80x128xf32, #tpu.memory_space<vmem>>
        %dma_start3A_161 = arith.constant 0 : i32
        %dma_start3A_162 = tpu.memref_slice %arg26[%multiple_of3A, %dma_start3A_161] : memref<10000x128xf32, #tpu.memory_space<vmem_shared>> -> memref<80x128xf32, #tpu.memory_space<vmem_shared>>
        %dma_start3A_163 = arith.constant 0 : i32
        %dma_start3A_164 = tpu.memref_slice %arg26[%multiple_of3A, %dma_start3A_163] : memref<10000x128xf32, #tpu.memory_space<vmem_shared>> -> memref<80x128xf32, #tpu.memory_space<vmem_shared>>
        %dma_start3A_165 = arith.constant 0 : i32
        %dma_start3A_166 = arith.constant 0 : i32
        %dma_start3A_167 = tpu.memref_slice %arg24[%dma_start3A_165, %dma_start3A_166] : memref<128x128xf32, #tpu.memory_space<vmem>> -> memref<80x128xf32, #tpu.memory_space<vmem>>
        tpu.enqueue_dma source(%dma_start3A_167 : memref<80x128xf32, #tpu.memory_space<vmem>>) target(%dma_start3A_164 : memref<80x128xf32, #tpu.memory_space<vmem_shared>>) target_semaphore(%run_scoped3A : memref<!tpu.dma_semaphore, #tpu.memory_space<semaphore_mem>>)
        %dma_wait3A_168 = arith.constant 0 : i32
        %dma_wait3A_169 = arith.constant 0 : i32
        %dma_wait3A_170 = tpu.memref_slice %arg24[%dma_wait3A_168, %dma_wait3A_169] : memref<128x128xf32, #tpu.memory_space<vmem>> -> memref<80x128xf32, #tpu.memory_space<vmem>>
        %dma_wait3A_171 = arith.constant 0 : i32
        %dma_wait3A_172 = tpu.memref_slice %arg26[%multiple_of3A, %dma_wait3A_171] : memref<10000x128xf32, #tpu.memory_space<vmem_shared>> -> memref<80x128xf32, #tpu.memory_space<vmem_shared>>
        %dma_wait3A_173 = arith.constant 0 : i32
        %dma_wait3A_174 = tpu.memref_slice %arg26[%multiple_of3A, %dma_wait3A_173] : memref<10000x128xf32, #tpu.memory_space<vmem_shared>> -> memref<80x128xf32, #tpu.memory_space<vmem_shared>>
        %dma_wait3A_175 = arith.constant 0 : i32
        %dma_wait3A_176 = arith.constant 0 : i32
        %dma_wait3A_177 = tpu.memref_slice %arg24[%dma_wait3A_175, %dma_wait3A_176] : memref<128x128xf32, #tpu.memory_space<vmem>> -> memref<80x128xf32, #tpu.memory_space<vmem>>
        tpu.wait_dma2 semaphore(%run_scoped3A : memref<!tpu.dma_semaphore, #tpu.memory_space<semaphore_mem>>) src(%dma_wait3A_177 : memref<80x128xf32, #tpu.memory_space<vmem>>) dst(%dma_wait3A_174 : memref<80x128xf32, #tpu.memory_space<vmem_shared>>)
        tpu.yield
      }) : () -> ()
    } else {
    }
    %add3A_11 = arith.constant 16 : i32
    %add3A_12 = arith.addi %arg1, %add3A_11 : i32
    %lt3A_13 = arith.constant 125 : i32
    %lt3A_14 = arith.cmpi slt, %add3A_12, %lt3A_13 : i32
    %convert_element_type3A_15 = arith.extui %lt3A_14 : i1 to i32
    %cond3A_16 = arith.constant 0 : i32
    %cond3A_17 = arith.cmpi ne, %convert_element_type3A_15, %cond3A_16 : i32
    scf.if %cond3A_17 {
      %mul3A_156 = arith.constant 80 : i32
      %mul3A_157 = arith.muli %add3A_12, %mul3A_156 : i32
      %multiple_of3A = tpu.assume_multiple %mul3A_157, 8 : i32
      "tpu.region"() ({
        %run_scoped3A = tpu.sem_alloc : memref<!tpu.dma_semaphore, #tpu.memory_space<semaphore_mem>>
        %dma_start3A_158 = arith.constant 0 : i32
        %dma_start3A_159 = arith.constant 0 : i32
        %dma_start3A_160 = tpu.memref_slice %arg24[%dma_start3A_158, %dma_start3A_159] : memref<128x128xf32, #tpu.memory_space<vmem>> -> memref<80x128xf32, #tpu.memory_space<vmem>>
        %dma_start3A_161 = arith.constant 0 : i32
        %dma_start3A_162 = tpu.memref_slice %arg26[%multiple_of3A, %dma_start3A_161] : memref<10000x128xf32, #tpu.memory_space<vmem_shared>> -> memref<80x128xf32, #tpu.memory_space<vmem_shared>>
        %dma_start3A_163 = arith.constant 0 : i32
        %dma_start3A_164 = tpu.memref_slice %arg26[%multiple_of3A, %dma_start3A_163] : memref<10000x128xf32, #tpu.memory_space<vmem_shared>> -> memref<80x128xf32, #tpu.memory_space<vmem_shared>>
        %dma_start3A_165 = arith.constant 0 : i32
        %dma_start3A_166 = arith.constant 0 : i32
        %dma_start3A_167 = tpu.memref_slice %arg24[%dma_start3A_165, %dma_start3A_166] : memref<128x128xf32, #tpu.memory_space<vmem>> -> memref<80x128xf32, #tpu.memory_space<vmem>>
        tpu.enqueue_dma source(%dma_start3A_167 : memref<80x128xf32, #tpu.memory_space<vmem>>) target(%dma_start3A_164 : memref<80x128xf32, #tpu.memory_space<vmem_shared>>) target_semaphore(%run_scoped3A : memref<!tpu.dma_semaphore, #tpu.memory_space<semaphore_mem>>)
        %dma_wait3A_168 = arith.constant 0 : i32
        %dma_wait3A_169 = arith.constant 0 : i32
        %dma_wait3A_170 = tpu.memref_slice %arg24[%dma_wait3A_168, %dma_wait3A_169] : memref<128x128xf32, #tpu.memory_space<vmem>> -> memref<80x128xf32, #tpu.memory_space<vmem>>
        %dma_wait3A_171 = arith.constant 0 : i32
        %dma_wait3A_172 = tpu.memref_slice %arg26[%multiple_of3A, %dma_wait3A_171] : memref<10000x128xf32, #tpu.memory_space<vmem_shared>> -> memref<80x128xf32, #tpu.memory_space<vmem_shared>>
        %dma_wait3A_173 = arith.constant 0 : i32
        %dma_wait3A_174 = tpu.memref_slice %arg26[%multiple_of3A, %dma_wait3A_173] : memref<10000x128xf32, #tpu.memory_space<vmem_shared>> -> memref<80x128xf32, #tpu.memory_space<vmem_shared>>
        %dma_wait3A_175 = arith.constant 0 : i32
        %dma_wait3A_176 = arith.constant 0 : i32
        %dma_wait3A_177 = tpu.memref_slice %arg24[%dma_wait3A_175, %dma_wait3A_176] : memref<128x128xf32, #tpu.memory_space<vmem>> -> memref<80x128xf32, #tpu.memory_space<vmem>>
        tpu.wait_dma2 semaphore(%run_scoped3A : memref<!tpu.dma_semaphore, #tpu.memory_space<semaphore_mem>>) src(%dma_wait3A_177 : memref<80x128xf32, #tpu.memory_space<vmem>>) dst(%dma_wait3A_174 : memref<80x128xf32, #tpu.memory_space<vmem_shared>>)
        tpu.yield
      }) : () -> ()
    } else {
    }
    %add3A_18 = arith.constant 32 : i32
    %add3A_19 = arith.addi %arg1, %add3A_18 : i32
    %lt3A_20 = arith.constant 125 : i32
    %lt3A_21 = arith.cmpi slt, %add3A_19, %lt3A_20 : i32
    %convert_element_type3A_22 = arith.extui %lt3A_21 : i1 to i32
    %cond3A_23 = arith.constant 0 : i32
    %cond3A_24 = arith.cmpi ne, %convert_element_type3A_22, %cond3A_23 : i32
    scf.if %cond3A_24 {
      %mul3A_156 = arith.constant 80 : i32
      %mul3A_157 = arith.muli %add3A_19, %mul3A_156 : i32
      %multiple_of3A = tpu.assume_multiple %mul3A_157, 8 : i32
      "tpu.region"() ({
        %run_scoped3A = tpu.sem_alloc : memref<!tpu.dma_semaphore, #tpu.memory_space<semaphore_mem>>
        %dma_start3A_158 = arith.constant 0 : i32
        %dma_start3A_159 = arith.constant 0 : i32
        %dma_start3A_160 = tpu.memref_slice %arg24[%dma_start3A_158, %dma_start3A_159] : memref<128x128xf32, #tpu.memory_space<vmem>> -> memref<80x128xf32, #tpu.memory_space<vmem>>
        %dma_start3A_161 = arith.constant 0 : i32
        %dma_start3A_162 = tpu.memref_slice %arg26[%multiple_of3A, %dma_start3A_161] : memref<10000x128xf32, #tpu.memory_space<vmem_shared>> -> memref<80x128xf32, #tpu.memory_space<vmem_shared>>
        %dma_start3A_163 = arith.constant 0 : i32
        %dma_start3A_164 = tpu.memref_slice %arg26[%multiple_of3A, %dma_start3A_163] : memref<10000x128xf32, #tpu.memory_space<vmem_shared>> -> memref<80x128xf32, #tpu.memory_space<vmem_shared>>
        %dma_start3A_165 = arith.constant 0 : i32
        %dma_start3A_166 = arith.constant 0 : i32
        %dma_start3A_167 = tpu.memref_slice %arg24[%dma_start3A_165, %dma_start3A_166] : memref<128x128xf32, #tpu.memory_space<vmem>> -> memref<80x128xf32, #tpu.memory_space<vmem>>
        tpu.enqueue_dma source(%dma_start3A_167 : memref<80x128xf32, #tpu.memory_space<vmem>>) target(%dma_start3A_164 : memref<80x128xf32, #tpu.memory_space<vmem_shared>>) target_semaphore(%run_scoped3A : memref<!tpu.dma_semaphore, #tpu.memory_space<semaphore_mem>>)
        %dma_wait3A_168 = arith.constant 0 : i32
        %dma_wait3A_169 = arith.constant 0 : i32
        %dma_wait3A_170 = tpu.memref_slice %arg24[%dma_wait3A_168, %dma_wait3A_169] : memref<128x128xf32, #tpu.memory_space<vmem>> -> memref<80x128xf32, #tpu.memory_space<vmem>>
        %dma_wait3A_171 = arith.constant 0 : i32
        %dma_wait3A_172 = tpu.memref_slice %arg26[%multiple_of3A, %dma_wait3A_171] : memref<10000x128xf32, #tpu.memory_space<vmem_shared>> -> memref<80x128xf32, #tpu.memory_space<vmem_shared>>
        %dma_wait3A_173 = arith.constant 0 : i32
        %dma_wait3A_174 = tpu.memref_slice %arg26[%multiple_of3A, %dma_wait3A_173] : memref<10000x128xf32, #tpu.memory_space<vmem_shared>> -> memref<80x128xf32, #tpu.memory_space<vmem_shared>>
        %dma_wait3A_175 = arith.constant 0 : i32
        %dma_wait3A_176 = arith.constant 0 : i32
        %dma_wait3A_177 = tpu.memref_slice %arg24[%dma_wait3A_175, %dma_wait3A_176] : memref<128x128xf32, #tpu.memory_space<vmem>> -> memref<80x128xf32, #tpu.memory_space<vmem>>
        tpu.wait_dma2 semaphore(%run_scoped3A : memref<!tpu.dma_semaphore, #tpu.memory_space<semaphore_mem>>) src(%dma_wait3A_177 : memref<80x128xf32, #tpu.memory_space<vmem>>) dst(%dma_wait3A_174 : memref<80x128xf32, #tpu.memory_space<vmem_shared>>)
        tpu.yield
      }) : () -> ()
    } else {
    }
    %add3A_25 = arith.constant 48 : i32
    %add3A_26 = arith.addi %arg1, %add3A_25 : i32
    %lt3A_27 = arith.constant 125 : i32
    %lt3A_28 = arith.cmpi slt, %add3A_26, %lt3A_27 : i32
    %convert_element_type3A_29 = arith.extui %lt3A_28 : i1 to i32
    %cond3A_30 = arith.constant 0 : i32
    %cond3A_31 = arith.cmpi ne, %convert_element_type3A_29, %cond3A_30 : i32
    scf.if %cond3A_31 {
      %mul3A_156 = arith.constant 80 : i32
      %mul3A_157 = arith.muli %add3A_26, %mul3A_156 : i32
      %multiple_of3A = tpu.assume_multiple %mul3A_157, 8 : i32
      "tpu.region"() ({
        %run_scoped3A = tpu.sem_alloc : memref<!tpu.dma_semaphore, #tpu.memory_space<semaphore_mem>>
        %dma_start3A_158 = arith.constant 0 : i32
        %dma_start3A_159 = arith.constant 0 : i32
        %dma_start3A_160 = tpu.memref_slice %arg24[%dma_start3A_158, %dma_start3A_159] : memref<128x128xf32, #tpu.memory_space<vmem>> -> memref<80x128xf32, #tpu.memory_space<vmem>>
        %dma_start3A_161 = arith.constant 0 : i32
        %dma_start3A_162 = tpu.memref_slice %arg26[%multiple_of3A, %dma_start3A_161] : memref<10000x128xf32, #tpu.memory_space<vmem_shared>> -> memref<80x128xf32, #tpu.memory_space<vmem_shared>>
        %dma_start3A_163 = arith.constant 0 : i32
        %dma_start3A_164 = tpu.memref_slice %arg26[%multiple_of3A, %dma_start3A_163] : memref<10000x128xf32, #tpu.memory_space<vmem_shared>> -> memref<80x128xf32, #tpu.memory_space<vmem_shared>>
        %dma_start3A_165 = arith.constant 0 : i32
        %dma_start3A_166 = arith.constant 0 : i32
        %dma_start3A_167 = tpu.memref_slice %arg24[%dma_start3A_165, %dma_start3A_166] : memref<128x128xf32, #tpu.memory_space<vmem>> -> memref<80x128xf32, #tpu.memory_space<vmem>>
        tpu.enqueue_dma source(%dma_start3A_167 : memref<80x128xf32, #tpu.memory_space<vmem>>) target(%dma_start3A_164 : memref<80x128xf32, #tpu.memory_space<vmem_shared>>) target_semaphore(%run_scoped3A : memref<!tpu.dma_semaphore, #tpu.memory_space<semaphore_mem>>)
        %dma_wait3A_168 = arith.constant 0 : i32
        %dma_wait3A_169 = arith.constant 0 : i32
        %dma_wait3A_170 = tpu.memref_slice %arg24[%dma_wait3A_168, %dma_wait3A_169] : memref<128x128xf32, #tpu.memory_space<vmem>> -> memref<80x128xf32, #tpu.memory_space<vmem>>
        %dma_wait3A_171 = arith.constant 0 : i32
        %dma_wait3A_172 = tpu.memref_slice %arg26[%multiple_of3A, %dma_wait3A_171] : memref<10000x128xf32, #tpu.memory_space<vmem_shared>> -> memref<80x128xf32, #tpu.memory_space<vmem_shared>>
        %dma_wait3A_173 = arith.constant 0 : i32
        %dma_wait3A_174 = tpu.memref_slice %arg26[%multiple_of3A, %dma_wait3A_173] : memref<10000x128xf32, #tpu.memory_space<vmem_shared>> -> memref<80x128xf32, #tpu.memory_space<vmem_shared>>
        %dma_wait3A_175 = arith.constant 0 : i32
        %dma_wait3A_176 = arith.constant 0 : i32
        %dma_wait3A_177 = tpu.memref_slice %arg24[%dma_wait3A_175, %dma_wait3A_176] : memref<128x128xf32, #tpu.memory_space<vmem>> -> memref<80x128xf32, #tpu.memory_space<vmem>>
        tpu.wait_dma2 semaphore(%run_scoped3A : memref<!tpu.dma_semaphore, #tpu.memory_space<semaphore_mem>>) src(%dma_wait3A_177 : memref<80x128xf32, #tpu.memory_space<vmem>>) dst(%dma_wait3A_174 : memref<80x128xf32, #tpu.memory_space<vmem_shared>>)
        tpu.yield
      }) : () -> ()
    } else {
    }
    %add3A_32 = arith.constant 64 : i32
    %add3A_33 = arith.addi %arg1, %add3A_32 : i32
    %lt3A_34 = arith.constant 125 : i32
    %lt3A_35 = arith.cmpi slt, %add3A_33, %lt3A_34 : i32
    %convert_element_type3A_36 = arith.extui %lt3A_35 : i1 to i32
    %cond3A_37 = arith.constant 0 : i32
    %cond3A_38 = arith.cmpi ne, %convert_element_type3A_36, %cond3A_37 : i32
    scf.if %cond3A_38 {
      %mul3A_156 = arith.constant 80 : i32
      %mul3A_157 = arith.muli %add3A_33, %mul3A_156 : i32
      %multiple_of3A = tpu.assume_multiple %mul3A_157, 8 : i32
      "tpu.region"() ({
        %run_scoped3A = tpu.sem_alloc : memref<!tpu.dma_semaphore, #tpu.memory_space<semaphore_mem>>
        %dma_start3A_158 = arith.constant 0 : i32
        %dma_start3A_159 = arith.constant 0 : i32
        %dma_start3A_160 = tpu.memref_slice %arg24[%dma_start3A_158, %dma_start3A_159] : memref<128x128xf32, #tpu.memory_space<vmem>> -> memref<80x128xf32, #tpu.memory_space<vmem>>
        %dma_start3A_161 = arith.constant 0 : i32
        %dma_start3A_162 = tpu.memref_slice %arg26[%multiple_of3A, %dma_start3A_161] : memref<10000x128xf32, #tpu.memory_space<vmem_shared>> -> memref<80x128xf32, #tpu.memory_space<vmem_shared>>
        %dma_start3A_163 = arith.constant 0 : i32
        %dma_start3A_164 = tpu.memref_slice %arg26[%multiple_of3A, %dma_start3A_163] : memref<10000x128xf32, #tpu.memory_space<vmem_shared>> -> memref<80x128xf32, #tpu.memory_space<vmem_shared>>
        %dma_start3A_165 = arith.constant 0 : i32
        %dma_start3A_166 = arith.constant 0 : i32
        %dma_start3A_167 = tpu.memref_slice %arg24[%dma_start3A_165, %dma_start3A_166] : memref<128x128xf32, #tpu.memory_space<vmem>> -> memref<80x128xf32, #tpu.memory_space<vmem>>
        tpu.enqueue_dma source(%dma_start3A_167 : memref<80x128xf32, #tpu.memory_space<vmem>>) target(%dma_start3A_164 : memref<80x128xf32, #tpu.memory_space<vmem_shared>>) target_semaphore(%run_scoped3A : memref<!tpu.dma_semaphore, #tpu.memory_space<semaphore_mem>>)
        %dma_wait3A_168 = arith.constant 0 : i32
        %dma_wait3A_169 = arith.constant 0 : i32
        %dma_wait3A_170 = tpu.memref_slice %arg24[%dma_wait3A_168, %dma_wait3A_169] : memref<128x128xf32, #tpu.memory_space<vmem>> -> memref<80x128xf32, #tpu.memory_space<vmem>>
        %dma_wait3A_171 = arith.constant 0 : i32
        %dma_wait3A_172 = tpu.memref_slice %arg26[%multiple_of3A, %dma_wait3A_171] : memref<10000x128xf32, #tpu.memory_space<vmem_shared>> -> memref<80x128xf32, #tpu.memory_space<vmem_shared>>
        %dma_wait3A_173 = arith.constant 0 : i32
        %dma_wait3A_174 = tpu.memref_slice %arg26[%multiple_of3A, %dma_wait3A_173] : memref<10000x128xf32, #tpu.memory_space<vmem_shared>> -> memref<80x128xf32, #tpu.memory_space<vmem_shared>>
        %dma_wait3A_175 = arith.constant 0 : i32
        %dma_wait3A_176 = arith.constant 0 : i32
        %dma_wait3A_177 = tpu.memref_slice %arg24[%dma_wait3A_175, %dma_wait3A_176] : memref<128x128xf32, #tpu.memory_space<vmem>> -> memref<80x128xf32, #tpu.memory_space<vmem>>
        tpu.wait_dma2 semaphore(%run_scoped3A : memref<!tpu.dma_semaphore, #tpu.memory_space<semaphore_mem>>) src(%dma_wait3A_177 : memref<80x128xf32, #tpu.memory_space<vmem>>) dst(%dma_wait3A_174 : memref<80x128xf32, #tpu.memory_space<vmem_shared>>)
        tpu.yield
      }) : () -> ()
    } else {
    }
    %add3A_39 = arith.constant 80 : i32
    %add3A_40 = arith.addi %arg1, %add3A_39 : i32
    %lt3A_41 = arith.constant 125 : i32
    %lt3A_42 = arith.cmpi slt, %add3A_40, %lt3A_41 : i32
    %convert_element_type3A_43 = arith.extui %lt3A_42 : i1 to i32
    %cond3A_44 = arith.constant 0 : i32
    %cond3A_45 = arith.cmpi ne, %convert_element_type3A_43, %cond3A_44 : i32
    scf.if %cond3A_45 {
      %mul3A_156 = arith.constant 80 : i32
      %mul3A_157 = arith.muli %add3A_40, %mul3A_156 : i32
      %multiple_of3A = tpu.assume_multiple %mul3A_157, 8 : i32
      "tpu.region"() ({
        %run_scoped3A = tpu.sem_alloc : memref<!tpu.dma_semaphore, #tpu.memory_space<semaphore_mem>>
        %dma_start3A_158 = arith.constant 0 : i32
        %dma_start3A_159 = arith.constant 0 : i32
        %dma_start3A_160 = tpu.memref_slice %arg24[%dma_start3A_158, %dma_start3A_159] : memref<128x128xf32, #tpu.memory_space<vmem>> -> memref<80x128xf32, #tpu.memory_space<vmem>>
        %dma_start3A_161 = arith.constant 0 : i32
        %dma_start3A_162 = tpu.memref_slice %arg26[%multiple_of3A, %dma_start3A_161] : memref<10000x128xf32, #tpu.memory_space<vmem_shared>> -> memref<80x128xf32, #tpu.memory_space<vmem_shared>>
        %dma_start3A_163 = arith.constant 0 : i32
        %dma_start3A_164 = tpu.memref_slice %arg26[%multiple_of3A, %dma_start3A_163] : memref<10000x128xf32, #tpu.memory_space<vmem_shared>> -> memref<80x128xf32, #tpu.memory_space<vmem_shared>>
        %dma_start3A_165 = arith.constant 0 : i32
        %dma_start3A_166 = arith.constant 0 : i32
        %dma_start3A_167 = tpu.memref_slice %arg24[%dma_start3A_165, %dma_start3A_166] : memref<128x128xf32, #tpu.memory_space<vmem>> -> memref<80x128xf32, #tpu.memory_space<vmem>>
        tpu.enqueue_dma source(%dma_start3A_167 : memref<80x128xf32, #tpu.memory_space<vmem>>) target(%dma_start3A_164 : memref<80x128xf32, #tpu.memory_space<vmem_shared>>) target_semaphore(%run_scoped3A : memref<!tpu.dma_semaphore, #tpu.memory_space<semaphore_mem>>)
        %dma_wait3A_168 = arith.constant 0 : i32
        %dma_wait3A_169 = arith.constant 0 : i32
        %dma_wait3A_170 = tpu.memref_slice %arg24[%dma_wait3A_168, %dma_wait3A_169] : memref<128x128xf32, #tpu.memory_space<vmem>> -> memref<80x128xf32, #tpu.memory_space<vmem>>
        %dma_wait3A_171 = arith.constant 0 : i32
        %dma_wait3A_172 = tpu.memref_slice %arg26[%multiple_of3A, %dma_wait3A_171] : memref<10000x128xf32, #tpu.memory_space<vmem_shared>> -> memref<80x128xf32, #tpu.memory_space<vmem_shared>>
        %dma_wait3A_173 = arith.constant 0 : i32
        %dma_wait3A_174 = tpu.memref_slice %arg26[%multiple_of3A, %dma_wait3A_173] : memref<10000x128xf32, #tpu.memory_space<vmem_shared>> -> memref<80x128xf32, #tpu.memory_space<vmem_shared>>
        %dma_wait3A_175 = arith.constant 0 : i32
        %dma_wait3A_176 = arith.constant 0 : i32
        %dma_wait3A_177 = tpu.memref_slice %arg24[%dma_wait3A_175, %dma_wait3A_176] : memref<128x128xf32, #tpu.memory_space<vmem>> -> memref<80x128xf32, #tpu.memory_space<vmem>>
        tpu.wait_dma2 semaphore(%run_scoped3A : memref<!tpu.dma_semaphore, #tpu.memory_space<semaphore_mem>>) src(%dma_wait3A_177 : memref<80x128xf32, #tpu.memory_space<vmem>>) dst(%dma_wait3A_174 : memref<80x128xf32, #tpu.memory_space<vmem_shared>>)
        tpu.yield
      }) : () -> ()
    } else {
    }
    %add3A_46 = arith.constant 96 : i32
    %add3A_47 = arith.addi %arg1, %add3A_46 : i32
    %lt3A_48 = arith.constant 125 : i32
    %lt3A_49 = arith.cmpi slt, %add3A_47, %lt3A_48 : i32
    %convert_element_type3A_50 = arith.extui %lt3A_49 : i1 to i32
    %cond3A_51 = arith.constant 0 : i32
    %cond3A_52 = arith.cmpi ne, %convert_element_type3A_50, %cond3A_51 : i32
    scf.if %cond3A_52 {
      %mul3A_156 = arith.constant 80 : i32
      %mul3A_157 = arith.muli %add3A_47, %mul3A_156 : i32
      %multiple_of3A = tpu.assume_multiple %mul3A_157, 8 : i32
      "tpu.region"() ({
        %run_scoped3A = tpu.sem_alloc : memref<!tpu.dma_semaphore, #tpu.memory_space<semaphore_mem>>
        %dma_start3A_158 = arith.constant 0 : i32
        %dma_start3A_159 = arith.constant 0 : i32
        %dma_start3A_160 = tpu.memref_slice %arg24[%dma_start3A_158, %dma_start3A_159] : memref<128x128xf32, #tpu.memory_space<vmem>> -> memref<80x128xf32, #tpu.memory_space<vmem>>
        %dma_start3A_161 = arith.constant 0 : i32
        %dma_start3A_162 = tpu.memref_slice %arg26[%multiple_of3A, %dma_start3A_161] : memref<10000x128xf32, #tpu.memory_space<vmem_shared>> -> memref<80x128xf32, #tpu.memory_space<vmem_shared>>
        %dma_start3A_163 = arith.constant 0 : i32
        %dma_start3A_164 = tpu.memref_slice %arg26[%multiple_of3A, %dma_start3A_163] : memref<10000x128xf32, #tpu.memory_space<vmem_shared>> -> memref<80x128xf32, #tpu.memory_space<vmem_shared>>
        %dma_start3A_165 = arith.constant 0 : i32
        %dma_start3A_166 = arith.constant 0 : i32
        %dma_start3A_167 = tpu.memref_slice %arg24[%dma_start3A_165, %dma_start3A_166] : memref<128x128xf32, #tpu.memory_space<vmem>> -> memref<80x128xf32, #tpu.memory_space<vmem>>
        tpu.enqueue_dma source(%dma_start3A_167 : memref<80x128xf32, #tpu.memory_space<vmem>>) target(%dma_start3A_164 : memref<80x128xf32, #tpu.memory_space<vmem_shared>>) target_semaphore(%run_scoped3A : memref<!tpu.dma_semaphore, #tpu.memory_space<semaphore_mem>>)
        %dma_wait3A_168 = arith.constant 0 : i32
        %dma_wait3A_169 = arith.constant 0 : i32
        %dma_wait3A_170 = tpu.memref_slice %arg24[%dma_wait3A_168, %dma_wait3A_169] : memref<128x128xf32, #tpu.memory_space<vmem>> -> memref<80x128xf32, #tpu.memory_space<vmem>>
        %dma_wait3A_171 = arith.constant 0 : i32
        %dma_wait3A_172 = tpu.memref_slice %arg26[%multiple_of3A, %dma_wait3A_171] : memref<10000x128xf32, #tpu.memory_space<vmem_shared>> -> memref<80x128xf32, #tpu.memory_space<vmem_shared>>
        %dma_wait3A_173 = arith.constant 0 : i32
        %dma_wait3A_174 = tpu.memref_slice %arg26[%multiple_of3A, %dma_wait3A_173] : memref<10000x128xf32, #tpu.memory_space<vmem_shared>> -> memref<80x128xf32, #tpu.memory_space<vmem_shared>>
        %dma_wait3A_175 = arith.constant 0 : i32
        %dma_wait3A_176 = arith.constant 0 : i32
        %dma_wait3A_177 = tpu.memref_slice %arg24[%dma_wait3A_175, %dma_wait3A_176] : memref<128x128xf32, #tpu.memory_space<vmem>> -> memref<80x128xf32, #tpu.memory_space<vmem>>
        tpu.wait_dma2 semaphore(%run_scoped3A : memref<!tpu.dma_semaphore, #tpu.memory_space<semaphore_mem>>) src(%dma_wait3A_177 : memref<80x128xf32, #tpu.memory_space<vmem>>) dst(%dma_wait3A_174 : memref<80x128xf32, #tpu.memory_space<vmem_shared>>)
        tpu.yield
      }) : () -> ()
    } else {
    }
    %add3A_53 = arith.constant 112 : i32
    %add3A_54 = arith.addi %arg1, %add3A_53 : i32
    %lt3A_55 = arith.constant 125 : i32
    %lt3A_56 = arith.cmpi slt, %add3A_54, %lt3A_55 : i32
    %convert_element_type3A_57 = arith.extui %lt3A_56 : i1 to i32
    %cond3A_58 = arith.constant 0 : i32
    %cond3A_59 = arith.cmpi ne, %convert_element_type3A_57, %cond3A_58 : i32
    scf.if %cond3A_59 {
      %mul3A_156 = arith.constant 80 : i32
      %mul3A_157 = arith.muli %add3A_54, %mul3A_156 : i32
      %multiple_of3A = tpu.assume_multiple %mul3A_157, 8 : i32
      "tpu.region"() ({
        %run_scoped3A = tpu.sem_alloc : memref<!tpu.dma_semaphore, #tpu.memory_space<semaphore_mem>>
        %dma_start3A_158 = arith.constant 0 : i32
        %dma_start3A_159 = arith.constant 0 : i32
        %dma_start3A_160 = tpu.memref_slice %arg24[%dma_start3A_158, %dma_start3A_159] : memref<128x128xf32, #tpu.memory_space<vmem>> -> memref<80x128xf32, #tpu.memory_space<vmem>>
        %dma_start3A_161 = arith.constant 0 : i32
        %dma_start3A_162 = tpu.memref_slice %arg26[%multiple_of3A, %dma_start3A_161] : memref<10000x128xf32, #tpu.memory_space<vmem_shared>> -> memref<80x128xf32, #tpu.memory_space<vmem_shared>>
        %dma_start3A_163 = arith.constant 0 : i32
        %dma_start3A_164 = tpu.memref_slice %arg26[%multiple_of3A, %dma_start3A_163] : memref<10000x128xf32, #tpu.memory_space<vmem_shared>> -> memref<80x128xf32, #tpu.memory_space<vmem_shared>>
        %dma_start3A_165 = arith.constant 0 : i32
        %dma_start3A_166 = arith.constant 0 : i32
        %dma_start3A_167 = tpu.memref_slice %arg24[%dma_start3A_165, %dma_start3A_166] : memref<128x128xf32, #tpu.memory_space<vmem>> -> memref<80x128xf32, #tpu.memory_space<vmem>>
        tpu.enqueue_dma source(%dma_start3A_167 : memref<80x128xf32, #tpu.memory_space<vmem>>) target(%dma_start3A_164 : memref<80x128xf32, #tpu.memory_space<vmem_shared>>) target_semaphore(%run_scoped3A : memref<!tpu.dma_semaphore, #tpu.memory_space<semaphore_mem>>)
        %dma_wait3A_168 = arith.constant 0 : i32
        %dma_wait3A_169 = arith.constant 0 : i32
        %dma_wait3A_170 = tpu.memref_slice %arg24[%dma_wait3A_168, %dma_wait3A_169] : memref<128x128xf32, #tpu.memory_space<vmem>> -> memref<80x128xf32, #tpu.memory_space<vmem>>
        %dma_wait3A_171 = arith.constant 0 : i32
        %dma_wait3A_172 = tpu.memref_slice %arg26[%multiple_of3A, %dma_wait3A_171] : memref<10000x128xf32, #tpu.memory_space<vmem_shared>> -> memref<80x128xf32, #tpu.memory_space<vmem_shared>>
        %dma_wait3A_173 = arith.constant 0 : i32
        %dma_wait3A_174 = tpu.memref_slice %arg26[%multiple_of3A, %dma_wait3A_173] : memref<10000x128xf32, #tpu.memory_space<vmem_shared>> -> memref<80x128xf32, #tpu.memory_space<vmem_shared>>
        %dma_wait3A_175 = arith.constant 0 : i32
        %dma_wait3A_176 = arith.constant 0 : i32
        %dma_wait3A_177 = tpu.memref_slice %arg24[%dma_wait3A_175, %dma_wait3A_176] : memref<128x128xf32, #tpu.memory_space<vmem>> -> memref<80x128xf32, #tpu.memory_space<vmem>>
        tpu.wait_dma2 semaphore(%run_scoped3A : memref<!tpu.dma_semaphore, #tpu.memory_space<semaphore_mem>>) src(%dma_wait3A_177 : memref<80x128xf32, #tpu.memory_space<vmem>>) dst(%dma_wait3A_174 : memref<80x128xf32, #tpu.memory_space<vmem_shared>>)
        tpu.yield
      }) : () -> ()
    } else {
    }
    %barrier3A = arith.constant 0 : index
    tpu.barrier barrier_id(%barrier3A)
    %mul3A_60 = arith.constant 10240 : i32
    %mul3A_61 = arith.muli %add3A, %mul3A_60 : i32
    %add3A_62 = arith.constant 0 : i32
    %add3A_63 = arith.addi %mul3A_61, %add3A_62 : i32
    %dma_start3A = tpu.memref_slice %arg3[%add3A_63] : memref<327680xi32, #tpu.memory_space<hbm>> -> memref<128xi32, #tpu.memory_space<hbm>>
    %dma_start3A_64 = tpu.memref_slice %arg3[%add3A_63] : memref<327680xi32, #tpu.memory_space<hbm>> -> memref<128xi32, #tpu.memory_space<hbm>>
    tpu.enqueue_dma source(%dma_start3A_64 : memref<128xi32, #tpu.memory_space<hbm>>) target(%arg10 : memref<128xi32, #tpu.memory_space<vmem>>) target_semaphore(%arg27 : memref<!tpu.dma_semaphore, #tpu.memory_space<semaphore_mem>>)
    %dma_start3A_65 = tpu.memref_slice %arg4[%add3A_63] : memref<327680xi32, #tpu.memory_space<hbm>> -> memref<128xi32, #tpu.memory_space<hbm>>
    %dma_start3A_66 = tpu.memref_slice %arg4[%add3A_63] : memref<327680xi32, #tpu.memory_space<hbm>> -> memref<128xi32, #tpu.memory_space<hbm>>
    tpu.enqueue_dma source(%dma_start3A_66 : memref<128xi32, #tpu.memory_space<hbm>>) target(%arg12 : memref<128xi32, #tpu.memory_space<vmem>>) target_semaphore(%arg29 : memref<!tpu.dma_semaphore, #tpu.memory_space<semaphore_mem>>)
    %dma_start3A_67 = tpu.memref_slice %arg5[%add3A_63] : memref<327680xi32, #tpu.memory_space<hbm>> -> memref<128xi32, #tpu.memory_space<hbm>>
    %dma_start3A_68 = tpu.memref_slice %arg5[%add3A_63] : memref<327680xi32, #tpu.memory_space<hbm>> -> memref<128xi32, #tpu.memory_space<hbm>>
    tpu.enqueue_dma source(%dma_start3A_68 : memref<128xi32, #tpu.memory_space<hbm>>) target(%arg14 : memref<128xi32, #tpu.memory_space<vmem>>) target_semaphore(%arg31 : memref<!tpu.dma_semaphore, #tpu.memory_space<semaphore_mem>>)
    %dma_start3A_69 = tpu.memref_slice %arg6[%add3A_63] : memref<327680xf32, #tpu.memory_space<hbm>> -> memref<128xf32, #tpu.memory_space<hbm>>
    %dma_start3A_70 = tpu.memref_slice %arg6[%add3A_63] : memref<327680xf32, #tpu.memory_space<hbm>> -> memref<128xf32, #tpu.memory_space<hbm>>
    tpu.enqueue_dma source(%dma_start3A_70 : memref<128xf32, #tpu.memory_space<hbm>>) target(%arg16 : memref<128xf32, #tpu.memory_space<vmem>>) target_semaphore(%arg33 : memref<!tpu.dma_semaphore, #tpu.memory_space<semaphore_mem>>)
    %dma_wait3A = tpu.memref_slice %arg3[%add3A_63] : memref<327680xi32, #tpu.memory_space<hbm>> -> memref<128xi32, #tpu.memory_space<hbm>>
    %dma_wait3A_71 = tpu.memref_slice %arg3[%add3A_63] : memref<327680xi32, #tpu.memory_space<hbm>> -> memref<128xi32, #tpu.memory_space<hbm>>
    tpu.wait_dma2 semaphore(%arg27 : memref<!tpu.dma_semaphore, #tpu.memory_space<semaphore_mem>>) src(%dma_wait3A_71 : memref<128xi32, #tpu.memory_space<hbm>>) dst(%arg10 : memref<128xi32, #tpu.memory_space<vmem>>)
    %dma_wait3A_72 = tpu.memref_slice %arg4[%add3A_63] : memref<327680xi32, #tpu.memory_space<hbm>> -> memref<128xi32, #tpu.memory_space<hbm>>
    %dma_wait3A_73 = tpu.memref_slice %arg4[%add3A_63] : memref<327680xi32, #tpu.memory_space<hbm>> -> memref<128xi32, #tpu.memory_space<hbm>>
    tpu.wait_dma2 semaphore(%arg29 : memref<!tpu.dma_semaphore, #tpu.memory_space<semaphore_mem>>) src(%dma_wait3A_73 : memref<128xi32, #tpu.memory_space<hbm>>) dst(%arg12 : memref<128xi32, #tpu.memory_space<vmem>>)
    %dma_wait3A_74 = tpu.memref_slice %arg5[%add3A_63] : memref<327680xi32, #tpu.memory_space<hbm>> -> memref<128xi32, #tpu.memory_space<hbm>>
    %dma_wait3A_75 = tpu.memref_slice %arg5[%add3A_63] : memref<327680xi32, #tpu.memory_space<hbm>> -> memref<128xi32, #tpu.memory_space<hbm>>
    tpu.wait_dma2 semaphore(%arg31 : memref<!tpu.dma_semaphore, #tpu.memory_space<semaphore_mem>>) src(%dma_wait3A_75 : memref<128xi32, #tpu.memory_space<hbm>>) dst(%arg14 : memref<128xi32, #tpu.memory_space<vmem>>)
    %dma_wait3A_76 = tpu.memref_slice %arg6[%add3A_63] : memref<327680xf32, #tpu.memory_space<hbm>> -> memref<128xf32, #tpu.memory_space<hbm>>
    %dma_wait3A_77 = tpu.memref_slice %arg6[%add3A_63] : memref<327680xf32, #tpu.memory_space<hbm>> -> memref<128xf32, #tpu.memory_space<hbm>>
    tpu.wait_dma2 semaphore(%arg33 : memref<!tpu.dma_semaphore, #tpu.memory_space<semaphore_mem>>) src(%dma_wait3A_77 : memref<128xf32, #tpu.memory_space<hbm>>) dst(%arg16 : memref<128xf32, #tpu.memory_space<vmem>>)
    %dma_start3A_78 = arith.constant 0 : i32
    %dma_start3A_79 = tpu.memref_slice %arg7[%dma_start3A_78] : memref<80128xf32, #tpu.memory_space<hbm>> -> memref<80128xf32, #tpu.memory_space<hbm>>
    tpu.enqueue_indirect_dma source(%dma_start3A_79 : memref<80128xf32, #tpu.memory_space<hbm>>) target(%arg18 : memref<128xf32, #tpu.memory_space<vmem>>) offsets(%arg12 : memref<128xi32, #tpu.memory_space<vmem>>) semaphore(%arg35 : memref<!tpu.dma_semaphore, #tpu.memory_space<semaphore_mem>>)
    %dma_start3A_80 = arith.constant 0 : i32
    %dma_start3A_81 = tpu.memref_slice %arg8[%dma_start3A_80] : memref<80128xf32, #tpu.memory_space<hbm>> -> memref<80128xf32, #tpu.memory_space<hbm>>
    tpu.enqueue_indirect_dma source(%dma_start3A_81 : memref<80128xf32, #tpu.memory_space<hbm>>) target(%arg20 : memref<128xf32, #tpu.memory_space<vmem>>) offsets(%arg12 : memref<128xi32, #tpu.memory_space<vmem>>) semaphore(%arg37 : memref<!tpu.dma_semaphore, #tpu.memory_space<semaphore_mem>>)
    %dma_start3A_82 = arith.constant 0 : i32
    %dma_start3A_83 = arith.constant 0 : i32
    %dma_start3A_84 = tpu.memref_slice %arg2[%dma_start3A_82, %dma_start3A_83] : memref<80000x128xf32, #tpu.memory_space<hbm>> -> memref<80000x128xf32, #tpu.memory_space<hbm>>
    tpu.enqueue_indirect_dma source(%dma_start3A_84 : memref<80000x128xf32, #tpu.memory_space<hbm>>) target(%arg24 : memref<128x128xf32, #tpu.memory_space<vmem>>) offsets(%arg10 : memref<128xi32, #tpu.memory_space<vmem>>) semaphore(%arg39 : memref<!tpu.dma_semaphore, #tpu.memory_space<semaphore_mem>>)
    %dma_wait3A_85 = arith.constant 0 : i32
    %dma_wait3A_86 = tpu.memref_slice %arg7[%dma_wait3A_85] : memref<80128xf32, #tpu.memory_space<hbm>> -> memref<80128xf32, #tpu.memory_space<hbm>>
    tpu.wait_indirect_dma semaphore(%arg35 : memref<!tpu.dma_semaphore, #tpu.memory_space<semaphore_mem>>) src(%dma_wait3A_86 : memref<80128xf32, #tpu.memory_space<hbm>>) dst(%arg18 : memref<128xf32, #tpu.memory_space<vmem>>)
    %dma_wait3A_87 = arith.constant 0 : i32
    %dma_wait3A_88 = tpu.memref_slice %arg8[%dma_wait3A_87] : memref<80128xf32, #tpu.memory_space<hbm>> -> memref<80128xf32, #tpu.memory_space<hbm>>
    tpu.wait_indirect_dma semaphore(%arg37 : memref<!tpu.dma_semaphore, #tpu.memory_space<semaphore_mem>>) src(%dma_wait3A_88 : memref<80128xf32, #tpu.memory_space<hbm>>) dst(%arg20 : memref<128xf32, #tpu.memory_space<vmem>>)
    %dma_wait3A_89 = arith.constant 0 : i32
    %dma_wait3A_90 = arith.constant 0 : i32
    %dma_wait3A_91 = tpu.memref_slice %arg2[%dma_wait3A_89, %dma_wait3A_90] : memref<80000x128xf32, #tpu.memory_space<hbm>> -> memref<80000x128xf32, #tpu.memory_space<hbm>>
    tpu.wait_indirect_dma semaphore(%arg39 : memref<!tpu.dma_semaphore, #tpu.memory_space<semaphore_mem>>) src(%dma_wait3A_91 : memref<80000x128xf32, #tpu.memory_space<hbm>>) dst(%arg24 : memref<128x128xf32, #tpu.memory_space<vmem>>)
    %scan3A_92 = arith.constant 0 : i32
    %scan3A_93 = arith.constant 0 : i32
    %scan3A_94 = arith.constant 40 : i32
    %scan3A_95 = arith.addi %scan3A_93, %scan3A_94 : i32
    %scan3A_96 = arith.constant 1 : i32
    %scan3A_97 = scf.for %scan3A_156 = %scan3A_93 to %scan3A_95 step %scan3A_96 iter_args(%scan3A_157 = %scan3A_92) -> (i32)  : i32 {
      %mul3A_158 = arith.constant 2 : i32
      %mul3A_159 = arith.muli %mul3A_158, %scan3A_156 : i32
      %add3A_160 = arith.constant 1 : i32
      %add3A_161 = arith.addi %mul3A_159, %add3A_160 : i32
      %min3A = arith.constant 79 : i32
      %min3A_162 = arith.minsi %add3A_161, %min3A : i32
      %mul3A_163 = arith.constant 128 : i32
      %mul3A_164 = arith.muli %min3A_162, %mul3A_163 : i32
      %add3A_165 = arith.addi %mul3A_61, %mul3A_164 : i32
      %dma_start3A_166 = tpu.memref_slice %arg3[%add3A_165] : memref<327680xi32, #tpu.memory_space<hbm>> -> memref<128xi32, #tpu.memory_space<hbm>>
      %dma_start3A_167 = tpu.memref_slice %arg3[%add3A_165] : memref<327680xi32, #tpu.memory_space<hbm>> -> memref<128xi32, #tpu.memory_space<hbm>>
      tpu.enqueue_dma source(%dma_start3A_167 : memref<128xi32, #tpu.memory_space<hbm>>) target(%arg11 : memref<128xi32, #tpu.memory_space<vmem>>) target_semaphore(%arg28 : memref<!tpu.dma_semaphore, #tpu.memory_space<semaphore_mem>>)
      %dma_start3A_168 = tpu.memref_slice %arg4[%add3A_165] : memref<327680xi32, #tpu.memory_space<hbm>> -> memref<128xi32, #tpu.memory_space<hbm>>
      %dma_start3A_169 = tpu.memref_slice %arg4[%add3A_165] : memref<327680xi32, #tpu.memory_space<hbm>> -> memref<128xi32, #tpu.memory_space<hbm>>
      tpu.enqueue_dma source(%dma_start3A_169 : memref<128xi32, #tpu.memory_space<hbm>>) target(%arg13 : memref<128xi32, #tpu.memory_space<vmem>>) target_semaphore(%arg30 : memref<!tpu.dma_semaphore, #tpu.memory_space<semaphore_mem>>)
      %dma_start3A_170 = tpu.memref_slice %arg5[%add3A_165] : memref<327680xi32, #tpu.memory_space<hbm>> -> memref<128xi32, #tpu.memory_space<hbm>>
      %dma_start3A_171 = tpu.memref_slice %arg5[%add3A_165] : memref<327680xi32, #tpu.memory_space<hbm>> -> memref<128xi32, #tpu.memory_space<hbm>>
      tpu.enqueue_dma source(%dma_start3A_171 : memref<128xi32, #tpu.memory_space<hbm>>) target(%arg15 : memref<128xi32, #tpu.memory_space<vmem>>) target_semaphore(%arg32 : memref<!tpu.dma_semaphore, #tpu.memory_space<semaphore_mem>>)
      %dma_start3A_172 = tpu.memref_slice %arg6[%add3A_165] : memref<327680xf32, #tpu.memory_space<hbm>> -> memref<128xf32, #tpu.memory_space<hbm>>
      %dma_start3A_173 = tpu.memref_slice %arg6[%add3A_165] : memref<327680xf32, #tpu.memory_space<hbm>> -> memref<128xf32, #tpu.memory_space<hbm>>
      tpu.enqueue_dma source(%dma_start3A_173 : memref<128xf32, #tpu.memory_space<hbm>>) target(%arg17 : memref<128xf32, #tpu.memory_space<vmem>>) target_semaphore(%arg34 : memref<!tpu.dma_semaphore, #tpu.memory_space<semaphore_mem>>)
      %get3A = arith.constant 0 : index
      %get3A_174 = tpu.vector_load %arg16[%get3A] {strides = array<i32>} : memref<128xf32, #tpu.memory_space<vmem>>, vector<16xf32>,
      %get3A_175 = vector.shape_cast %get3A_174 : vector<16xf32> to vector<16xf32>
      %get3A_176 = arith.constant 0 : index
      %get3A_177 = tpu.vector_load %arg18[%get3A_176] {strides = array<i32>} : memref<128xf32, #tpu.memory_space<vmem>>, vector<16xf32>,
      %get3A_178 = vector.shape_cast %get3A_177 : vector<16xf32> to vector<16xf32>
      %get3A_179 = arith.constant 0 : index
      %get3A_180 = tpu.vector_load %arg20[%get3A_179] {strides = array<i32>} : memref<128xf32, #tpu.memory_space<vmem>>, vector<16xf32>,
      %get3A_181 = vector.shape_cast %get3A_180 : vector<16xf32> to vector<16xf32>
      %add3A_182 = arith.addf %get3A_178, %get3A_181 : vector<16xf32>
      %add3A_183 = arith.constant 1.000000e-16 : f32
      %add3A_184 = vector.broadcast %add3A_183 : f32 to vector<16xf32>
      %add3A_185 = arith.addf %add3A_182, %add3A_184 : vector<16xf32>
      %div3A = arith.divf %get3A_175, %add3A_185 : vector<16xf32>
      %swap3A = arith.constant 0 : index
      %swap3A_186 = tpu.vector_load %arg22[%swap3A] {strides = array<i32>} : memref<144xf32, #tpu.memory_space<vmem>>, vector<16xf32>,
      %swap3A_187 = vector.shape_cast %swap3A_186 : vector<16xf32> to vector<16xf32>
      %swap3A_188 = vector.shape_cast %div3A : vector<16xf32> to vector<16xf32>
      tpu.vector_store %arg22[%swap3A], %swap3A_188 {strides = array<i32>} : memref<144xf32, #tpu.memory_space<vmem>>, vector<16xf32>,
      %get3A_189 = arith.constant 16 : index
      %get3A_190 = tpu.vector_load %arg16[%get3A_189] {strides = array<i32>} : memref<128xf32, #tpu.memory_space<vmem>>, vector<16xf32>,
      %get3A_191 = vector.shape_cast %get3A_190 : vector<16xf32> to vector<16xf32>
      %get3A_192 = arith.constant 16 : index
      %get3A_193 = tpu.vector_load %arg18[%get3A_192] {strides = array<i32>} : memref<128xf32, #tpu.memory_space<vmem>>, vector<16xf32>,
      %get3A_194 = vector.shape_cast %get3A_193 : vector<16xf32> to vector<16xf32>
      %get3A_195 = arith.constant 16 : index
      %get3A_196 = tpu.vector_load %arg20[%get3A_195] {strides = array<i32>} : memref<128xf32, #tpu.memory_space<vmem>>, vector<16xf32>,
      %get3A_197 = vector.shape_cast %get3A_196 : vector<16xf32> to vector<16xf32>
      %add3A_198 = arith.addf %get3A_194, %get3A_197 : vector<16xf32>
      %add3A_199 = arith.constant 1.000000e-16 : f32
      %add3A_200 = vector.broadcast %add3A_199 : f32 to vector<16xf32>
      %add3A_201 = arith.addf %add3A_198, %add3A_200 : vector<16xf32>
      %div3A_202 = arith.divf %get3A_191, %add3A_201 : vector<16xf32>
      %swap3A_203 = arith.constant 16 : index
      %swap3A_204 = tpu.vector_load %arg22[%swap3A_203] {strides = array<i32>} : memref<144xf32, #tpu.memory_space<vmem>>, vector<16xf32>,
      %swap3A_205 = vector.shape_cast %swap3A_204 : vector<16xf32> to vector<16xf32>
      %swap3A_206 = vector.shape_cast %div3A_202 : vector<16xf32> to vector<16xf32>
      tpu.vector_store %arg22[%swap3A_203], %swap3A_206 {strides = array<i32>} : memref<144xf32, #tpu.memory_space<vmem>>, vector<16xf32>,
      %get3A_207 = arith.constant 32 : index
      %get3A_208 = tpu.vector_load %arg16[%get3A_207] {strides = array<i32>} : memref<128xf32, #tpu.memory_space<vmem>>, vector<16xf32>,
      %get3A_209 = vector.shape_cast %get3A_208 : vector<16xf32> to vector<16xf32>
      %get3A_210 = arith.constant 32 : index
      %get3A_211 = tpu.vector_load %arg18[%get3A_210] {strides = array<i32>} : memref<128xf32, #tpu.memory_space<vmem>>, vector<16xf32>,
      %get3A_212 = vector.shape_cast %get3A_211 : vector<16xf32> to vector<16xf32>
      %get3A_213 = arith.constant 32 : index
      %get3A_214 = tpu.vector_load %arg20[%get3A_213] {strides = array<i32>} : memref<128xf32, #tpu.memory_space<vmem>>, vector<16xf32>,
      %get3A_215 = vector.shape_cast %get3A_214 : vector<16xf32> to vector<16xf32>
      %add3A_216 = arith.addf %get3A_212, %get3A_215 : vector<16xf32>
      %add3A_217 = arith.constant 1.000000e-16 : f32
      %add3A_218 = vector.broadcast %add3A_217 : f32 to vector<16xf32>
      %add3A_219 = arith.addf %add3A_216, %add3A_218 : vector<16xf32>
      %div3A_220 = arith.divf %get3A_209, %add3A_219 : vector<16xf32>
      %swap3A_221 = arith.constant 32 : index
      %swap3A_222 = tpu.vector_load %arg22[%swap3A_221] {strides = array<i32>} : memref<144xf32, #tpu.memory_space<vmem>>, vector<16xf32>,
      %swap3A_223 = vector.shape_cast %swap3A_222 : vector<16xf32> to vector<16xf32>
      %swap3A_224 = vector.shape_cast %div3A_220 : vector<16xf32> to vector<16xf32>
      tpu.vector_store %arg22[%swap3A_221], %swap3A_224 {strides = array<i32>} : memref<144xf32, #tpu.memory_space<vmem>>, vector<16xf32>,
      %get3A_225 = arith.constant 48 : index
      %get3A_226 = tpu.vector_load %arg16[%get3A_225] {strides = array<i32>} : memref<128xf32, #tpu.memory_space<vmem>>, vector<16xf32>,
      %get3A_227 = vector.shape_cast %get3A_226 : vector<16xf32> to vector<16xf32>
      %get3A_228 = arith.constant 48 : index
      %get3A_229 = tpu.vector_load %arg18[%get3A_228] {strides = array<i32>} : memref<128xf32, #tpu.memory_space<vmem>>, vector<16xf32>,
      %get3A_230 = vector.shape_cast %get3A_229 : vector<16xf32> to vector<16xf32>
      %get3A_231 = arith.constant 48 : index
      %get3A_232 = tpu.vector_load %arg20[%get3A_231] {strides = array<i32>} : memref<128xf32, #tpu.memory_space<vmem>>, vector<16xf32>,
      %get3A_233 = vector.shape_cast %get3A_232 : vector<16xf32> to vector<16xf32>
      %add3A_234 = arith.addf %get3A_230, %get3A_233 : vector<16xf32>
      %add3A_235 = arith.constant 1.000000e-16 : f32
      %add3A_236 = vector.broadcast %add3A_235 : f32 to vector<16xf32>
      %add3A_237 = arith.addf %add3A_234, %add3A_236 : vector<16xf32>
      %div3A_238 = arith.divf %get3A_227, %add3A_237 : vector<16xf32>
      %swap3A_239 = arith.constant 48 : index
      %swap3A_240 = tpu.vector_load %arg22[%swap3A_239] {strides = array<i32>} : memref<144xf32, #tpu.memory_space<vmem>>, vector<16xf32>,
      %swap3A_241 = vector.shape_cast %swap3A_240 : vector<16xf32> to vector<16xf32>
      %swap3A_242 = vector.shape_cast %div3A_238 : vector<16xf32> to vector<16xf32>
      tpu.vector_store %arg22[%swap3A_239], %swap3A_242 {strides = array<i32>} : memref<144xf32, #tpu.memory_space<vmem>>, vector<16xf32>,
      %get3A_243 = arith.constant 64 : index
      %get3A_244 = tpu.vector_load %arg16[%get3A_243] {strides = array<i32>} : memref<128xf32, #tpu.memory_space<vmem>>, vector<16xf32>,
      %get3A_245 = vector.shape_cast %get3A_244 : vector<16xf32> to vector<16xf32>
      %get3A_246 = arith.constant 64 : index
      %get3A_247 = tpu.vector_load %arg18[%get3A_246] {strides = array<i32>} : memref<128xf32, #tpu.memory_space<vmem>>, vector<16xf32>,
      %get3A_248 = vector.shape_cast %get3A_247 : vector<16xf32> to vector<16xf32>
      %get3A_249 = arith.constant 64 : index
      %get3A_250 = tpu.vector_load %arg20[%get3A_249] {strides = array<i32>} : memref<128xf32, #tpu.memory_space<vmem>>, vector<16xf32>,
      %get3A_251 = vector.shape_cast %get3A_250 : vector<16xf32> to vector<16xf32>
      %add3A_252 = arith.addf %get3A_248, %get3A_251 : vector<16xf32>
      %add3A_253 = arith.constant 1.000000e-16 : f32
      %add3A_254 = vector.broadcast %add3A_253 : f32 to vector<16xf32>
      %add3A_255 = arith.addf %add3A_252, %add3A_254 : vector<16xf32>
      %div3A_256 = arith.divf %get3A_245, %add3A_255 : vector<16xf32>
      %swap3A_257 = arith.constant 64 : index
      %swap3A_258 = tpu.vector_load %arg22[%swap3A_257] {strides = array<i32>} : memref<144xf32, #tpu.memory_space<vmem>>, vector<16xf32>,
      %swap3A_259 = vector.shape_cast %swap3A_258 : vector<16xf32> to vector<16xf32>
      %swap3A_260 = vector.shape_cast %div3A_256 : vector<16xf32> to vector<16xf32>
      tpu.vector_store %arg22[%swap3A_257], %swap3A_260 {strides = array<i32>} : memref<144xf32, #tpu.memory_space<vmem>>, vector<16xf32>,
      %get3A_261 = arith.constant 80 : index
      %get3A_262 = tpu.vector_load %arg16[%get3A_261] {strides = array<i32>} : memref<128xf32, #tpu.memory_space<vmem>>, vector<16xf32>,
      %get3A_263 = vector.shape_cast %get3A_262 : vector<16xf32> to vector<16xf32>
      %get3A_264 = arith.constant 80 : index
      %get3A_265 = tpu.vector_load %arg18[%get3A_264] {strides = array<i32>} : memref<128xf32, #tpu.memory_space<vmem>>, vector<16xf32>,
      %get3A_266 = vector.shape_cast %get3A_265 : vector<16xf32> to vector<16xf32>
      %get3A_267 = arith.constant 80 : index
      %get3A_268 = tpu.vector_load %arg20[%get3A_267] {strides = array<i32>} : memref<128xf32, #tpu.memory_space<vmem>>, vector<16xf32>,
      %get3A_269 = vector.shape_cast %get3A_268 : vector<16xf32> to vector<16xf32>
      %add3A_270 = arith.addf %get3A_266, %get3A_269 : vector<16xf32>
      %add3A_271 = arith.constant 1.000000e-16 : f32
      %add3A_272 = vector.broadcast %add3A_271 : f32 to vector<16xf32>
      %add3A_273 = arith.addf %add3A_270, %add3A_272 : vector<16xf32>
      %div3A_274 = arith.divf %get3A_263, %add3A_273 : vector<16xf32>
      %swap3A_275 = arith.constant 80 : index
      %swap3A_276 = tpu.vector_load %arg22[%swap3A_275] {strides = array<i32>} : memref<144xf32, #tpu.memory_space<vmem>>, vector<16xf32>,
      %swap3A_277 = vector.shape_cast %swap3A_276 : vector<16xf32> to vector<16xf32>
      %swap3A_278 = vector.shape_cast %div3A_274 : vector<16xf32> to vector<16xf32>
      tpu.vector_store %arg22[%swap3A_275], %swap3A_278 {strides = array<i32>} : memref<144xf32, #tpu.memory_space<vmem>>, vector<16xf32>,
      %get3A_279 = arith.constant 96 : index
      %get3A_280 = tpu.vector_load %arg16[%get3A_279] {strides = array<i32>} : memref<128xf32, #tpu.memory_space<vmem>>, vector<16xf32>,
      %get3A_281 = vector.shape_cast %get3A_280 : vector<16xf32> to vector<16xf32>
      %get3A_282 = arith.constant 96 : index
      %get3A_283 = tpu.vector_load %arg18[%get3A_282] {strides = array<i32>} : memref<128xf32, #tpu.memory_space<vmem>>, vector<16xf32>,
      %get3A_284 = vector.shape_cast %get3A_283 : vector<16xf32> to vector<16xf32>
      %get3A_285 = arith.constant 96 : index
      %get3A_286 = tpu.vector_load %arg20[%get3A_285] {strides = array<i32>} : memref<128xf32, #tpu.memory_space<vmem>>, vector<16xf32>,
      %get3A_287 = vector.shape_cast %get3A_286 : vector<16xf32> to vector<16xf32>
      %add3A_288 = arith.addf %get3A_284, %get3A_287 : vector<16xf32>
      %add3A_289 = arith.constant 1.000000e-16 : f32
      %add3A_290 = vector.broadcast %add3A_289 : f32 to vector<16xf32>
      %add3A_291 = arith.addf %add3A_288, %add3A_290 : vector<16xf32>
      %div3A_292 = arith.divf %get3A_281, %add3A_291 : vector<16xf32>
      %swap3A_293 = arith.constant 96 : index
      %swap3A_294 = tpu.vector_load %arg22[%swap3A_293] {strides = array<i32>} : memref<144xf32, #tpu.memory_space<vmem>>, vector<16xf32>,
      %swap3A_295 = vector.shape_cast %swap3A_294 : vector<16xf32> to vector<16xf32>
      %swap3A_296 = vector.shape_cast %div3A_292 : vector<16xf32> to vector<16xf32>
      tpu.vector_store %arg22[%swap3A_293], %swap3A_296 {strides = array<i32>} : memref<144xf32, #tpu.memory_space<vmem>>, vector<16xf32>,
      %get3A_297 = arith.constant 112 : index
      %get3A_298 = tpu.vector_load %arg16[%get3A_297] {strides = array<i32>} : memref<128xf32, #tpu.memory_space<vmem>>, vector<16xf32>,
      %get3A_299 = vector.shape_cast %get3A_298 : vector<16xf32> to vector<16xf32>
      %get3A_300 = arith.constant 112 : index
      %get3A_301 = tpu.vector_load %arg18[%get3A_300] {strides = array<i32>} : memref<128xf32, #tpu.memory_space<vmem>>, vector<16xf32>,
      %get3A_302 = vector.shape_cast %get3A_301 : vector<16xf32> to vector<16xf32>
      %get3A_303 = arith.constant 112 : index
      %get3A_304 = tpu.vector_load %arg20[%get3A_303] {strides = array<i32>} : memref<128xf32, #tpu.memory_space<vmem>>, vector<16xf32>,
      %get3A_305 = vector.shape_cast %get3A_304 : vector<16xf32> to vector<16xf32>
      %add3A_306 = arith.addf %get3A_302, %get3A_305 : vector<16xf32>
      %add3A_307 = arith.constant 1.000000e-16 : f32
      %add3A_308 = vector.broadcast %add3A_307 : f32 to vector<16xf32>
      %add3A_309 = arith.addf %add3A_306, %add3A_308 : vector<16xf32>
      %div3A_310 = arith.divf %get3A_299, %add3A_309 : vector<16xf32>
      %swap3A_311 = arith.constant 112 : index
      %swap3A_312 = tpu.vector_load %arg22[%swap3A_311] {strides = array<i32>} : memref<144xf32, #tpu.memory_space<vmem>>, vector<16xf32>,
      %swap3A_313 = vector.shape_cast %swap3A_312 : vector<16xf32> to vector<16xf32>
      %swap3A_314 = vector.shape_cast %div3A_310 : vector<16xf32> to vector<16xf32>
      tpu.vector_store %arg22[%swap3A_311], %swap3A_314 {strides = array<i32>} : memref<144xf32, #tpu.memory_space<vmem>>, vector<16xf32>,
      %scan3A_315 = arith.constant 0 : i32
      %scan3A_316 = arith.constant 0 : i32
      %scan3A_317 = arith.constant 128 : i32
      %scan3A_318 = arith.addi %scan3A_316, %scan3A_317 : i32
      %scan3A_319 = arith.constant 1 : i32
      %scan3A_320 = scf.for %scan3A_549 = %scan3A_316 to %scan3A_318 step %scan3A_319 iter_args(%scan3A_550 = %scan3A_315) -> (i32)  : i32 {
        %get3A_551 = arith.index_cast %scan3A_549 : i32 to index
        %get3A_552 = tpu.vector_load %arg22[%get3A_551] {strides = array<i32>} : memref<144xf32, #tpu.memory_space<vmem>>, vector<16xf32>,
        %get3A_553 = vector.shape_cast %get3A_552 : vector<16xf32> to vector<16xf32>
        %slice3A = vector.extract_strided_slice %get3A_553 {offsets = [0], sizes = [1], strides = [1]} : vector<16xf32> to vector<1xf32>
        %squeeze3A = vector.extract %slice3A[0] : f32 from vector<1xf32>
        %get3A_554 = arith.index_cast %scan3A_549 : i32 to index
        %get3A_555 = arith.constant 0 : index
        %get3A_556 = tpu.vector_load %arg24[%get3A_554, %get3A_555] {strides = array<i32>} : memref<128x128xf32, #tpu.memory_space<vmem>>, vector<1x16xf32>,
        %get3A_557 = vector.shape_cast %get3A_556 : vector<1x16xf32> to vector<16xf32>
        %mul3A_558 = vector.broadcast %squeeze3A : f32 to vector<16xf32>
        %mul3A_559 = arith.mulf %get3A_557, %mul3A_558 : vector<16xf32>
        %swap3A_560 = arith.index_cast %scan3A_549 : i32 to index
        %swap3A_561 = arith.constant 0 : index
        %swap3A_562 = tpu.vector_load %arg24[%swap3A_560, %swap3A_561] {strides = array<i32>} : memref<128x128xf32, #tpu.memory_space<vmem>>, vector<1x16xf32>,
        %swap3A_563 = vector.shape_cast %swap3A_562 : vector<1x16xf32> to vector<16xf32>
        %swap3A_564 = vector.shape_cast %mul3A_559 : vector<16xf32> to vector<1x16xf32>
        tpu.vector_store %arg24[%swap3A_560, %swap3A_561], %swap3A_564 {strides = array<i32>} : memref<128x128xf32, #tpu.memory_space<vmem>>, vector<1x16xf32>,
        %get3A_565 = arith.index_cast %scan3A_549 : i32 to index
        %get3A_566 = arith.constant 16 : index
        %get3A_567 = tpu.vector_load %arg24[%get3A_565, %get3A_566] {strides = array<i32>} : memref<128x128xf32, #tpu.memory_space<vmem>>, vector<1x16xf32>,
        %get3A_568 = vector.shape_cast %get3A_567 : vector<1x16xf32> to vector<16xf32>
        %mul3A_569 = vector.broadcast %squeeze3A : f32 to vector<16xf32>
        %mul3A_570 = arith.mulf %get3A_568, %mul3A_569 : vector<16xf32>
        %swap3A_571 = arith.index_cast %scan3A_549 : i32 to index
        %swap3A_572 = arith.constant 16 : index
        %swap3A_573 = tpu.vector_load %arg24[%swap3A_571, %swap3A_572] {strides = array<i32>} : memref<128x128xf32, #tpu.memory_space<vmem>>, vector<1x16xf32>,
        %swap3A_574 = vector.shape_cast %swap3A_573 : vector<1x16xf32> to vector<16xf32>
        %swap3A_575 = vector.shape_cast %mul3A_570 : vector<16xf32> to vector<1x16xf32>
        tpu.vector_store %arg24[%swap3A_571, %swap3A_572], %swap3A_575 {strides = array<i32>} : memref<128x128xf32, #tpu.memory_space<vmem>>, vector<1x16xf32>,
        %get3A_576 = arith.index_cast %scan3A_549 : i32 to index
        %get3A_577 = arith.constant 32 : index
        %get3A_578 = tpu.vector_load %arg24[%get3A_576, %get3A_577] {strides = array<i32>} : memref<128x128xf32, #tpu.memory_space<vmem>>, vector<1x16xf32>,
        %get3A_579 = vector.shape_cast %get3A_578 : vector<1x16xf32> to vector<16xf32>
        %mul3A_580 = vector.broadcast %squeeze3A : f32 to vector<16xf32>
        %mul3A_581 = arith.mulf %get3A_579, %mul3A_580 : vector<16xf32>
        %swap3A_582 = arith.index_cast %scan3A_549 : i32 to index
        %swap3A_583 = arith.constant 32 : index
        %swap3A_584 = tpu.vector_load %arg24[%swap3A_582, %swap3A_583] {strides = array<i32>} : memref<128x128xf32, #tpu.memory_space<vmem>>, vector<1x16xf32>,
        %swap3A_585 = vector.shape_cast %swap3A_584 : vector<1x16xf32> to vector<16xf32>
        %swap3A_586 = vector.shape_cast %mul3A_581 : vector<16xf32> to vector<1x16xf32>
        tpu.vector_store %arg24[%swap3A_582, %swap3A_583], %swap3A_586 {strides = array<i32>} : memref<128x128xf32, #tpu.memory_space<vmem>>, vector<1x16xf32>,
        %get3A_587 = arith.index_cast %scan3A_549 : i32 to index
        %get3A_588 = arith.constant 48 : index
        %get3A_589 = tpu.vector_load %arg24[%get3A_587, %get3A_588] {strides = array<i32>} : memref<128x128xf32, #tpu.memory_space<vmem>>, vector<1x16xf32>,
        %get3A_590 = vector.shape_cast %get3A_589 : vector<1x16xf32> to vector<16xf32>
        %mul3A_591 = vector.broadcast %squeeze3A : f32 to vector<16xf32>
        %mul3A_592 = arith.mulf %get3A_590, %mul3A_591 : vector<16xf32>
        %swap3A_593 = arith.index_cast %scan3A_549 : i32 to index
        %swap3A_594 = arith.constant 48 : index
        %swap3A_595 = tpu.vector_load %arg24[%swap3A_593, %swap3A_594] {strides = array<i32>} : memref<128x128xf32, #tpu.memory_space<vmem>>, vector<1x16xf32>,
        %swap3A_596 = vector.shape_cast %swap3A_595 : vector<1x16xf32> to vector<16xf32>
        %swap3A_597 = vector.shape_cast %mul3A_592 : vector<16xf32> to vector<1x16xf32>
        tpu.vector_store %arg24[%swap3A_593, %swap3A_594], %swap3A_597 {strides = array<i32>} : memref<128x128xf32, #tpu.memory_space<vmem>>, vector<1x16xf32>,
        %get3A_598 = arith.index_cast %scan3A_549 : i32 to index
        %get3A_599 = arith.constant 64 : index
        %get3A_600 = tpu.vector_load %arg24[%get3A_598, %get3A_599] {strides = array<i32>} : memref<128x128xf32, #tpu.memory_space<vmem>>, vector<1x16xf32>,
        %get3A_601 = vector.shape_cast %get3A_600 : vector<1x16xf32> to vector<16xf32>
        %mul3A_602 = vector.broadcast %squeeze3A : f32 to vector<16xf32>
        %mul3A_603 = arith.mulf %get3A_601, %mul3A_602 : vector<16xf32>
        %swap3A_604 = arith.index_cast %scan3A_549 : i32 to index
        %swap3A_605 = arith.constant 64 : index
        %swap3A_606 = tpu.vector_load %arg24[%swap3A_604, %swap3A_605] {strides = array<i32>} : memref<128x128xf32, #tpu.memory_space<vmem>>, vector<1x16xf32>,
        %swap3A_607 = vector.shape_cast %swap3A_606 : vector<1x16xf32> to vector<16xf32>
        %swap3A_608 = vector.shape_cast %mul3A_603 : vector<16xf32> to vector<1x16xf32>
        tpu.vector_store %arg24[%swap3A_604, %swap3A_605], %swap3A_608 {strides = array<i32>} : memref<128x128xf32, #tpu.memory_space<vmem>>, vector<1x16xf32>,
        %get3A_609 = arith.index_cast %scan3A_549 : i32 to index
        %get3A_610 = arith.constant 80 : index
        %get3A_611 = tpu.vector_load %arg24[%get3A_609, %get3A_610] {strides = array<i32>} : memref<128x128xf32, #tpu.memory_space<vmem>>, vector<1x16xf32>,
        %get3A_612 = vector.shape_cast %get3A_611 : vector<1x16xf32> to vector<16xf32>
        %mul3A_613 = vector.broadcast %squeeze3A : f32 to vector<16xf32>
        %mul3A_614 = arith.mulf %get3A_612, %mul3A_613 : vector<16xf32>
        %swap3A_615 = arith.index_cast %scan3A_549 : i32 to index
        %swap3A_616 = arith.constant 80 : index
        %swap3A_617 = tpu.vector_load %arg24[%swap3A_615, %swap3A_616] {strides = array<i32>} : memref<128x128xf32, #tpu.memory_space<vmem>>, vector<1x16xf32>,
        %swap3A_618 = vector.shape_cast %swap3A_617 : vector<1x16xf32> to vector<16xf32>
        %swap3A_619 = vector.shape_cast %mul3A_614 : vector<16xf32> to vector<1x16xf32>
        tpu.vector_store %arg24[%swap3A_615, %swap3A_616], %swap3A_619 {strides = array<i32>} : memref<128x128xf32, #tpu.memory_space<vmem>>, vector<1x16xf32>,
        %get3A_620 = arith.index_cast %scan3A_549 : i32 to index
        %get3A_621 = arith.constant 96 : index
        %get3A_622 = tpu.vector_load %arg24[%get3A_620, %get3A_621] {strides = array<i32>} : memref<128x128xf32, #tpu.memory_space<vmem>>, vector<1x16xf32>,
        %get3A_623 = vector.shape_cast %get3A_622 : vector<1x16xf32> to vector<16xf32>
        %mul3A_624 = vector.broadcast %squeeze3A : f32 to vector<16xf32>
        %mul3A_625 = arith.mulf %get3A_623, %mul3A_624 : vector<16xf32>
        %swap3A_626 = arith.index_cast %scan3A_549 : i32 to index
        %swap3A_627 = arith.constant 96 : index
        %swap3A_628 = tpu.vector_load %arg24[%swap3A_626, %swap3A_627] {strides = array<i32>} : memref<128x128xf32, #tpu.memory_space<vmem>>, vector<1x16xf32>,
        %swap3A_629 = vector.shape_cast %swap3A_628 : vector<1x16xf32> to vector<16xf32>
        %swap3A_630 = vector.shape_cast %mul3A_625 : vector<16xf32> to vector<1x16xf32>
        tpu.vector_store %arg24[%swap3A_626, %swap3A_627], %swap3A_630 {strides = array<i32>} : memref<128x128xf32, #tpu.memory_space<vmem>>, vector<1x16xf32>,
        %get3A_631 = arith.index_cast %scan3A_549 : i32 to index
        %get3A_632 = arith.constant 112 : index
        %get3A_633 = tpu.vector_load %arg24[%get3A_631, %get3A_632] {strides = array<i32>} : memref<128x128xf32, #tpu.memory_space<vmem>>, vector<1x16xf32>,
        %get3A_634 = vector.shape_cast %get3A_633 : vector<1x16xf32> to vector<16xf32>
        %mul3A_635 = vector.broadcast %squeeze3A : f32 to vector<16xf32>
        %mul3A_636 = arith.mulf %get3A_634, %mul3A_635 : vector<16xf32>
        %swap3A_637 = arith.index_cast %scan3A_549 : i32 to index
        %swap3A_638 = arith.constant 112 : index
        %swap3A_639 = tpu.vector_load %arg24[%swap3A_637, %swap3A_638] {strides = array<i32>} : memref<128x128xf32, #tpu.memory_space<vmem>>, vector<1x16xf32>,
        %swap3A_640 = vector.shape_cast %swap3A_639 : vector<1x16xf32> to vector<16xf32>
        %swap3A_641 = vector.shape_cast %mul3A_636 : vector<16xf32> to vector<1x16xf32>
        tpu.vector_store %arg24[%swap3A_637, %swap3A_638], %swap3A_641 {strides = array<i32>} : memref<128x128xf32, #tpu.memory_space<vmem>>, vector<1x16xf32>,
        %scan3A_642 = arith.constant 0 : i32
        scf.yield %scan3A_642 : i32
      }
      %scan3A_321 = arith.constant 128 : i32
      %dma_wait3A_322 = tpu.memref_slice %arg3[%add3A_165] : memref<327680xi32, #tpu.memory_space<hbm>> -> memref<128xi32, #tpu.memory_space<hbm>>
      %dma_wait3A_323 = tpu.memref_slice %arg3[%add3A_165] : memref<327680xi32, #tpu.memory_space<hbm>> -> memref<128xi32, #tpu.memory_space<hbm>>
      tpu.wait_dma2 semaphore(%arg28 : memref<!tpu.dma_semaphore, #tpu.memory_space<semaphore_mem>>) src(%dma_wait3A_323 : memref<128xi32, #tpu.memory_space<hbm>>) dst(%arg11 : memref<128xi32, #tpu.memory_space<vmem>>)
      %dma_wait3A_324 = tpu.memref_slice %arg4[%add3A_165] : memref<327680xi32, #tpu.memory_space<hbm>> -> memref<128xi32, #tpu.memory_space<hbm>>
      %dma_wait3A_325 = tpu.memref_slice %arg4[%add3A_165] : memref<327680xi32, #tpu.memory_space<hbm>> -> memref<128xi32, #tpu.memory_space<hbm>>
      tpu.wait_dma2 semaphore(%arg30 : memref<!tpu.dma_semaphore, #tpu.memory_space<semaphore_mem>>) src(%dma_wait3A_325 : memref<128xi32, #tpu.memory_space<hbm>>) dst(%arg13 : memref<128xi32, #tpu.memory_space<vmem>>)
      %dma_wait3A_326 = tpu.memref_slice %arg5[%add3A_165] : memref<327680xi32, #tpu.memory_space<hbm>> -> memref<128xi32, #tpu.memory_space<hbm>>
      %dma_wait3A_327 = tpu.memref_slice %arg5[%add3A_165] : memref<327680xi32, #tpu.memory_space<hbm>> -> memref<128xi32, #tpu.memory_space<hbm>>
      tpu.wait_dma2 semaphore(%arg32 : memref<!tpu.dma_semaphore, #tpu.memory_space<semaphore_mem>>) src(%dma_wait3A_327 : memref<128xi32, #tpu.memory_space<hbm>>) dst(%arg15 : memref<128xi32, #tpu.memory_space<vmem>>)
      %dma_wait3A_328 = tpu.memref_slice %arg6[%add3A_165] : memref<327680xf32, #tpu.memory_space<hbm>> -> memref<128xf32, #tpu.memory_space<hbm>>
      %dma_wait3A_329 = tpu.memref_slice %arg6[%add3A_165] : memref<327680xf32, #tpu.memory_space<hbm>> -> memref<128xf32, #tpu.memory_space<hbm>>
      tpu.wait_dma2 semaphore(%arg34 : memref<!tpu.dma_semaphore, #tpu.memory_space<semaphore_mem>>) src(%dma_wait3A_329 : memref<128xf32, #tpu.memory_space<hbm>>) dst(%arg17 : memref<128xf32, #tpu.memory_space<vmem>>)
      %dma_start3A_330 = arith.constant 0 : i32
      %dma_start3A_331 = tpu.memref_slice %arg7[%dma_start3A_330] : memref<80128xf32, #tpu.memory_space<hbm>> -> memref<80128xf32, #tpu.memory_space<hbm>>
      tpu.enqueue_indirect_dma source(%dma_start3A_331 : memref<80128xf32, #tpu.memory_space<hbm>>) target(%arg19 : memref<128xf32, #tpu.memory_space<vmem>>) offsets(%arg13 : memref<128xi32, #tpu.memory_space<vmem>>) semaphore(%arg36 : memref<!tpu.dma_semaphore, #tpu.memory_space<semaphore_mem>>)
      %dma_start3A_332 = arith.constant 0 : i32
      %dma_start3A_333 = tpu.memref_slice %arg8[%dma_start3A_332] : memref<80128xf32, #tpu.memory_space<hbm>> -> memref<80128xf32, #tpu.memory_space<hbm>>
      tpu.enqueue_indirect_dma source(%dma_start3A_333 : memref<80128xf32, #tpu.memory_space<hbm>>) target(%arg21 : memref<128xf32, #tpu.memory_space<vmem>>) offsets(%arg13 : memref<128xi32, #tpu.memory_space<vmem>>) semaphore(%arg38 : memref<!tpu.dma_semaphore, #tpu.memory_space<semaphore_mem>>)
      %dma_start3A_334 = arith.constant 0 : i32
      %dma_start3A_335 = arith.constant 0 : i32
      %dma_start3A_336 = tpu.memref_slice %arg2[%dma_start3A_334, %dma_start3A_335] : memref<80000x128xf32, #tpu.memory_space<hbm>> -> memref<80000x128xf32, #tpu.memory_space<hbm>>
      tpu.enqueue_indirect_dma source(%dma_start3A_336 : memref<80000x128xf32, #tpu.memory_space<hbm>>) target(%arg25 : memref<128x128xf32, #tpu.memory_space<vmem>>) offsets(%arg11 : memref<128xi32, #tpu.memory_space<vmem>>) semaphore(%arg40 : memref<!tpu.dma_semaphore, #tpu.memory_space<semaphore_mem>>)
      %dma_start3A_337 = arith.constant 0 : i32
      %dma_start3A_338 = arith.constant 0 : i32
      %dma_start3A_339 = tpu.memref_slice %arg26[%dma_start3A_337, %dma_start3A_338] : memref<10000x128xf32, #tpu.memory_space<vmem_shared>> -> memref<10000x128xf32, #tpu.memory_space<vmem_shared>>
      tpu.enqueue_indirect_dma source(%arg24 : memref<128x128xf32, #tpu.memory_space<vmem>>) target(%dma_start3A_339 : memref<10000x128xf32, #tpu.memory_space<vmem_shared>>) offsets(%arg14 : memref<128xi32, #tpu.memory_space<vmem>>) semaphore(%arg41 : memref<!tpu.dma_semaphore, #tpu.memory_space<semaphore_mem>>) {add = true}
      %dma_wait3A_340 = arith.constant 0 : i32
      %dma_wait3A_341 = tpu.memref_slice %arg7[%dma_wait3A_340] : memref<80128xf32, #tpu.memory_space<hbm>> -> memref<80128xf32, #tpu.memory_space<hbm>>
      tpu.wait_indirect_dma semaphore(%arg36 : memref<!tpu.dma_semaphore, #tpu.memory_space<semaphore_mem>>) src(%dma_wait3A_341 : memref<80128xf32, #tpu.memory_space<hbm>>) dst(%arg19 : memref<128xf32, #tpu.memory_space<vmem>>)
      %dma_wait3A_342 = arith.constant 0 : i32
      %dma_wait3A_343 = tpu.memref_slice %arg8[%dma_wait3A_342] : memref<80128xf32, #tpu.memory_space<hbm>> -> memref<80128xf32, #tpu.memory_space<hbm>>
      tpu.wait_indirect_dma semaphore(%arg38 : memref<!tpu.dma_semaphore, #tpu.memory_space<semaphore_mem>>) src(%dma_wait3A_343 : memref<80128xf32, #tpu.memory_space<hbm>>) dst(%arg21 : memref<128xf32, #tpu.memory_space<vmem>>)
      %dma_wait3A_344 = arith.constant 0 : i32
      %dma_wait3A_345 = arith.constant 0 : i32
      %dma_wait3A_346 = tpu.memref_slice %arg2[%dma_wait3A_344, %dma_wait3A_345] : memref<80000x128xf32, #tpu.memory_space<hbm>> -> memref<80000x128xf32, #tpu.memory_space<hbm>>
      tpu.wait_indirect_dma semaphore(%arg40 : memref<!tpu.dma_semaphore, #tpu.memory_space<semaphore_mem>>) src(%dma_wait3A_346 : memref<80000x128xf32, #tpu.memory_space<hbm>>) dst(%arg25 : memref<128x128xf32, #tpu.memory_space<vmem>>)
      %dma_wait3A_347 = arith.constant 0 : i32
      %dma_wait3A_348 = arith.constant 0 : i32
      %dma_wait3A_349 = tpu.memref_slice %arg26[%dma_wait3A_347, %dma_wait3A_348] : memref<10000x128xf32, #tpu.memory_space<vmem_shared>> -> memref<10000x128xf32, #tpu.memory_space<vmem_shared>>
      tpu.wait_indirect_dma semaphore(%arg41 : memref<!tpu.dma_semaphore, #tpu.memory_space<semaphore_mem>>) src(%arg24 : memref<128x128xf32, #tpu.memory_space<vmem>>) dst(%dma_wait3A_349 : memref<10000x128xf32, #tpu.memory_space<vmem_shared>>)
      %mul3A_350 = arith.constant 2 : i32
      %mul3A_351 = arith.muli %mul3A_350, %scan3A_156 : i32
      %add3A_352 = arith.constant 1 : i32
      %add3A_353 = arith.addi %mul3A_351, %add3A_352 : i32
      %add3A_354 = arith.constant 1 : i32
      %add3A_355 = arith.addi %add3A_353, %add3A_354 : i32
      %min3A_356 = arith.constant 79 : i32
      %min3A_357 = arith.minsi %add3A_355, %min3A_356 : i32
      %mul3A_358 = arith.constant 128 : i32
      %mul3A_359 = arith.muli %min3A_357, %mul3A_358 : i32
      %add3A_360 = arith.addi %mul3A_61, %mul3A_359 : i32
      %dma_start3A_361 = tpu.memref_slice %arg3[%add3A_360] : memref<327680xi32, #tpu.memory_space<hbm>> -> memref<128xi32, #tpu.memory_space<hbm>>
      %dma_start3A_362 = tpu.memref_slice %arg3[%add3A_360] : memref<327680xi32, #tpu.memory_space<hbm>> -> memref<128xi32, #tpu.memory_space<hbm>>
      tpu.enqueue_dma source(%dma_start3A_362 : memref<128xi32, #tpu.memory_space<hbm>>) target(%arg10 : memref<128xi32, #tpu.memory_space<vmem>>) target_semaphore(%arg27 : memref<!tpu.dma_semaphore, #tpu.memory_space<semaphore_mem>>)
      %dma_start3A_363 = tpu.memref_slice %arg4[%add3A_360] : memref<327680xi32, #tpu.memory_space<hbm>> -> memref<128xi32, #tpu.memory_space<hbm>>
      %dma_start3A_364 = tpu.memref_slice %arg4[%add3A_360] : memref<327680xi32, #tpu.memory_space<hbm>> -> memref<128xi32, #tpu.memory_space<hbm>>
      tpu.enqueue_dma source(%dma_start3A_364 : memref<128xi32, #tpu.memory_space<hbm>>) target(%arg12 : memref<128xi32, #tpu.memory_space<vmem>>) target_semaphore(%arg29 : memref<!tpu.dma_semaphore, #tpu.memory_space<semaphore_mem>>)
      %dma_start3A_365 = tpu.memref_slice %arg5[%add3A_360] : memref<327680xi32, #tpu.memory_space<hbm>> -> memref<128xi32, #tpu.memory_space<hbm>>
      %dma_start3A_366 = tpu.memref_slice %arg5[%add3A_360] : memref<327680xi32, #tpu.memory_space<hbm>> -> memref<128xi32, #tpu.memory_space<hbm>>
      tpu.enqueue_dma source(%dma_start3A_366 : memref<128xi32, #tpu.memory_space<hbm>>) target(%arg14 : memref<128xi32, #tpu.memory_space<vmem>>) target_semaphore(%arg31 : memref<!tpu.dma_semaphore, #tpu.memory_space<semaphore_mem>>)
      %dma_start3A_367 = tpu.memref_slice %arg6[%add3A_360] : memref<327680xf32, #tpu.memory_space<hbm>> -> memref<128xf32, #tpu.memory_space<hbm>>
      %dma_start3A_368 = tpu.memref_slice %arg6[%add3A_360] : memref<327680xf32, #tpu.memory_space<hbm>> -> memref<128xf32, #tpu.memory_space<hbm>>
      tpu.enqueue_dma source(%dma_start3A_368 : memref<128xf32, #tpu.memory_space<hbm>>) target(%arg16 : memref<128xf32, #tpu.memory_space<vmem>>) target_semaphore(%arg33 : memref<!tpu.dma_semaphore, #tpu.memory_space<semaphore_mem>>)
      %get3A_369 = arith.constant 0 : index
      %get3A_370 = tpu.vector_load %arg17[%get3A_369] {strides = array<i32>} : memref<128xf32, #tpu.memory_space<vmem>>, vector<16xf32>,
      %get3A_371 = vector.shape_cast %get3A_370 : vector<16xf32> to vector<16xf32>
      %get3A_372 = arith.constant 0 : index
      %get3A_373 = tpu.vector_load %arg19[%get3A_372] {strides = array<i32>} : memref<128xf32, #tpu.memory_space<vmem>>, vector<16xf32>,
      %get3A_374 = vector.shape_cast %get3A_373 : vector<16xf32> to vector<16xf32>
      %get3A_375 = arith.constant 0 : index
      %get3A_376 = tpu.vector_load %arg21[%get3A_375] {strides = array<i32>} : memref<128xf32, #tpu.memory_space<vmem>>, vector<16xf32>,
      %get3A_377 = vector.shape_cast %get3A_376 : vector<16xf32> to vector<16xf32>
      %add3A_378 = arith.addf %get3A_374, %get3A_377 : vector<16xf32>
      %add3A_379 = arith.constant 1.000000e-16 : f32
      %add3A_380 = vector.broadcast %add3A_379 : f32 to vector<16xf32>
      %add3A_381 = arith.addf %add3A_378, %add3A_380 : vector<16xf32>
      %div3A_382 = arith.divf %get3A_371, %add3A_381 : vector<16xf32>
      %swap3A_383 = arith.constant 0 : index
      %swap3A_384 = tpu.vector_load %arg23[%swap3A_383] {strides = array<i32>} : memref<144xf32, #tpu.memory_space<vmem>>, vector<16xf32>,
      %swap3A_385 = vector.shape_cast %swap3A_384 : vector<16xf32> to vector<16xf32>
      %swap3A_386 = vector.shape_cast %div3A_382 : vector<16xf32> to vector<16xf32>
      tpu.vector_store %arg23[%swap3A_383], %swap3A_386 {strides = array<i32>} : memref<144xf32, #tpu.memory_space<vmem>>, vector<16xf32>,
      %get3A_387 = arith.constant 16 : index
      %get3A_388 = tpu.vector_load %arg17[%get3A_387] {strides = array<i32>} : memref<128xf32, #tpu.memory_space<vmem>>, vector<16xf32>,
      %get3A_389 = vector.shape_cast %get3A_388 : vector<16xf32> to vector<16xf32>
      %get3A_390 = arith.constant 16 : index
      %get3A_391 = tpu.vector_load %arg19[%get3A_390] {strides = array<i32>} : memref<128xf32, #tpu.memory_space<vmem>>, vector<16xf32>,
      %get3A_392 = vector.shape_cast %get3A_391 : vector<16xf32> to vector<16xf32>
      %get3A_393 = arith.constant 16 : index
      %get3A_394 = tpu.vector_load %arg21[%get3A_393] {strides = array<i32>} : memref<128xf32, #tpu.memory_space<vmem>>, vector<16xf32>,
      %get3A_395 = vector.shape_cast %get3A_394 : vector<16xf32> to vector<16xf32>
      %add3A_396 = arith.addf %get3A_392, %get3A_395 : vector<16xf32>
      %add3A_397 = arith.constant 1.000000e-16 : f32
      %add3A_398 = vector.broadcast %add3A_397 : f32 to vector<16xf32>
      %add3A_399 = arith.addf %add3A_396, %add3A_398 : vector<16xf32>
      %div3A_400 = arith.divf %get3A_389, %add3A_399 : vector<16xf32>
      %swap3A_401 = arith.constant 16 : index
      %swap3A_402 = tpu.vector_load %arg23[%swap3A_401] {strides = array<i32>} : memref<144xf32, #tpu.memory_space<vmem>>, vector<16xf32>,
      %swap3A_403 = vector.shape_cast %swap3A_402 : vector<16xf32> to vector<16xf32>
      %swap3A_404 = vector.shape_cast %div3A_400 : vector<16xf32> to vector<16xf32>
      tpu.vector_store %arg23[%swap3A_401], %swap3A_404 {strides = array<i32>} : memref<144xf32, #tpu.memory_space<vmem>>, vector<16xf32>,
      %get3A_405 = arith.constant 32 : index
      %get3A_406 = tpu.vector_load %arg17[%get3A_405] {strides = array<i32>} : memref<128xf32, #tpu.memory_space<vmem>>, vector<16xf32>,
      %get3A_407 = vector.shape_cast %get3A_406 : vector<16xf32> to vector<16xf32>
      %get3A_408 = arith.constant 32 : index
      %get3A_409 = tpu.vector_load %arg19[%get3A_408] {strides = array<i32>} : memref<128xf32, #tpu.memory_space<vmem>>, vector<16xf32>,
      %get3A_410 = vector.shape_cast %get3A_409 : vector<16xf32> to vector<16xf32>
      %get3A_411 = arith.constant 32 : index
      %get3A_412 = tpu.vector_load %arg21[%get3A_411] {strides = array<i32>} : memref<128xf32, #tpu.memory_space<vmem>>, vector<16xf32>,
      %get3A_413 = vector.shape_cast %get3A_412 : vector<16xf32> to vector<16xf32>
      %add3A_414 = arith.addf %get3A_410, %get3A_413 : vector<16xf32>
      %add3A_415 = arith.constant 1.000000e-16 : f32
      %add3A_416 = vector.broadcast %add3A_415 : f32 to vector<16xf32>
      %add3A_417 = arith.addf %add3A_414, %add3A_416 : vector<16xf32>
      %div3A_418 = arith.divf %get3A_407, %add3A_417 : vector<16xf32>
      %swap3A_419 = arith.constant 32 : index
      %swap3A_420 = tpu.vector_load %arg23[%swap3A_419] {strides = array<i32>} : memref<144xf32, #tpu.memory_space<vmem>>, vector<16xf32>,
      %swap3A_421 = vector.shape_cast %swap3A_420 : vector<16xf32> to vector<16xf32>
      %swap3A_422 = vector.shape_cast %div3A_418 : vector<16xf32> to vector<16xf32>
      tpu.vector_store %arg23[%swap3A_419], %swap3A_422 {strides = array<i32>} : memref<144xf32, #tpu.memory_space<vmem>>, vector<16xf32>,
      %get3A_423 = arith.constant 48 : index
      %get3A_424 = tpu.vector_load %arg17[%get3A_423] {strides = array<i32>} : memref<128xf32, #tpu.memory_space<vmem>>, vector<16xf32>,
      %get3A_425 = vector.shape_cast %get3A_424 : vector<16xf32> to vector<16xf32>
      %get3A_426 = arith.constant 48 : index
      %get3A_427 = tpu.vector_load %arg19[%get3A_426] {strides = array<i32>} : memref<128xf32, #tpu.memory_space<vmem>>, vector<16xf32>,
      %get3A_428 = vector.shape_cast %get3A_427 : vector<16xf32> to vector<16xf32>
      %get3A_429 = arith.constant 48 : index
      %get3A_430 = tpu.vector_load %arg21[%get3A_429] {strides = array<i32>} : memref<128xf32, #tpu.memory_space<vmem>>, vector<16xf32>,
      %get3A_431 = vector.shape_cast %get3A_430 : vector<16xf32> to vector<16xf32>
      %add3A_432 = arith.addf %get3A_428, %get3A_431 : vector<16xf32>
      %add3A_433 = arith.constant 1.000000e-16 : f32
      %add3A_434 = vector.broadcast %add3A_433 : f32 to vector<16xf32>
      %add3A_435 = arith.addf %add3A_432, %add3A_434 : vector<16xf32>
      %div3A_436 = arith.divf %get3A_425, %add3A_435 : vector<16xf32>
      %swap3A_437 = arith.constant 48 : index
      %swap3A_438 = tpu.vector_load %arg23[%swap3A_437] {strides = array<i32>} : memref<144xf32, #tpu.memory_space<vmem>>, vector<16xf32>,
      %swap3A_439 = vector.shape_cast %swap3A_438 : vector<16xf32> to vector<16xf32>
      %swap3A_440 = vector.shape_cast %div3A_436 : vector<16xf32> to vector<16xf32>
      tpu.vector_store %arg23[%swap3A_437], %swap3A_440 {strides = array<i32>} : memref<144xf32, #tpu.memory_space<vmem>>, vector<16xf32>,
      %get3A_441 = arith.constant 64 : index
      %get3A_442 = tpu.vector_load %arg17[%get3A_441] {strides = array<i32>} : memref<128xf32, #tpu.memory_space<vmem>>, vector<16xf32>,
      %get3A_443 = vector.shape_cast %get3A_442 : vector<16xf32> to vector<16xf32>
      %get3A_444 = arith.constant 64 : index
      %get3A_445 = tpu.vector_load %arg19[%get3A_444] {strides = array<i32>} : memref<128xf32, #tpu.memory_space<vmem>>, vector<16xf32>,
      %get3A_446 = vector.shape_cast %get3A_445 : vector<16xf32> to vector<16xf32>
      %get3A_447 = arith.constant 64 : index
      %get3A_448 = tpu.vector_load %arg21[%get3A_447] {strides = array<i32>} : memref<128xf32, #tpu.memory_space<vmem>>, vector<16xf32>,
      %get3A_449 = vector.shape_cast %get3A_448 : vector<16xf32> to vector<16xf32>
      %add3A_450 = arith.addf %get3A_446, %get3A_449 : vector<16xf32>
      %add3A_451 = arith.constant 1.000000e-16 : f32
      %add3A_452 = vector.broadcast %add3A_451 : f32 to vector<16xf32>
      %add3A_453 = arith.addf %add3A_450, %add3A_452 : vector<16xf32>
      %div3A_454 = arith.divf %get3A_443, %add3A_453 : vector<16xf32>
      %swap3A_455 = arith.constant 64 : index
      %swap3A_456 = tpu.vector_load %arg23[%swap3A_455] {strides = array<i32>} : memref<144xf32, #tpu.memory_space<vmem>>, vector<16xf32>,
      %swap3A_457 = vector.shape_cast %swap3A_456 : vector<16xf32> to vector<16xf32>
      %swap3A_458 = vector.shape_cast %div3A_454 : vector<16xf32> to vector<16xf32>
      tpu.vector_store %arg23[%swap3A_455], %swap3A_458 {strides = array<i32>} : memref<144xf32, #tpu.memory_space<vmem>>, vector<16xf32>,
      %get3A_459 = arith.constant 80 : index
      %get3A_460 = tpu.vector_load %arg17[%get3A_459] {strides = array<i32>} : memref<128xf32, #tpu.memory_space<vmem>>, vector<16xf32>,
      %get3A_461 = vector.shape_cast %get3A_460 : vector<16xf32> to vector<16xf32>
      %get3A_462 = arith.constant 80 : index
      %get3A_463 = tpu.vector_load %arg19[%get3A_462] {strides = array<i32>} : memref<128xf32, #tpu.memory_space<vmem>>, vector<16xf32>,
      %get3A_464 = vector.shape_cast %get3A_463 : vector<16xf32> to vector<16xf32>
      %get3A_465 = arith.constant 80 : index
      %get3A_466 = tpu.vector_load %arg21[%get3A_465] {strides = array<i32>} : memref<128xf32, #tpu.memory_space<vmem>>, vector<16xf32>,
      %get3A_467 = vector.shape_cast %get3A_466 : vector<16xf32> to vector<16xf32>
      %add3A_468 = arith.addf %get3A_464, %get3A_467 : vector<16xf32>
      %add3A_469 = arith.constant 1.000000e-16 : f32
      %add3A_470 = vector.broadcast %add3A_469 : f32 to vector<16xf32>
      %add3A_471 = arith.addf %add3A_468, %add3A_470 : vector<16xf32>
      %div3A_472 = arith.divf %get3A_461, %add3A_471 : vector<16xf32>
      %swap3A_473 = arith.constant 80 : index
      %swap3A_474 = tpu.vector_load %arg23[%swap3A_473] {strides = array<i32>} : memref<144xf32, #tpu.memory_space<vmem>>, vector<16xf32>,
      %swap3A_475 = vector.shape_cast %swap3A_474 : vector<16xf32> to vector<16xf32>
      %swap3A_476 = vector.shape_cast %div3A_472 : vector<16xf32> to vector<16xf32>
      tpu.vector_store %arg23[%swap3A_473], %swap3A_476 {strides = array<i32>} : memref<144xf32, #tpu.memory_space<vmem>>, vector<16xf32>,
      %get3A_477 = arith.constant 96 : index
      %get3A_478 = tpu.vector_load %arg17[%get3A_477] {strides = array<i32>} : memref<128xf32, #tpu.memory_space<vmem>>, vector<16xf32>,
      %get3A_479 = vector.shape_cast %get3A_478 : vector<16xf32> to vector<16xf32>
      %get3A_480 = arith.constant 96 : index
      %get3A_481 = tpu.vector_load %arg19[%get3A_480] {strides = array<i32>} : memref<128xf32, #tpu.memory_space<vmem>>, vector<16xf32>,
      %get3A_482 = vector.shape_cast %get3A_481 : vector<16xf32> to vector<16xf32>
      %get3A_483 = arith.constant 96 : index
      %get3A_484 = tpu.vector_load %arg21[%get3A_483] {strides = array<i32>} : memref<128xf32, #tpu.memory_space<vmem>>, vector<16xf32>,
      %get3A_485 = vector.shape_cast %get3A_484 : vector<16xf32> to vector<16xf32>
      %add3A_486 = arith.addf %get3A_482, %get3A_485 : vector<16xf32>
      %add3A_487 = arith.constant 1.000000e-16 : f32
      %add3A_488 = vector.broadcast %add3A_487 : f32 to vector<16xf32>
      %add3A_489 = arith.addf %add3A_486, %add3A_488 : vector<16xf32>
      %div3A_490 = arith.divf %get3A_479, %add3A_489 : vector<16xf32>
      %swap3A_491 = arith.constant 96 : index
      %swap3A_492 = tpu.vector_load %arg23[%swap3A_491] {strides = array<i32>} : memref<144xf32, #tpu.memory_space<vmem>>, vector<16xf32>,
      %swap3A_493 = vector.shape_cast %swap3A_492 : vector<16xf32> to vector<16xf32>
      %swap3A_494 = vector.shape_cast %div3A_490 : vector<16xf32> to vector<16xf32>
      tpu.vector_store %arg23[%swap3A_491], %swap3A_494 {strides = array<i32>} : memref<144xf32, #tpu.memory_space<vmem>>, vector<16xf32>,
      %get3A_495 = arith.constant 112 : index
      %get3A_496 = tpu.vector_load %arg17[%get3A_495] {strides = array<i32>} : memref<128xf32, #tpu.memory_space<vmem>>, vector<16xf32>,
      %get3A_497 = vector.shape_cast %get3A_496 : vector<16xf32> to vector<16xf32>
      %get3A_498 = arith.constant 112 : index
      %get3A_499 = tpu.vector_load %arg19[%get3A_498] {strides = array<i32>} : memref<128xf32, #tpu.memory_space<vmem>>, vector<16xf32>,
      %get3A_500 = vector.shape_cast %get3A_499 : vector<16xf32> to vector<16xf32>
      %get3A_501 = arith.constant 112 : index
      %get3A_502 = tpu.vector_load %arg21[%get3A_501] {strides = array<i32>} : memref<128xf32, #tpu.memory_space<vmem>>, vector<16xf32>,
      %get3A_503 = vector.shape_cast %get3A_502 : vector<16xf32> to vector<16xf32>
      %add3A_504 = arith.addf %get3A_500, %get3A_503 : vector<16xf32>
      %add3A_505 = arith.constant 1.000000e-16 : f32
      %add3A_506 = vector.broadcast %add3A_505 : f32 to vector<16xf32>
      %add3A_507 = arith.addf %add3A_504, %add3A_506 : vector<16xf32>
      %div3A_508 = arith.divf %get3A_497, %add3A_507 : vector<16xf32>
      %swap3A_509 = arith.constant 112 : index
      %swap3A_510 = tpu.vector_load %arg23[%swap3A_509] {strides = array<i32>} : memref<144xf32, #tpu.memory_space<vmem>>, vector<16xf32>,
      %swap3A_511 = vector.shape_cast %swap3A_510 : vector<16xf32> to vector<16xf32>
      %swap3A_512 = vector.shape_cast %div3A_508 : vector<16xf32> to vector<16xf32>
      tpu.vector_store %arg23[%swap3A_509], %swap3A_512 {strides = array<i32>} : memref<144xf32, #tpu.memory_space<vmem>>, vector<16xf32>,
      %scan3A_513 = arith.constant 0 : i32
      %scan3A_514 = arith.constant 0 : i32
      %scan3A_515 = arith.constant 128 : i32
      %scan3A_516 = arith.addi %scan3A_514, %scan3A_515 : i32
      %scan3A_517 = arith.constant 1 : i32
      %scan3A_518 = scf.for %scan3A_549 = %scan3A_514 to %scan3A_516 step %scan3A_517 iter_args(%scan3A_550 = %scan3A_513) -> (i32)  : i32 {
        %get3A_551 = arith.index_cast %scan3A_549 : i32 to index
        %get3A_552 = tpu.vector_load %arg23[%get3A_551] {strides = array<i32>} : memref<144xf32, #tpu.memory_space<vmem>>, vector<16xf32>,
        %get3A_553 = vector.shape_cast %get3A_552 : vector<16xf32> to vector<16xf32>
        %slice3A = vector.extract_strided_slice %get3A_553 {offsets = [0], sizes = [1], strides = [1]} : vector<16xf32> to vector<1xf32>
        %squeeze3A = vector.extract %slice3A[0] : f32 from vector<1xf32>
        %get3A_554 = arith.index_cast %scan3A_549 : i32 to index
        %get3A_555 = arith.constant 0 : index
        %get3A_556 = tpu.vector_load %arg25[%get3A_554, %get3A_555] {strides = array<i32>} : memref<128x128xf32, #tpu.memory_space<vmem>>, vector<1x16xf32>,
        %get3A_557 = vector.shape_cast %get3A_556 : vector<1x16xf32> to vector<16xf32>
        %mul3A_558 = vector.broadcast %squeeze3A : f32 to vector<16xf32>
        %mul3A_559 = arith.mulf %get3A_557, %mul3A_558 : vector<16xf32>
        %swap3A_560 = arith.index_cast %scan3A_549 : i32 to index
        %swap3A_561 = arith.constant 0 : index
        %swap3A_562 = tpu.vector_load %arg25[%swap3A_560, %swap3A_561] {strides = array<i32>} : memref<128x128xf32, #tpu.memory_space<vmem>>, vector<1x16xf32>,
        %swap3A_563 = vector.shape_cast %swap3A_562 : vector<1x16xf32> to vector<16xf32>
        %swap3A_564 = vector.shape_cast %mul3A_559 : vector<16xf32> to vector<1x16xf32>
        tpu.vector_store %arg25[%swap3A_560, %swap3A_561], %swap3A_564 {strides = array<i32>} : memref<128x128xf32, #tpu.memory_space<vmem>>, vector<1x16xf32>,
        %get3A_565 = arith.index_cast %scan3A_549 : i32 to index
        %get3A_566 = arith.constant 16 : index
        %get3A_567 = tpu.vector_load %arg25[%get3A_565, %get3A_566] {strides = array<i32>} : memref<128x128xf32, #tpu.memory_space<vmem>>, vector<1x16xf32>,
        %get3A_568 = vector.shape_cast %get3A_567 : vector<1x16xf32> to vector<16xf32>
        %mul3A_569 = vector.broadcast %squeeze3A : f32 to vector<16xf32>
        %mul3A_570 = arith.mulf %get3A_568, %mul3A_569 : vector<16xf32>
        %swap3A_571 = arith.index_cast %scan3A_549 : i32 to index
        %swap3A_572 = arith.constant 16 : index
        %swap3A_573 = tpu.vector_load %arg25[%swap3A_571, %swap3A_572] {strides = array<i32>} : memref<128x128xf32, #tpu.memory_space<vmem>>, vector<1x16xf32>,
        %swap3A_574 = vector.shape_cast %swap3A_573 : vector<1x16xf32> to vector<16xf32>
        %swap3A_575 = vector.shape_cast %mul3A_570 : vector<16xf32> to vector<1x16xf32>
        tpu.vector_store %arg25[%swap3A_571, %swap3A_572], %swap3A_575 {strides = array<i32>} : memref<128x128xf32, #tpu.memory_space<vmem>>, vector<1x16xf32>,
        %get3A_576 = arith.index_cast %scan3A_549 : i32 to index
        %get3A_577 = arith.constant 32 : index
        %get3A_578 = tpu.vector_load %arg25[%get3A_576, %get3A_577] {strides = array<i32>} : memref<128x128xf32, #tpu.memory_space<vmem>>, vector<1x16xf32>,
        %get3A_579 = vector.shape_cast %get3A_578 : vector<1x16xf32> to vector<16xf32>
        %mul3A_580 = vector.broadcast %squeeze3A : f32 to vector<16xf32>
        %mul3A_581 = arith.mulf %get3A_579, %mul3A_580 : vector<16xf32>
        %swap3A_582 = arith.index_cast %scan3A_549 : i32 to index
        %swap3A_583 = arith.constant 32 : index
        %swap3A_584 = tpu.vector_load %arg25[%swap3A_582, %swap3A_583] {strides = array<i32>} : memref<128x128xf32, #tpu.memory_space<vmem>>, vector<1x16xf32>,
        %swap3A_585 = vector.shape_cast %swap3A_584 : vector<1x16xf32> to vector<16xf32>
        %swap3A_586 = vector.shape_cast %mul3A_581 : vector<16xf32> to vector<1x16xf32>
        tpu.vector_store %arg25[%swap3A_582, %swap3A_583], %swap3A_586 {strides = array<i32>} : memref<128x128xf32, #tpu.memory_space<vmem>>, vector<1x16xf32>,
        %get3A_587 = arith.index_cast %scan3A_549 : i32 to index
        %get3A_588 = arith.constant 48 : index
        %get3A_589 = tpu.vector_load %arg25[%get3A_587, %get3A_588] {strides = array<i32>} : memref<128x128xf32, #tpu.memory_space<vmem>>, vector<1x16xf32>,
        %get3A_590 = vector.shape_cast %get3A_589 : vector<1x16xf32> to vector<16xf32>
        %mul3A_591 = vector.broadcast %squeeze3A : f32 to vector<16xf32>
        %mul3A_592 = arith.mulf %get3A_590, %mul3A_591 : vector<16xf32>
        %swap3A_593 = arith.index_cast %scan3A_549 : i32 to index
        %swap3A_594 = arith.constant 48 : index
        %swap3A_595 = tpu.vector_load %arg25[%swap3A_593, %swap3A_594] {strides = array<i32>} : memref<128x128xf32, #tpu.memory_space<vmem>>, vector<1x16xf32>,
        %swap3A_596 = vector.shape_cast %swap3A_595 : vector<1x16xf32> to vector<16xf32>
        %swap3A_597 = vector.shape_cast %mul3A_592 : vector<16xf32> to vector<1x16xf32>
        tpu.vector_store %arg25[%swap3A_593, %swap3A_594], %swap3A_597 {strides = array<i32>} : memref<128x128xf32, #tpu.memory_space<vmem>>, vector<1x16xf32>,
        %get3A_598 = arith.index_cast %scan3A_549 : i32 to index
        %get3A_599 = arith.constant 64 : index
        %get3A_600 = tpu.vector_load %arg25[%get3A_598, %get3A_599] {strides = array<i32>} : memref<128x128xf32, #tpu.memory_space<vmem>>, vector<1x16xf32>,
        %get3A_601 = vector.shape_cast %get3A_600 : vector<1x16xf32> to vector<16xf32>
        %mul3A_602 = vector.broadcast %squeeze3A : f32 to vector<16xf32>
        %mul3A_603 = arith.mulf %get3A_601, %mul3A_602 : vector<16xf32>
        %swap3A_604 = arith.index_cast %scan3A_549 : i32 to index
        %swap3A_605 = arith.constant 64 : index
        %swap3A_606 = tpu.vector_load %arg25[%swap3A_604, %swap3A_605] {strides = array<i32>} : memref<128x128xf32, #tpu.memory_space<vmem>>, vector<1x16xf32>,
        %swap3A_607 = vector.shape_cast %swap3A_606 : vector<1x16xf32> to vector<16xf32>
        %swap3A_608 = vector.shape_cast %mul3A_603 : vector<16xf32> to vector<1x16xf32>
        tpu.vector_store %arg25[%swap3A_604, %swap3A_605], %swap3A_608 {strides = array<i32>} : memref<128x128xf32, #tpu.memory_space<vmem>>, vector<1x16xf32>,
        %get3A_609 = arith.index_cast %scan3A_549 : i32 to index
        %get3A_610 = arith.constant 80 : index
        %get3A_611 = tpu.vector_load %arg25[%get3A_609, %get3A_610] {strides = array<i32>} : memref<128x128xf32, #tpu.memory_space<vmem>>, vector<1x16xf32>,
        %get3A_612 = vector.shape_cast %get3A_611 : vector<1x16xf32> to vector<16xf32>
        %mul3A_613 = vector.broadcast %squeeze3A : f32 to vector<16xf32>
        %mul3A_614 = arith.mulf %get3A_612, %mul3A_613 : vector<16xf32>
        %swap3A_615 = arith.index_cast %scan3A_549 : i32 to index
        %swap3A_616 = arith.constant 80 : index
        %swap3A_617 = tpu.vector_load %arg25[%swap3A_615, %swap3A_616] {strides = array<i32>} : memref<128x128xf32, #tpu.memory_space<vmem>>, vector<1x16xf32>,
        %swap3A_618 = vector.shape_cast %swap3A_617 : vector<1x16xf32> to vector<16xf32>
        %swap3A_619 = vector.shape_cast %mul3A_614 : vector<16xf32> to vector<1x16xf32>
        tpu.vector_store %arg25[%swap3A_615, %swap3A_616], %swap3A_619 {strides = array<i32>} : memref<128x128xf32, #tpu.memory_space<vmem>>, vector<1x16xf32>,
        %get3A_620 = arith.index_cast %scan3A_549 : i32 to index
        %get3A_621 = arith.constant 96 : index
        %get3A_622 = tpu.vector_load %arg25[%get3A_620, %get3A_621] {strides = array<i32>} : memref<128x128xf32, #tpu.memory_space<vmem>>, vector<1x16xf32>,
        %get3A_623 = vector.shape_cast %get3A_622 : vector<1x16xf32> to vector<16xf32>
        %mul3A_624 = vector.broadcast %squeeze3A : f32 to vector<16xf32>
        %mul3A_625 = arith.mulf %get3A_623, %mul3A_624 : vector<16xf32>
        %swap3A_626 = arith.index_cast %scan3A_549 : i32 to index
        %swap3A_627 = arith.constant 96 : index
        %swap3A_628 = tpu.vector_load %arg25[%swap3A_626, %swap3A_627] {strides = array<i32>} : memref<128x128xf32, #tpu.memory_space<vmem>>, vector<1x16xf32>,
        %swap3A_629 = vector.shape_cast %swap3A_628 : vector<1x16xf32> to vector<16xf32>
        %swap3A_630 = vector.shape_cast %mul3A_625 : vector<16xf32> to vector<1x16xf32>
        tpu.vector_store %arg25[%swap3A_626, %swap3A_627], %swap3A_630 {strides = array<i32>} : memref<128x128xf32, #tpu.memory_space<vmem>>, vector<1x16xf32>,
        %get3A_631 = arith.index_cast %scan3A_549 : i32 to index
        %get3A_632 = arith.constant 112 : index
        %get3A_633 = tpu.vector_load %arg25[%get3A_631, %get3A_632] {strides = array<i32>} : memref<128x128xf32, #tpu.memory_space<vmem>>, vector<1x16xf32>,
        %get3A_634 = vector.shape_cast %get3A_633 : vector<1x16xf32> to vector<16xf32>
        %mul3A_635 = vector.broadcast %squeeze3A : f32 to vector<16xf32>
        %mul3A_636 = arith.mulf %get3A_634, %mul3A_635 : vector<16xf32>
        %swap3A_637 = arith.index_cast %scan3A_549 : i32 to index
        %swap3A_638 = arith.constant 112 : index
        %swap3A_639 = tpu.vector_load %arg25[%swap3A_637, %swap3A_638] {strides = array<i32>} : memref<128x128xf32, #tpu.memory_space<vmem>>, vector<1x16xf32>,
        %swap3A_640 = vector.shape_cast %swap3A_639 : vector<1x16xf32> to vector<16xf32>
        %swap3A_641 = vector.shape_cast %mul3A_636 : vector<16xf32> to vector<1x16xf32>
        tpu.vector_store %arg25[%swap3A_637, %swap3A_638], %swap3A_641 {strides = array<i32>} : memref<128x128xf32, #tpu.memory_space<vmem>>, vector<1x16xf32>,
        %scan3A_642 = arith.constant 0 : i32
        scf.yield %scan3A_642 : i32
      }
      %scan3A_519 = arith.constant 128 : i32
      %dma_wait3A_520 = tpu.memref_slice %arg3[%add3A_360] : memref<327680xi32, #tpu.memory_space<hbm>> -> memref<128xi32, #tpu.memory_space<hbm>>
      %dma_wait3A_521 = tpu.memref_slice %arg3[%add3A_360] : memref<327680xi32, #tpu.memory_space<hbm>> -> memref<128xi32, #tpu.memory_space<hbm>>
      tpu.wait_dma2 semaphore(%arg27 : memref<!tpu.dma_semaphore, #tpu.memory_space<semaphore_mem>>) src(%dma_wait3A_521 : memref<128xi32, #tpu.memory_space<hbm>>) dst(%arg10 : memref<128xi32, #tpu.memory_space<vmem>>)
      %dma_wait3A_522 = tpu.memref_slice %arg4[%add3A_360] : memref<327680xi32, #tpu.memory_space<hbm>> -> memref<128xi32, #tpu.memory_space<hbm>>
      %dma_wait3A_523 = tpu.memref_slice %arg4[%add3A_360] : memref<327680xi32, #tpu.memory_space<hbm>> -> memref<128xi32, #tpu.memory_space<hbm>>
      tpu.wait_dma2 semaphore(%arg29 : memref<!tpu.dma_semaphore, #tpu.memory_space<semaphore_mem>>) src(%dma_wait3A_523 : memref<128xi32, #tpu.memory_space<hbm>>) dst(%arg12 : memref<128xi32, #tpu.memory_space<vmem>>)
      %dma_wait3A_524 = tpu.memref_slice %arg5[%add3A_360] : memref<327680xi32, #tpu.memory_space<hbm>> -> memref<128xi32, #tpu.memory_space<hbm>>
      %dma_wait3A_525 = tpu.memref_slice %arg5[%add3A_360] : memref<327680xi32, #tpu.memory_space<hbm>> -> memref<128xi32, #tpu.memory_space<hbm>>
      tpu.wait_dma2 semaphore(%arg31 : memref<!tpu.dma_semaphore, #tpu.memory_space<semaphore_mem>>) src(%dma_wait3A_525 : memref<128xi32, #tpu.memory_space<hbm>>) dst(%arg14 : memref<128xi32, #tpu.memory_space<vmem>>)
      %dma_wait3A_526 = tpu.memref_slice %arg6[%add3A_360] : memref<327680xf32, #tpu.memory_space<hbm>> -> memref<128xf32, #tpu.memory_space<hbm>>
      %dma_wait3A_527 = tpu.memref_slice %arg6[%add3A_360] : memref<327680xf32, #tpu.memory_space<hbm>> -> memref<128xf32, #tpu.memory_space<hbm>>
      tpu.wait_dma2 semaphore(%arg33 : memref<!tpu.dma_semaphore, #tpu.memory_space<semaphore_mem>>) src(%dma_wait3A_527 : memref<128xf32, #tpu.memory_space<hbm>>) dst(%arg16 : memref<128xf32, #tpu.memory_space<vmem>>)
      %dma_start3A_528 = arith.constant 0 : i32
      %dma_start3A_529 = tpu.memref_slice %arg7[%dma_start3A_528] : memref<80128xf32, #tpu.memory_space<hbm>> -> memref<80128xf32, #tpu.memory_space<hbm>>
      tpu.enqueue_indirect_dma source(%dma_start3A_529 : memref<80128xf32, #tpu.memory_space<hbm>>) target(%arg18 : memref<128xf32, #tpu.memory_space<vmem>>) offsets(%arg12 : memref<128xi32, #tpu.memory_space<vmem>>) semaphore(%arg35 : memref<!tpu.dma_semaphore, #tpu.memory_space<semaphore_mem>>)
      %dma_start3A_530 = arith.constant 0 : i32
      %dma_start3A_531 = tpu.memref_slice %arg8[%dma_start3A_530] : memref<80128xf32, #tpu.memory_space<hbm>> -> memref<80128xf32, #tpu.memory_space<hbm>>
      tpu.enqueue_indirect_dma source(%dma_start3A_531 : memref<80128xf32, #tpu.memory_space<hbm>>) target(%arg20 : memref<128xf32, #tpu.memory_space<vmem>>) offsets(%arg12 : memref<128xi32, #tpu.memory_space<vmem>>) semaphore(%arg37 : memref<!tpu.dma_semaphore, #tpu.memory_space<semaphore_mem>>)
      %dma_start3A_532 = arith.constant 0 : i32
      %dma_start3A_533 = arith.constant 0 : i32
      %dma_start3A_534 = tpu.memref_slice %arg2[%dma_start3A_532, %dma_start3A_533] : memref<80000x128xf32, #tpu.memory_space<hbm>> -> memref<80000x128xf32, #tpu.memory_space<hbm>>
      tpu.enqueue_indirect_dma source(%dma_start3A_534 : memref<80000x128xf32, #tpu.memory_space<hbm>>) target(%arg24 : memref<128x128xf32, #tpu.memory_space<vmem>>) offsets(%arg10 : memref<128xi32, #tpu.memory_space<vmem>>) semaphore(%arg39 : memref<!tpu.dma_semaphore, #tpu.memory_space<semaphore_mem>>)
      %dma_start3A_535 = arith.constant 0 : i32
      %dma_start3A_536 = arith.constant 0 : i32
      %dma_start3A_537 = tpu.memref_slice %arg26[%dma_start3A_535, %dma_start3A_536] : memref<10000x128xf32, #tpu.memory_space<vmem_shared>> -> memref<10000x128xf32, #tpu.memory_space<vmem_shared>>
      tpu.enqueue_indirect_dma source(%arg25 : memref<128x128xf32, #tpu.memory_space<vmem>>) target(%dma_start3A_537 : memref<10000x128xf32, #tpu.memory_space<vmem_shared>>) offsets(%arg15 : memref<128xi32, #tpu.memory_space<vmem>>) semaphore(%arg42 : memref<!tpu.dma_semaphore, #tpu.memory_space<semaphore_mem>>) {add = true}
      %dma_wait3A_538 = arith.constant 0 : i32
      %dma_wait3A_539 = tpu.memref_slice %arg7[%dma_wait3A_538] : memref<80128xf32, #tpu.memory_space<hbm>> -> memref<80128xf32, #tpu.memory_space<hbm>>
      tpu.wait_indirect_dma semaphore(%arg35 : memref<!tpu.dma_semaphore, #tpu.memory_space<semaphore_mem>>) src(%dma_wait3A_539 : memref<80128xf32, #tpu.memory_space<hbm>>) dst(%arg18 : memref<128xf32, #tpu.memory_space<vmem>>)
      %dma_wait3A_540 = arith.constant 0 : i32
      %dma_wait3A_541 = tpu.memref_slice %arg8[%dma_wait3A_540] : memref<80128xf32, #tpu.memory_space<hbm>> -> memref<80128xf32, #tpu.memory_space<hbm>>
      tpu.wait_indirect_dma semaphore(%arg37 : memref<!tpu.dma_semaphore, #tpu.memory_space<semaphore_mem>>) src(%dma_wait3A_541 : memref<80128xf32, #tpu.memory_space<hbm>>) dst(%arg20 : memref<128xf32, #tpu.memory_space<vmem>>)
      %dma_wait3A_542 = arith.constant 0 : i32
      %dma_wait3A_543 = arith.constant 0 : i32
      %dma_wait3A_544 = tpu.memref_slice %arg2[%dma_wait3A_542, %dma_wait3A_543] : memref<80000x128xf32, #tpu.memory_space<hbm>> -> memref<80000x128xf32, #tpu.memory_space<hbm>>
      tpu.wait_indirect_dma semaphore(%arg39 : memref<!tpu.dma_semaphore, #tpu.memory_space<semaphore_mem>>) src(%dma_wait3A_544 : memref<80000x128xf32, #tpu.memory_space<hbm>>) dst(%arg24 : memref<128x128xf32, #tpu.memory_space<vmem>>)
      %dma_wait3A_545 = arith.constant 0 : i32
      %dma_wait3A_546 = arith.constant 0 : i32
      %dma_wait3A_547 = tpu.memref_slice %arg26[%dma_wait3A_545, %dma_wait3A_546] : memref<10000x128xf32, #tpu.memory_space<vmem_shared>> -> memref<10000x128xf32, #tpu.memory_space<vmem_shared>>
      tpu.wait_indirect_dma semaphore(%arg42 : memref<!tpu.dma_semaphore, #tpu.memory_space<semaphore_mem>>) src(%arg25 : memref<128x128xf32, #tpu.memory_space<vmem>>) dst(%dma_wait3A_547 : memref<10000x128xf32, #tpu.memory_space<vmem_shared>>)
      %scan3A_548 = arith.constant 0 : i32
      scf.yield %scan3A_548 : i32
    }
    %scan3A_98 = arith.constant 40 : i32
    %barrier3A_99 = arith.constant 0 : index
    tpu.barrier barrier_id(%barrier3A_99)
    %add3A_100 = arith.constant 0 : i32
    %add3A_101 = arith.addi %arg1, %add3A_100 : i32
    %lt3A_102 = arith.constant 125 : i32
    %lt3A_103 = arith.cmpi slt, %add3A_101, %lt3A_102 : i32
    %convert_element_type3A_104 = arith.extui %lt3A_103 : i1 to i32
    %cond3A_105 = arith.constant 0 : i32
    %cond3A_106 = arith.cmpi ne, %convert_element_type3A_104, %cond3A_105 : i32
    scf.if %cond3A_106 {
      %mul3A_156 = arith.constant 80 : i32
      %mul3A_157 = arith.muli %add3A_101, %mul3A_156 : i32
      %multiple_of3A = tpu.assume_multiple %mul3A_157, 8 : i32
      "tpu.region"() ({
        %run_scoped3A = tpu.sem_alloc : memref<!tpu.dma_semaphore, #tpu.memory_space<semaphore_mem>>
        %dma_start3A_158 = arith.constant 0 : i32
        %dma_start3A_159 = arith.constant 0 : i32
        %dma_start3A_160 = tpu.memref_slice %arg24[%dma_start3A_158, %dma_start3A_159] : memref<128x128xf32, #tpu.memory_space<vmem>> -> memref<80x128xf32, #tpu.memory_space<vmem>>
        %dma_start3A_161 = arith.constant 0 : i32
        %dma_start3A_162 = tpu.memref_slice %arg26[%multiple_of3A, %dma_start3A_161] : memref<10000x128xf32, #tpu.memory_space<vmem_shared>> -> memref<80x128xf32, #tpu.memory_space<vmem_shared>>
        %dma_start3A_163 = arith.constant 0 : i32
        %dma_start3A_164 = arith.constant 0 : i32
        %dma_start3A_165 = tpu.memref_slice %arg24[%dma_start3A_163, %dma_start3A_164] : memref<128x128xf32, #tpu.memory_space<vmem>> -> memref<80x128xf32, #tpu.memory_space<vmem>>
        %dma_start3A_166 = arith.constant 0 : i32
        %dma_start3A_167 = tpu.memref_slice %arg26[%multiple_of3A, %dma_start3A_166] : memref<10000x128xf32, #tpu.memory_space<vmem_shared>> -> memref<80x128xf32, #tpu.memory_space<vmem_shared>>
        tpu.enqueue_dma source(%dma_start3A_167 : memref<80x128xf32, #tpu.memory_space<vmem_shared>>) target(%dma_start3A_165 : memref<80x128xf32, #tpu.memory_space<vmem>>) target_semaphore(%run_scoped3A : memref<!tpu.dma_semaphore, #tpu.memory_space<semaphore_mem>>)
        %dma_wait3A_168 = arith.constant 0 : i32
        %dma_wait3A_169 = arith.constant 0 : i32
        %dma_wait3A_170 = tpu.memref_slice %arg24[%dma_wait3A_168, %dma_wait3A_169] : memref<128x128xf32, #tpu.memory_space<vmem>> -> memref<80x128xf32, #tpu.memory_space<vmem>>
        %dma_wait3A_171 = arith.constant 0 : i32
        %dma_wait3A_172 = tpu.memref_slice %arg26[%multiple_of3A, %dma_wait3A_171] : memref<10000x128xf32, #tpu.memory_space<vmem_shared>> -> memref<80x128xf32, #tpu.memory_space<vmem_shared>>
        %dma_wait3A_173 = arith.constant 0 : i32
        %dma_wait3A_174 = arith.constant 0 : i32
        %dma_wait3A_175 = tpu.memref_slice %arg24[%dma_wait3A_173, %dma_wait3A_174] : memref<128x128xf32, #tpu.memory_space<vmem>> -> memref<80x128xf32, #tpu.memory_space<vmem>>
        %dma_wait3A_176 = arith.constant 0 : i32
        %dma_wait3A_177 = tpu.memref_slice %arg26[%multiple_of3A, %dma_wait3A_176] : memref<10000x128xf32, #tpu.memory_space<vmem_shared>> -> memref<80x128xf32, #tpu.memory_space<vmem_shared>>
        tpu.wait_dma2 semaphore(%run_scoped3A : memref<!tpu.dma_semaphore, #tpu.memory_space<semaphore_mem>>) src(%dma_wait3A_177 : memref<80x128xf32, #tpu.memory_space<vmem_shared>>) dst(%dma_wait3A_175 : memref<80x128xf32, #tpu.memory_space<vmem>>)
        tpu.yield
      }) : () -> ()
      "tpu.region"() ({
        %run_scoped3A = tpu.sem_alloc : memref<!tpu.dma_semaphore, #tpu.memory_space<semaphore_mem>>
        %dma_start3A_158 = arith.constant 0 : i32
        %dma_start3A_159 = arith.constant 0 : i32
        %dma_start3A_160 = tpu.memref_slice %arg24[%dma_start3A_158, %dma_start3A_159] : memref<128x128xf32, #tpu.memory_space<vmem>> -> memref<80x128xf32, #tpu.memory_space<vmem>>
        %dma_start3A_161 = arith.constant 0 : i32
        %dma_start3A_162 = tpu.memref_slice %arg9[%arg0, %multiple_of3A, %dma_start3A_161] : memref<2x10000x128xf32, #tpu.memory_space<hbm>> -> memref<1x80x128xf32, #tpu.memory_space<hbm>>
        %dma_start3A_163 = tpu.memref_squeeze %dma_start3A_162 : memref<1x80x128xf32, #tpu.memory_space<hbm>> -> memref<80x128xf32, #tpu.memory_space<hbm>>
        %dma_start3A_164 = arith.constant 0 : i32
        %dma_start3A_165 = tpu.memref_slice %arg9[%arg0, %multiple_of3A, %dma_start3A_164] : memref<2x10000x128xf32, #tpu.memory_space<hbm>> -> memref<1x80x128xf32, #tpu.memory_space<hbm>>
        %dma_start3A_166 = tpu.memref_squeeze %dma_start3A_165 : memref<1x80x128xf32, #tpu.memory_space<hbm>> -> memref<80x128xf32, #tpu.memory_space<hbm>>
        %dma_start3A_167 = arith.constant 0 : i32
        %dma_start3A_168 = arith.constant 0 : i32
        %dma_start3A_169 = tpu.memref_slice %arg24[%dma_start3A_167, %dma_start3A_168] : memref<128x128xf32, #tpu.memory_space<vmem>> -> memref<80x128xf32, #tpu.memory_space<vmem>>
        tpu.enqueue_dma source(%dma_start3A_169 : memref<80x128xf32, #tpu.memory_space<vmem>>) target(%dma_start3A_166 : memref<80x128xf32, #tpu.memory_space<hbm>>) target_semaphore(%run_scoped3A : memref<!tpu.dma_semaphore, #tpu.memory_space<semaphore_mem>>)
        %dma_wait3A_170 = arith.constant 0 : i32
        %dma_wait3A_171 = arith.constant 0 : i32
        %dma_wait3A_172 = tpu.memref_slice %arg24[%dma_wait3A_170, %dma_wait3A_171] : memref<128x128xf32, #tpu.memory_space<vmem>> -> memref<80x128xf32, #tpu.memory_space<vmem>>
        %dma_wait3A_173 = arith.constant 0 : i32
        %dma_wait3A_174 = tpu.memref_slice %arg9[%arg0, %multiple_of3A, %dma_wait3A_173] : memref<2x10000x128xf32, #tpu.memory_space<hbm>> -> memref<1x80x128xf32, #tpu.memory_space<hbm>>
        %dma_wait3A_175 = tpu.memref_squeeze %dma_wait3A_174 : memref<1x80x128xf32, #tpu.memory_space<hbm>> -> memref<80x128xf32, #tpu.memory_space<hbm>>
        %dma_wait3A_176 = arith.constant 0 : i32
        %dma_wait3A_177 = tpu.memref_slice %arg9[%arg0, %multiple_of3A, %dma_wait3A_176] : memref<2x10000x128xf32, #tpu.memory_space<hbm>> -> memref<1x80x128xf32, #tpu.memory_space<hbm>>
        %dma_wait3A_178 = tpu.memref_squeeze %dma_wait3A_177 : memref<1x80x128xf32, #tpu.memory_space<hbm>> -> memref<80x128xf32, #tpu.memory_space<hbm>>
        %dma_wait3A_179 = arith.constant 0 : i32
        %dma_wait3A_180 = arith.constant 0 : i32
        %dma_wait3A_181 = tpu.memref_slice %arg24[%dma_wait3A_179, %dma_wait3A_180] : memref<128x128xf32, #tpu.memory_space<vmem>> -> memref<80x128xf32, #tpu.memory_space<vmem>>
        tpu.wait_dma2 semaphore(%run_scoped3A : memref<!tpu.dma_semaphore, #tpu.memory_space<semaphore_mem>>) src(%dma_wait3A_181 : memref<80x128xf32, #tpu.memory_space<vmem>>) dst(%dma_wait3A_178 : memref<80x128xf32, #tpu.memory_space<hbm>>)
        tpu.yield
      }) : () -> ()
    } else {
    }
    %add3A_107 = arith.constant 16 : i32
    %add3A_108 = arith.addi %arg1, %add3A_107 : i32
    %lt3A_109 = arith.constant 125 : i32
    %lt3A_110 = arith.cmpi slt, %add3A_108, %lt3A_109 : i32
    %convert_element_type3A_111 = arith.extui %lt3A_110 : i1 to i32
    %cond3A_112 = arith.constant 0 : i32
    %cond3A_113 = arith.cmpi ne, %convert_element_type3A_111, %cond3A_112 : i32
    scf.if %cond3A_113 {
      %mul3A_156 = arith.constant 80 : i32
      %mul3A_157 = arith.muli %add3A_108, %mul3A_156 : i32
      %multiple_of3A = tpu.assume_multiple %mul3A_157, 8 : i32
      "tpu.region"() ({
        %run_scoped3A = tpu.sem_alloc : memref<!tpu.dma_semaphore, #tpu.memory_space<semaphore_mem>>
        %dma_start3A_158 = arith.constant 0 : i32
        %dma_start3A_159 = arith.constant 0 : i32
        %dma_start3A_160 = tpu.memref_slice %arg24[%dma_start3A_158, %dma_start3A_159] : memref<128x128xf32, #tpu.memory_space<vmem>> -> memref<80x128xf32, #tpu.memory_space<vmem>>
        %dma_start3A_161 = arith.constant 0 : i32
        %dma_start3A_162 = tpu.memref_slice %arg26[%multiple_of3A, %dma_start3A_161] : memref<10000x128xf32, #tpu.memory_space<vmem_shared>> -> memref<80x128xf32, #tpu.memory_space<vmem_shared>>
        %dma_start3A_163 = arith.constant 0 : i32
        %dma_start3A_164 = arith.constant 0 : i32
        %dma_start3A_165 = tpu.memref_slice %arg24[%dma_start3A_163, %dma_start3A_164] : memref<128x128xf32, #tpu.memory_space<vmem>> -> memref<80x128xf32, #tpu.memory_space<vmem>>
        %dma_start3A_166 = arith.constant 0 : i32
        %dma_start3A_167 = tpu.memref_slice %arg26[%multiple_of3A, %dma_start3A_166] : memref<10000x128xf32, #tpu.memory_space<vmem_shared>> -> memref<80x128xf32, #tpu.memory_space<vmem_shared>>
        tpu.enqueue_dma source(%dma_start3A_167 : memref<80x128xf32, #tpu.memory_space<vmem_shared>>) target(%dma_start3A_165 : memref<80x128xf32, #tpu.memory_space<vmem>>) target_semaphore(%run_scoped3A : memref<!tpu.dma_semaphore, #tpu.memory_space<semaphore_mem>>)
        %dma_wait3A_168 = arith.constant 0 : i32
        %dma_wait3A_169 = arith.constant 0 : i32
        %dma_wait3A_170 = tpu.memref_slice %arg24[%dma_wait3A_168, %dma_wait3A_169] : memref<128x128xf32, #tpu.memory_space<vmem>> -> memref<80x128xf32, #tpu.memory_space<vmem>>
        %dma_wait3A_171 = arith.constant 0 : i32
        %dma_wait3A_172 = tpu.memref_slice %arg26[%multiple_of3A, %dma_wait3A_171] : memref<10000x128xf32, #tpu.memory_space<vmem_shared>> -> memref<80x128xf32, #tpu.memory_space<vmem_shared>>
        %dma_wait3A_173 = arith.constant 0 : i32
        %dma_wait3A_174 = arith.constant 0 : i32
        %dma_wait3A_175 = tpu.memref_slice %arg24[%dma_wait3A_173, %dma_wait3A_174] : memref<128x128xf32, #tpu.memory_space<vmem>> -> memref<80x128xf32, #tpu.memory_space<vmem>>
        %dma_wait3A_176 = arith.constant 0 : i32
        %dma_wait3A_177 = tpu.memref_slice %arg26[%multiple_of3A, %dma_wait3A_176] : memref<10000x128xf32, #tpu.memory_space<vmem_shared>> -> memref<80x128xf32, #tpu.memory_space<vmem_shared>>
        tpu.wait_dma2 semaphore(%run_scoped3A : memref<!tpu.dma_semaphore, #tpu.memory_space<semaphore_mem>>) src(%dma_wait3A_177 : memref<80x128xf32, #tpu.memory_space<vmem_shared>>) dst(%dma_wait3A_175 : memref<80x128xf32, #tpu.memory_space<vmem>>)
        tpu.yield
      }) : () -> ()
      "tpu.region"() ({
        %run_scoped3A = tpu.sem_alloc : memref<!tpu.dma_semaphore, #tpu.memory_space<semaphore_mem>>
        %dma_start3A_158 = arith.constant 0 : i32
        %dma_start3A_159 = arith.constant 0 : i32
        %dma_start3A_160 = tpu.memref_slice %arg24[%dma_start3A_158, %dma_start3A_159] : memref<128x128xf32, #tpu.memory_space<vmem>> -> memref<80x128xf32, #tpu.memory_space<vmem>>
        %dma_start3A_161 = arith.constant 0 : i32
        %dma_start3A_162 = tpu.memref_slice %arg9[%arg0, %multiple_of3A, %dma_start3A_161] : memref<2x10000x128xf32, #tpu.memory_space<hbm>> -> memref<1x80x128xf32, #tpu.memory_space<hbm>>
        %dma_start3A_163 = tpu.memref_squeeze %dma_start3A_162 : memref<1x80x128xf32, #tpu.memory_space<hbm>> -> memref<80x128xf32, #tpu.memory_space<hbm>>
        %dma_start3A_164 = arith.constant 0 : i32
        %dma_start3A_165 = tpu.memref_slice %arg9[%arg0, %multiple_of3A, %dma_start3A_164] : memref<2x10000x128xf32, #tpu.memory_space<hbm>> -> memref<1x80x128xf32, #tpu.memory_space<hbm>>
        %dma_start3A_166 = tpu.memref_squeeze %dma_start3A_165 : memref<1x80x128xf32, #tpu.memory_space<hbm>> -> memref<80x128xf32, #tpu.memory_space<hbm>>
        %dma_start3A_167 = arith.constant 0 : i32
        %dma_start3A_168 = arith.constant 0 : i32
        %dma_start3A_169 = tpu.memref_slice %arg24[%dma_start3A_167, %dma_start3A_168] : memref<128x128xf32, #tpu.memory_space<vmem>> -> memref<80x128xf32, #tpu.memory_space<vmem>>
        tpu.enqueue_dma source(%dma_start3A_169 : memref<80x128xf32, #tpu.memory_space<vmem>>) target(%dma_start3A_166 : memref<80x128xf32, #tpu.memory_space<hbm>>) target_semaphore(%run_scoped3A : memref<!tpu.dma_semaphore, #tpu.memory_space<semaphore_mem>>)
        %dma_wait3A_170 = arith.constant 0 : i32
        %dma_wait3A_171 = arith.constant 0 : i32
        %dma_wait3A_172 = tpu.memref_slice %arg24[%dma_wait3A_170, %dma_wait3A_171] : memref<128x128xf32, #tpu.memory_space<vmem>> -> memref<80x128xf32, #tpu.memory_space<vmem>>
        %dma_wait3A_173 = arith.constant 0 : i32
        %dma_wait3A_174 = tpu.memref_slice %arg9[%arg0, %multiple_of3A, %dma_wait3A_173] : memref<2x10000x128xf32, #tpu.memory_space<hbm>> -> memref<1x80x128xf32, #tpu.memory_space<hbm>>
        %dma_wait3A_175 = tpu.memref_squeeze %dma_wait3A_174 : memref<1x80x128xf32, #tpu.memory_space<hbm>> -> memref<80x128xf32, #tpu.memory_space<hbm>>
        %dma_wait3A_176 = arith.constant 0 : i32
        %dma_wait3A_177 = tpu.memref_slice %arg9[%arg0, %multiple_of3A, %dma_wait3A_176] : memref<2x10000x128xf32, #tpu.memory_space<hbm>> -> memref<1x80x128xf32, #tpu.memory_space<hbm>>
        %dma_wait3A_178 = tpu.memref_squeeze %dma_wait3A_177 : memref<1x80x128xf32, #tpu.memory_space<hbm>> -> memref<80x128xf32, #tpu.memory_space<hbm>>
        %dma_wait3A_179 = arith.constant 0 : i32
        %dma_wait3A_180 = arith.constant 0 : i32
        %dma_wait3A_181 = tpu.memref_slice %arg24[%dma_wait3A_179, %dma_wait3A_180] : memref<128x128xf32, #tpu.memory_space<vmem>> -> memref<80x128xf32, #tpu.memory_space<vmem>>
        tpu.wait_dma2 semaphore(%run_scoped3A : memref<!tpu.dma_semaphore, #tpu.memory_space<semaphore_mem>>) src(%dma_wait3A_181 : memref<80x128xf32, #tpu.memory_space<vmem>>) dst(%dma_wait3A_178 : memref<80x128xf32, #tpu.memory_space<hbm>>)
        tpu.yield
      }) : () -> ()
    } else {
    }
    %add3A_114 = arith.constant 32 : i32
    %add3A_115 = arith.addi %arg1, %add3A_114 : i32
    %lt3A_116 = arith.constant 125 : i32
    %lt3A_117 = arith.cmpi slt, %add3A_115, %lt3A_116 : i32
    %convert_element_type3A_118 = arith.extui %lt3A_117 : i1 to i32
    %cond3A_119 = arith.constant 0 : i32
    %cond3A_120 = arith.cmpi ne, %convert_element_type3A_118, %cond3A_119 : i32
    scf.if %cond3A_120 {
      %mul3A_156 = arith.constant 80 : i32
      %mul3A_157 = arith.muli %add3A_115, %mul3A_156 : i32
      %multiple_of3A = tpu.assume_multiple %mul3A_157, 8 : i32
      "tpu.region"() ({
        %run_scoped3A = tpu.sem_alloc : memref<!tpu.dma_semaphore, #tpu.memory_space<semaphore_mem>>
        %dma_start3A_158 = arith.constant 0 : i32
        %dma_start3A_159 = arith.constant 0 : i32
        %dma_start3A_160 = tpu.memref_slice %arg24[%dma_start3A_158, %dma_start3A_159] : memref<128x128xf32, #tpu.memory_space<vmem>> -> memref<80x128xf32, #tpu.memory_space<vmem>>
        %dma_start3A_161 = arith.constant 0 : i32
        %dma_start3A_162 = tpu.memref_slice %arg26[%multiple_of3A, %dma_start3A_161] : memref<10000x128xf32, #tpu.memory_space<vmem_shared>> -> memref<80x128xf32, #tpu.memory_space<vmem_shared>>
        %dma_start3A_163 = arith.constant 0 : i32
        %dma_start3A_164 = arith.constant 0 : i32
        %dma_start3A_165 = tpu.memref_slice %arg24[%dma_start3A_163, %dma_start3A_164] : memref<128x128xf32, #tpu.memory_space<vmem>> -> memref<80x128xf32, #tpu.memory_space<vmem>>
        %dma_start3A_166 = arith.constant 0 : i32
        %dma_start3A_167 = tpu.memref_slice %arg26[%multiple_of3A, %dma_start3A_166] : memref<10000x128xf32, #tpu.memory_space<vmem_shared>> -> memref<80x128xf32, #tpu.memory_space<vmem_shared>>
        tpu.enqueue_dma source(%dma_start3A_167 : memref<80x128xf32, #tpu.memory_space<vmem_shared>>) target(%dma_start3A_165 : memref<80x128xf32, #tpu.memory_space<vmem>>) target_semaphore(%run_scoped3A : memref<!tpu.dma_semaphore, #tpu.memory_space<semaphore_mem>>)
        %dma_wait3A_168 = arith.constant 0 : i32
        %dma_wait3A_169 = arith.constant 0 : i32
        %dma_wait3A_170 = tpu.memref_slice %arg24[%dma_wait3A_168, %dma_wait3A_169] : memref<128x128xf32, #tpu.memory_space<vmem>> -> memref<80x128xf32, #tpu.memory_space<vmem>>
        %dma_wait3A_171 = arith.constant 0 : i32
        %dma_wait3A_172 = tpu.memref_slice %arg26[%multiple_of3A, %dma_wait3A_171] : memref<10000x128xf32, #tpu.memory_space<vmem_shared>> -> memref<80x128xf32, #tpu.memory_space<vmem_shared>>
        %dma_wait3A_173 = arith.constant 0 : i32
        %dma_wait3A_174 = arith.constant 0 : i32
        %dma_wait3A_175 = tpu.memref_slice %arg24[%dma_wait3A_173, %dma_wait3A_174] : memref<128x128xf32, #tpu.memory_space<vmem>> -> memref<80x128xf32, #tpu.memory_space<vmem>>
        %dma_wait3A_176 = arith.constant 0 : i32
        %dma_wait3A_177 = tpu.memref_slice %arg26[%multiple_of3A, %dma_wait3A_176] : memref<10000x128xf32, #tpu.memory_space<vmem_shared>> -> memref<80x128xf32, #tpu.memory_space<vmem_shared>>
        tpu.wait_dma2 semaphore(%run_scoped3A : memref<!tpu.dma_semaphore, #tpu.memory_space<semaphore_mem>>) src(%dma_wait3A_177 : memref<80x128xf32, #tpu.memory_space<vmem_shared>>) dst(%dma_wait3A_175 : memref<80x128xf32, #tpu.memory_space<vmem>>)
        tpu.yield
      }) : () -> ()
      "tpu.region"() ({
        %run_scoped3A = tpu.sem_alloc : memref<!tpu.dma_semaphore, #tpu.memory_space<semaphore_mem>>
        %dma_start3A_158 = arith.constant 0 : i32
        %dma_start3A_159 = arith.constant 0 : i32
        %dma_start3A_160 = tpu.memref_slice %arg24[%dma_start3A_158, %dma_start3A_159] : memref<128x128xf32, #tpu.memory_space<vmem>> -> memref<80x128xf32, #tpu.memory_space<vmem>>
        %dma_start3A_161 = arith.constant 0 : i32
        %dma_start3A_162 = tpu.memref_slice %arg9[%arg0, %multiple_of3A, %dma_start3A_161] : memref<2x10000x128xf32, #tpu.memory_space<hbm>> -> memref<1x80x128xf32, #tpu.memory_space<hbm>>
        %dma_start3A_163 = tpu.memref_squeeze %dma_start3A_162 : memref<1x80x128xf32, #tpu.memory_space<hbm>> -> memref<80x128xf32, #tpu.memory_space<hbm>>
        %dma_start3A_164 = arith.constant 0 : i32
        %dma_start3A_165 = tpu.memref_slice %arg9[%arg0, %multiple_of3A, %dma_start3A_164] : memref<2x10000x128xf32, #tpu.memory_space<hbm>> -> memref<1x80x128xf32, #tpu.memory_space<hbm>>
        %dma_start3A_166 = tpu.memref_squeeze %dma_start3A_165 : memref<1x80x128xf32, #tpu.memory_space<hbm>> -> memref<80x128xf32, #tpu.memory_space<hbm>>
        %dma_start3A_167 = arith.constant 0 : i32
        %dma_start3A_168 = arith.constant 0 : i32
        %dma_start3A_169 = tpu.memref_slice %arg24[%dma_start3A_167, %dma_start3A_168] : memref<128x128xf32, #tpu.memory_space<vmem>> -> memref<80x128xf32, #tpu.memory_space<vmem>>
        tpu.enqueue_dma source(%dma_start3A_169 : memref<80x128xf32, #tpu.memory_space<vmem>>) target(%dma_start3A_166 : memref<80x128xf32, #tpu.memory_space<hbm>>) target_semaphore(%run_scoped3A : memref<!tpu.dma_semaphore, #tpu.memory_space<semaphore_mem>>)
        %dma_wait3A_170 = arith.constant 0 : i32
        %dma_wait3A_171 = arith.constant 0 : i32
        %dma_wait3A_172 = tpu.memref_slice %arg24[%dma_wait3A_170, %dma_wait3A_171] : memref<128x128xf32, #tpu.memory_space<vmem>> -> memref<80x128xf32, #tpu.memory_space<vmem>>
        %dma_wait3A_173 = arith.constant 0 : i32
        %dma_wait3A_174 = tpu.memref_slice %arg9[%arg0, %multiple_of3A, %dma_wait3A_173] : memref<2x10000x128xf32, #tpu.memory_space<hbm>> -> memref<1x80x128xf32, #tpu.memory_space<hbm>>
        %dma_wait3A_175 = tpu.memref_squeeze %dma_wait3A_174 : memref<1x80x128xf32, #tpu.memory_space<hbm>> -> memref<80x128xf32, #tpu.memory_space<hbm>>
        %dma_wait3A_176 = arith.constant 0 : i32
        %dma_wait3A_177 = tpu.memref_slice %arg9[%arg0, %multiple_of3A, %dma_wait3A_176] : memref<2x10000x128xf32, #tpu.memory_space<hbm>> -> memref<1x80x128xf32, #tpu.memory_space<hbm>>
        %dma_wait3A_178 = tpu.memref_squeeze %dma_wait3A_177 : memref<1x80x128xf32, #tpu.memory_space<hbm>> -> memref<80x128xf32, #tpu.memory_space<hbm>>
        %dma_wait3A_179 = arith.constant 0 : i32
        %dma_wait3A_180 = arith.constant 0 : i32
        %dma_wait3A_181 = tpu.memref_slice %arg24[%dma_wait3A_179, %dma_wait3A_180] : memref<128x128xf32, #tpu.memory_space<vmem>> -> memref<80x128xf32, #tpu.memory_space<vmem>>
        tpu.wait_dma2 semaphore(%run_scoped3A : memref<!tpu.dma_semaphore, #tpu.memory_space<semaphore_mem>>) src(%dma_wait3A_181 : memref<80x128xf32, #tpu.memory_space<vmem>>) dst(%dma_wait3A_178 : memref<80x128xf32, #tpu.memory_space<hbm>>)
        tpu.yield
      }) : () -> ()
    } else {
    }
    %add3A_121 = arith.constant 48 : i32
    %add3A_122 = arith.addi %arg1, %add3A_121 : i32
    %lt3A_123 = arith.constant 125 : i32
    %lt3A_124 = arith.cmpi slt, %add3A_122, %lt3A_123 : i32
    %convert_element_type3A_125 = arith.extui %lt3A_124 : i1 to i32
    %cond3A_126 = arith.constant 0 : i32
    %cond3A_127 = arith.cmpi ne, %convert_element_type3A_125, %cond3A_126 : i32
    scf.if %cond3A_127 {
      %mul3A_156 = arith.constant 80 : i32
      %mul3A_157 = arith.muli %add3A_122, %mul3A_156 : i32
      %multiple_of3A = tpu.assume_multiple %mul3A_157, 8 : i32
      "tpu.region"() ({
        %run_scoped3A = tpu.sem_alloc : memref<!tpu.dma_semaphore, #tpu.memory_space<semaphore_mem>>
        %dma_start3A_158 = arith.constant 0 : i32
        %dma_start3A_159 = arith.constant 0 : i32
        %dma_start3A_160 = tpu.memref_slice %arg24[%dma_start3A_158, %dma_start3A_159] : memref<128x128xf32, #tpu.memory_space<vmem>> -> memref<80x128xf32, #tpu.memory_space<vmem>>
        %dma_start3A_161 = arith.constant 0 : i32
        %dma_start3A_162 = tpu.memref_slice %arg26[%multiple_of3A, %dma_start3A_161] : memref<10000x128xf32, #tpu.memory_space<vmem_shared>> -> memref<80x128xf32, #tpu.memory_space<vmem_shared>>
        %dma_start3A_163 = arith.constant 0 : i32
        %dma_start3A_164 = arith.constant 0 : i32
        %dma_start3A_165 = tpu.memref_slice %arg24[%dma_start3A_163, %dma_start3A_164] : memref<128x128xf32, #tpu.memory_space<vmem>> -> memref<80x128xf32, #tpu.memory_space<vmem>>
        %dma_start3A_166 = arith.constant 0 : i32
        %dma_start3A_167 = tpu.memref_slice %arg26[%multiple_of3A, %dma_start3A_166] : memref<10000x128xf32, #tpu.memory_space<vmem_shared>> -> memref<80x128xf32, #tpu.memory_space<vmem_shared>>
        tpu.enqueue_dma source(%dma_start3A_167 : memref<80x128xf32, #tpu.memory_space<vmem_shared>>) target(%dma_start3A_165 : memref<80x128xf32, #tpu.memory_space<vmem>>) target_semaphore(%run_scoped3A : memref<!tpu.dma_semaphore, #tpu.memory_space<semaphore_mem>>)
        %dma_wait3A_168 = arith.constant 0 : i32
        %dma_wait3A_169 = arith.constant 0 : i32
        %dma_wait3A_170 = tpu.memref_slice %arg24[%dma_wait3A_168, %dma_wait3A_169] : memref<128x128xf32, #tpu.memory_space<vmem>> -> memref<80x128xf32, #tpu.memory_space<vmem>>
        %dma_wait3A_171 = arith.constant 0 : i32
        %dma_wait3A_172 = tpu.memref_slice %arg26[%multiple_of3A, %dma_wait3A_171] : memref<10000x128xf32, #tpu.memory_space<vmem_shared>> -> memref<80x128xf32, #tpu.memory_space<vmem_shared>>
        %dma_wait3A_173 = arith.constant 0 : i32
        %dma_wait3A_174 = arith.constant 0 : i32
        %dma_wait3A_175 = tpu.memref_slice %arg24[%dma_wait3A_173, %dma_wait3A_174] : memref<128x128xf32, #tpu.memory_space<vmem>> -> memref<80x128xf32, #tpu.memory_space<vmem>>
        %dma_wait3A_176 = arith.constant 0 : i32
        %dma_wait3A_177 = tpu.memref_slice %arg26[%multiple_of3A, %dma_wait3A_176] : memref<10000x128xf32, #tpu.memory_space<vmem_shared>> -> memref<80x128xf32, #tpu.memory_space<vmem_shared>>
        tpu.wait_dma2 semaphore(%run_scoped3A : memref<!tpu.dma_semaphore, #tpu.memory_space<semaphore_mem>>) src(%dma_wait3A_177 : memref<80x128xf32, #tpu.memory_space<vmem_shared>>) dst(%dma_wait3A_175 : memref<80x128xf32, #tpu.memory_space<vmem>>)
        tpu.yield
      }) : () -> ()
      "tpu.region"() ({
        %run_scoped3A = tpu.sem_alloc : memref<!tpu.dma_semaphore, #tpu.memory_space<semaphore_mem>>
        %dma_start3A_158 = arith.constant 0 : i32
        %dma_start3A_159 = arith.constant 0 : i32
        %dma_start3A_160 = tpu.memref_slice %arg24[%dma_start3A_158, %dma_start3A_159] : memref<128x128xf32, #tpu.memory_space<vmem>> -> memref<80x128xf32, #tpu.memory_space<vmem>>
        %dma_start3A_161 = arith.constant 0 : i32
        %dma_start3A_162 = tpu.memref_slice %arg9[%arg0, %multiple_of3A, %dma_start3A_161] : memref<2x10000x128xf32, #tpu.memory_space<hbm>> -> memref<1x80x128xf32, #tpu.memory_space<hbm>>
        %dma_start3A_163 = tpu.memref_squeeze %dma_start3A_162 : memref<1x80x128xf32, #tpu.memory_space<hbm>> -> memref<80x128xf32, #tpu.memory_space<hbm>>
        %dma_start3A_164 = arith.constant 0 : i32
        %dma_start3A_165 = tpu.memref_slice %arg9[%arg0, %multiple_of3A, %dma_start3A_164] : memref<2x10000x128xf32, #tpu.memory_space<hbm>> -> memref<1x80x128xf32, #tpu.memory_space<hbm>>
        %dma_start3A_166 = tpu.memref_squeeze %dma_start3A_165 : memref<1x80x128xf32, #tpu.memory_space<hbm>> -> memref<80x128xf32, #tpu.memory_space<hbm>>
        %dma_start3A_167 = arith.constant 0 : i32
        %dma_start3A_168 = arith.constant 0 : i32
        %dma_start3A_169 = tpu.memref_slice %arg24[%dma_start3A_167, %dma_start3A_168] : memref<128x128xf32, #tpu.memory_space<vmem>> -> memref<80x128xf32, #tpu.memory_space<vmem>>
        tpu.enqueue_dma source(%dma_start3A_169 : memref<80x128xf32, #tpu.memory_space<vmem>>) target(%dma_start3A_166 : memref<80x128xf32, #tpu.memory_space<hbm>>) target_semaphore(%run_scoped3A : memref<!tpu.dma_semaphore, #tpu.memory_space<semaphore_mem>>)
        %dma_wait3A_170 = arith.constant 0 : i32
        %dma_wait3A_171 = arith.constant 0 : i32
        %dma_wait3A_172 = tpu.memref_slice %arg24[%dma_wait3A_170, %dma_wait3A_171] : memref<128x128xf32, #tpu.memory_space<vmem>> -> memref<80x128xf32, #tpu.memory_space<vmem>>
        %dma_wait3A_173 = arith.constant 0 : i32
        %dma_wait3A_174 = tpu.memref_slice %arg9[%arg0, %multiple_of3A, %dma_wait3A_173] : memref<2x10000x128xf32, #tpu.memory_space<hbm>> -> memref<1x80x128xf32, #tpu.memory_space<hbm>>
        %dma_wait3A_175 = tpu.memref_squeeze %dma_wait3A_174 : memref<1x80x128xf32, #tpu.memory_space<hbm>> -> memref<80x128xf32, #tpu.memory_space<hbm>>
        %dma_wait3A_176 = arith.constant 0 : i32
        %dma_wait3A_177 = tpu.memref_slice %arg9[%arg0, %multiple_of3A, %dma_wait3A_176] : memref<2x10000x128xf32, #tpu.memory_space<hbm>> -> memref<1x80x128xf32, #tpu.memory_space<hbm>>
        %dma_wait3A_178 = tpu.memref_squeeze %dma_wait3A_177 : memref<1x80x128xf32, #tpu.memory_space<hbm>> -> memref<80x128xf32, #tpu.memory_space<hbm>>
        %dma_wait3A_179 = arith.constant 0 : i32
        %dma_wait3A_180 = arith.constant 0 : i32
        %dma_wait3A_181 = tpu.memref_slice %arg24[%dma_wait3A_179, %dma_wait3A_180] : memref<128x128xf32, #tpu.memory_space<vmem>> -> memref<80x128xf32, #tpu.memory_space<vmem>>
        tpu.wait_dma2 semaphore(%run_scoped3A : memref<!tpu.dma_semaphore, #tpu.memory_space<semaphore_mem>>) src(%dma_wait3A_181 : memref<80x128xf32, #tpu.memory_space<vmem>>) dst(%dma_wait3A_178 : memref<80x128xf32, #tpu.memory_space<hbm>>)
        tpu.yield
      }) : () -> ()
    } else {
    }
    %add3A_128 = arith.constant 64 : i32
    %add3A_129 = arith.addi %arg1, %add3A_128 : i32
    %lt3A_130 = arith.constant 125 : i32
    %lt3A_131 = arith.cmpi slt, %add3A_129, %lt3A_130 : i32
    %convert_element_type3A_132 = arith.extui %lt3A_131 : i1 to i32
    %cond3A_133 = arith.constant 0 : i32
    %cond3A_134 = arith.cmpi ne, %convert_element_type3A_132, %cond3A_133 : i32
    scf.if %cond3A_134 {
      %mul3A_156 = arith.constant 80 : i32
      %mul3A_157 = arith.muli %add3A_129, %mul3A_156 : i32
      %multiple_of3A = tpu.assume_multiple %mul3A_157, 8 : i32
      "tpu.region"() ({
        %run_scoped3A = tpu.sem_alloc : memref<!tpu.dma_semaphore, #tpu.memory_space<semaphore_mem>>
        %dma_start3A_158 = arith.constant 0 : i32
        %dma_start3A_159 = arith.constant 0 : i32
        %dma_start3A_160 = tpu.memref_slice %arg24[%dma_start3A_158, %dma_start3A_159] : memref<128x128xf32, #tpu.memory_space<vmem>> -> memref<80x128xf32, #tpu.memory_space<vmem>>
        %dma_start3A_161 = arith.constant 0 : i32
        %dma_start3A_162 = tpu.memref_slice %arg26[%multiple_of3A, %dma_start3A_161] : memref<10000x128xf32, #tpu.memory_space<vmem_shared>> -> memref<80x128xf32, #tpu.memory_space<vmem_shared>>
        %dma_start3A_163 = arith.constant 0 : i32
        %dma_start3A_164 = arith.constant 0 : i32
        %dma_start3A_165 = tpu.memref_slice %arg24[%dma_start3A_163, %dma_start3A_164] : memref<128x128xf32, #tpu.memory_space<vmem>> -> memref<80x128xf32, #tpu.memory_space<vmem>>
        %dma_start3A_166 = arith.constant 0 : i32
        %dma_start3A_167 = tpu.memref_slice %arg26[%multiple_of3A, %dma_start3A_166] : memref<10000x128xf32, #tpu.memory_space<vmem_shared>> -> memref<80x128xf32, #tpu.memory_space<vmem_shared>>
        tpu.enqueue_dma source(%dma_start3A_167 : memref<80x128xf32, #tpu.memory_space<vmem_shared>>) target(%dma_start3A_165 : memref<80x128xf32, #tpu.memory_space<vmem>>) target_semaphore(%run_scoped3A : memref<!tpu.dma_semaphore, #tpu.memory_space<semaphore_mem>>)
        %dma_wait3A_168 = arith.constant 0 : i32
        %dma_wait3A_169 = arith.constant 0 : i32
        %dma_wait3A_170 = tpu.memref_slice %arg24[%dma_wait3A_168, %dma_wait3A_169] : memref<128x128xf32, #tpu.memory_space<vmem>> -> memref<80x128xf32, #tpu.memory_space<vmem>>
        %dma_wait3A_171 = arith.constant 0 : i32
        %dma_wait3A_172 = tpu.memref_slice %arg26[%multiple_of3A, %dma_wait3A_171] : memref<10000x128xf32, #tpu.memory_space<vmem_shared>> -> memref<80x128xf32, #tpu.memory_space<vmem_shared>>
        %dma_wait3A_173 = arith.constant 0 : i32
        %dma_wait3A_174 = arith.constant 0 : i32
        %dma_wait3A_175 = tpu.memref_slice %arg24[%dma_wait3A_173, %dma_wait3A_174] : memref<128x128xf32, #tpu.memory_space<vmem>> -> memref<80x128xf32, #tpu.memory_space<vmem>>
        %dma_wait3A_176 = arith.constant 0 : i32
        %dma_wait3A_177 = tpu.memref_slice %arg26[%multiple_of3A, %dma_wait3A_176] : memref<10000x128xf32, #tpu.memory_space<vmem_shared>> -> memref<80x128xf32, #tpu.memory_space<vmem_shared>>
        tpu.wait_dma2 semaphore(%run_scoped3A : memref<!tpu.dma_semaphore, #tpu.memory_space<semaphore_mem>>) src(%dma_wait3A_177 : memref<80x128xf32, #tpu.memory_space<vmem_shared>>) dst(%dma_wait3A_175 : memref<80x128xf32, #tpu.memory_space<vmem>>)
        tpu.yield
      }) : () -> ()
      "tpu.region"() ({
        %run_scoped3A = tpu.sem_alloc : memref<!tpu.dma_semaphore, #tpu.memory_space<semaphore_mem>>
        %dma_start3A_158 = arith.constant 0 : i32
        %dma_start3A_159 = arith.constant 0 : i32
        %dma_start3A_160 = tpu.memref_slice %arg24[%dma_start3A_158, %dma_start3A_159] : memref<128x128xf32, #tpu.memory_space<vmem>> -> memref<80x128xf32, #tpu.memory_space<vmem>>
        %dma_start3A_161 = arith.constant 0 : i32
        %dma_start3A_162 = tpu.memref_slice %arg9[%arg0, %multiple_of3A, %dma_start3A_161] : memref<2x10000x128xf32, #tpu.memory_space<hbm>> -> memref<1x80x128xf32, #tpu.memory_space<hbm>>
        %dma_start3A_163 = tpu.memref_squeeze %dma_start3A_162 : memref<1x80x128xf32, #tpu.memory_space<hbm>> -> memref<80x128xf32, #tpu.memory_space<hbm>>
        %dma_start3A_164 = arith.constant 0 : i32
        %dma_start3A_165 = tpu.memref_slice %arg9[%arg0, %multiple_of3A, %dma_start3A_164] : memref<2x10000x128xf32, #tpu.memory_space<hbm>> -> memref<1x80x128xf32, #tpu.memory_space<hbm>>
        %dma_start3A_166 = tpu.memref_squeeze %dma_start3A_165 : memref<1x80x128xf32, #tpu.memory_space<hbm>> -> memref<80x128xf32, #tpu.memory_space<hbm>>
        %dma_start3A_167 = arith.constant 0 : i32
        %dma_start3A_168 = arith.constant 0 : i32
        %dma_start3A_169 = tpu.memref_slice %arg24[%dma_start3A_167, %dma_start3A_168] : memref<128x128xf32, #tpu.memory_space<vmem>> -> memref<80x128xf32, #tpu.memory_space<vmem>>
        tpu.enqueue_dma source(%dma_start3A_169 : memref<80x128xf32, #tpu.memory_space<vmem>>) target(%dma_start3A_166 : memref<80x128xf32, #tpu.memory_space<hbm>>) target_semaphore(%run_scoped3A : memref<!tpu.dma_semaphore, #tpu.memory_space<semaphore_mem>>)
        %dma_wait3A_170 = arith.constant 0 : i32
        %dma_wait3A_171 = arith.constant 0 : i32
        %dma_wait3A_172 = tpu.memref_slice %arg24[%dma_wait3A_170, %dma_wait3A_171] : memref<128x128xf32, #tpu.memory_space<vmem>> -> memref<80x128xf32, #tpu.memory_space<vmem>>
        %dma_wait3A_173 = arith.constant 0 : i32
        %dma_wait3A_174 = tpu.memref_slice %arg9[%arg0, %multiple_of3A, %dma_wait3A_173] : memref<2x10000x128xf32, #tpu.memory_space<hbm>> -> memref<1x80x128xf32, #tpu.memory_space<hbm>>
        %dma_wait3A_175 = tpu.memref_squeeze %dma_wait3A_174 : memref<1x80x128xf32, #tpu.memory_space<hbm>> -> memref<80x128xf32, #tpu.memory_space<hbm>>
        %dma_wait3A_176 = arith.constant 0 : i32
        %dma_wait3A_177 = tpu.memref_slice %arg9[%arg0, %multiple_of3A, %dma_wait3A_176] : memref<2x10000x128xf32, #tpu.memory_space<hbm>> -> memref<1x80x128xf32, #tpu.memory_space<hbm>>
        %dma_wait3A_178 = tpu.memref_squeeze %dma_wait3A_177 : memref<1x80x128xf32, #tpu.memory_space<hbm>> -> memref<80x128xf32, #tpu.memory_space<hbm>>
        %dma_wait3A_179 = arith.constant 0 : i32
        %dma_wait3A_180 = arith.constant 0 : i32
        %dma_wait3A_181 = tpu.memref_slice %arg24[%dma_wait3A_179, %dma_wait3A_180] : memref<128x128xf32, #tpu.memory_space<vmem>> -> memref<80x128xf32, #tpu.memory_space<vmem>>
        tpu.wait_dma2 semaphore(%run_scoped3A : memref<!tpu.dma_semaphore, #tpu.memory_space<semaphore_mem>>) src(%dma_wait3A_181 : memref<80x128xf32, #tpu.memory_space<vmem>>) dst(%dma_wait3A_178 : memref<80x128xf32, #tpu.memory_space<hbm>>)
        tpu.yield
      }) : () -> ()
    } else {
    }
    %add3A_135 = arith.constant 80 : i32
    %add3A_136 = arith.addi %arg1, %add3A_135 : i32
    %lt3A_137 = arith.constant 125 : i32
    %lt3A_138 = arith.cmpi slt, %add3A_136, %lt3A_137 : i32
    %convert_element_type3A_139 = arith.extui %lt3A_138 : i1 to i32
    %cond3A_140 = arith.constant 0 : i32
    %cond3A_141 = arith.cmpi ne, %convert_element_type3A_139, %cond3A_140 : i32
    scf.if %cond3A_141 {
      %mul3A_156 = arith.constant 80 : i32
      %mul3A_157 = arith.muli %add3A_136, %mul3A_156 : i32
      %multiple_of3A = tpu.assume_multiple %mul3A_157, 8 : i32
      "tpu.region"() ({
        %run_scoped3A = tpu.sem_alloc : memref<!tpu.dma_semaphore, #tpu.memory_space<semaphore_mem>>
        %dma_start3A_158 = arith.constant 0 : i32
        %dma_start3A_159 = arith.constant 0 : i32
        %dma_start3A_160 = tpu.memref_slice %arg24[%dma_start3A_158, %dma_start3A_159] : memref<128x128xf32, #tpu.memory_space<vmem>> -> memref<80x128xf32, #tpu.memory_space<vmem>>
        %dma_start3A_161 = arith.constant 0 : i32
        %dma_start3A_162 = tpu.memref_slice %arg26[%multiple_of3A, %dma_start3A_161] : memref<10000x128xf32, #tpu.memory_space<vmem_shared>> -> memref<80x128xf32, #tpu.memory_space<vmem_shared>>
        %dma_start3A_163 = arith.constant 0 : i32
        %dma_start3A_164 = arith.constant 0 : i32
        %dma_start3A_165 = tpu.memref_slice %arg24[%dma_start3A_163, %dma_start3A_164] : memref<128x128xf32, #tpu.memory_space<vmem>> -> memref<80x128xf32, #tpu.memory_space<vmem>>
        %dma_start3A_166 = arith.constant 0 : i32
        %dma_start3A_167 = tpu.memref_slice %arg26[%multiple_of3A, %dma_start3A_166] : memref<10000x128xf32, #tpu.memory_space<vmem_shared>> -> memref<80x128xf32, #tpu.memory_space<vmem_shared>>
        tpu.enqueue_dma source(%dma_start3A_167 : memref<80x128xf32, #tpu.memory_space<vmem_shared>>) target(%dma_start3A_165 : memref<80x128xf32, #tpu.memory_space<vmem>>) target_semaphore(%run_scoped3A : memref<!tpu.dma_semaphore, #tpu.memory_space<semaphore_mem>>)
        %dma_wait3A_168 = arith.constant 0 : i32
        %dma_wait3A_169 = arith.constant 0 : i32
        %dma_wait3A_170 = tpu.memref_slice %arg24[%dma_wait3A_168, %dma_wait3A_169] : memref<128x128xf32, #tpu.memory_space<vmem>> -> memref<80x128xf32, #tpu.memory_space<vmem>>
        %dma_wait3A_171 = arith.constant 0 : i32
        %dma_wait3A_172 = tpu.memref_slice %arg26[%multiple_of3A, %dma_wait3A_171] : memref<10000x128xf32, #tpu.memory_space<vmem_shared>> -> memref<80x128xf32, #tpu.memory_space<vmem_shared>>
        %dma_wait3A_173 = arith.constant 0 : i32
        %dma_wait3A_174 = arith.constant 0 : i32
        %dma_wait3A_175 = tpu.memref_slice %arg24[%dma_wait3A_173, %dma_wait3A_174] : memref<128x128xf32, #tpu.memory_space<vmem>> -> memref<80x128xf32, #tpu.memory_space<vmem>>
        %dma_wait3A_176 = arith.constant 0 : i32
        %dma_wait3A_177 = tpu.memref_slice %arg26[%multiple_of3A, %dma_wait3A_176] : memref<10000x128xf32, #tpu.memory_space<vmem_shared>> -> memref<80x128xf32, #tpu.memory_space<vmem_shared>>
        tpu.wait_dma2 semaphore(%run_scoped3A : memref<!tpu.dma_semaphore, #tpu.memory_space<semaphore_mem>>) src(%dma_wait3A_177 : memref<80x128xf32, #tpu.memory_space<vmem_shared>>) dst(%dma_wait3A_175 : memref<80x128xf32, #tpu.memory_space<vmem>>)
        tpu.yield
      }) : () -> ()
      "tpu.region"() ({
        %run_scoped3A = tpu.sem_alloc : memref<!tpu.dma_semaphore, #tpu.memory_space<semaphore_mem>>
        %dma_start3A_158 = arith.constant 0 : i32
        %dma_start3A_159 = arith.constant 0 : i32
        %dma_start3A_160 = tpu.memref_slice %arg24[%dma_start3A_158, %dma_start3A_159] : memref<128x128xf32, #tpu.memory_space<vmem>> -> memref<80x128xf32, #tpu.memory_space<vmem>>
        %dma_start3A_161 = arith.constant 0 : i32
        %dma_start3A_162 = tpu.memref_slice %arg9[%arg0, %multiple_of3A, %dma_start3A_161] : memref<2x10000x128xf32, #tpu.memory_space<hbm>> -> memref<1x80x128xf32, #tpu.memory_space<hbm>>
        %dma_start3A_163 = tpu.memref_squeeze %dma_start3A_162 : memref<1x80x128xf32, #tpu.memory_space<hbm>> -> memref<80x128xf32, #tpu.memory_space<hbm>>
        %dma_start3A_164 = arith.constant 0 : i32
        %dma_start3A_165 = tpu.memref_slice %arg9[%arg0, %multiple_of3A, %dma_start3A_164] : memref<2x10000x128xf32, #tpu.memory_space<hbm>> -> memref<1x80x128xf32, #tpu.memory_space<hbm>>
        %dma_start3A_166 = tpu.memref_squeeze %dma_start3A_165 : memref<1x80x128xf32, #tpu.memory_space<hbm>> -> memref<80x128xf32, #tpu.memory_space<hbm>>
        %dma_start3A_167 = arith.constant 0 : i32
        %dma_start3A_168 = arith.constant 0 : i32
        %dma_start3A_169 = tpu.memref_slice %arg24[%dma_start3A_167, %dma_start3A_168] : memref<128x128xf32, #tpu.memory_space<vmem>> -> memref<80x128xf32, #tpu.memory_space<vmem>>
        tpu.enqueue_dma source(%dma_start3A_169 : memref<80x128xf32, #tpu.memory_space<vmem>>) target(%dma_start3A_166 : memref<80x128xf32, #tpu.memory_space<hbm>>) target_semaphore(%run_scoped3A : memref<!tpu.dma_semaphore, #tpu.memory_space<semaphore_mem>>)
        %dma_wait3A_170 = arith.constant 0 : i32
        %dma_wait3A_171 = arith.constant 0 : i32
        %dma_wait3A_172 = tpu.memref_slice %arg24[%dma_wait3A_170, %dma_wait3A_171] : memref<128x128xf32, #tpu.memory_space<vmem>> -> memref<80x128xf32, #tpu.memory_space<vmem>>
        %dma_wait3A_173 = arith.constant 0 : i32
        %dma_wait3A_174 = tpu.memref_slice %arg9[%arg0, %multiple_of3A, %dma_wait3A_173] : memref<2x10000x128xf32, #tpu.memory_space<hbm>> -> memref<1x80x128xf32, #tpu.memory_space<hbm>>
        %dma_wait3A_175 = tpu.memref_squeeze %dma_wait3A_174 : memref<1x80x128xf32, #tpu.memory_space<hbm>> -> memref<80x128xf32, #tpu.memory_space<hbm>>
        %dma_wait3A_176 = arith.constant 0 : i32
        %dma_wait3A_177 = tpu.memref_slice %arg9[%arg0, %multiple_of3A, %dma_wait3A_176] : memref<2x10000x128xf32, #tpu.memory_space<hbm>> -> memref<1x80x128xf32, #tpu.memory_space<hbm>>
        %dma_wait3A_178 = tpu.memref_squeeze %dma_wait3A_177 : memref<1x80x128xf32, #tpu.memory_space<hbm>> -> memref<80x128xf32, #tpu.memory_space<hbm>>
        %dma_wait3A_179 = arith.constant 0 : i32
        %dma_wait3A_180 = arith.constant 0 : i32
        %dma_wait3A_181 = tpu.memref_slice %arg24[%dma_wait3A_179, %dma_wait3A_180] : memref<128x128xf32, #tpu.memory_space<vmem>> -> memref<80x128xf32, #tpu.memory_space<vmem>>
        tpu.wait_dma2 semaphore(%run_scoped3A : memref<!tpu.dma_semaphore, #tpu.memory_space<semaphore_mem>>) src(%dma_wait3A_181 : memref<80x128xf32, #tpu.memory_space<vmem>>) dst(%dma_wait3A_178 : memref<80x128xf32, #tpu.memory_space<hbm>>)
        tpu.yield
      }) : () -> ()
    } else {
    }
    %add3A_142 = arith.constant 96 : i32
    %add3A_143 = arith.addi %arg1, %add3A_142 : i32
    %lt3A_144 = arith.constant 125 : i32
    %lt3A_145 = arith.cmpi slt, %add3A_143, %lt3A_144 : i32
    %convert_element_type3A_146 = arith.extui %lt3A_145 : i1 to i32
    %cond3A_147 = arith.constant 0 : i32
    %cond3A_148 = arith.cmpi ne, %convert_element_type3A_146, %cond3A_147 : i32
    scf.if %cond3A_148 {
      %mul3A_156 = arith.constant 80 : i32
      %mul3A_157 = arith.muli %add3A_143, %mul3A_156 : i32
      %multiple_of3A = tpu.assume_multiple %mul3A_157, 8 : i32
      "tpu.region"() ({
        %run_scoped3A = tpu.sem_alloc : memref<!tpu.dma_semaphore, #tpu.memory_space<semaphore_mem>>
        %dma_start3A_158 = arith.constant 0 : i32
        %dma_start3A_159 = arith.constant 0 : i32
        %dma_start3A_160 = tpu.memref_slice %arg24[%dma_start3A_158, %dma_start3A_159] : memref<128x128xf32, #tpu.memory_space<vmem>> -> memref<80x128xf32, #tpu.memory_space<vmem>>
        %dma_start3A_161 = arith.constant 0 : i32
        %dma_start3A_162 = tpu.memref_slice %arg26[%multiple_of3A, %dma_start3A_161] : memref<10000x128xf32, #tpu.memory_space<vmem_shared>> -> memref<80x128xf32, #tpu.memory_space<vmem_shared>>
        %dma_start3A_163 = arith.constant 0 : i32
        %dma_start3A_164 = arith.constant 0 : i32
        %dma_start3A_165 = tpu.memref_slice %arg24[%dma_start3A_163, %dma_start3A_164] : memref<128x128xf32, #tpu.memory_space<vmem>> -> memref<80x128xf32, #tpu.memory_space<vmem>>
        %dma_start3A_166 = arith.constant 0 : i32
        %dma_start3A_167 = tpu.memref_slice %arg26[%multiple_of3A, %dma_start3A_166] : memref<10000x128xf32, #tpu.memory_space<vmem_shared>> -> memref<80x128xf32, #tpu.memory_space<vmem_shared>>
        tpu.enqueue_dma source(%dma_start3A_167 : memref<80x128xf32, #tpu.memory_space<vmem_shared>>) target(%dma_start3A_165 : memref<80x128xf32, #tpu.memory_space<vmem>>) target_semaphore(%run_scoped3A : memref<!tpu.dma_semaphore, #tpu.memory_space<semaphore_mem>>)
        %dma_wait3A_168 = arith.constant 0 : i32
        %dma_wait3A_169 = arith.constant 0 : i32
        %dma_wait3A_170 = tpu.memref_slice %arg24[%dma_wait3A_168, %dma_wait3A_169] : memref<128x128xf32, #tpu.memory_space<vmem>> -> memref<80x128xf32, #tpu.memory_space<vmem>>
        %dma_wait3A_171 = arith.constant 0 : i32
        %dma_wait3A_172 = tpu.memref_slice %arg26[%multiple_of3A, %dma_wait3A_171] : memref<10000x128xf32, #tpu.memory_space<vmem_shared>> -> memref<80x128xf32, #tpu.memory_space<vmem_shared>>
        %dma_wait3A_173 = arith.constant 0 : i32
        %dma_wait3A_174 = arith.constant 0 : i32
        %dma_wait3A_175 = tpu.memref_slice %arg24[%dma_wait3A_173, %dma_wait3A_174] : memref<128x128xf32, #tpu.memory_space<vmem>> -> memref<80x128xf32, #tpu.memory_space<vmem>>
        %dma_wait3A_176 = arith.constant 0 : i32
        %dma_wait3A_177 = tpu.memref_slice %arg26[%multiple_of3A, %dma_wait3A_176] : memref<10000x128xf32, #tpu.memory_space<vmem_shared>> -> memref<80x128xf32, #tpu.memory_space<vmem_shared>>
        tpu.wait_dma2 semaphore(%run_scoped3A : memref<!tpu.dma_semaphore, #tpu.memory_space<semaphore_mem>>) src(%dma_wait3A_177 : memref<80x128xf32, #tpu.memory_space<vmem_shared>>) dst(%dma_wait3A_175 : memref<80x128xf32, #tpu.memory_space<vmem>>)
        tpu.yield
      }) : () -> ()
      "tpu.region"() ({
        %run_scoped3A = tpu.sem_alloc : memref<!tpu.dma_semaphore, #tpu.memory_space<semaphore_mem>>
        %dma_start3A_158 = arith.constant 0 : i32
        %dma_start3A_159 = arith.constant 0 : i32
        %dma_start3A_160 = tpu.memref_slice %arg24[%dma_start3A_158, %dma_start3A_159] : memref<128x128xf32, #tpu.memory_space<vmem>> -> memref<80x128xf32, #tpu.memory_space<vmem>>
        %dma_start3A_161 = arith.constant 0 : i32
        %dma_start3A_162 = tpu.memref_slice %arg9[%arg0, %multiple_of3A, %dma_start3A_161] : memref<2x10000x128xf32, #tpu.memory_space<hbm>> -> memref<1x80x128xf32, #tpu.memory_space<hbm>>
        %dma_start3A_163 = tpu.memref_squeeze %dma_start3A_162 : memref<1x80x128xf32, #tpu.memory_space<hbm>> -> memref<80x128xf32, #tpu.memory_space<hbm>>
        %dma_start3A_164 = arith.constant 0 : i32
        %dma_start3A_165 = tpu.memref_slice %arg9[%arg0, %multiple_of3A, %dma_start3A_164] : memref<2x10000x128xf32, #tpu.memory_space<hbm>> -> memref<1x80x128xf32, #tpu.memory_space<hbm>>
        %dma_start3A_166 = tpu.memref_squeeze %dma_start3A_165 : memref<1x80x128xf32, #tpu.memory_space<hbm>> -> memref<80x128xf32, #tpu.memory_space<hbm>>
        %dma_start3A_167 = arith.constant 0 : i32
        %dma_start3A_168 = arith.constant 0 : i32
        %dma_start3A_169 = tpu.memref_slice %arg24[%dma_start3A_167, %dma_start3A_168] : memref<128x128xf32, #tpu.memory_space<vmem>> -> memref<80x128xf32, #tpu.memory_space<vmem>>
        tpu.enqueue_dma source(%dma_start3A_169 : memref<80x128xf32, #tpu.memory_space<vmem>>) target(%dma_start3A_166 : memref<80x128xf32, #tpu.memory_space<hbm>>) target_semaphore(%run_scoped3A : memref<!tpu.dma_semaphore, #tpu.memory_space<semaphore_mem>>)
        %dma_wait3A_170 = arith.constant 0 : i32
        %dma_wait3A_171 = arith.constant 0 : i32
        %dma_wait3A_172 = tpu.memref_slice %arg24[%dma_wait3A_170, %dma_wait3A_171] : memref<128x128xf32, #tpu.memory_space<vmem>> -> memref<80x128xf32, #tpu.memory_space<vmem>>
        %dma_wait3A_173 = arith.constant 0 : i32
        %dma_wait3A_174 = tpu.memref_slice %arg9[%arg0, %multiple_of3A, %dma_wait3A_173] : memref<2x10000x128xf32, #tpu.memory_space<hbm>> -> memref<1x80x128xf32, #tpu.memory_space<hbm>>
        %dma_wait3A_175 = tpu.memref_squeeze %dma_wait3A_174 : memref<1x80x128xf32, #tpu.memory_space<hbm>> -> memref<80x128xf32, #tpu.memory_space<hbm>>
        %dma_wait3A_176 = arith.constant 0 : i32
        %dma_wait3A_177 = tpu.memref_slice %arg9[%arg0, %multiple_of3A, %dma_wait3A_176] : memref<2x10000x128xf32, #tpu.memory_space<hbm>> -> memref<1x80x128xf32, #tpu.memory_space<hbm>>
        %dma_wait3A_178 = tpu.memref_squeeze %dma_wait3A_177 : memref<1x80x128xf32, #tpu.memory_space<hbm>> -> memref<80x128xf32, #tpu.memory_space<hbm>>
        %dma_wait3A_179 = arith.constant 0 : i32
        %dma_wait3A_180 = arith.constant 0 : i32
        %dma_wait3A_181 = tpu.memref_slice %arg24[%dma_wait3A_179, %dma_wait3A_180] : memref<128x128xf32, #tpu.memory_space<vmem>> -> memref<80x128xf32, #tpu.memory_space<vmem>>
        tpu.wait_dma2 semaphore(%run_scoped3A : memref<!tpu.dma_semaphore, #tpu.memory_space<semaphore_mem>>) src(%dma_wait3A_181 : memref<80x128xf32, #tpu.memory_space<vmem>>) dst(%dma_wait3A_178 : memref<80x128xf32, #tpu.memory_space<hbm>>)
        tpu.yield
      }) : () -> ()
    } else {
    }
    %add3A_149 = arith.constant 112 : i32
    %add3A_150 = arith.addi %arg1, %add3A_149 : i32
    %lt3A_151 = arith.constant 125 : i32
    %lt3A_152 = arith.cmpi slt, %add3A_150, %lt3A_151 : i32
    %convert_element_type3A_153 = arith.extui %lt3A_152 : i1 to i32
    %cond3A_154 = arith.constant 0 : i32
    %cond3A_155 = arith.cmpi ne, %convert_element_type3A_153, %cond3A_154 : i32
    scf.if %cond3A_155 {
      %mul3A_156 = arith.constant 80 : i32
      %mul3A_157 = arith.muli %add3A_150, %mul3A_156 : i32
      %multiple_of3A = tpu.assume_multiple %mul3A_157, 8 : i32
      "tpu.region"() ({
        %run_scoped3A = tpu.sem_alloc : memref<!tpu.dma_semaphore, #tpu.memory_space<semaphore_mem>>
        %dma_start3A_158 = arith.constant 0 : i32
        %dma_start3A_159 = arith.constant 0 : i32
        %dma_start3A_160 = tpu.memref_slice %arg24[%dma_start3A_158, %dma_start3A_159] : memref<128x128xf32, #tpu.memory_space<vmem>> -> memref<80x128xf32, #tpu.memory_space<vmem>>
        %dma_start3A_161 = arith.constant 0 : i32
        %dma_start3A_162 = tpu.memref_slice %arg26[%multiple_of3A, %dma_start3A_161] : memref<10000x128xf32, #tpu.memory_space<vmem_shared>> -> memref<80x128xf32, #tpu.memory_space<vmem_shared>>
        %dma_start3A_163 = arith.constant 0 : i32
        %dma_start3A_164 = arith.constant 0 : i32
        %dma_start3A_165 = tpu.memref_slice %arg24[%dma_start3A_163, %dma_start3A_164] : memref<128x128xf32, #tpu.memory_space<vmem>> -> memref<80x128xf32, #tpu.memory_space<vmem>>
        %dma_start3A_166 = arith.constant 0 : i32
        %dma_start3A_167 = tpu.memref_slice %arg26[%multiple_of3A, %dma_start3A_166] : memref<10000x128xf32, #tpu.memory_space<vmem_shared>> -> memref<80x128xf32, #tpu.memory_space<vmem_shared>>
        tpu.enqueue_dma source(%dma_start3A_167 : memref<80x128xf32, #tpu.memory_space<vmem_shared>>) target(%dma_start3A_165 : memref<80x128xf32, #tpu.memory_space<vmem>>) target_semaphore(%run_scoped3A : memref<!tpu.dma_semaphore, #tpu.memory_space<semaphore_mem>>)
        %dma_wait3A_168 = arith.constant 0 : i32
        %dma_wait3A_169 = arith.constant 0 : i32
        %dma_wait3A_170 = tpu.memref_slice %arg24[%dma_wait3A_168, %dma_wait3A_169] : memref<128x128xf32, #tpu.memory_space<vmem>> -> memref<80x128xf32, #tpu.memory_space<vmem>>
        %dma_wait3A_171 = arith.constant 0 : i32
        %dma_wait3A_172 = tpu.memref_slice %arg26[%multiple_of3A, %dma_wait3A_171] : memref<10000x128xf32, #tpu.memory_space<vmem_shared>> -> memref<80x128xf32, #tpu.memory_space<vmem_shared>>
        %dma_wait3A_173 = arith.constant 0 : i32
        %dma_wait3A_174 = arith.constant 0 : i32
        %dma_wait3A_175 = tpu.memref_slice %arg24[%dma_wait3A_173, %dma_wait3A_174] : memref<128x128xf32, #tpu.memory_space<vmem>> -> memref<80x128xf32, #tpu.memory_space<vmem>>
        %dma_wait3A_176 = arith.constant 0 : i32
        %dma_wait3A_177 = tpu.memref_slice %arg26[%multiple_of3A, %dma_wait3A_176] : memref<10000x128xf32, #tpu.memory_space<vmem_shared>> -> memref<80x128xf32, #tpu.memory_space<vmem_shared>>
        tpu.wait_dma2 semaphore(%run_scoped3A : memref<!tpu.dma_semaphore, #tpu.memory_space<semaphore_mem>>) src(%dma_wait3A_177 : memref<80x128xf32, #tpu.memory_space<vmem_shared>>) dst(%dma_wait3A_175 : memref<80x128xf32, #tpu.memory_space<vmem>>)
        tpu.yield
      }) : () -> ()
      "tpu.region"() ({
        %run_scoped3A = tpu.sem_alloc : memref<!tpu.dma_semaphore, #tpu.memory_space<semaphore_mem>>
        %dma_start3A_158 = arith.constant 0 : i32
        %dma_start3A_159 = arith.constant 0 : i32
        %dma_start3A_160 = tpu.memref_slice %arg24[%dma_start3A_158, %dma_start3A_159] : memref<128x128xf32, #tpu.memory_space<vmem>> -> memref<80x128xf32, #tpu.memory_space<vmem>>
        %dma_start3A_161 = arith.constant 0 : i32
        %dma_start3A_162 = tpu.memref_slice %arg9[%arg0, %multiple_of3A, %dma_start3A_161] : memref<2x10000x128xf32, #tpu.memory_space<hbm>> -> memref<1x80x128xf32, #tpu.memory_space<hbm>>
        %dma_start3A_163 = tpu.memref_squeeze %dma_start3A_162 : memref<1x80x128xf32, #tpu.memory_space<hbm>> -> memref<80x128xf32, #tpu.memory_space<hbm>>
        %dma_start3A_164 = arith.constant 0 : i32
        %dma_start3A_165 = tpu.memref_slice %arg9[%arg0, %multiple_of3A, %dma_start3A_164] : memref<2x10000x128xf32, #tpu.memory_space<hbm>> -> memref<1x80x128xf32, #tpu.memory_space<hbm>>
        %dma_start3A_166 = tpu.memref_squeeze %dma_start3A_165 : memref<1x80x128xf32, #tpu.memory_space<hbm>> -> memref<80x128xf32, #tpu.memory_space<hbm>>
        %dma_start3A_167 = arith.constant 0 : i32
        %dma_start3A_168 = arith.constant 0 : i32
        %dma_start3A_169 = tpu.memref_slice %arg24[%dma_start3A_167, %dma_start3A_168] : memref<128x128xf32, #tpu.memory_space<vmem>> -> memref<80x128xf32, #tpu.memory_space<vmem>>
        tpu.enqueue_dma source(%dma_start3A_169 : memref<80x128xf32, #tpu.memory_space<vmem>>) target(%dma_start3A_166 : memref<80x128xf32, #tpu.memory_space<hbm>>) target_semaphore(%run_scoped3A : memref<!tpu.dma_semaphore, #tpu.memory_space<semaphore_mem>>)
        %dma_wait3A_170 = arith.constant 0 : i32
        %dma_wait3A_171 = arith.constant 0 : i32
        %dma_wait3A_172 = tpu.memref_slice %arg24[%dma_wait3A_170, %dma_wait3A_171] : memref<128x128xf32, #tpu.memory_space<vmem>> -> memref<80x128xf32, #tpu.memory_space<vmem>>
        %dma_wait3A_173 = arith.constant 0 : i32
        %dma_wait3A_174 = tpu.memref_slice %arg9[%arg0, %multiple_of3A, %dma_wait3A_173] : memref<2x10000x128xf32, #tpu.memory_space<hbm>> -> memref<1x80x128xf32, #tpu.memory_space<hbm>>
        %dma_wait3A_175 = tpu.memref_squeeze %dma_wait3A_174 : memref<1x80x128xf32, #tpu.memory_space<hbm>> -> memref<80x128xf32, #tpu.memory_space<hbm>>
        %dma_wait3A_176 = arith.constant 0 : i32
        %dma_wait3A_177 = tpu.memref_slice %arg9[%arg0, %multiple_of3A, %dma_wait3A_176] : memref<2x10000x128xf32, #tpu.memory_space<hbm>> -> memref<1x80x128xf32, #tpu.memory_space<hbm>>
        %dma_wait3A_178 = tpu.memref_squeeze %dma_wait3A_177 : memref<1x80x128xf32, #tpu.memory_space<hbm>> -> memref<80x128xf32, #tpu.memory_space<hbm>>
        %dma_wait3A_179 = arith.constant 0 : i32
        %dma_wait3A_180 = arith.constant 0 : i32
        %dma_wait3A_181 = tpu.memref_slice %arg24[%dma_wait3A_179, %dma_wait3A_180] : memref<128x128xf32, #tpu.memory_space<vmem>> -> memref<80x128xf32, #tpu.memory_space<vmem>>
        tpu.wait_dma2 semaphore(%run_scoped3A : memref<!tpu.dma_semaphore, #tpu.memory_space<semaphore_mem>>) src(%dma_wait3A_181 : memref<80x128xf32, #tpu.memory_space<vmem>>) dst(%dma_wait3A_178 : memref<80x128xf32, #tpu.memory_space<hbm>>)
        tpu.yield
      }) : () -> ()
    } else {
    }
    return
  }
}

module attributes {stable_mosaic.version = 14 : i64} {
  func.func @_alpha_body(%arg0: i32, %arg1: memref<10000x128xf32, #tpu.memory_space<vmem>>, %arg2: memref<1x128x128xf32, #tpu.memory_space<vmem>>, %arg3: memref<1x1x128xf32, #tpu.memory_space<vmem>>, %arg4: memref<1x1x128xf32, #tpu.memory_space<vmem>>, %arg5: memref<1x1x10000xf32, #tpu.memory_space<vmem>>, %arg6: memref<1x1x10000xf32, #tpu.memory_space<vmem>>, %arg7: memref<1x1x10000xf32, #tpu.memory_space<vmem>>) attributes {dimension_semantics = [#tpu.dimension_semantics<arbitrary>], iteration_bounds = array<i64: 8>, scalar_prefetch = 0 : i64, scratch_operands = 0 : i64, tpu.core_type = #tpu.core_type<tc>, window_params = [{pipeline_mode = #tpu.pipeline_mode<synchronous>, transform_indices = @transform_0, window_bounds = array<i64: 10000, 128>}, {transform_indices = @transform_1, window_bounds = array<i64: 1, 128, 128>}, {transform_indices = @transform_2, window_bounds = array<i64: 1, 1, 128>}, {transform_indices = @transform_3, window_bounds = array<i64: 1, 1, 128>}, {transform_indices = @transform_4, window_bounds = array<i64: 1, 1, 10000>}, {transform_indices = @transform_5, window_bounds = array<i64: 1, 1, 10000>}, {transform_indices = @transform_6, window_bounds = array<i64: 1, 1, 10000>}]} {
    %get3A = arith.constant 0 : index
    %get3A_0 = arith.constant 0 : index
    %get3A_1 = arith.constant 0 : index
    %get3A_2 = vector.load %arg2[%get3A, %get3A_0, %get3A_1] : memref<1x128x128xf32, #tpu.memory_space<vmem>>, vector<1x128x128xf32>
    %get3A_3 = vector.shape_cast %get3A_2 : vector<1x128x128xf32> to vector<128x128xf32>
    %get3A_4 = arith.constant 0 : index
    %get3A_5 = arith.constant 0 : index
    %get3A_6 = arith.constant 0 : index
    %get3A_7 = vector.load %arg3[%get3A_4, %get3A_5, %get3A_6] : memref<1x1x128xf32, #tpu.memory_space<vmem>>, vector<1x1x128xf32>
    %get3A_8 = vector.shape_cast %get3A_7 : vector<1x1x128xf32> to vector<128xf32>
    %broadcast_in_dim3A = vector.shape_cast %get3A_8 : vector<128xf32> to vector<128x1xf32>
    %dot_general3A = arith.constant dense<0.000000e+00> : vector<128x1xf32>
    %dot_general3A_9 = tpu.matmul %get3A_3, %broadcast_in_dim3A, %dot_general3A {dimension_numbers = #tpu.dot_dimension_numbers<[1], [0], [0], [1], [0, 0, 1, 1], [], []>, transpose_lhs_hint = false} : vector<128x128xf32>, vector<128x1xf32>, vector<128x1xf32> -> vector<128x1xf32>
    %squeeze3A = vector.shape_cast %dot_general3A_9 : vector<128x1xf32> to vector<128xf32>
    %get3A_10 = arith.constant 0 : index
    %get3A_11 = arith.constant 0 : index
    %get3A_12 = arith.constant 0 : index
    %get3A_13 = vector.load %arg2[%get3A_10, %get3A_11, %get3A_12] : memref<1x128x128xf32, #tpu.memory_space<vmem>>, vector<1x128x128xf32>
    %get3A_14 = vector.shape_cast %get3A_13 : vector<1x128x128xf32> to vector<128x128xf32>
    %get3A_15 = arith.constant 0 : index
    %get3A_16 = arith.constant 0 : index
    %get3A_17 = arith.constant 0 : index
    %get3A_18 = vector.load %arg4[%get3A_15, %get3A_16, %get3A_17] : memref<1x1x128xf32, #tpu.memory_space<vmem>>, vector<1x1x128xf32>
    %get3A_19 = vector.shape_cast %get3A_18 : vector<1x1x128xf32> to vector<128xf32>
    %broadcast_in_dim3A_20 = vector.shape_cast %get3A_19 : vector<128xf32> to vector<128x1xf32>
    %dot_general3A_21 = arith.constant dense<0.000000e+00> : vector<128x1xf32>
    %dot_general3A_22 = tpu.matmul %get3A_14, %broadcast_in_dim3A_20, %dot_general3A_21 {dimension_numbers = #tpu.dot_dimension_numbers<[1], [0], [0], [1], [0, 0, 1, 1], [], []>, transpose_lhs_hint = false} : vector<128x128xf32>, vector<128x1xf32>, vector<128x1xf32> -> vector<128x1xf32>
    %squeeze3A_23 = vector.shape_cast %dot_general3A_22 : vector<128x1xf32> to vector<128xf32>
    %get3A_24 = arith.constant 0 : index
    %get3A_25 = arith.constant 0 : index
    %get3A_26 = vector.load %arg1[%get3A_24, %get3A_25] : memref<10000x128xf32, #tpu.memory_space<vmem>>, vector<10000x128xf32>
    %broadcast_in_dim3A_27 = vector.shape_cast %squeeze3A : vector<128xf32> to vector<1x128xf32>
    %mul3A = vector.broadcast %broadcast_in_dim3A_27 : vector<1x128xf32> to vector<10000x128xf32>
    %mul3A_28 = arith.mulf %get3A_26, %mul3A : vector<10000x128xf32>
    %reduce_sum3A = arith.constant dense<0.000000e+00> : vector<10000xf32>
    %reduce_sum3A_29 = vector.multi_reduction <add>, %mul3A_28, %reduce_sum3A [1] : vector<10000x128xf32> to vector<10000xf32>
    %get3A_30 = arith.constant 0 : index
    %get3A_31 = arith.constant 0 : index
    %get3A_32 = vector.load %arg1[%get3A_30, %get3A_31] : memref<10000x128xf32, #tpu.memory_space<vmem>>, vector<10000x128xf32>
    %broadcast_in_dim3A_33 = vector.shape_cast %squeeze3A_23 : vector<128xf32> to vector<1x128xf32>
    %mul3A_34 = vector.broadcast %broadcast_in_dim3A_33 : vector<1x128xf32> to vector<10000x128xf32>
    %mul3A_35 = arith.mulf %get3A_32, %mul3A_34 : vector<10000x128xf32>
    %reduce_sum3A_36 = arith.constant dense<0.000000e+00> : vector<10000xf32>
    %reduce_sum3A_37 = vector.multi_reduction <add>, %mul3A_35, %reduce_sum3A_36 [1] : vector<10000x128xf32> to vector<10000xf32>
    %swap3A = arith.constant 0 : index
    %swap3A_38 = arith.constant 0 : index
    %swap3A_39 = arith.constant 0 : index
    %swap3A_40 = vector.load %arg5[%swap3A, %swap3A_38, %swap3A_39] : memref<1x1x10000xf32, #tpu.memory_space<vmem>>, vector<1x1x10000xf32>
    %swap3A_41 = vector.shape_cast %swap3A_40 : vector<1x1x10000xf32> to vector<10000xf32>
    %swap3A_42 = vector.shape_cast %reduce_sum3A_29 : vector<10000xf32> to vector<1x1x10000xf32>
    tpu.vector_store %arg5[%swap3A, %swap3A_38, %swap3A_39], %swap3A_42 {strides = array<i32>} : memref<1x1x10000xf32, #tpu.memory_space<vmem>>, vector<1x1x10000xf32>,
    %swap3A_43 = arith.constant 0 : index
    %swap3A_44 = arith.constant 0 : index
    %swap3A_45 = arith.constant 0 : index
    %swap3A_46 = vector.load %arg6[%swap3A_43, %swap3A_44, %swap3A_45] : memref<1x1x10000xf32, #tpu.memory_space<vmem>>, vector<1x1x10000xf32>
    %swap3A_47 = vector.shape_cast %swap3A_46 : vector<1x1x10000xf32> to vector<10000xf32>
    %swap3A_48 = vector.shape_cast %reduce_sum3A_37 : vector<10000xf32> to vector<1x1x10000xf32>
    tpu.vector_store %arg6[%swap3A_43, %swap3A_44, %swap3A_45], %swap3A_48 {strides = array<i32>} : memref<1x1x10000xf32, #tpu.memory_space<vmem>>, vector<1x1x10000xf32>,
    %add3A = arith.addf %reduce_sum3A_29, %reduce_sum3A_37 : vector<10000xf32>
    %gt3A = arith.constant 0.000000e+00 : f32
    %gt3A_49 = vector.broadcast %gt3A : f32 to vector<10000xf32>
    %gt3A_50 = arith.cmpf ogt, %add3A, %gt3A_49 : vector<10000xf32>
    %mul3A_51 = arith.constant 2.000000e-01 : f32
    %mul3A_52 = vector.broadcast %mul3A_51 : f32 to vector<10000xf32>
    %mul3A_53 = arith.mulf %mul3A_52, %add3A : vector<10000xf32>
    %select_n3A = arith.select %gt3A_50, %add3A, %mul3A_53 : vector<10000xi1>, vector<10000xf32>
    %exp3A = math.exp %select_n3A : vector<10000xf32>
    %swap3A_54 = arith.constant 0 : index
    %swap3A_55 = arith.constant 0 : index
    %swap3A_56 = arith.constant 0 : index
    %swap3A_57 = vector.load %arg7[%swap3A_54, %swap3A_55, %swap3A_56] : memref<1x1x10000xf32, #tpu.memory_space<vmem>>, vector<1x1x10000xf32>
    %swap3A_58 = vector.shape_cast %swap3A_57 : vector<1x1x10000xf32> to vector<10000xf32>
    %swap3A_59 = vector.shape_cast %exp3A : vector<10000xf32> to vector<1x1x10000xf32>
    tpu.vector_store %arg7[%swap3A_54, %swap3A_55, %swap3A_56], %swap3A_59 {strides = array<i32>} : memref<1x1x10000xf32, #tpu.memory_space<vmem>>, vector<1x1x10000xf32>,
    return
  }
  func.func @transform_0(%arg0: i32) -> (i32, i32) {
    %c0_i32 = arith.constant 0 : i32
    %c0_i32_0 = arith.constant 0 : i32
    %c0_i32_1 = arith.constant 0 : i32
    return %c0_i32, %c0_i32_0 : i32, i32
  }
  func.func @transform_1(%arg0: i32) -> (i32, i32, i32) {
    %c0_i32 = arith.constant 0 : i32
    %c0_i32_0 = arith.constant 0 : i32
    %c0_i32_1 = arith.constant 0 : i32
    return %arg0, %c0_i32, %c0_i32_0 : i32, i32, i32
  }
  func.func @transform_2(%arg0: i32) -> (i32, i32, i32) {
    %c0_i32 = arith.constant 0 : i32
    %c0_i32_0 = arith.constant 0 : i32
    %c0_i32_1 = arith.constant 0 : i32
    return %arg0, %c0_i32, %c0_i32_0 : i32, i32, i32
  }
  func.func @transform_3(%arg0: i32) -> (i32, i32, i32) {
    %c0_i32 = arith.constant 0 : i32
    %c0_i32_0 = arith.constant 0 : i32
    %c0_i32_1 = arith.constant 0 : i32
    return %arg0, %c0_i32, %c0_i32_0 : i32, i32, i32
  }
  func.func @transform_4(%arg0: i32) -> (i32, i32, i32) {
    %c0_i32 = arith.constant 0 : i32
    %c0_i32_0 = arith.constant 0 : i32
    %c0_i32_1 = arith.constant 0 : i32
    return %arg0, %c0_i32, %c0_i32_0 : i32, i32, i32
  }
  func.func @transform_5(%arg0: i32) -> (i32, i32, i32) {
    %c0_i32 = arith.constant 0 : i32
    %c0_i32_0 = arith.constant 0 : i32
    %c0_i32_1 = arith.constant 0 : i32
    return %arg0, %c0_i32, %c0_i32_0 : i32, i32, i32
  }
  func.func @transform_6(%arg0: i32) -> (i32, i32, i32) {
    %c0_i32 = arith.constant 0 : i32
    %c0_i32_0 = arith.constant 0 : i32
    %c0_i32_1 = arith.constant 0 : i32
    return %arg0, %c0_i32, %c0_i32_0 : i32, i32, i32
  }
}

module attributes {stable_mosaic.version = 14 : i64} {
  func.func @_xl_body(%arg0: i32, %arg1: memref<10000x128xf32, #tpu.memory_space<vmem>>, %arg2: memref<1x128x128xf32, #tpu.memory_space<vmem>>, %arg3: memref<1x10000x128xf32, #tpu.memory_space<vmem>>) attributes {dimension_semantics = [#tpu.dimension_semantics<arbitrary>], iteration_bounds = array<i64: 8>, scalar_prefetch = 0 : i64, scratch_operands = 0 : i64, tpu.core_type = #tpu.core_type<tc>, window_params = [{pipeline_mode = #tpu.pipeline_mode<synchronous>, transform_indices = @transform_0, window_bounds = array<i64: 10000, 128>}, {transform_indices = @transform_1, window_bounds = array<i64: 1, 128, 128>}, {transform_indices = @transform_2, window_bounds = array<i64: 1, 10000, 128>}]} {
    %get3A = arith.constant 0 : index
    %get3A_0 = arith.constant 0 : index
    %get3A_1 = vector.load %arg1[%get3A, %get3A_0] : memref<10000x128xf32, #tpu.memory_space<vmem>>, vector<10000x128xf32>
    %get3A_2 = arith.constant 0 : index
    %get3A_3 = arith.constant 0 : index
    %get3A_4 = arith.constant 0 : index
    %get3A_5 = vector.load %arg2[%get3A_2, %get3A_3, %get3A_4] : memref<1x128x128xf32, #tpu.memory_space<vmem>>, vector<1x128x128xf32>
    %get3A_6 = vector.shape_cast %get3A_5 : vector<1x128x128xf32> to vector<128x128xf32>
    %dot_general3A = arith.constant dense<0.000000e+00> : vector<10000x128xf32>
    %dot_general3A_7 = tpu.matmul %get3A_1, %get3A_6, %dot_general3A {dimension_numbers = #tpu.dot_dimension_numbers<[1], [0], [0], [1], [0, 0, 1, 1], [], []>, transpose_lhs_hint = false} : vector<10000x128xf32>, vector<128x128xf32>, vector<10000x128xf32> -> vector<10000x128xf32>
    %swap3A = arith.constant 0 : index
    %swap3A_8 = arith.constant 0 : index
    %swap3A_9 = arith.constant 0 : index
    %swap3A_10 = vector.load %arg3[%swap3A, %swap3A_8, %swap3A_9] : memref<1x10000x128xf32, #tpu.memory_space<vmem>>, vector<1x10000x128xf32>
    %swap3A_11 = vector.shape_cast %swap3A_10 : vector<1x10000x128xf32> to vector<10000x128xf32>
    %swap3A_12 = vector.shape_cast %dot_general3A_7 : vector<10000x128xf32> to vector<1x10000x128xf32>
    tpu.vector_store %arg3[%swap3A, %swap3A_8, %swap3A_9], %swap3A_12 {strides = array<i32>} : memref<1x10000x128xf32, #tpu.memory_space<vmem>>, vector<1x10000x128xf32>,
    return
  }
  func.func @transform_0(%arg0: i32) -> (i32, i32) {
    %c0_i32 = arith.constant 0 : i32
    %c0_i32_0 = arith.constant 0 : i32
    %c0_i32_1 = arith.constant 0 : i32
    return %c0_i32, %c0_i32_0 : i32, i32
  }
  func.func @transform_1(%arg0: i32) -> (i32, i32, i32) {
    %c0_i32 = arith.constant 0 : i32
    %c0_i32_0 = arith.constant 0 : i32
    %c0_i32_1 = arith.constant 0 : i32
    return %arg0, %c0_i32, %c0_i32_0 : i32, i32, i32
  }
  func.func @transform_2(%arg0: i32) -> (i32, i32, i32) {
    %c0_i32 = arith.constant 0 : i32
    %c0_i32_0 = arith.constant 0 : i32
    %c0_i32_1 = arith.constant 0 : i32
    return %arg0, %c0_i32, %c0_i32_0 : i32, i32, i32
  }
}

module attributes {stable_mosaic.version = 14 : i64} {
  func.func @_combine_body(%arg0: i32, %arg1: memref<2000x128xf32, #tpu.memory_space<vmem>>, %arg2: memref<128x128xf32, #tpu.memory_space<vmem>>, %arg3: memref<1x128xf32, #tpu.memory_space<vmem>>, %arg4: memref<8x128xf32, #tpu.memory_space<vmem>>, %arg5: memref<2x2000x128xf32, #tpu.memory_space<vmem>>, %arg6: memref<8x2000x128xf32, #tpu.memory_space<vmem>>, %arg7: memref<2000x8xf32, #tpu.memory_space<vmem>>, %arg8: memref<2000x8xf32, #tpu.memory_space<vmem>>, %arg9: memref<2000x8xf32, #tpu.memory_space<vmem>>, %arg10: memref<2000x128xf32, #tpu.memory_space<vmem>>) attributes {dimension_semantics = [#tpu.dimension_semantics<arbitrary>], iteration_bounds = array<i64: 5>, scalar_prefetch = 0 : i64, scratch_operands = 0 : i64, tpu.core_type = #tpu.core_type<tc>, window_params = [{transform_indices = @transform_0, window_bounds = array<i64: 2000, 128>}, {pipeline_mode = #tpu.pipeline_mode<synchronous>, transform_indices = @transform_1, window_bounds = array<i64: 128, 128>}, {pipeline_mode = #tpu.pipeline_mode<synchronous>, transform_indices = @transform_2, window_bounds = array<i64: 1, 128>}, {pipeline_mode = #tpu.pipeline_mode<synchronous>, transform_indices = @transform_3, window_bounds = array<i64: 8, 128>}, {transform_indices = @transform_4, window_bounds = array<i64: 2, 2000, 128>}, {transform_indices = @transform_5, window_bounds = array<i64: 8, 2000, 128>}, {transform_indices = @transform_6, window_bounds = array<i64: 2000, 8>}, {transform_indices = @transform_7, window_bounds = array<i64: 2000, 8>}, {transform_indices = @transform_8, window_bounds = array<i64: 2000, 8>}, {transform_indices = @transform_9, window_bounds = array<i64: 2000, 128>}]} {
    %get3A = arith.constant 0 : index
    %get3A_0 = arith.constant 0 : index
    %get3A_1 = vector.load %arg1[%get3A, %get3A_0] : memref<2000x128xf32, #tpu.memory_space<vmem>>, vector<2000x128xf32>
    %get3A_2 = arith.constant 0 : index
    %get3A_3 = arith.constant 0 : index
    %get3A_4 = vector.load %arg2[%get3A_2, %get3A_3] : memref<128x128xf32, #tpu.memory_space<vmem>>, vector<128x128xf32>
    %dot_general3A = arith.constant dense<0.000000e+00> : vector<2000x128xf32>
    %dot_general3A_5 = tpu.matmul %get3A_1, %get3A_4, %dot_general3A {dimension_numbers = #tpu.dot_dimension_numbers<[1], [0], [0], [1], [0, 0, 1, 1], [], []>, transpose_lhs_hint = false} : vector<2000x128xf32>, vector<128x128xf32>, vector<2000x128xf32> -> vector<2000x128xf32>
    %get3A_6 = arith.constant 0 : index
    %get3A_7 = arith.constant 0 : index
    %get3A_8 = vector.load %arg3[%get3A_6, %get3A_7] : memref<1x128xf32, #tpu.memory_space<vmem>>, vector<1x128xf32>
    %get3A_9 = vector.shape_cast %get3A_8 : vector<1x128xf32> to vector<128xf32>
    %get3A_10 = arith.constant 0 : index
    %get3A_11 = arith.constant 0 : index
    %get3A_12 = vector.load %arg4[%get3A_10, %get3A_11] : memref<8x128xf32, #tpu.memory_space<vmem>>, vector<8x128xf32>
    %reduce_sum3A = arith.constant dense<0.000000e+00> : vector<128xf32>
    %reduce_sum3A_13 = vector.multi_reduction <add>, %get3A_12, %reduce_sum3A [0] : vector<8x128xf32> to vector<128xf32>
    %add3A = arith.addf %get3A_9, %reduce_sum3A_13 : vector<128xf32>
    %broadcast_in_dim3A = vector.shape_cast %add3A : vector<128xf32> to vector<1x128xf32>
    %add3A_14 = vector.broadcast %broadcast_in_dim3A : vector<1x128xf32> to vector<2000x128xf32>
    %add3A_15 = arith.addf %dot_general3A_5, %add3A_14 : vector<2000x128xf32>
    %get3A_16 = arith.constant 0 : index
    %get3A_17 = arith.constant 0 : index
    %get3A_18 = arith.constant 0 : index
    %get3A_19 = vector.load %arg5[%get3A_16, %get3A_17, %get3A_18] : memref<2x2000x128xf32, #tpu.memory_space<vmem>>, vector<1x2000x128xf32>
    %get3A_20 = vector.shape_cast %get3A_19 : vector<1x2000x128xf32> to vector<2000x128xf32>
    %get3A_21 = arith.constant 1 : index
    %get3A_22 = arith.constant 0 : index
    %get3A_23 = arith.constant 0 : index
    %get3A_24 = vector.load %arg5[%get3A_21, %get3A_22, %get3A_23] : memref<2x2000x128xf32, #tpu.memory_space<vmem>>, vector<1x2000x128xf32>
    %get3A_25 = vector.shape_cast %get3A_24 : vector<1x2000x128xf32> to vector<2000x128xf32>
    %add3A_26 = arith.addf %get3A_20, %get3A_25 : vector<2000x128xf32>
    %add3A_27 = arith.addf %add3A_15, %add3A_26 : vector<2000x128xf32>
    %get3A_28 = arith.constant 0 : index
    %get3A_29 = arith.constant 0 : index
    %get3A_30 = vector.load %arg7[%get3A_28, %get3A_29] : memref<2000x8xf32, #tpu.memory_space<vmem>>, vector<2000x8xf32>
    %get3A_31 = arith.constant 0 : index
    %get3A_32 = arith.constant 0 : index
    %get3A_33 = vector.load %arg8[%get3A_31, %get3A_32] : memref<2000x8xf32, #tpu.memory_space<vmem>>, vector<2000x8xf32>
    %get3A_34 = arith.constant 0 : index
    %get3A_35 = arith.constant 0 : index
    %get3A_36 = vector.load %arg9[%get3A_34, %get3A_35] : memref<2000x8xf32, #tpu.memory_space<vmem>>, vector<2000x8xf32>
    %add3A_37 = arith.addf %get3A_33, %get3A_36 : vector<2000x8xf32>
    %add3A_38 = arith.constant 1.000000e-16 : f32
    %add3A_39 = vector.broadcast %add3A_38 : f32 to vector<2000x8xf32>
    %add3A_40 = arith.addf %add3A_37, %add3A_39 : vector<2000x8xf32>
    %div3A = arith.divf %get3A_30, %add3A_40 : vector<2000x8xf32>
    %get3A_41 = arith.constant 0 : index
    %get3A_42 = arith.constant 0 : index
    %get3A_43 = arith.constant 0 : index
    %get3A_44 = vector.load %arg6[%get3A_41, %get3A_42, %get3A_43] : memref<8x2000x128xf32, #tpu.memory_space<vmem>>, vector<1x2000x128xf32>
    %get3A_45 = vector.shape_cast %get3A_44 : vector<1x2000x128xf32> to vector<2000x128xf32>
    %slice3A = vector.extract_strided_slice %div3A {offsets = [0, 0], sizes = [2000, 1], strides = [1, 1]} : vector<2000x8xf32> to vector<2000x1xf32>
    %squeeze3A = vector.shape_cast %slice3A : vector<2000x1xf32> to vector<2000xf32>
    %broadcast_in_dim3A_46 = vector.shape_cast %squeeze3A : vector<2000xf32> to vector<2000x1xf32>
    %mul3A = vector.broadcast %broadcast_in_dim3A_46 : vector<2000x1xf32> to vector<2000x128xf32>
    %mul3A_47 = arith.mulf %get3A_45, %mul3A : vector<2000x128xf32>
    %add3A_48 = arith.addf %add3A_27, %mul3A_47 : vector<2000x128xf32>
    %get3A_49 = arith.constant 1 : index
    %get3A_50 = arith.constant 0 : index
    %get3A_51 = arith.constant 0 : index
    %get3A_52 = vector.load %arg6[%get3A_49, %get3A_50, %get3A_51] : memref<8x2000x128xf32, #tpu.memory_space<vmem>>, vector<1x2000x128xf32>
    %get3A_53 = vector.shape_cast %get3A_52 : vector<1x2000x128xf32> to vector<2000x128xf32>
    %slice3A_54 = vector.extract_strided_slice %div3A {offsets = [0, 1], sizes = [2000, 1], strides = [1, 1]} : vector<2000x8xf32> to vector<2000x1xf32>
    %squeeze3A_55 = vector.shape_cast %slice3A_54 : vector<2000x1xf32> to vector<2000xf32>
    %broadcast_in_dim3A_56 = vector.shape_cast %squeeze3A_55 : vector<2000xf32> to vector<2000x1xf32>
    %mul3A_57 = vector.broadcast %broadcast_in_dim3A_56 : vector<2000x1xf32> to vector<2000x128xf32>
    %mul3A_58 = arith.mulf %get3A_53, %mul3A_57 : vector<2000x128xf32>
    %add3A_59 = arith.addf %add3A_48, %mul3A_58 : vector<2000x128xf32>
    %get3A_60 = arith.constant 2 : index
    %get3A_61 = arith.constant 0 : index
    %get3A_62 = arith.constant 0 : index
    %get3A_63 = vector.load %arg6[%get3A_60, %get3A_61, %get3A_62] : memref<8x2000x128xf32, #tpu.memory_space<vmem>>, vector<1x2000x128xf32>
    %get3A_64 = vector.shape_cast %get3A_63 : vector<1x2000x128xf32> to vector<2000x128xf32>
    %slice3A_65 = vector.extract_strided_slice %div3A {offsets = [0, 2], sizes = [2000, 1], strides = [1, 1]} : vector<2000x8xf32> to vector<2000x1xf32>
    %squeeze3A_66 = vector.shape_cast %slice3A_65 : vector<2000x1xf32> to vector<2000xf32>
    %broadcast_in_dim3A_67 = vector.shape_cast %squeeze3A_66 : vector<2000xf32> to vector<2000x1xf32>
    %mul3A_68 = vector.broadcast %broadcast_in_dim3A_67 : vector<2000x1xf32> to vector<2000x128xf32>
    %mul3A_69 = arith.mulf %get3A_64, %mul3A_68 : vector<2000x128xf32>
    %add3A_70 = arith.addf %add3A_59, %mul3A_69 : vector<2000x128xf32>
    %get3A_71 = arith.constant 3 : index
    %get3A_72 = arith.constant 0 : index
    %get3A_73 = arith.constant 0 : index
    %get3A_74 = vector.load %arg6[%get3A_71, %get3A_72, %get3A_73] : memref<8x2000x128xf32, #tpu.memory_space<vmem>>, vector<1x2000x128xf32>
    %get3A_75 = vector.shape_cast %get3A_74 : vector<1x2000x128xf32> to vector<2000x128xf32>
    %slice3A_76 = vector.extract_strided_slice %div3A {offsets = [0, 3], sizes = [2000, 1], strides = [1, 1]} : vector<2000x8xf32> to vector<2000x1xf32>
    %squeeze3A_77 = vector.shape_cast %slice3A_76 : vector<2000x1xf32> to vector<2000xf32>
    %broadcast_in_dim3A_78 = vector.shape_cast %squeeze3A_77 : vector<2000xf32> to vector<2000x1xf32>
    %mul3A_79 = vector.broadcast %broadcast_in_dim3A_78 : vector<2000x1xf32> to vector<2000x128xf32>
    %mul3A_80 = arith.mulf %get3A_75, %mul3A_79 : vector<2000x128xf32>
    %add3A_81 = arith.addf %add3A_70, %mul3A_80 : vector<2000x128xf32>
    %get3A_82 = arith.constant 4 : index
    %get3A_83 = arith.constant 0 : index
    %get3A_84 = arith.constant 0 : index
    %get3A_85 = vector.load %arg6[%get3A_82, %get3A_83, %get3A_84] : memref<8x2000x128xf32, #tpu.memory_space<vmem>>, vector<1x2000x128xf32>
    %get3A_86 = vector.shape_cast %get3A_85 : vector<1x2000x128xf32> to vector<2000x128xf32>
    %slice3A_87 = vector.extract_strided_slice %div3A {offsets = [0, 4], sizes = [2000, 1], strides = [1, 1]} : vector<2000x8xf32> to vector<2000x1xf32>
    %squeeze3A_88 = vector.shape_cast %slice3A_87 : vector<2000x1xf32> to vector<2000xf32>
    %broadcast_in_dim3A_89 = vector.shape_cast %squeeze3A_88 : vector<2000xf32> to vector<2000x1xf32>
    %mul3A_90 = vector.broadcast %broadcast_in_dim3A_89 : vector<2000x1xf32> to vector<2000x128xf32>
    %mul3A_91 = arith.mulf %get3A_86, %mul3A_90 : vector<2000x128xf32>
    %add3A_92 = arith.addf %add3A_81, %mul3A_91 : vector<2000x128xf32>
    %get3A_93 = arith.constant 5 : index
    %get3A_94 = arith.constant 0 : index
    %get3A_95 = arith.constant 0 : index
    %get3A_96 = vector.load %arg6[%get3A_93, %get3A_94, %get3A_95] : memref<8x2000x128xf32, #tpu.memory_space<vmem>>, vector<1x2000x128xf32>
    %get3A_97 = vector.shape_cast %get3A_96 : vector<1x2000x128xf32> to vector<2000x128xf32>
    %slice3A_98 = vector.extract_strided_slice %div3A {offsets = [0, 5], sizes = [2000, 1], strides = [1, 1]} : vector<2000x8xf32> to vector<2000x1xf32>
    %squeeze3A_99 = vector.shape_cast %slice3A_98 : vector<2000x1xf32> to vector<2000xf32>
    %broadcast_in_dim3A_100 = vector.shape_cast %squeeze3A_99 : vector<2000xf32> to vector<2000x1xf32>
    %mul3A_101 = vector.broadcast %broadcast_in_dim3A_100 : vector<2000x1xf32> to vector<2000x128xf32>
    %mul3A_102 = arith.mulf %get3A_97, %mul3A_101 : vector<2000x128xf32>
    %add3A_103 = arith.addf %add3A_92, %mul3A_102 : vector<2000x128xf32>
    %get3A_104 = arith.constant 6 : index
    %get3A_105 = arith.constant 0 : index
    %get3A_106 = arith.constant 0 : index
    %get3A_107 = vector.load %arg6[%get3A_104, %get3A_105, %get3A_106] : memref<8x2000x128xf32, #tpu.memory_space<vmem>>, vector<1x2000x128xf32>
    %get3A_108 = vector.shape_cast %get3A_107 : vector<1x2000x128xf32> to vector<2000x128xf32>
    %slice3A_109 = vector.extract_strided_slice %div3A {offsets = [0, 6], sizes = [2000, 1], strides = [1, 1]} : vector<2000x8xf32> to vector<2000x1xf32>
    %squeeze3A_110 = vector.shape_cast %slice3A_109 : vector<2000x1xf32> to vector<2000xf32>
    %broadcast_in_dim3A_111 = vector.shape_cast %squeeze3A_110 : vector<2000xf32> to vector<2000x1xf32>
    %mul3A_112 = vector.broadcast %broadcast_in_dim3A_111 : vector<2000x1xf32> to vector<2000x128xf32>
    %mul3A_113 = arith.mulf %get3A_108, %mul3A_112 : vector<2000x128xf32>
    %add3A_114 = arith.addf %add3A_103, %mul3A_113 : vector<2000x128xf32>
    %get3A_115 = arith.constant 7 : index
    %get3A_116 = arith.constant 0 : index
    %get3A_117 = arith.constant 0 : index
    %get3A_118 = vector.load %arg6[%get3A_115, %get3A_116, %get3A_117] : memref<8x2000x128xf32, #tpu.memory_space<vmem>>, vector<1x2000x128xf32>
    %get3A_119 = vector.shape_cast %get3A_118 : vector<1x2000x128xf32> to vector<2000x128xf32>
    %slice3A_120 = vector.extract_strided_slice %div3A {offsets = [0, 7], sizes = [2000, 1], strides = [1, 1]} : vector<2000x8xf32> to vector<2000x1xf32>
    %squeeze3A_121 = vector.shape_cast %slice3A_120 : vector<2000x1xf32> to vector<2000xf32>
    %broadcast_in_dim3A_122 = vector.shape_cast %squeeze3A_121 : vector<2000xf32> to vector<2000x1xf32>
    %mul3A_123 = vector.broadcast %broadcast_in_dim3A_122 : vector<2000x1xf32> to vector<2000x128xf32>
    %mul3A_124 = arith.mulf %get3A_119, %mul3A_123 : vector<2000x128xf32>
    %add3A_125 = arith.addf %add3A_114, %mul3A_124 : vector<2000x128xf32>
    %swap3A = arith.constant 0 : index
    %swap3A_126 = arith.constant 0 : index
    %swap3A_127 = vector.load %arg10[%swap3A, %swap3A_126] : memref<2000x128xf32, #tpu.memory_space<vmem>>, vector<2000x128xf32>
    tpu.vector_store %arg10[%swap3A, %swap3A_126], %add3A_125 {strides = array<i32>} : memref<2000x128xf32, #tpu.memory_space<vmem>>, vector<2000x128xf32>,
    return
  }
  func.func @transform_0(%arg0: i32) -> (i32, i32) {
    %c0_i32 = arith.constant 0 : i32
    %c0_i32_0 = arith.constant 0 : i32
    return %arg0, %c0_i32 : i32, i32
  }
  func.func @transform_1(%arg0: i32) -> (i32, i32) {
    %c0_i32 = arith.constant 0 : i32
    %c0_i32_0 = arith.constant 0 : i32
    %c0_i32_1 = arith.constant 0 : i32
    return %c0_i32, %c0_i32_0 : i32, i32
  }
  func.func @transform_2(%arg0: i32) -> (i32, i32) {
    %c0_i32 = arith.constant 0 : i32
    %c0_i32_0 = arith.constant 0 : i32
    %c0_i32_1 = arith.constant 0 : i32
    return %c0_i32, %c0_i32_0 : i32, i32
  }
  func.func @transform_3(%arg0: i32) -> (i32, i32) {
    %c0_i32 = arith.constant 0 : i32
    %c0_i32_0 = arith.constant 0 : i32
    %c0_i32_1 = arith.constant 0 : i32
    return %c0_i32, %c0_i32_0 : i32, i32
  }
  func.func @transform_4(%arg0: i32) -> (i32, i32, i32) {
    %c0_i32 = arith.constant 0 : i32
    %c0_i32_0 = arith.constant 0 : i32
    %c0_i32_1 = arith.constant 0 : i32
    return %c0_i32, %arg0, %c0_i32_0 : i32, i32, i32
  }
  func.func @transform_5(%arg0: i32) -> (i32, i32, i32) {
    %c0_i32 = arith.constant 0 : i32
    %c0_i32_0 = arith.constant 0 : i32
    %c0_i32_1 = arith.constant 0 : i32
    return %c0_i32, %arg0, %c0_i32_0 : i32, i32, i32
  }
  func.func @transform_6(%arg0: i32) -> (i32, i32) {
    %c0_i32 = arith.constant 0 : i32
    %c0_i32_0 = arith.constant 0 : i32
    return %arg0, %c0_i32 : i32, i32
  }
  func.func @transform_7(%arg0: i32) -> (i32, i32) {
    %c0_i32 = arith.constant 0 : i32
    %c0_i32_0 = arith.constant 0 : i32
    return %arg0, %c0_i32 : i32, i32
  }
  func.func @transform_8(%arg0: i32) -> (i32, i32) {
    %c0_i32 = arith.constant 0 : i32
    %c0_i32_0 = arith.constant 0 : i32
    return %arg0, %c0_i32 : i32, i32
  }
  func.func @transform_9(%arg0: i32) -> (i32, i32) {
    %c0_i32 = arith.constant 0 : i32
    %c0_i32_0 = arith.constant 0 : i32
    return %arg0, %c0_i32 : i32, i32
  }
}

</mosaic_0001>

<sc_bundles>
// kernel: kernel.10.cloned.1.call-start
scs
__scs_entry_jumppad:
0x0: {  	(pc) =	sbr.rel $0x88, $3  }
0x1: {  	(tag) =	ssettag $0x0;
	lr =	simm.s32 $0x1  }
0x2: {  	[smem:$0x3F98] =	sst lr;
	_ =	strace $0xD0000000  }
0x3: {  	_ = 	snop  }
0x4: {  	_ = 	snop  }
0x5: {  	_ = 	snop  }
0x6: {  	_ = 	snop  }
0x7: {  	_ = 	snop  }
__scs_overlays_trampoline_lowered:
0x8: {  	[smem:$0x3FA7] =	sst s0  }
0x9: {  	[smem:$0x3FA8] =	sst s1  }
0xa: {  	[smem:$0x3FA9] =	sst s2  }
0xb: {  	[smem:$0x3FAA] =	sst s3  }
0xc: {  	[smem:$0x3FAB] =	sst s4  }
0xd: {  	[smem:$0x3FAC] =	sst s5  }
0xe: {  	[smem:$0x3FAD] =	sst s6  }
0xf: {  	[smem:$0x3FAE] =	sst s7  }
0x10: {  	[smem:$0x3FAF] =	sst s8  }
0x11: {  	[smem:$0x3FB0] =	sst s9;
	s0 =	simm.s32 @!p0 $0x0  }
0x12: {  	s1 =	sld [smem:$0x3F96];
	s0 =	simm.s32 @p0 $0x1  }
0x13: {  	[smem:$0x3FB1] =	sst s0;
	s0 =	simm.s32 @!p1 $0x0  }
0x14: {  	s2 =	sld [smem:$0x3F95];
	s0 =	simm.s32 @p1 $0x1  }
0x15: {  	[smem:$0x3FB2] =	sst s0;
	s0 =	simm.s32 @!p2 $0x0  }
0x16: {  	s3 =	sld [smem:$0x3FDB];
	s0 =	simm.s32 @p2 $0x1  }
0x17: {  	s4 =	simm.s32 $0x1BF5;
	[smem:$0x3FB4] =	sst s0  }
0x18: {  	s0 =	sld [smem:$0x3F97];
	_ =	swait.ge [sflag:s4], $0x0  }
0x19: {  	s7 =	sld [smem:$0x3F98]  }
0x1a: {  	s8 =	sadd.s32 $0xFFFFE003, lr  }
0x1b: {  	s9 =	sadd.s32 $0xFFFFFEF7, lr;
	s5 =	simm.s32 $0xFFFFFFFF;
	p2 =	slt.u32 s8, $0xFFFFF086  }
0x1c: {  	p1 =	slt.u32 s9, $0xF7A;
	s5 =	simm.s32 @!p2 $0x0  }
0x1d: {  	s5 =	simm.s32 @p1 $0x1;
	p0 =	seq.s32 s7, s2  }
0x1e: {  	s7 =	smul.u32 @!p0 $0xF7A, s2;
	p2 =	seq.s32 @!p0 s5, $0x0  }
0x1f: {  	s9 =	smul.u32 $0xF7A, s1;
	s8 =	simm.s32 @!p0 $0x1BF5;
	p2 =	por !p2, p0  }
0x20: {  	[sflag:s8] =	ssyncset.s32 @!p0 $0xFFFFF086;
	s6 =	sadd.s32 @!p0 s3, s7;
	s7 =	simm.s32 @!p0 $0x108  }
0x21: {  	s3 =	sadd.s32 s3, s9;
	s6 =	sadd.s32 @!p0 $0x88, s6;
	s7 =	simm.s32 @p2 $0x1082  }
0x22: {  	[simem:s7], [sflag:s8] =	dma.local @!p0 [hbm:s6], $0xF7A  }
0x23: {  	s9 =	sor.u32 $0xD0000000, s2;
	s6 =	simm.s32 $0x108;
	_ =	swait.ge @!p0 [sflag:s8], $0x0  }
0x24: {  	s3 =	sadd.s32 $0x88, s3;
	s6 =	simm.s32 @!p1 $0x1082;
	[sflag:s4] =	ssyncset.s32 $0xFFFFF086  }
0x25: {  	[simem:s6], [sflag:s4] =	dma.local [hbm:s3], $0xF7A  }
0x26: {  	[smem:$0x3F98] =	sst s1;
	(tag) =	ssettag s2;
	_ =	strace s9  }
0x27: {  	s1 =	sld [smem:$0x3FA8]  }
0x28: {  	s2 =	sld [smem:$0x3FA9]  }
0x29: {  	s4 =	sld [smem:$0x3FAB]  }
0x2a: {  	p0 =	seq.s32 s5, $0x0;
	s5 =	sld [smem:$0x3FAC]  }
0x2b: {  	s6 =	sld [smem:$0x3FAD]  }
0x2c: {  	s7 =	sld [smem:$0x3FAE]  }
0x2d: {  	s3 =	simm.s32 $0x108;
	s8 =	sld [smem:$0x3FAF]  }
0x2e: {  	s3 =	simm.s32 @!p0 $0x1082;
	s9 =	sld [smem:$0x3FB0]  }
0x2f: {  	lr =	sadd.s32 s0, s3;
	s0 =	sld [smem:$0x3FA7]  }
0x30: {  	s3 =	sld [smem:$0x3FAA]  }
0x31: {  	[smem:$0x3FB3] =	sst s10  }
0x32: {  	s10 =	sld [smem:$0x3FB1];
	_ =	sdelay $0x3  }
0x33: {  	p0 =	seq.s32 s10, $0x1;
	s10 =	sld [smem:$0x3FB3];
	_ =	sdelay $0x3  }
0x34: {  	[smem:$0x3FB3] =	sst s10  }
0x35: {  	s10 =	sld [smem:$0x3FB2];
	_ =	sdelay $0x3  }
0x36: {  	p1 =	seq.s32 s10, $0x1;
	s10 =	sld [smem:$0x3FB3];
	_ =	sdelay $0x3  }
0x37: {  	[smem:$0x3FB3] =	sst s10  }
0x38: {  	s10 =	sld [smem:$0x3FB4]  }
0x39: {  	_ = 	snop;
	(pc) =	sbr.ind lr, $3  }
0x3a: {  	_ = 	snop  }
0x3b: {  	_ = 	snop  }
0x3c: {  	p2 =	seq.s32 s10, $0x1;
	s10 =	sld [smem:$0x3FB3]  }
0x3d: {  	_ =	shalt  }
0x3e: {  	_ =	shalt  }
0x3f: {  	_ =	shalt  }
0x40: {  	_ =	shalt  }
0x41: {  	_ =	shalt  }
0x42: {  	_ =	shalt  }
0x43: {  	_ =	shalt  }
0x44: {  	_ =	shalt  }
0x45: {  	_ =	shalt  }
0x46: {  	_ =	shalt  }
0x47: {  	_ =	shalt  }
0x48: {  	_ =	shalt  }
0x49: {  	_ =	shalt  }
0x4a: {  	_ =	shalt  }
0x4b: {  	_ =	shalt  }
0x4c: {  	_ =	shalt  }
0x4d: {  	_ =	shalt  }
0x4e: {  	_ =	shalt  }
0x4f: {  	_ =	shalt  }
0x50: {  	_ =	shalt  }
0x51: {  	_ =	shalt  }
0x52: {  	_ =	shalt  }
0x53: {  	_ =	shalt  }
0x54: {  	_ =	shalt  }
0x55: {  	_ =	shalt  }
0x56: {  	_ =	shalt  }
0x57: {  	_ =	shalt  }
0x58: {  	_ =	shalt  }
0x59: {  	_ =	shalt  }
0x5a: {  	_ =	shalt  }
0x5b: {  	_ =	shalt  }
0x5c: {  	_ =	shalt  }
0x5d: {  	_ =	shalt  }
0x5e: {  	_ =	shalt  }
0x5f: {  	_ =	shalt  }
0x60: {  	_ =	shalt  }
0x61: {  	_ =	shalt  }
0x62: {  	_ =	shalt  }
0x63: {  	_ =	shalt  }
0x64: {  	_ =	shalt  }
0x65: {  	_ =	shalt  }
0x66: {  	_ =	shalt  }
0x67: {  	_ =	shalt  }
0x68: {  	_ =	shalt  }
0x69: {  	_ =	shalt  }
0x6a: {  	_ =	shalt  }
0x6b: {  	_ =	shalt  }
0x6c: {  	_ =	shalt  }
0x6d: {  	_ =	shalt  }
0x6e: {  	_ =	shalt  }
0x6f: {  	_ =	shalt  }
0x70: {  	_ =	shalt  }
0x71: {  	_ =	shalt  }
0x72: {  	_ =	shalt  }
0x73: {  	_ =	shalt  }
0x74: {  	_ =	shalt  }
0x75: {  	_ =	shalt  }
0x76: {  	_ =	shalt  }
0x77: {  	_ =	shalt  }
0x78: {  	_ =	shalt  }
0x79: {  	_ =	shalt  }
0x7a: {  	_ =	shalt  }
0x7b: {  	_ =	shalt  }
0x7c: {  	_ =	shalt  }
0x7d: {  	_ =	shalt  }
0x7e: {  	_ =	shalt  }
0x7f: {  	_ =	shalt  }
0x80: {  	_ =	shalt  }
0x81: {  	_ =	shalt  }
0x82: {  	_ =	shalt  }
0x83: {  	_ =	shalt  }
0x84: {  	_ =	shalt  }
0x85: {  	_ =	shalt  }
0x86: {  	_ =	shalt  }
0x87: {  	_ =	shalt  }
.Lfunc_end0:
.L_simem_size_0:
called_computation.1_lowered:
.L_overlay_start_0:
0x88: {  	s2 =	sld [smem:$0x3FD9]  }
0x89: {  	s3 =	sld [smem:$0x3FFE];
	_ =	sdelay $0x1  }
0x8a: {  	s1 =	srdreg.scid  }
0x8b: {  	s0 =	sand.u32 $0x1, s1  }
0x8c: {  	s17 =	sshll.u32 s0, $0xA;
	s2 =	sadd.s32 s3, s2  }
0x8d: {  	s2 =	sadd.s32 s2, s17  }
0x8e: {  	[smem:$0x3FBF] =	sst s2  }
0x8f: {  	_ = 	snop  }
0x90: {  	s2 =	sld [smem:$0x3FD0];
	(tm) =	ssettm $0x1  }
0x91: {  	s18 =	sld [smem:$0x3FFB];
	_ =	sdelay $0x3  }
0x92: {  	_ =	strace s18  }
0x93: {  	s3 =	sld [smem:$0x3FFC];
	_ =	sdelay $0x3  }
0x94: {  	_ =	strace s3  }
0x95: {  	s3 =	sld [smem:$0x3FFD];
	_ =	sdelay $0x3  }
0x96: {  	_ =	strace s3  }
0x97: {  	_ =	strace $0x8FFFFFFF  }
0x98: {  	s19 =	sld [smem:$0x3FDB];
	_ =	sdelay $0x1  }
0x99: {  	s4 =	simm.s32 $_scs_section_size  }
0x9a: {  	s5 =	simm.s32 $_size__tile_overlayer_lowered;
	s6 =	simm.s32 $_tile_overlayer_lowered  }
0x9b: {  	s22 =	simm.s32 $0x1BFF;
	s21 =	sshll.u32 s6, $0x1;
	s3 =	sadd.s32 s4, s19  }
0x9c: {  	s7 =	simm.s32 $0x0;
	s20 =	sshll.u32 s5, $0x1;
	s5 =	sadd.s32 s21, s3  }
0x9d: {  	[timem:s7], [sflag:s22] =	dma.local [hbm:s5], s20  }
0x9e: {  	_ =	swait.ge [sflag:s22], s20  }
0x9f: {  	s4 =	ssub.s32 $0x0, s20;
	[sflag:s22] =	ssyncset.done $0x0  }
0xa0: {  	[sflag:s22] =	ssyncadd.s32 s4;
	_ =	sdelay $0x1  }
0xa1: {  	s23 =	simm.s32 $0x1B8B  }
0xa2: {  	_ =	swait.ge [sflag:s23], $0x1  }
0xa3: {  	[sflag:s23] =	ssyncset.done $0x0  }
0xa4: {  	s25 =	simm.s32 $0x1B8E;
	s24 =	sld [smem:$0x3FFE];
	[sflag:s23] =	ssyncadd.s32 $0xFFFFFFFF  }
0xa5: {  	s26 =	simm.s32 $execute0_lowered;
	[smem:$0x3FD2] =	sst s25  }
0xa6: {  	s5 =	sshll.u32 s26, $0x1;
	_ =	strace $0x80000049;
	[dreg:$0x1] =	wrdreg $0xFFFFFFFF  }
0xa7: {  	s28 =	simm.s32 $_size_execute0_lowered;
	s3 =	sadd.s32 s3, s5;
	[dreg:$0x0] =	wrdreg $0x0  }
0xa8: {  	s5 =	sshll.u32 s28, $0x1;
	[dreg:$0x2] =	wrdreg s3  }
0xa9: {  	[dreg:$0x3] =	wrdreg s5  }
0xaa: {  	[dreg:$0x4] =	wrdreg $0xC0  }
0xab: {  	_ =	task [dreg:s7], $0x5FFFF  }
0xac: {  	[dreg:$0x1] =	wrdreg $0xFFFFFFFF  }
0xad: {  	[dreg:$0x0] =	wrdreg $0x60  }
0xae: {  	[dreg:$0x2] =	wrdreg s24  }
0xaf: {  	[dreg:$0x3] =	wrdreg s2  }
0xb0: {  	[dreg:$0x4] =	wrdreg $0x88000  }
0xb1: {  	[dreg:$0x5] =	wrdreg $0x9  }
0xb2: {  	_ =	task.clear_ibuf [dreg:s7], $0x6FFFF;
	_ =	strace $0x90000049  }
0xb3: {  	s29 =	simm.s32 $0x9;
	_ =	strace $0x8000004B  }
0xb4: {  	_ =	swait.ge [sflag:s29], $0x1  }
0xb5: {  	[sflag:s29] =	ssyncadd.s32 $0xFFFFFFFF  }
0xb6: {  	_ =	strace $0x9000004B  }
0xb7: {  	_ =	sfence  }
0xb8: {  	s30 =	sld [smem:$0x0];
	_ =	sdelay $0x2  }
0xb9: {  	s31 =	sshll.u32 s1, $0xD;
	s1 =	sshrl.u32 s1, $0x2  }
0xba: {  	s3 =	sand.u32 $0x4000, s31;
	s1 =	sadd.s32 s1, s30  }
0xbb: {  	s0 =	sor.u32 s3, s0;
	s1 =	sshll.u32 s1, $0x11  }
0xbc: {  	s0 =	sor.u32 s1, s0  }
0xbd: {  	s0 =	sadd.s32 $0x8F2B, s0  }
0xbe: {  	[sflag:s0] =	ssyncadd.remote.s32 $0x1  }
0xbf: {  	_ =	sfence.sel $0xFFFF  }
0xc0: {  	[dreg:$0x0] =	wrdreg $0xFFFFFFFF;
	(pc) =	sbr.abs _section_cstart, $3  }
0xc1: {  	[dreg:$0x1] =	wrdreg $0xFFFFFFFF  }
0xc2: {  	_ =	task.clear_ibuf [dreg:s7], $0x2FFFF;
	_ =	strace $0x9FFFFFFF  }
0xc3: {  	(tm) =	ssettm $0x7FFFFFFF  }
tec
execute0_lowered:
.L_overlay_start_1:
0x0: {  	(tag) =	ssettag $0x1  }
0x1: {  	s1 =	rddreg [dreg:$0x0]  }
0x2: {  	s22 =	rddreg [dreg:$0x1]  }
0x3: {  	s23 =	rddreg [dreg:$0x2];
	s24 =	stileid.u32  }
0x4: {  	s25 =	srdreg.scid;
	s7 =	smul.u32 $0x2800, s24  }
0x5: {  	s0 =	simm.s32 $0x0;
	s2 =	sand.u32 $0x1, s25;
	s21 =	smul.u32 $0xA000, s24  }
0x6: {  	s28 =	simm.s32 $0x5;
	s6 =	sor.u32 $0x10, s24;
	s4 =	smul.u32 $0x138800, s2  }
0x7: {  	s29 =	simm.s32 $0x7;
	s9 =	sor.u32 $0x20, s24;
	s10 =	smul.u32 $0x2800, s6  }
0x8: {  	s30 =	simm.s32 $0x80;
	s13 =	sor.u32 $0x40, s24;
	s11 =	smul.u32 $0x2800, s9  }
0x9: {  	[smem:$0x7FF] =	sst s0;
	s19 =	sor.u32 $0x60, s24;
	s15 =	smul.u32 $0x2800, s13  }
0xa: {  	s5 =	sadd.s32 $0x2B200, s1;
	s20 =	sor.u32 $0x70, s24;
	s17 =	smul.u32 $0x2800, s19  }
0xb: {  	s12 =	sshll.u32 s24, $0x1;
	s0 =	ssub.s32 $0x2, s2;
	s18 =	smul.u32 $0x2800, s20  }
0xc: {  	s2 =	sor.u32 s2, s12;
	s12 =	sor.u32 $0x50, s24;
	s6 =	smul.u32 $0xA000, s6  }
0xd: {  	s3 =	sadd.s32 $0x163A00, s1;
	p0 =	sgt.u32 s24, $0xC;
	s16 =	smul.u32 $0x2800, s12  }
0xe: {  	_ =	strace $0x8000004A;
	s8 =	sshrl.u32 s0, $0x1;
	s2 =	smul.u32 $0x2800, s2  }
0xf: {  	s0 =	ssub.s32 s0, s8;
	s8 =	sor.u32 $0x30, s24;
	s7 =	sadd.s32 s7, s4  }
0x10: {  	s10 =	sadd.s32 s4, s10;
	s11 =	sadd.s32 s4, s11;
	s15 =	sadd.s32 s4, s15  }
0x11: {  	s17 =	sadd.s32 s4, s17;
	s24 =	simm.s32 $0x6;
	s14 =	smul.u32 $0x2800, s8  }
0x12: {  	s16 =	sadd.s32 s4, s16;
	s7 =	sshrl.u32 s7, $0x3;
	s26 =	sshrl.u32 s10, $0x3  }
0x13: {  	s10 =	sshrl.u32 s11, $0x3;
	s15 =	sshrl.u32 s15, $0x3;
	s25 =	sshrl.u32 s17, $0x3  }
0x14: {  	s17 =	sadd.s32 $0x1C200, s1;
	s0 =	smax.u32 s0, $0x1;
	s7 =	sadd.s32 s3, s7  }
0x15: {  	[dreg:$0x1a] =	wrdreg s0;
	s14 =	sadd.s32 s4, s14;
	s4 =	sadd.s32 s4, s18  }
0x16: {  	[dreg:$0x4] =	wrdreg s7;
	s7 =	sadd.s32 s3, s26;
	s18 =	sshrl.u32 s16, $0x3  }
0x17: {  	s26 =	sadd.s32 s3, s25;
	s16 =	sadd.s32 $0x12200, s1;
	[dreg:$0x5] =	wrdreg s7  }
0x18: {  	s11 =	sshrl.u32 s14, $0x3;
	s7 =	sadd.s32 s3, s10;
	s10 =	smul.u32 $0xA000, s8  }
0x19: {  	[dreg:$0xa] =	wrdreg s26;
	s4 =	sshrl.u32 s4, $0x3;
	s26 =	smul.u32 $0xA000, s12  }
0x1a: {  	s8 =	smul.u32 $0xA000, s19;
	s19 =	sshrl.u32 s2, $0x3;
	[dreg:$0x6] =	wrdreg s7  }
0x1b: {  	s14 =	sadd.s32 s3, s11;
	s7 =	sadd.s32 s3, s15;
	s15 =	sadd.s32 $0x21200, s1  }
0x1c: {  	s11 =	sshrl.u32 s6, $0x2;
	s6 =	simm.s32 $0xA;
	[dreg:$0x7] =	wrdreg s14  }
0x1d: {  	[dreg:$0x8] =	wrdreg s7;
	s7 =	sadd.s32 s3, s18;
	s3 =	sadd.s32 s3, s4  }
0x1e: {  	s14 =	sadd.s32 $0x5A00, s1;
	s18 =	sadd.s32 $0x1EA00, s1;
	s1 =	sadd.s32 s11, s23  }
0x1f: {  	s11 =	sshrl.u32 s26, $0x2;
	s12 =	sshrl.u32 s8, $0x2;
	[dreg:$0x9] =	wrdreg s7  }
0x20: {  	s26 =	sor.u32 $0x100, s2;
	s8 =	simm.s32 $0x10;
	[dreg:$0xb] =	wrdreg s3  }
0x21: {  	s7 =	smul.u32 $0xA000, s9;
	s9 =	sshrl.u32 s21, $0x2;
	[dreg:$0xd] =	wrdreg s1  }
0x22: {  	s21 =	smul.u32 $0xA000, s13;
	[dreg:$0x19] =	wrdreg s26;
	s26 =	simm.s32 $0x4  }
0x23: {  	s31 =	sadd.s32 s9, s23;
	s25 =	sshrl.u32 s7, $0x2;
	s7 =	sshrl.u32 s10, $0x2  }
0x24: {  	s10 =	smul.u32 $0xA000, s20;
	s20 =	sadd.s32 s22, s19;
	[dreg:$0xc] =	wrdreg s31  }
0x25: {  	s9 =	sshrl.u32 s21, $0x2;
	s21 =	sadd.s32 s14, s19;
	[dreg:$0x14] =	wrdreg s20  }
0x26: {  	s3 =	simm.s32 $0xC;
	s22 =	sadd.s32 s15, s19;
	[dreg:$0x15] =	wrdreg s21  }
0x27: {  	s1 =	sadd.s32 s25, s23;
	[dreg:$0x16] =	wrdreg s22;
	s25 =	sor.u32 $0x80, s2  }
0x28: {  	s22 =	simm.s32 $0x200;
	s20 =	simm.s32 $0xB;
	s21 =	simm.s32 $0xD  }
0x29: {  	s2 =	simm.s32 $0xF;
	[dreg:$0xe] =	wrdreg s1;
	s1 =	sadd.s32 s7, s23  }
0x2a: {  	s13 =	sshrl.u32 s10, $0x2;
	[dreg:$0x18] =	wrdreg s25;
	s25 =	simm.s32 $0x180  }
0x2b: {  	s7 =	simm.s32 $0x0;
	[dreg:$0xf] =	wrdreg s1;
	s1 =	sadd.s32 s9, s23  }
0x2c: {  	s9 =	simm.s32 $0x100;
	[dreg:$0x10] =	wrdreg s1;
	s1 =	sadd.s32 s11, s23  }
0x2d: {  	s11 =	simm.s32 $0x8;
	[dreg:$0x11] =	wrdreg s1;
	s1 =	sadd.s32 s12, s23  }
0x2e: {  	s23 =	sadd.s32 s13, s23;
	s12 =	simm.s32 $0x1;
	[dreg:$0x12] =	wrdreg s1  }
0x2f: {  	s13 =	simm.s32 $0x3;
	s1 =	sadd.s32 s16, s19;
	[dreg:$0x13] =	wrdreg s23  }
0x30: {  	v0 =	vimm.f32 $0.0e+00;
	s19 =	simm.s32 $0x9;
	[dreg:$0x17] =	wrdreg s1;
	s1 =	simm.s32 $0xE  }
.LBB2_1:
0x31: {  	[dreg:$0x1b] =	wrdreg s7;
	s0 =	simm.s32 $0x0;
	s4 =	simm.s32 $0x200  }
.LBB2_2:
0x32: {  	p1 =	sne.s32 s4, $0xFE00;
	[tilespmem:s0+$0x870] =	vst v0  }
0x33: {  	[tilespmem:s0+$0x800] =	vst v0  }
0x34: {  	[tilespmem:s0+$0x810] =	vst v0  }
.Ltmp0:
0x35: {  	[tilespmem:s0+$0x820] =	vst v0;
	(pc) =	sbr.rel @p1 .LBB2_2-.Ltmp0, $4  }
0x36: {  	[tilespmem:s0+$0x830] =	vst v0  }
0x37: {  	[tilespmem:s0+$0x840] =	vst v0  }
0x38: {  	[tilespmem:s0+$0x850] =	vst v0  }
0x39: {  	[tilespmem:s0+$0x860] =	vst v0;
	s0 =	sshra.s32 s4, $0x2;
	s4 =	sadd.s32 $0x200, s4  }
0x3a: {  	[tilespmem:s0+$0x870] =	vst v0  }
0x3b: {  	[tilespmem:s0+$0x800] =	vst v0  }
0x3c: {  	[tilespmem:s0+$0x810] =	vst v0  }
0x3d: {  	[tilespmem:s0+$0x820] =	vst v0  }
0x3e: {  	[tilespmem:s0+$0x830] =	vst v0  }
0x3f: {  	[tilespmem:s0+$0x840] =	vst v0  }
0x40: {  	[tilespmem:s0+$0x850] =	vst v0  }
0x41: {  	[tilespmem:s0+$0x860] =	vst v0;
	s7 =	simm.s32 $0x800;
	s4 =	simm.s32 $0x11  }
0x42: {  	[spmem:s31] =	stream.linear.scatter [tilespmem:s7], [sflag:$0x11], $0x2800, $0x38;
	[tilespmem:$0x1C080] =	vst v63  }
0x43: {  	_ =	swait.ge [sflag:s4], $0x2800  }
0x44: {  	[sflag:s4] =	ssyncset.done $0x0  }
0x45: {  	s10 =	rddreg [dreg:$0xd];
	[sflag:s4] =	ssyncadd.s32 $0xFFFFD800  }
0x46: {  	[spmem:s10] =	stream.linear.scatter [tilespmem:s7], [sflag:$0x11], $0x2800, $0x38;
	[tilespmem:$0x1C080] =	vst v63  }
0x47: {  	_ =	swait.ge [sflag:s4], $0x2800  }
0x48: {  	[sflag:s4] =	ssyncset.done $0x0  }
0x49: {  	s10 =	rddreg [dreg:$0xe];
	[sflag:s4] =	ssyncadd.s32 $0xFFFFD800  }
0x4a: {  	[spmem:s10] =	stream.linear.scatter [tilespmem:s7], [sflag:$0x11], $0x2800, $0x38;
	[tilespmem:$0x1C080] =	vst v63  }
0x4b: {  	_ =	swait.ge [sflag:s4], $0x2800  }
0x4c: {  	[sflag:s4] =	ssyncset.done $0x0  }
0x4d: {  	s10 =	rddreg [dreg:$0xf];
	[sflag:s4] =	ssyncadd.s32 $0xFFFFD800  }
0x4e: {  	[spmem:s10] =	stream.linear.scatter [tilespmem:s7], [sflag:$0x11], $0x2800, $0x38;
	[tilespmem:$0x1C080] =	vst v63  }
0x4f: {  	_ =	swait.ge [sflag:s4], $0x2800  }
0x50: {  	[sflag:s4] =	ssyncset.done $0x0  }
0x51: {  	s10 =	rddreg [dreg:$0x10];
	[sflag:s4] =	ssyncadd.s32 $0xFFFFD800  }
0x52: {  	[spmem:s10] =	stream.linear.scatter [tilespmem:s7], [sflag:$0x11], $0x2800, $0x38;
	[tilespmem:$0x1C080] =	vst v63  }
0x53: {  	_ =	swait.ge [sflag:s4], $0x2800  }
0x54: {  	[sflag:s4] =	ssyncset.done $0x0  }
0x55: {  	s10 =	rddreg [dreg:$0x11];
	[sflag:s4] =	ssyncadd.s32 $0xFFFFD800  }
0x56: {  	[spmem:s10] =	stream.linear.scatter [tilespmem:s7], [sflag:$0x11], $0x2800, $0x38;
	[tilespmem:$0x1C080] =	vst v63  }
0x57: {  	_ =	swait.ge [sflag:s4], $0x2800  }
0x58: {  	[sflag:s4] =	ssyncset.done $0x0  }
0x59: {  	s10 =	rddreg [dreg:$0x12];
	[sflag:s4] =	ssyncadd.s32 $0xFFFFD800  }
0x5a: {  	[spmem:s10] =	stream.linear.scatter [tilespmem:s7], [sflag:$0x11], $0x2800, $0x38;
	[tilespmem:$0x1C080] =	vst v63  }
0x5b: {  	_ =	swait.ge [sflag:s4], $0x2800  }
0x5c: {  	[sflag:s4] =	ssyncset.done $0x0  }
0x5d: {  	s0 =	simm.s32 @!p0 $0x800;
	[sflag:s4] =	ssyncadd.s32 $0xFFFFD800  }
0x5e: {  	[spmem:s23] =	stream.linear.scatter @!p0 [tilespmem:s0], [sflag:$0x11], $0x2800, $0x38;
	[tilespmem:$0x1C080] =	vst v63  }
0x5f: {  	s0 =	simm.s32 @!p0 $0x11  }
0x60: {  	_ =	swait.ge @!p0 [sflag:s0], $0x2800  }
0x61: {  	[sflag:s0] =	ssyncset.done @!p0 $0x0  }
0x62: {  	[sflag:s0] =	ssyncadd.s32 @!p0 $0xFFFFD800  }
0x63: {  	[bflag:$0x0] =	sbarrier.arrive $0xFFFF  }
0x64: {  	s0 =	simm.s32 $0x0;
	s10 =	rddreg [dreg:$0x14]  }
0x65: {  	[tilespmem:s0], [sflag:$0x1] =	stream.linear.gather [hbm4b:s10+s0], $0x80, $0x38;
	[tilespmem:$0x1C080] =	vst v63  }
0x66: {  	s23 =	rddreg [dreg:$0x15]  }
0x67: {  	[tilespmem:s9], [sflag:$0x3] =	stream.linear.gather [hbm4b:s23+s0], $0x80, $0x38;
	[tilespmem:$0x1C080] =	vst v63  }
0x68: {  	s10 =	rddreg [dreg:$0x16]  }
0x69: {  	[tilespmem:s22], [sflag:$0x5] =	stream.linear.gather [hbm4b:s10+s0], $0x80, $0x38;
	[tilespmem:$0x1C080] =	vst v63  }
0x6a: {  	s23 =	rddreg [dreg:$0x17];
	s10 =	simm.s32 $0x300  }
0x6b: {  	[tilespmem:s10], [sflag:$0x7] =	stream.linear.gather [hbm4b:s23+s0], $0x80, $0x38;
	[tilespmem:$0x1C080] =	vst v63  }
0x6c: {  	_ =	swait.ge [sflag:s12], $0x80  }
0x6d: {  	[sflag:s12] =	ssyncset.done $0x0  }
0x6e: {  	[sflag:s12] =	ssyncadd.s32 $0xFFFFFF80  }
0x6f: {  	_ =	swait.ge [sflag:s13], $0x80  }
0x70: {  	[sflag:s13] =	ssyncset.done $0x0  }
0x71: {  	[sflag:s13] =	ssyncadd.s32 $0xFFFFFF80  }
0x72: {  	_ =	swait.ge [sflag:s28], $0x80  }
0x73: {  	[sflag:s28] =	ssyncset.done $0x0  }
0x74: {  	[sflag:s28] =	ssyncadd.s32 $0xFFFFFF80  }
0x75: {  	_ =	swait.ge [sflag:s29], $0x80  }
0x76: {  	[sflag:s29] =	ssyncset.done $0x0  }
0x77: {  	s22 =	simm.s32 $0x400;
	[sflag:s29] =	ssyncadd.s32 $0xFFFFFF80  }
0x78: {  	[tilespmem:s22], [sflag:$0x9] =	stream.indirect.gather [hbm4b:s17+s30], $0x1, s9, s30, $0xb8;
	[tilespmem:$0x1C080] =	vst v63  }
0x79: {  	s23 =	simm.s32 $0x500  }
0x7a: {  	[tilespmem:s23], [sflag:$0xB] =	stream.indirect.gather [hbm4b:s18+s30], $0x1, s9, s30, $0xb8;
	[tilespmem:$0x1C080] =	vst v63  }
0x7b: {  	_ = 	snop  }
0x7c: {  	[tilespmem:s7], [sflag:$0xD] =	stream.indirect.gather [hbm4b:s5+s30], $0x80, s0, s30, $0xb8;
	[tilespmem:$0x1C080] =	vst v63  }
0x7d: {  	_ =	swait.ge [sflag:s19], $0x80  }
0x7e: {  	[sflag:s19] =	ssyncset.done $0x0  }
0x7f: {  	[sflag:s19] =	ssyncadd.s32 $0xFFFFFF80  }
0x80: {  	_ =	swait.ge [sflag:s20], $0x80  }
0x81: {  	[sflag:s20] =	ssyncset.done $0x0  }
0x82: {  	[sflag:s20] =	ssyncadd.s32 $0xFFFFFF80  }
0x83: {  	_ =	swait.ge [sflag:s21], $0x4000  }
0x84: {  	[sflag:s21] =	ssyncset.done $0x0  }
0x85: {  	s31 =	simm.s32 $0x280;
	s4 =	simm.s32 $0x0;
	[sflag:s21] =	ssyncadd.s32 $0xFFFFC000  }
.LBB2_4:
0x86: {  	s10 =	sshll.u32 s4, $0x8;
	s7 =	rddreg [dreg:$0x18]  }
0x87: {  	s10 =	sadd.s32 s10, s7  }
0x88: {  	s23 =	rddreg [dreg:$0x1];
	s10 =	sshrl.u32 s10, $0x3  }
0x89: {  	s23 =	sadd.s32 s23, s10  }
0x8a: {  	[tilespmem:s30], [sflag:$0x2] =	stream.linear.gather [hbm4b:s23+s0], $0x80, $0x38;
	[tilespmem:$0x1C080] =	vst v63  }
0x8b: {  	s7 =	sadd.s32 s14, s10  }
0x8c: {  	[tilespmem:s25], [sflag:$0x4] =	stream.linear.gather [hbm4b:s7+s0], $0x80, $0x38;
	[tilespmem:$0x1C080] =	vst v63  }
0x8d: {  	s22 =	sadd.s32 s15, s10  }
0x8e: {  	[tilespmem:s31], [sflag:$0x6] =	stream.linear.gather [hbm4b:s22+s0], $0x80, $0x38;
	[tilespmem:$0x1C080] =	vst v63  }
0x8f: {  	s10 =	sadd.s32 s16, s10;
	s23 =	simm.s32 $0x380  }
0x90: {  	[tilespmem:s23], [sflag:$0x8] =	stream.linear.gather [hbm4b:s10+s0], $0x80, $0x38;
	[tilespmem:$0x1C080] =	vst v63  }
0x91: {  	v1 =	vld [tilespmem:$0x400]  }
0x92: {  	v2 =	vld [tilespmem:$0x500]  }
0x93: {  	v3 =	vld [tilespmem:$0x410]  }
0x94: {  	v4 =	vld [tilespmem:$0x510]  }
0x95: {  	v5 =	vld [tilespmem:$0x420]  }
0x96: {  	v6 =	vld [tilespmem:$0x520]  }
0x97: {  	v7 =	vld [tilespmem:$0x430]  }
0x98: {  	v8 =	vld [tilespmem:$0x530]  }
0x99: {  	v9 =	vld [tilespmem:$0x440]  }
0x9a: {  	v10 =	vld [tilespmem:$0x540]  }
0x9b: {  	v11 =	vld [tilespmem:$0x450]  }
0x9c: {  	v12 =	vld [tilespmem:$0x550]  }
0x9d: {  	v13 =	vld [tilespmem:$0x460];
	v1 =	vadd.f32 v2, v1  }
0x9e: {  	v2 =	vld [tilespmem:$0x560];
	v3 =	vadd.f32 v4, v3  }
0x9f: {  	v4 =	vld [tilespmem:$0x470];
	v1 =	vadd.f32 $1.000000020e-16, v1  }
0xa0: {  	v5 =	vadd.f32 v6, v5;
	v6 =	vld [tilespmem:$0x570];
	v3 =	vadd.f32 $1.000000020e-16, v3  }
0xa1: {  	v7 =	vadd.f32 v8, v7;
	(erf) = vrcp.f32 v1  }
0xa2: {  	v5 =	vadd.f32 $1.000000020e-16, v5;
	v1 =	vadd.f32 v10, v9;
	(erf) = vrcp.f32 v3  }
0xa3: {  	v3 =	vadd.f32 $1.000000020e-16, v7;
	v7 =	vadd.f32 v12, v11  }
0xa4: {  	v2 =	vadd.f32 v2, v13;
	(erf) = vrcp.f32 v5;
	v1 =	vadd.f32 $1.000000020e-16, v1  }
0xa5: {  	v4 =	vadd.f32 v6, v4;
	(erf) = vrcp.f32 v3;
	v3 =	vadd.f32 $1.000000020e-16, v7  }
0xa6: {  	(erf) = vrcp.f32 v1;
	v1 =	vadd.f32 $1.000000020e-16, v2;
	v2 =	vld [tilespmem:$0x300]  }
0xa7: {  	(erf) = vrcp.f32 v3;
	v3 =	vadd.f32 $1.000000020e-16, v4;
	v4 =	vld [tilespmem:$0x310]  }
0xa8: {  	(erf) = vrcp.f32 v1  }
0xa9: {  	v1 =	vld [tilespmem:$0x320];
	(erf) = vrcp.f32 v3  }
0xaa: {  	v3 =	vld [tilespmem:$0x330];
	v5 =	vpop (erf)  }
0xab: {  	v6 =	vld [tilespmem:$0x340];
	v7 =	vpop (erf)  }
0xac: {  	v2 =	vmul.f32 v5, v2;
	v5 =	vld [tilespmem:$0x350];
	v4 =	vmul.f32 v7, v4  }
0xad: {  	v8 =	vpop (erf);
	v7 =	vld [tilespmem:$0x360]  }
0xae: {  	v9 =	vpop (erf);
	[tilespmem:$0x600] =	vst v2;
	v1 =	vmul.f32 v8, v1;
	v2 =	vld [tilespmem:$0x370]  }
0xaf: {  	v8 =	vpop (erf);
	[tilespmem:$0x610] =	vst v4;
	v3 =	vmul.f32 v9, v3  }
0xb0: {  	[tilespmem:$0x620] =	vst v1;
	v1 =	vmul.f32 v8, v6;
	v4 =	vpop (erf)  }
0xb1: {  	[tilespmem:$0x630] =	vst v3;
	v6 =	vpop (erf);
	v3 =	vmul.f32 v4, v5  }
0xb2: {  	[tilespmem:$0x640] =	vst v1;
	v1 =	vmul.f32 v6, v7;
	v4 =	vpop (erf)  }
0xb3: {  	[tilespmem:$0x650] =	vst v3;
	v2 =	vmul.f32 v4, v2  }
0xb4: {  	[tilespmem:$0x660] =	vst v1  }
0xb5: {  	s10 =	simm.s32 $0x840;
	[tilespmem:$0x670] =	vst v2  }
0xb6: {  	v5 =	vld [tilespmem:s10+$0x30]  }
0xb7: {  	v8 =	vld [tilespmem:s10+$0x10]  }
0xb8: {  	s25 =	simm.s32 $0x0;
	v6 =	vld [tilespmem:s10+$0xFFFFFFC0]  }
0xb9: {  	v2 =	vld.msk [tilespmem:s25+$0x600 ss:$0x0], $0xffff  }
0xba: {  	v10 =	vld [tilespmem:s10+$0xFFFFFFE0]  }
0xbb: {  	v1 =	vld [tilespmem:s10+$0xFFFFFFF0]  }
0xbc: {  	v3 =	vld [tilespmem:s10+$0x20]  }
0xbd: {  	v4 =	vld [tilespmem:s10+$0xFFFFFFD0]  }
0xbe: {  	v9 =	vmul.f32 v5, v2;
	v5 =	vld [tilespmem:s10+$0x0]  }
0xbf: {  	v7 =	vmul.f32 v2, v6  }
0xc0: {  	s31 =	simm.s32 $0x840;
	s23 =	simm.s32 $0x4;
	v6 =	vmul.f32 v10, v2;
	v8 =	vmul.f32 v8, v2  }
.LBB2_5:
0xc1: {  	p1 =	sne.s32 s23, $0x1FC  }
0xc2: {  	v4 =	vmul.f32 v4, v2;
	v3 =	vmul.f32 v3, v2;
	[tilespmem:s10+$0x30] =	vst v9;
	s31 =	sadd.s32 $0x80, s31;
	s7 =	smov.u32 s23;
	s23 =	sadd.s32 $0x4, s23  }
0xc3: {  	[tilespmem:s10+$0xFFFFFFC0] =	vst v7;
	v7 =	vmul.f32 v1, v2;
	v2 =	vmul.f32 v5, v2  }
0xc4: {  	[tilespmem:s10+$0x10] =	vst v8  }
0xc5: {  	[tilespmem:s10+$0xFFFFFFE0] =	vst v6  }
0xc6: {  	v1 =	vld [tilespmem:s31+$0xFFFFFFF0];
	[tilespmem:s10+$0xFFFFFFF0] =	vst v7  }
0xc7: {  	v6 =	vld [tilespmem:s31+$0x30];
	[tilespmem:s10+$0x0] =	vst v2  }
0xc8: {  	v8 =	vld [tilespmem:s31+$0x10];
	[tilespmem:s10+$0x20] =	vst v3  }
0xc9: {  	s7 =	sshra.s32 s7, $0x2;
	v7 =	vld [tilespmem:s31+$0xFFFFFFC0];
	[tilespmem:s10+$0xFFFFFFD0] =	vst v4;
	s10 =	smov.u32 s31  }
0xca: {  	v2 =	vld.msk [tilespmem:s7+$0x600 ss:$0x0], $0xffff  }
0xcb: {  	v10 =	vld [tilespmem:s31+$0xFFFFFFE0]  }
0xcc: {  	v3 =	vld [tilespmem:s31+$0x20]  }
.Ltmp1:
0xcd: {  	v4 =	vld [tilespmem:s31+$0xFFFFFFD0];
	(pc) =	sbr.rel @p1 .LBB2_5-.Ltmp1, $3  }
0xce: {  	v5 =	vld [tilespmem:s31+$0x0];
	_ =	sdelay $0x1  }
0xcf: {  	v7 =	vmul.f32 v2, v7;
	v9 =	vmul.f32 v6, v2  }
0xd0: {  	v8 =	vmul.f32 v8, v2;
	v6 =	vmul.f32 v10, v2  }
0xd1: {  	[tilespmem:s10+$0x30] =	vst v9  }
0xd2: {  	[tilespmem:s10+$0xFFFFFFC0] =	vst v7  }
0xd3: {  	v1 =	vmul.f32 v1, v2;
	[tilespmem:s10+$0x10] =	vst v8  }
0xd4: {  	v3 =	vmul.f32 v3, v2;
	[tilespmem:s10+$0xFFFFFFE0] =	vst v6  }
0xd5: {  	v5 =	vmul.f32 v5, v2;
	[tilespmem:s10+$0xFFFFFFF0] =	vst v1  }
0xd6: {  	v1 =	vmul.f32 v4, v2;
	[tilespmem:s10+$0x20] =	vst v3  }
0xd7: {  	[tilespmem:s10+$0x0] =	vst v5  }
0xd8: {  	s7 =	simm.s32 $0x2;
	[tilespmem:s10+$0xFFFFFFD0] =	vst v1  }
0xd9: {  	_ =	swait.ge [sflag:s7], $0x80  }
0xda: {  	[sflag:s7] =	ssyncset.done $0x0  }
0xdb: {  	[sflag:s7] =	ssyncadd.s32 $0xFFFFFF80  }
0xdc: {  	_ =	swait.ge [sflag:s26], $0x80  }
0xdd: {  	[sflag:s26] =	ssyncset.done $0x0  }
0xde: {  	[sflag:s26] =	ssyncadd.s32 $0xFFFFFF80  }
0xdf: {  	_ =	swait.ge [sflag:s24], $0x80  }
0xe0: {  	[sflag:s24] =	ssyncset.done $0x0  }
0xe1: {  	[sflag:s24] =	ssyncadd.s32 $0xFFFFFF80  }
0xe2: {  	_ =	swait.ge [sflag:s11], $0x80  }
0xe3: {  	[sflag:s11] =	ssyncset.done $0x0  }
0xe4: {  	s22 =	simm.s32 $0x480;
	s7 =	simm.s32 $0x180;
	[sflag:s11] =	ssyncadd.s32 $0xFFFFFF80  }
0xe5: {  	[tilespmem:s22], [sflag:$0xA] =	stream.indirect.gather [hbm4b:s17+s30], $0x1, s7, s30, $0xb8;
	[tilespmem:$0x1C080] =	vst v63  }
0xe6: {  	s23 =	simm.s32 $0x580  }
0xe7: {  	[tilespmem:s23], [sflag:$0xC] =	stream.indirect.gather [hbm4b:s18+s30], $0x1, s7, s30, $0xb8;
	[tilespmem:$0x1C080] =	vst v63  }
0xe8: {  	s10 =	simm.s32 $0x4800  }
0xe9: {  	[tilespmem:s10], [sflag:$0xE] =	stream.indirect.gather [hbm4b:s5+s30], $0x80, s30, s30, $0xb8;
	[tilespmem:$0x1C080] =	vst v63  }
0xea: {  	s31 =	simm.s32 $0x200;
	s22 =	rddreg [dreg:$0x2];
	s23 =	simm.s32 $0x800  }
0xeb: {  	[spmem:s22] =	stream.indirect.scatter.add.f32 [tilespmem:s23], [sflag:$0xF], $0x80, s31, s30, $0xb8;
	[tilespmem:$0x1C080] =	vst v63  }
0xec: {  	_ =	swait.ge [sflag:s6], $0x80  }
0xed: {  	[sflag:s6] =	ssyncset.done $0x0  }
0xee: {  	[sflag:s6] =	ssyncadd.s32 $0xFFFFFF80  }
0xef: {  	_ =	swait.ge [sflag:s3], $0x80  }
0xf0: {  	[sflag:s3] =	ssyncset.done $0x0  }
0xf1: {  	[sflag:s3] =	ssyncadd.s32 $0xFFFFFF80  }
0xf2: {  	_ =	swait.ge [sflag:s1], $0x4000  }
0xf3: {  	[sflag:s1] =	ssyncset.done $0x0  }
0xf4: {  	s10 =	sshll.u32 s4, $0x1;
	[sflag:s1] =	ssyncadd.s32 $0xFFFFC000  }
0xf5: {  	s7 =	smin.u32 s10, $0x4D;
	_ =	swait.ge [sflag:s2], $0x4000  }
0xf6: {  	s7 =	sshll.u32 s7, $0x7;
	s22 =	rddreg [dreg:$0x19];
	[sflag:s2] =	ssyncset.done $0x0  }
0xf7: {  	s7 =	sadd.s32 s7, s22;
	[sflag:s2] =	ssyncadd.s32 $0xFFFFC000  }
0xf8: {  	s7 =	sshrl.u32 s7, $0x3;
	s23 =	rddreg [dreg:$0x1]  }
0xf9: {  	s10 =	sadd.s32 s23, s7;
	s23 =	simm.s32 $0x0  }
0xfa: {  	[tilespmem:s23], [sflag:$0x1] =	stream.linear.gather [hbm4b:s10+s23], $0x80, $0x38;
	[tilespmem:$0x1C080] =	vst v63  }
0xfb: {  	s22 =	sadd.s32 s14, s7  }
0xfc: {  	[tilespmem:s9], [sflag:$0x3] =	stream.linear.gather [hbm4b:s22+s23], $0x80, $0x38;
	[tilespmem:$0x1C080] =	vst v63  }
0xfd: {  	s10 =	sadd.s32 s15, s7  }
0xfe: {  	[tilespmem:s31], [sflag:$0x5] =	stream.linear.gather [hbm4b:s10+s23], $0x80, $0x38;
	[tilespmem:$0x1C080] =	vst v63  }
0xff: {  	s7 =	sadd.s32 s16, s7;
	s10 =	simm.s32 $0x300  }
0x100: {  	[tilespmem:s10], [sflag:$0x7] =	stream.linear.gather [hbm4b:s7+s23], $0x80, $0x38;
	[tilespmem:$0x1C080] =	vst v63  }
0x101: {  	v1 =	vld [tilespmem:$0x480]  }
0x102: {  	v2 =	vld [tilespmem:$0x580]  }
0x103: {  	v3 =	vld [tilespmem:$0x490]  }
0x104: {  	v4 =	vld [tilespmem:$0x590]  }
0x105: {  	v5 =	vld [tilespmem:$0x4A0]  }
0x106: {  	v6 =	vld [tilespmem:$0x5A0]  }
0x107: {  	v7 =	vld [tilespmem:$0x4B0]  }
0x108: {  	v8 =	vld [tilespmem:$0x5B0]  }
0x109: {  	v9 =	vld [tilespmem:$0x4C0]  }
0x10a: {  	v10 =	vld [tilespmem:$0x5C0]  }
0x10b: {  	v11 =	vld [tilespmem:$0x4D0]  }
0x10c: {  	v12 =	vld [tilespmem:$0x5D0]  }
0x10d: {  	v13 =	vld [tilespmem:$0x4E0];
	v1 =	vadd.f32 v2, v1  }
0x10e: {  	v2 =	vld [tilespmem:$0x5E0];
	v3 =	vadd.f32 v4, v3  }
0x10f: {  	v4 =	vld [tilespmem:$0x4F0];
	v1 =	vadd.f32 $1.000000020e-16, v1  }
0x110: {  	v5 =	vadd.f32 v6, v5;
	v6 =	vld [tilespmem:$0x5F0];
	v3 =	vadd.f32 $1.000000020e-16, v3  }
0x111: {  	v7 =	vadd.f32 v8, v7;
	(erf) = vrcp.f32 v1  }
0x112: {  	v5 =	vadd.f32 $1.000000020e-16, v5;
	v1 =	vadd.f32 v10, v9;
	(erf) = vrcp.f32 v3  }
0x113: {  	v3 =	vadd.f32 $1.000000020e-16, v7;
	v7 =	vadd.f32 v12, v11  }
0x114: {  	v2 =	vadd.f32 v2, v13;
	(erf) = vrcp.f32 v5;
	v1 =	vadd.f32 $1.000000020e-16, v1  }
0x115: {  	v4 =	vadd.f32 v6, v4;
	(erf) = vrcp.f32 v3;
	v3 =	vadd.f32 $1.000000020e-16, v7  }
0x116: {  	(erf) = vrcp.f32 v1;
	v1 =	vadd.f32 $1.000000020e-16, v2;
	v2 =	vld [tilespmem:$0x380]  }
0x117: {  	(erf) = vrcp.f32 v3;
	v3 =	vadd.f32 $1.000000020e-16, v4;
	v4 =	vld [tilespmem:$0x390]  }
0x118: {  	(erf) = vrcp.f32 v1  }
0x119: {  	v1 =	vld [tilespmem:$0x3A0];
	(erf) = vrcp.f32 v3  }
0x11a: {  	v3 =	vld [tilespmem:$0x3B0];
	v5 =	vpop (erf)  }
0x11b: {  	v6 =	vld [tilespmem:$0x3C0];
	v7 =	vpop (erf)  }
0x11c: {  	v2 =	vmul.f32 v5, v2;
	v5 =	vld [tilespmem:$0x3D0];
	v4 =	vmul.f32 v7, v4  }
0x11d: {  	v8 =	vpop (erf);
	v7 =	vld [tilespmem:$0x3E0]  }
0x11e: {  	v9 =	vpop (erf);
	[tilespmem:$0x700] =	vst v2;
	v1 =	vmul.f32 v8, v1;
	v2 =	vld [tilespmem:$0x3F0]  }
0x11f: {  	v8 =	vpop (erf);
	[tilespmem:$0x710] =	vst v4;
	v3 =	vmul.f32 v9, v3  }
0x120: {  	[tilespmem:$0x720] =	vst v1;
	v1 =	vmul.f32 v8, v6;
	v4 =	vpop (erf)  }
0x121: {  	[tilespmem:$0x730] =	vst v3;
	v6 =	vpop (erf);
	v3 =	vmul.f32 v4, v5  }
0x122: {  	[tilespmem:$0x740] =	vst v1;
	v1 =	vmul.f32 v6, v7;
	v4 =	vpop (erf)  }
0x123: {  	[tilespmem:$0x750] =	vst v3;
	v2 =	vmul.f32 v4, v2  }
0x124: {  	[tilespmem:$0x760] =	vst v1  }
0x125: {  	s10 =	simm.s32 $0x4840;
	[tilespmem:$0x770] =	vst v2  }
0x126: {  	v5 =	vld [tilespmem:s10+$0x30]  }
0x127: {  	v8 =	vld [tilespmem:s10+$0x10]  }
0x128: {  	s23 =	simm.s32 $0x0;
	v6 =	vld [tilespmem:s10+$0xFFFFFFC0]  }
0x129: {  	v2 =	vld.msk [tilespmem:s23+$0x700 ss:$0x0], $0xffff  }
0x12a: {  	v10 =	vld [tilespmem:s10+$0xFFFFFFE0]  }
0x12b: {  	v1 =	vld [tilespmem:s10+$0xFFFFFFF0]  }
0x12c: {  	v3 =	vld [tilespmem:s10+$0x20]  }
0x12d: {  	v4 =	vld [tilespmem:s10+$0xFFFFFFD0]  }
0x12e: {  	v9 =	vmul.f32 v5, v2;
	v5 =	vld [tilespmem:s10+$0x0]  }
0x12f: {  	s25 =	simm.s32 $0x180;
	v7 =	vmul.f32 v2, v6  }
0x130: {  	s22 =	simm.s32 $0x200;
	s31 =	simm.s32 $0x4840;
	s23 =	simm.s32 $0x4;
	v6 =	vmul.f32 v10, v2;
	v8 =	vmul.f32 v8, v2  }
.LBB2_7:
0x131: {  	p1 =	sne.s32 s23, $0x1FC  }
0x132: {  	v4 =	vmul.f32 v4, v2;
	v3 =	vmul.f32 v3, v2;
	[tilespmem:s10+$0x30] =	vst v9;
	s31 =	sadd.s32 $0x80, s31;
	s7 =	smov.u32 s23;
	s23 =	sadd.s32 $0x4, s23  }
0x133: {  	[tilespmem:s10+$0xFFFFFFC0] =	vst v7;
	v7 =	vmul.f32 v1, v2;
	v2 =	vmul.f32 v5, v2  }
0x134: {  	[tilespmem:s10+$0x10] =	vst v8  }
0x135: {  	[tilespmem:s10+$0xFFFFFFE0] =	vst v6  }
0x136: {  	v1 =	vld [tilespmem:s31+$0xFFFFFFF0];
	[tilespmem:s10+$0xFFFFFFF0] =	vst v7  }
0x137: {  	v6 =	vld [tilespmem:s31+$0x30];
	[tilespmem:s10+$0x0] =	vst v2  }
0x138: {  	v8 =	vld [tilespmem:s31+$0x10];
	[tilespmem:s10+$0x20] =	vst v3  }
0x139: {  	s7 =	sshra.s32 s7, $0x2;
	v7 =	vld [tilespmem:s31+$0xFFFFFFC0];
	[tilespmem:s10+$0xFFFFFFD0] =	vst v4;
	s10 =	smov.u32 s31  }
0x13a: {  	v2 =	vld.msk [tilespmem:s7+$0x700 ss:$0x0], $0xffff  }
0x13b: {  	v10 =	vld [tilespmem:s31+$0xFFFFFFE0]  }
0x13c: {  	v3 =	vld [tilespmem:s31+$0x20]  }
.Ltmp2:
0x13d: {  	v4 =	vld [tilespmem:s31+$0xFFFFFFD0];
	(pc) =	sbr.rel @p1 .LBB2_7-.Ltmp2, $3  }
0x13e: {  	v5 =	vld [tilespmem:s31+$0x0];
	_ =	sdelay $0x1  }
0x13f: {  	v7 =	vmul.f32 v2, v7;
	v9 =	vmul.f32 v6, v2  }
0x140: {  	v8 =	vmul.f32 v8, v2;
	v6 =	vmul.f32 v10, v2  }
0x141: {  	[tilespmem:s10+$0x30] =	vst v9  }
0x142: {  	[tilespmem:s10+$0xFFFFFFC0] =	vst v7  }
0x143: {  	v1 =	vmul.f32 v1, v2;
	[tilespmem:s10+$0x10] =	vst v8  }
0x144: {  	v3 =	vmul.f32 v3, v2;
	[tilespmem:s10+$0xFFFFFFE0] =	vst v6  }
0x145: {  	v5 =	vmul.f32 v5, v2;
	[tilespmem:s10+$0xFFFFFFF0] =	vst v1  }
0x146: {  	v1 =	vmul.f32 v4, v2;
	[tilespmem:s10+$0x20] =	vst v3  }
0x147: {  	[tilespmem:s10+$0x0] =	vst v5  }
0x148: {  	[tilespmem:s10+$0xFFFFFFD0] =	vst v1  }
0x149: {  	_ =	swait.ge [sflag:s12], $0x80  }
0x14a: {  	[sflag:s12] =	ssyncset.done $0x0  }
0x14b: {  	[sflag:s12] =	ssyncadd.s32 $0xFFFFFF80  }
0x14c: {  	_ =	swait.ge [sflag:s13], $0x80  }
0x14d: {  	[sflag:s13] =	ssyncset.done $0x0  }
0x14e: {  	[sflag:s13] =	ssyncadd.s32 $0xFFFFFF80  }
0x14f: {  	_ =	swait.ge [sflag:s28], $0x80  }
0x150: {  	[sflag:s28] =	ssyncset.done $0x0  }
0x151: {  	[sflag:s28] =	ssyncadd.s32 $0xFFFFFF80  }
0x152: {  	_ =	swait.ge [sflag:s29], $0x80  }
0x153: {  	[sflag:s29] =	ssyncset.done $0x0  }
0x154: {  	s7 =	simm.s32 $0x400;
	[sflag:s29] =	ssyncadd.s32 $0xFFFFFF80  }
0x155: {  	[tilespmem:s7], [sflag:$0x9] =	stream.indirect.gather [hbm4b:s17+s30], $0x1, s9, s30, $0xb8;
	[tilespmem:$0x1C080] =	vst v63  }
0x156: {  	s23 =	simm.s32 $0x500  }
0x157: {  	[tilespmem:s23], [sflag:$0xB] =	stream.indirect.gather [hbm4b:s18+s30], $0x1, s9, s30, $0xb8;
	[tilespmem:$0x1C080] =	vst v63  }
0x158: {  	s10 =	simm.s32 $0x0;
	s23 =	simm.s32 $0x800  }
0x159: {  	[tilespmem:s23], [sflag:$0xD] =	stream.indirect.gather [hbm4b:s5+s30], $0x80, s10, s30, $0xb8;
	[tilespmem:$0x1C080] =	vst v63  }
0x15a: {  	s31 =	simm.s32 $0x280;
	s10 =	rddreg [dreg:$0x2];
	s23 =	simm.s32 $0x4800  }
0x15b: {  	[spmem:s10] =	stream.indirect.scatter.add.f32 [tilespmem:s23], [sflag:$0x10], $0x80, s31, s30, $0xb8;
	[tilespmem:$0x1C080] =	vst v63  }
0x15c: {  	_ =	swait.ge [sflag:s19], $0x80  }
0x15d: {  	[sflag:s19] =	ssyncset.done $0x0  }
0x15e: {  	[sflag:s19] =	ssyncadd.s32 $0xFFFFFF80  }
0x15f: {  	_ =	swait.ge [sflag:s20], $0x80  }
0x160: {  	[sflag:s20] =	ssyncset.done $0x0  }
0x161: {  	s4 =	sadd.s32 $0x1, s4;
	[sflag:s20] =	ssyncadd.s32 $0xFFFFFF80  }
0x162: {  	p1 =	sne.s32 s4, $0x28;
	_ =	swait.ge [sflag:s21], $0x4000  }
.Ltmp3:
0x163: {  	[sflag:s21] =	ssyncset.done $0x0;
	(pc) =	sbr.rel @p1 .LBB2_4-.Ltmp3, $4  }
0x164: {  	[sflag:s21] =	ssyncadd.s32 $0xFFFFC000  }
0x165: {  	_ =	swait.ge [sflag:s8], $0x4000  }
0x166: {  	[sflag:s8] =	ssyncset.done $0x0  }
0x167: {  	[sflag:s8] =	ssyncadd.s32 $0xFFFFC000  }
0x168: {  	[bflag:$0x0] =	sbarrier.arrive $0xFFFF  }
0x169: {  	s7 =	simm.s32 $0x800;
	s10 =	simm.s32 $0x11;
	s31 =	rddreg [dreg:$0xc]  }
0x16a: {  	[tilespmem:s7], [sflag:$0x11] =	stream.linear.gather [spmem:s31], $0x2800, $0x38;
	[tilespmem:$0x1C080] =	vst v63  }
0x16b: {  	_ =	swait.ge [sflag:s10], $0x2800  }
0x16c: {  	[sflag:s10] =	ssyncset.done $0x0  }
0x16d: {  	s0 =	simm.s32 $0x0;
	s4 =	rddreg [dreg:$0x4];
	[sflag:s10] =	ssyncadd.s32 $0xFFFFD800  }
0x16e: {  	[hbm4b:s4+s0] =	stream.linear.scatter [tilespmem:s7], [sflag:$0x11], $0x2800, $0x38;
	[tilespmem:$0x1C080] =	vst v63  }
0x16f: {  	_ =	swait.ge [sflag:s10], $0x2800  }
0x170: {  	[sflag:s10] =	ssyncset.done $0x0  }
0x171: {  	s23 =	rddreg [dreg:$0xd];
	[sflag:s10] =	ssyncadd.s32 $0xFFFFD800  }
0x172: {  	[tilespmem:s7], [sflag:$0x11] =	stream.linear.gather [spmem:s23], $0x2800, $0x38;
	[tilespmem:$0x1C080] =	vst v63  }
0x173: {  	_ =	swait.ge [sflag:s10], $0x2800  }
0x174: {  	[sflag:s10] =	ssyncset.done $0x0  }
0x175: {  	s23 =	rddreg [dreg:$0x5];
	[sflag:s10] =	ssyncadd.s32 $0xFFFFD800  }
0x176: {  	[hbm4b:s23+s0] =	stream.linear.scatter [tilespmem:s7], [sflag:$0x11], $0x2800, $0x38;
	[tilespmem:$0x1C080] =	vst v63  }
0x177: {  	_ =	swait.ge [sflag:s10], $0x2800  }
0x178: {  	[sflag:s10] =	ssyncset.done $0x0  }
0x179: {  	s23 =	rddreg [dreg:$0xe];
	[sflag:s10] =	ssyncadd.s32 $0xFFFFD800  }
0x17a: {  	[tilespmem:s7], [sflag:$0x11] =	stream.linear.gather [spmem:s23], $0x2800, $0x38;
	[tilespmem:$0x1C080] =	vst v63  }
0x17b: {  	_ =	swait.ge [sflag:s10], $0x2800  }
0x17c: {  	[sflag:s10] =	ssyncset.done $0x0  }
0x17d: {  	s23 =	rddreg [dreg:$0x6];
	[sflag:s10] =	ssyncadd.s32 $0xFFFFD800  }
0x17e: {  	[hbm4b:s23+s0] =	stream.linear.scatter [tilespmem:s7], [sflag:$0x11], $0x2800, $0x38;
	[tilespmem:$0x1C080] =	vst v63  }
0x17f: {  	_ =	swait.ge [sflag:s10], $0x2800  }
0x180: {  	[sflag:s10] =	ssyncset.done $0x0  }
0x181: {  	s23 =	rddreg [dreg:$0xf];
	[sflag:s10] =	ssyncadd.s32 $0xFFFFD800  }
0x182: {  	[tilespmem:s7], [sflag:$0x11] =	stream.linear.gather [spmem:s23], $0x2800, $0x38;
	[tilespmem:$0x1C080] =	vst v63  }
0x183: {  	_ =	swait.ge [sflag:s10], $0x2800  }
0x184: {  	[sflag:s10] =	ssyncset.done $0x0  }
0x185: {  	s23 =	rddreg [dreg:$0x7];
	[sflag:s10] =	ssyncadd.s32 $0xFFFFD800  }
0x186: {  	[hbm4b:s23+s0] =	stream.linear.scatter [tilespmem:s7], [sflag:$0x11], $0x2800, $0x38;
	[tilespmem:$0x1C080] =	vst v63  }
0x187: {  	_ =	swait.ge [sflag:s10], $0x2800  }
0x188: {  	[sflag:s10] =	ssyncset.done $0x0  }
0x189: {  	s23 =	rddreg [dreg:$0x10];
	[sflag:s10] =	ssyncadd.s32 $0xFFFFD800  }
0x18a: {  	[tilespmem:s7], [sflag:$0x11] =	stream.linear.gather [spmem:s23], $0x2800, $0x38;
	[tilespmem:$0x1C080] =	vst v63  }
0x18b: {  	_ =	swait.ge [sflag:s10], $0x2800  }
0x18c: {  	[sflag:s10] =	ssyncset.done $0x0  }
0x18d: {  	s23 =	rddreg [dreg:$0x8];
	[sflag:s10] =	ssyncadd.s32 $0xFFFFD800  }
0x18e: {  	[hbm4b:s23+s0] =	stream.linear.scatter [tilespmem:s7], [sflag:$0x11], $0x2800, $0x38;
	[tilespmem:$0x1C080] =	vst v63  }
0x18f: {  	_ =	swait.ge [sflag:s10], $0x2800  }
0x190: {  	[sflag:s10] =	ssyncset.done $0x0  }
0x191: {  	s23 =	rddreg [dreg:$0x11];
	[sflag:s10] =	ssyncadd.s32 $0xFFFFD800  }
0x192: {  	[tilespmem:s7], [sflag:$0x11] =	stream.linear.gather [spmem:s23], $0x2800, $0x38;
	[tilespmem:$0x1C080] =	vst v63  }
0x193: {  	_ =	swait.ge [sflag:s10], $0x2800  }
0x194: {  	[sflag:s10] =	ssyncset.done $0x0  }
0x195: {  	s23 =	rddreg [dreg:$0x9];
	[sflag:s10] =	ssyncadd.s32 $0xFFFFD800  }
0x196: {  	[hbm4b:s23+s0] =	stream.linear.scatter [tilespmem:s7], [sflag:$0x11], $0x2800, $0x38;
	[tilespmem:$0x1C080] =	vst v63  }
0x197: {  	_ =	swait.ge [sflag:s10], $0x2800  }
0x198: {  	[sflag:s10] =	ssyncset.done $0x0  }
0x199: {  	s23 =	rddreg [dreg:$0x12];
	[sflag:s10] =	ssyncadd.s32 $0xFFFFD800  }
0x19a: {  	[tilespmem:s7], [sflag:$0x11] =	stream.linear.gather [spmem:s23], $0x2800, $0x38;
	[tilespmem:$0x1C080] =	vst v63  }
0x19b: {  	_ =	swait.ge [sflag:s10], $0x2800  }
0x19c: {  	[sflag:s10] =	ssyncset.done $0x0  }
0x19d: {  	s23 =	rddreg [dreg:$0xa];
	[sflag:s10] =	ssyncadd.s32 $0xFFFFD800  }
0x19e: {  	[hbm4b:s23+s0] =	stream.linear.scatter [tilespmem:s7], [sflag:$0x11], $0x2800, $0x38;
	[tilespmem:$0x1C080] =	vst v63  }
0x19f: {  	_ =	swait.ge [sflag:s10], $0x2800  }
0x1a0: {  	s4 =	simm.s32 @!p0 $0x11;
	[sflag:s10] =	ssyncset.done $0x0  }
0x1a1: {  	s0 =	simm.s32 @!p0 $0x800;
	s23 =	rddreg [dreg:$0x13];
	[sflag:s10] =	ssyncadd.s32 $0xFFFFD800  }
0x1a2: {  	[tilespmem:s0], [sflag:$0x11] =	stream.linear.gather @!p0 [spmem:s23], $0x2800, $0x38;
	[tilespmem:$0x1C080] =	vst v63  }
0x1a3: {  	_ =	swait.ge @!p0 [sflag:s4], $0x2800  }
0x1a4: {  	[sflag:s4] =	ssyncset.done @!p0 $0x0  }
0x1a5: {  	s7 =	simm.s32 @!p0 $0x0;
	s10 =	rddreg [dreg:$0xb];
	[sflag:s4] =	ssyncadd.s32 @!p0 $0xFFFFD800  }
0x1a6: {  	[hbm4b:s10+s7] =	stream.linear.scatter @!p0 [tilespmem:s0], [sflag:$0x11], $0x2800, $0x38;
	[tilespmem:$0x1C080] =	vst v63  }
0x1a7: {  	_ =	swait.ge @!p0 [sflag:s4], $0x2800  }
0x1a8: {  	s0 =	rddreg [dreg:$0x1b]  }
0x1a9: {  	s10 =	rddreg [dreg:$0x1a];
	s7 =	sadd.s32 $0x1, s0  }
0x1aa: {  	p1 =	sne.s32 s7, s10  }
.Ltmp4:
0x1ab: {  	_ = 	snop;
	(pc) =	sbr.rel @p1 .LBB2_1-.Ltmp4, $3  }
0x1ac: {  	_ =	sdelay $0x1  }
0x1ad: {  	[sflag:s4] =	ssyncset.done @!p0 $0x0  }
0x1ae: {  	[sflag:s4] =	ssyncadd.s32 @!p0 $0xFFFFD800  }
0x1af: {  	_ =	sfence.sel $0x180000  }
0x1b0: {  	[bflag:$0x0] =	sbarrier.arrive $0xFFFF  }
0x1b1: {  	_ =	strace $0x9000004A  }
0x1b2: {  	s0 =	stileid.u32;
	[bflag:$0x2] =	sbarrier.arrive $0xFFFF  }
0x1b3: {  	p0 =	sne.s32 s0, $0x0;
	s0 =	rddreg [dreg:$0x3]  }
0x1b4: {  	s0 =	sadd.s32 @!p0 $0x100000, s0  }
0x1b5: {  	[sflag:s0] =	ssyncadd.tile.s32 @!p0 $0x1;
	_ =	shalt  }
.Lfunc_end2:
_tile_overlayer_lowered:
.L_overlay_start_2:
0x1b6: {  	(tag) =	ssettag $0x2  }
0x1b7: {  	s0 =	rddreg [dreg:$0x0];
	s2 =	stileid.u32  }
0x1b8: {  	s1 =	rddreg [dreg:$0x1];
	p0 =	sne.s32 s2, $0x0  }
0x1b9: {  	s3 =	rddreg [dreg:$0x2];
	[bflag:$0x3] =	sbarrier.arrive $0xFFFF;
	s2 =	simm.s32 @!p0 $0x1C11  }
0x1ba: {  	[timem:s3], [sflag:s2] =	dma.local @!p0 [hbm:s0], s1  }
0x1bb: {  	s0 =	simm.s32 @!p0 $0x11  }
0x1bc: {  	_ =	swait.ge @!p0 [sflag:s0], s1  }
0x1bd: {  	s1 =	ssub.s32 @!p0 $0x0, s1;
	[sflag:s0] =	ssyncset.done @!p0 $0x0  }
0x1be: {  	[sflag:s0] =	ssyncadd.s32 @!p0 s1  }
0x1bf: {  	[bflag:$0x3] =	sbarrier.arrive $0xFFFF  }
0x1c0: {  	_ =	shalt  }

// kernel: kernel.7.cloned.1.call-start
scs
__scs_entry_jumppad:
0x0: {  	(pc) =	sbr.rel $0x88, $3  }
0x1: {  	(tag) =	ssettag $0x0;
	lr =	simm.s32 $0x1  }
0x2: {  	[smem:$0x3F98] =	sst lr;
	_ =	strace $0xD0000000  }
0x3: {  	_ = 	snop  }
0x4: {  	_ = 	snop  }
0x5: {  	_ = 	snop  }
0x6: {  	_ = 	snop  }
0x7: {  	_ = 	snop  }
__scs_overlays_trampoline_lowered:
0x8: {  	[smem:$0x3FA7] =	sst s0  }
0x9: {  	[smem:$0x3FA8] =	sst s1  }
0xa: {  	[smem:$0x3FA9] =	sst s2  }
0xb: {  	[smem:$0x3FAA] =	sst s3  }
0xc: {  	[smem:$0x3FAB] =	sst s4  }
0xd: {  	[smem:$0x3FAC] =	sst s5  }
0xe: {  	[smem:$0x3FAD] =	sst s6  }
0xf: {  	[smem:$0x3FAE] =	sst s7  }
0x10: {  	[smem:$0x3FAF] =	sst s8  }
0x11: {  	[smem:$0x3FB0] =	sst s9;
	s0 =	simm.s32 @!p0 $0x0  }
0x12: {  	s1 =	sld [smem:$0x3F96];
	s0 =	simm.s32 @p0 $0x1  }
0x13: {  	[smem:$0x3FB1] =	sst s0;
	s0 =	simm.s32 @!p1 $0x0  }
0x14: {  	s2 =	sld [smem:$0x3F95];
	s0 =	simm.s32 @p1 $0x1  }
0x15: {  	[smem:$0x3FB2] =	sst s0;
	s0 =	simm.s32 @!p2 $0x0  }
0x16: {  	s3 =	sld [smem:$0x3FDB];
	s0 =	simm.s32 @p2 $0x1  }
0x17: {  	s4 =	simm.s32 $0x1BF5;
	[smem:$0x3FB4] =	sst s0  }
0x18: {  	s0 =	sld [smem:$0x3F97];
	_ =	swait.ge [sflag:s4], $0x0  }
0x19: {  	s7 =	sld [smem:$0x3F98]  }
0x1a: {  	s8 =	sadd.s32 $0xFFFFE003, lr  }
0x1b: {  	s9 =	sadd.s32 $0xFFFFFEF7, lr;
	s5 =	simm.s32 $0xFFFFFFFF;
	p2 =	slt.u32 s8, $0xFFFFF086  }
0x1c: {  	p1 =	slt.u32 s9, $0xF7A;
	s5 =	simm.s32 @!p2 $0x0  }
0x1d: {  	s5 =	simm.s32 @p1 $0x1;
	p0 =	seq.s32 s7, s2  }
0x1e: {  	s7 =	smul.u32 @!p0 $0xF7A, s2;
	p2 =	seq.s32 @!p0 s5, $0x0  }
0x1f: {  	s9 =	smul.u32 $0xF7A, s1;
	s8 =	simm.s32 @!p0 $0x1BF5;
	p2 =	por !p2, p0  }
0x20: {  	[sflag:s8] =	ssyncset.s32 @!p0 $0xFFFFF086;
	s6 =	sadd.s32 @!p0 s3, s7;
	s7 =	simm.s32 @!p0 $0x108  }
0x21: {  	s3 =	sadd.s32 s3, s9;
	s6 =	sadd.s32 @!p0 $0x88, s6;
	s7 =	simm.s32 @p2 $0x1082  }
0x22: {  	[simem:s7], [sflag:s8] =	dma.local @!p0 [hbm:s6], $0xF7A  }
0x23: {  	s9 =	sor.u32 $0xD0000000, s2;
	s6 =	simm.s32 $0x108;
	_ =	swait.ge @!p0 [sflag:s8], $0x0  }
0x24: {  	s3 =	sadd.s32 $0x88, s3;
	s6 =	simm.s32 @!p1 $0x1082;
	[sflag:s4] =	ssyncset.s32 $0xFFFFF086  }
0x25: {  	[simem:s6], [sflag:s4] =	dma.local [hbm:s3], $0xF7A  }
0x26: {  	[smem:$0x3F98] =	sst s1;
	(tag) =	ssettag s2;
	_ =	strace s9  }
0x27: {  	s1 =	sld [smem:$0x3FA8]  }
0x28: {  	s2 =	sld [smem:$0x3FA9]  }
0x29: {  	s4 =	sld [smem:$0x3FAB]  }
0x2a: {  	p0 =	seq.s32 s5, $0x0;
	s5 =	sld [smem:$0x3FAC]  }
0x2b: {  	s6 =	sld [smem:$0x3FAD]  }
0x2c: {  	s7 =	sld [smem:$0x3FAE]  }
0x2d: {  	s3 =	simm.s32 $0x108;
	s8 =	sld [smem:$0x3FAF]  }
0x2e: {  	s3 =	simm.s32 @!p0 $0x1082;
	s9 =	sld [smem:$0x3FB0]  }
0x2f: {  	lr =	sadd.s32 s0, s3;
	s0 =	sld [smem:$0x3FA7]  }
0x30: {  	s3 =	sld [smem:$0x3FAA]  }
0x31: {  	[smem:$0x3FB3] =	sst s10  }
0x32: {  	s10 =	sld [smem:$0x3FB1];
	_ =	sdelay $0x3  }
0x33: {  	p0 =	seq.s32 s10, $0x1;
	s10 =	sld [smem:$0x3FB3];
	_ =	sdelay $0x3  }
0x34: {  	[smem:$0x3FB3] =	sst s10  }
0x35: {  	s10 =	sld [smem:$0x3FB2];
	_ =	sdelay $0x3  }
0x36: {  	p1 =	seq.s32 s10, $0x1;
	s10 =	sld [smem:$0x3FB3];
	_ =	sdelay $0x3  }
0x37: {  	[smem:$0x3FB3] =	sst s10  }
0x38: {  	s10 =	sld [smem:$0x3FB4]  }
0x39: {  	_ = 	snop;
	(pc) =	sbr.ind lr, $3  }
0x3a: {  	_ = 	snop  }
0x3b: {  	_ = 	snop  }
0x3c: {  	p2 =	seq.s32 s10, $0x1;
	s10 =	sld [smem:$0x3FB3]  }
0x3d: {  	_ =	shalt  }
0x3e: {  	_ =	shalt  }
0x3f: {  	_ =	shalt  }
0x40: {  	_ =	shalt  }
0x41: {  	_ =	shalt  }
0x42: {  	_ =	shalt  }
0x43: {  	_ =	shalt  }
0x44: {  	_ =	shalt  }
0x45: {  	_ =	shalt  }
0x46: {  	_ =	shalt  }
0x47: {  	_ =	shalt  }
0x48: {  	_ =	shalt  }
0x49: {  	_ =	shalt  }
0x4a: {  	_ =	shalt  }
0x4b: {  	_ =	shalt  }
0x4c: {  	_ =	shalt  }
0x4d: {  	_ =	shalt  }
0x4e: {  	_ =	shalt  }
0x4f: {  	_ =	shalt  }
0x50: {  	_ =	shalt  }
0x51: {  	_ =	shalt  }
0x52: {  	_ =	shalt  }
0x53: {  	_ =	shalt  }
0x54: {  	_ =	shalt  }
0x55: {  	_ =	shalt  }
0x56: {  	_ =	shalt  }
0x57: {  	_ =	shalt  }
0x58: {  	_ =	shalt  }
0x59: {  	_ =	shalt  }
0x5a: {  	_ =	shalt  }
0x5b: {  	_ =	shalt  }
0x5c: {  	_ =	shalt  }
0x5d: {  	_ =	shalt  }
0x5e: {  	_ =	shalt  }
0x5f: {  	_ =	shalt  }
0x60: {  	_ =	shalt  }
0x61: {  	_ =	shalt  }
0x62: {  	_ =	shalt  }
0x63: {  	_ =	shalt  }
0x64: {  	_ =	shalt  }
0x65: {  	_ =	shalt  }
0x66: {  	_ =	shalt  }
0x67: {  	_ =	shalt  }
0x68: {  	_ =	shalt  }
0x69: {  	_ =	shalt  }
0x6a: {  	_ =	shalt  }
0x6b: {  	_ =	shalt  }
0x6c: {  	_ =	shalt  }
0x6d: {  	_ =	shalt  }
0x6e: {  	_ =	shalt  }
0x6f: {  	_ =	shalt  }
0x70: {  	_ =	shalt  }
0x71: {  	_ =	shalt  }
0x72: {  	_ =	shalt  }
0x73: {  	_ =	shalt  }
0x74: {  	_ =	shalt  }
0x75: {  	_ =	shalt  }
0x76: {  	_ =	shalt  }
0x77: {  	_ =	shalt  }
0x78: {  	_ =	shalt  }
0x79: {  	_ =	shalt  }
0x7a: {  	_ =	shalt  }
0x7b: {  	_ =	shalt  }
0x7c: {  	_ =	shalt  }
0x7d: {  	_ =	shalt  }
0x7e: {  	_ =	shalt  }
0x7f: {  	_ =	shalt  }
0x80: {  	_ =	shalt  }
0x81: {  	_ =	shalt  }
0x82: {  	_ =	shalt  }
0x83: {  	_ =	shalt  }
0x84: {  	_ =	shalt  }
0x85: {  	_ =	shalt  }
0x86: {  	_ =	shalt  }
0x87: {  	_ =	shalt  }
.Lfunc_end0:
.L_simem_size_0:
called_computation_lowered:
.L_overlay_start_0:
0x88: {  	s2 =	sld [smem:$0x3FD9]  }
0x89: {  	s3 =	sld [smem:$0x3FFE];
	_ =	sdelay $0x1  }
0x8a: {  	s1 =	srdreg.scid  }
0x8b: {  	s0 =	sand.u32 $0x1, s1  }
0x8c: {  	s17 =	sshll.u32 s0, $0xA;
	s2 =	sadd.s32 s3, s2  }
0x8d: {  	s2 =	sadd.s32 s2, s17  }
0x8e: {  	[smem:$0x3FBF] =	sst s2  }
0x8f: {  	_ = 	snop  }
0x90: {  	s2 =	sld [smem:$0x3FD0];
	(tm) =	ssettm $0x1  }
0x91: {  	s18 =	sld [smem:$0x3FFB];
	_ =	sdelay $0x3  }
0x92: {  	_ =	strace s18  }
0x93: {  	s3 =	sld [smem:$0x3FFC];
	_ =	sdelay $0x3  }
0x94: {  	_ =	strace s3  }
0x95: {  	s3 =	sld [smem:$0x3FFD];
	_ =	sdelay $0x3  }
0x96: {  	_ =	strace s3  }
0x97: {  	_ =	strace $0x8FFFFFFF  }
0x98: {  	s19 =	sld [smem:$0x3FDB];
	_ =	sdelay $0x1  }
0x99: {  	s4 =	simm.s32 $_scs_section_size  }
0x9a: {  	s5 =	simm.s32 $_size__tile_overlayer_lowered;
	s6 =	simm.s32 $_tile_overlayer_lowered  }
0x9b: {  	s22 =	simm.s32 $0x1BFF;
	s21 =	sshll.u32 s6, $0x1;
	s3 =	sadd.s32 s4, s19  }
0x9c: {  	s7 =	simm.s32 $0x0;
	s20 =	sshll.u32 s5, $0x1;
	s5 =	sadd.s32 s21, s3  }
0x9d: {  	[timem:s7], [sflag:s22] =	dma.local [hbm:s5], s20  }
0x9e: {  	_ =	swait.ge [sflag:s22], s20  }
0x9f: {  	s4 =	ssub.s32 $0x0, s20;
	[sflag:s22] =	ssyncset.done $0x0  }
0xa0: {  	[sflag:s22] =	ssyncadd.s32 s4;
	_ =	sdelay $0x1  }
0xa1: {  	s23 =	simm.s32 $0x1B8B  }
0xa2: {  	_ =	swait.ge [sflag:s23], $0x1  }
0xa3: {  	[sflag:s23] =	ssyncset.done $0x0  }
0xa4: {  	s25 =	simm.s32 $0x1B8E;
	s24 =	sld [smem:$0x3FFE];
	[sflag:s23] =	ssyncadd.s32 $0xFFFFFFFF  }
0xa5: {  	s26 =	simm.s32 $execute0_lowered;
	[smem:$0x3FD2] =	sst s25  }
0xa6: {  	s5 =	sshll.u32 s26, $0x1;
	_ =	strace $0x80000046;
	[dreg:$0x1] =	wrdreg $0xFFFFFFFF  }
0xa7: {  	s28 =	simm.s32 $_size_execute0_lowered;
	s3 =	sadd.s32 s3, s5;
	[dreg:$0x0] =	wrdreg $0x0  }
0xa8: {  	s5 =	sshll.u32 s28, $0x1;
	[dreg:$0x2] =	wrdreg s3  }
0xa9: {  	[dreg:$0x3] =	wrdreg s5  }
0xaa: {  	[dreg:$0x4] =	wrdreg $0xC0  }
0xab: {  	_ =	task [dreg:s7], $0x5FFFF  }
0xac: {  	[dreg:$0x1] =	wrdreg $0xFFFFFFFF  }
0xad: {  	[dreg:$0x0] =	wrdreg $0x60  }
0xae: {  	[dreg:$0x2] =	wrdreg s2  }
0xaf: {  	[dreg:$0x3] =	wrdreg s24  }
0xb0: {  	[dreg:$0x4] =	wrdreg $0x19000  }
0xb1: {  	[dreg:$0x5] =	wrdreg $0x9  }
0xb2: {  	_ =	task.clear_ibuf [dreg:s7], $0x6FFFF;
	_ =	strace $0x90000046  }
0xb3: {  	s29 =	simm.s32 $0x9;
	_ =	strace $0x80000048  }
0xb4: {  	_ =	swait.ge [sflag:s29], $0x1  }
0xb5: {  	[sflag:s29] =	ssyncadd.s32 $0xFFFFFFFF  }
0xb6: {  	_ =	strace $0x90000048  }
0xb7: {  	_ =	sfence  }
0xb8: {  	s30 =	sld [smem:$0x0];
	_ =	sdelay $0x2  }
0xb9: {  	s31 =	sshll.u32 s1, $0xD;
	s1 =	sshrl.u32 s1, $0x2  }
0xba: {  	s3 =	sand.u32 $0x4000, s31;
	s1 =	sadd.s32 s1, s30  }
0xbb: {  	s0 =	sor.u32 s3, s0;
	s1 =	sshll.u32 s1, $0x11  }
0xbc: {  	s0 =	sor.u32 s1, s0  }
0xbd: {  	s0 =	sadd.s32 $0x8F2B, s0  }
0xbe: {  	[sflag:s0] =	ssyncadd.remote.s32 $0x1  }
0xbf: {  	_ =	sfence.sel $0xFFFF  }
0xc0: {  	[dreg:$0x0] =	wrdreg $0xFFFFFFFF;
	(pc) =	sbr.abs _section_cstart, $3  }
0xc1: {  	[dreg:$0x1] =	wrdreg $0xFFFFFFFF  }
0xc2: {  	_ =	task.clear_ibuf [dreg:s7], $0x2FFFF;
	_ =	strace $0x9FFFFFFF  }
0xc3: {  	(tm) =	ssettm $0x7FFFFFFF  }
tec
execute0_lowered:
.L_overlay_start_1:
0x0: {  	(tag) =	ssettag $0x1  }
0x1: {  	s24 =	rddreg [dreg:$0x0]  }
0x2: {  	s0 =	rddreg [dreg:$0x1]  }
0x3: {  	s2 =	rddreg [dreg:$0x2]  }
0x4: {  	s3 =	simm.s32 $0x0;
	s5 =	stileid.u32;
	s1 =	srdreg.scid  }
0x5: {  	s30 =	simm.s32 $0x200;
	s28 =	simm.s32 $0x4;
	s31 =	simm.s32 $0x4  }
0x6: {  	s29 =	simm.s32 $0x2;
	[smem:$0x7FF] =	sst s3;
	s22 =	sadd.s32 $0x5A00, s0  }
0x7: {  	s6 =	sadd.s32 $0xA00, s0;
	s4 =	smul.u32 $0x272, s5;
	s1 =	sand.u32 $0x1, s1  }
0x8: {  	s8 =	sshll.u32 s5, $0x1;
	s7 =	sadd.s32 $0x3200, s0;
	s23 =	smul.u32 $0x1390, s5  }
0x9: {  	s11 =	sadd.s32 $0x12200, s0;
	s26 =	smul.u32 $0x5000, s5;
	s5 =	simm.s32 $0x500  }
0xa: {  	_ =	strace $0x80000047;
	s9 =	ssub.s32 $0x2, s1;
	s8 =	sor.u32 s1, s8  }
0xb: {  	p0 =	seq.s32 s1, $0x0;
	s15 =	smul.u32 $0x2800, s1;
	s4 =	sadd.s32 s4, s0  }
0xc: {  	s10 =	sshrl.u32 s9, $0x1;
	s8 =	smul.u32 $0x2800, s8;
	s14 =	sadd.s32 s23, s2  }
0xd: {  	s16 =	sshrl.u32 s23, $0x3;
	s4 =	sadd.s32 $0xFA00, s4;
	[dreg:$0x8] =	wrdreg s14  }
0xe: {  	s9 =	ssub.s32 s9, s10;
	s10 =	simm.s32 $0x1C200;
	[dreg:$0x7] =	wrdreg s4  }
0xf: {  	s25 =	sshrl.u32 s8, $0x3;
	s13 =	sor.u32 $0x100, s8;
	s17 =	smax.u32 s9, $0x1  }
0x10: {  	s10 =	simm.s32 @!p0 $0x1EA00;
	s8 =	sadd.s32 s15, s26;
	p0 =	sne.s32 s1, $0x0  }
0x11: {  	s15 =	simm.s32 $0xD;
	s26 =	simm.s32 $0x380;
	s9 =	simm.s32 $0x0  }
0x12: {  	s12 =	sadd.s32 s24, s25;
	s4 =	sadd.s32 s22, s25;
	[dreg:$0x4] =	wrdreg s13  }
0x13: {  	[dreg:$0xb] =	wrdreg s17;
	s0 =	sadd.s32 s10, s0;
	s18 =	sshrl.u32 s8, $0x3  }
0x14: {  	s8 =	sor.u32 $0x80, s8;
	s17 =	simm.s32 $0x100;
	[dreg:$0x6] =	wrdreg s26  }
0x15: {  	s25 =	simm.s32 $0x280;
	s26 =	simm.s32 $0x2;
	[dreg:$0x9] =	wrdreg s12  }
0x16: {  	s10 =	simm.s32 $0xB;
	s13 =	simm.s32 $0x3;
	[dreg:$0xa] =	wrdreg s4  }
0x17: {  	s0 =	sadd.s32 s0, s16;
	s19 =	sadd.s32 s18, s11;
	s20 =	sshrl.u32 s8, $0x3  }
0x18: {  	[dreg:$0x5] =	wrdreg s25;
	s16 =	simm.s32 $0x300;
	s12 =	simm.s32 $0x400  }
0x19: {  	s4 =	simm.s32 $0x8;
	s8 =	simm.s32 $0x9;
	[dreg:$0xc] =	wrdreg s0  }
0x1a: {  	s25 =	simm.s32 $0x5;
	[dreg:$0xd] =	wrdreg s19;
	s21 =	sadd.s32 s20, s11  }
0x1b: {  	s18 =	simm.s32 $0xA;
	s23 =	sadd.s32 s20, s22;
	[dreg:$0xe] =	wrdreg s21  }
0x1c: {  	s0 =	sadd.s32 s20, s24;
	s19 =	simm.s32 $0x5;
	[dreg:$0xf] =	wrdreg s23  }
0x1d: {  	s20 =	simm.s32 $0x7;
	s11 =	simm.s32 $0x1;
	[dreg:$0x10] =	wrdreg s0  }
0x1e: {  	v0 =	vimm.f32 $0.0e+00;
	s21 =	simm.s32 $0x80;
	s23 =	simm.s32 $0x180;
	s0 =	simm.s32 $0x6  }
.LBB2_1:
.Ltmp0:
0x1f: {  	(pc) =	sbr.rel @p0 .LBB2_3-.Ltmp0, $2  }
0x20: {  	_ =	sdelay $0x2  }
0x21: {  	[dreg:$0x11] =	wrdreg s9  }
.Ltmp1:
0x22: {  	s1 =	rddreg [dreg:$0x7];
	(pc) =	sbr.rel .LBB2_6-.Ltmp1, $4  }
0x23: {  	[tilespmem:s5], [sflag:$0xD] =	stream.linear.gather [hbm4b:s1+s3], $0x1390, $0x38;
	[tilespmem:$0x2C90] =	vst v63  }
0x24: {  	_ =	swait.ge [sflag:s15], $0x1390  }
0x25: {  	[sflag:s15] =	ssyncset.done $0x0  }
0x26: {  	[sflag:s15] =	ssyncadd.s32 $0xFFFFEC70  }
.LBB2_3:
0x27: {  	s1 =	simm.s32 $0x40;
	s9 =	simm.s32 $0x0  }
.LBB2_4:
0x28: {  	p1 =	sne.s32 s1, $0x4E00;
	[tilespmem:s9+$0x500] =	vst v0;
	s9 =	smov.u32 s1;
	s1 =	sadd.s32 $0x40, s1  }
.Ltmp2:
0x29: {  	(pc) =	sbr.rel @p1 .LBB2_4-.Ltmp2, $2  }
0x2a: {  	_ =	sdelay $0x2  }
0x2b: {  	s9 =	sshra.s32 s9, $0x2  }
0x2c: {  	[tilespmem:s9+$0x500] =	vst v0  }
.LBB2_6:
0x2d: {  	[spmem:s14] =	stream.linear.scatter [tilespmem:s5], [sflag:$0xD], $0x1390, $0x38;
	[tilespmem:$0x2C90] =	vst v63  }
0x2e: {  	_ =	swait.ge [sflag:s15], $0x1390  }
0x2f: {  	[sflag:s15] =	ssyncset.done $0x0  }
0x30: {  	[sflag:s15] =	ssyncadd.s32 $0xFFFFEC70  }
0x31: {  	[bflag:$0x0] =	sbarrier.arrive $0xFFFF  }
0x32: {  	s1 =	simm.s32 $0x0;
	s9 =	rddreg [dreg:$0x9]  }
0x33: {  	[tilespmem:s1], [sflag:$0xD] =	stream.linear.gather [hbm4b:s9+s1], $0x80, $0x38;
	[tilespmem:$0x2C90] =	vst v63  }
0x34: {  	_ =	swait.ge [sflag:s15], $0x80  }
0x35: {  	[sflag:s15] =	ssyncset.done $0x0  }
0x36: {  	s14 =	rddreg [dreg:$0xa];
	[sflag:s15] =	ssyncadd.s32 $0xFFFFFF80  }
0x37: {  	[tilespmem:s17], [sflag:$0xD] =	stream.linear.gather [hbm4b:s14+s1], $0x80, $0x38;
	[tilespmem:$0x2C90] =	vst v63  }
0x38: {  	_ =	swait.ge [sflag:s15], $0x80  }
0x39: {  	[sflag:s15] =	ssyncset.done $0x0  }
0x3a: {  	[sflag:s15] =	ssyncadd.s32 $0xFFFFFF80  }
0x3b: {  	[tilespmem:s30], [sflag:$0x5] =	stream.indirect.gather [hbm4b:s6+s21], $0x1, s1, s21, $0xb8;
	[tilespmem:$0x2C90] =	vst v63  }
0x3c: {  	_ =	swait.ge [sflag:s19], $0x80  }
0x3d: {  	[sflag:s19] =	ssyncset.done $0x0  }
0x3e: {  	[sflag:s19] =	ssyncadd.s32 $0xFFFFFF80  }
0x3f: {  	[tilespmem:s16], [sflag:$0x7] =	stream.indirect.gather [hbm4b:s7+s21], $0x1, s17, s21, $0xb8;
	[tilespmem:$0x2C90] =	vst v63  }
0x40: {  	_ =	swait.ge [sflag:s20], $0x80  }
0x41: {  	[sflag:s20] =	ssyncset.done $0x0  }
0x42: {  	s15 =	rddreg [dreg:$0x10];
	[sflag:s20] =	ssyncadd.s32 $0xFFFFFF80  }
0x43: {  	[tilespmem:s21], [sflag:$0x2] =	stream.linear.gather [hbm4b:s15+s3], $0x80, $0x38;
	[tilespmem:$0x2C90] =	vst v63  }
0x44: {  	s19 =	rddreg [dreg:$0xf]  }
0x45: {  	[tilespmem:s23], [sflag:$0x4] =	stream.linear.gather [hbm4b:s19+s3], $0x80, $0x38;
	[tilespmem:$0x2C90] =	vst v63  }
0x46: {  	v1 =	vld [tilespmem:$0x340]  }
0x47: {  	v2 =	vld [tilespmem:$0x240]  }
0x48: {  	v3 =	vld [tilespmem:$0x330]  }
0x49: {  	v5 =	vld [tilespmem:$0x320]  }
0x4a: {  	v6 =	vld [tilespmem:$0x230]  }
0x4b: {  	v7 =	vld [tilespmem:$0x310]  }
0x4c: {  	v8 =	vld [tilespmem:$0x220]  }
0x4d: {  	v9 =	vld [tilespmem:$0x210]  }
0x4e: {  	v11 =	vld [tilespmem:$0x200]  }
0x4f: {  	v12 =	vld [tilespmem:$0x300]  }
0x50: {  	v4 =	vld [tilespmem:$0x360]  }
0x51: {  	v10 =	vld [tilespmem:$0x350]  }
0x52: {  	v3 =	vadd.f32 v3, v6;
	v6 =	vld [tilespmem:$0x250];
	v5 =	vadd.f32 v5, v8  }
0x53: {  	v7 =	vadd.f32 v7, v9;
	v1 =	vadd.f32 v1, v2;
	v2 =	vld [tilespmem:$0x260]  }
0x54: {  	v52 =	vadd.f32 v12, v11;
	v8 =	vmul.f32 $2.000000030e-01, v3  }
0x55: {  	vm0 =	vgt.f32 v3, $0.0e+00;
	v13 =	vmul.f32 $2.000000030e-01, v5;
	v14 =	vmul.f32 $2.000000030e-01, v7  }
0x56: {  	v51 =	vld [tilespmem:$0x370];
	v15 =	vmul.f32 $2.000000030e-01, v1;
	vm1 =	vgt.f32 v7, $0.0e+00;
	v3 =	vsel vm0, v3, v8  }
0x57: {  	v8 =	vld [tilespmem:$0x270];
	vm0 =	vgt.f32 v1, $0.0e+00;
	v7 =	vsel vm1, v7, v14;
	v3 =	vmul.f32 $1.442695020e+00, v3  }
0x58: {  	v6 =	vadd.f32 v10, v6;
	v1 =	vsel vm0, v1, v15;
	v2 =	vadd.f32 v4, v2  }
0x59: {  	vm1 =	vgt.f32 v52, $0.0e+00;
	v7 =	vmul.f32 $1.442695020e+00, v7;
	v1 =	vmul.f32 $1.442695020e+00, v1  }
0x5a: {  	v4 =	vmul.f32 $2.000000030e-01, v52;
	vm0 =	vgt.f32 v6, $0.0e+00;
	v53 =	vmul.f32 $2.000000030e-01, v2  }
0x5b: {  	v54 =	vmul.f32 $2.000000030e-01, v6;
	vm2 =	vgt.f32 v2, $0.0e+00;
	(erf) = vpow2.f32 v1  }
0x5c: {  	v1 =	vsel vm1, v52, v4;
	v8 =	vadd.f32 v51, v8;
	v2 =	vsel vm2, v2, v53  }
0x5d: {  	v1 =	vmul.f32 $1.442695020e+00, v1;
	v4 =	vsel vm0, v6, v54;
	(erf) = vpow2.f32 v3  }
0x5e: {  	v2 =	vmul.f32 $1.442695020e+00, v2;
	v3 =	vmul.f32 $1.442695020e+00, v4  }
0x5f: {  	vm0 =	vgt.f32 v5, $0.0e+00;
	(erf) = vpow2.f32 v1;
	v1 =	vmul.f32 $2.000000030e-01, v8  }
0x60: {  	v4 =	vsel vm0, v5, v13;
	vm1 =	vgt.f32 v8, $0.0e+00;
	(erf) = vpow2.f32 v2  }
0x61: {  	v2 =	vmul.f32 $1.442695020e+00, v4;
	(erf) = vpow2.f32 v3;
	v1 =	vsel vm1, v8, v1  }
0x62: {  	(erf) = vpow2.f32 v7;
	v1 =	vmul.f32 $1.442695020e+00, v1  }
0x63: {  	(erf) = vpow2.f32 v2  }
0x64: {  	(erf) = vpow2.f32 v1;
	_ =	sdelay $0x1  }
0x65: {  	v1 =	vpop (erf)  }
0x66: {  	[tilespmem:$0x440] =	vst v1;
	v1 =	vpop (erf)  }
0x67: {  	[tilespmem:$0x430] =	vst v1;
	v1 =	vpop (erf)  }
0x68: {  	[tilespmem:$0x400] =	vst v1;
	v1 =	vpop (erf)  }
0x69: {  	[tilespmem:$0x460] =	vst v1;
	v1 =	vpop (erf)  }
0x6a: {  	[tilespmem:$0x450] =	vst v1;
	v1 =	vpop (erf)  }
0x6b: {  	[tilespmem:$0x410] =	vst v1;
	v1 =	vpop (erf)  }
0x6c: {  	[tilespmem:$0x420] =	vst v1;
	v1 =	vpop (erf)  }
0x6d: {  	[tilespmem:$0x470] =	vst v1  }
0x6e: {  	_ =	swait.ge [sflag:s26], $0x80  }
0x6f: {  	[sflag:s26] =	ssyncset.done $0x0  }
0x70: {  	[sflag:s26] =	ssyncadd.s32 $0xFFFFFF80  }
0x71: {  	_ =	swait.ge [sflag:s28], $0x80  }
0x72: {  	[sflag:s28] =	ssyncset.done $0x0  }
0x73: {  	s9 =	rddreg [dreg:$0x5];
	[sflag:s28] =	ssyncadd.s32 $0xFFFFFF80  }
0x74: {  	[tilespmem:s9], [sflag:$0x6] =	stream.indirect.gather [hbm4b:s6+s21], $0x1, s21, s21, $0xb8;
	[tilespmem:$0x2C90] =	vst v63  }
0x75: {  	s20 =	rddreg [dreg:$0x6]  }
0x76: {  	[tilespmem:s20], [sflag:$0x8] =	stream.indirect.gather [hbm4b:s7+s21], $0x1, s23, s21, $0xb8;
	[tilespmem:$0x2C90] =	vst v63  }
0x77: {  	s16 =	rddreg [dreg:$0xd]  }
0x78: {  	[hbm4b:s16+s3] =	stream.linear.scatter [tilespmem:s12], [sflag:$0x9], $0x80, $0x38;
	[tilespmem:$0x2C90] =	vst v63  }
0x79: {  	_ = 	snop  }
0x7a: {  	[spmem:s2] =	stream.indirect.scatter.add.f32 [tilespmem:s12], [sflag:$0xB], $0x1, s17, s21, $0xb8;
	[tilespmem:$0x2C90] =	vst v63  }
0x7b: {  	_ =	swait.ge [sflag:s0], $0x80  }
0x7c: {  	[sflag:s0] =	ssyncset.done $0x0  }
0x7d: {  	[sflag:s0] =	ssyncadd.s32 $0xFFFFFF80  }
0x7e: {  	_ =	swait.ge [sflag:s4], $0x80  }
0x7f: {  	[sflag:s4] =	ssyncset.done $0x0  }
0x80: {  	[sflag:s4] =	ssyncadd.s32 $0xFFFFFF80  }
0x81: {  	_ =	swait.ge [sflag:s8], $0x80  }
0x82: {  	[sflag:s8] =	ssyncset.done $0x0  }
0x83: {  	[sflag:s8] =	ssyncadd.s32 $0xFFFFFF80  }
0x84: {  	s1 =	smin.u32 s1, $0x4D;
	_ =	swait.ge [sflag:s10], $0x80  }
0x85: {  	s1 =	sshll.u32 s1, $0x7;
	s23 =	rddreg [dreg:$0x4]  }
0x86: {  	s1 =	sadd.s32 s1, s23  }
0x87: {  	[sflag:s10] =	ssyncset.done $0x0;
	s1 =	sshrl.u32 s1, $0x3  }
0x88: {  	[sflag:s10] =	ssyncadd.s32 $0xFFFFFF80;
	s26 =	sadd.s32 s24, s1  }
0x89: {  	[tilespmem:s3], [sflag:$0x1] =	stream.linear.gather [hbm4b:s26+s3], $0x80, $0x38;
	[tilespmem:$0x2C90] =	vst v63  }
0x8a: {  	s1 =	sadd.s32 s22, s1  }
0x8b: {  	[tilespmem:s17], [sflag:$0x3] =	stream.linear.gather [hbm4b:s1+s3], $0x80, $0x38;
	[tilespmem:$0x2C90] =	vst v63  }
0x8c: {  	v1 =	vld [tilespmem:$0x3F0]  }
0x8d: {  	v2 =	vld [tilespmem:$0x380]  }
0x8e: {  	v3 =	vld [tilespmem:$0x290]  }
0x8f: {  	v4 =	vld [tilespmem:$0x390]  }
0x90: {  	v5 =	vld [tilespmem:$0x2A0]  }
0x91: {  	v6 =	vld [tilespmem:$0x2F0]  }
0x92: {  	v7 =	vld [tilespmem:$0x280]  }
0x93: {  	v8 =	vld [tilespmem:$0x3A0]  }
0x94: {  	v55 =	vld [tilespmem:$0x3B0]  }
0x95: {  	v56 =	vld [tilespmem:$0x2C0];
	v3 =	vadd.f32 v4, v3  }
0x96: {  	v4 =	vld [tilespmem:$0x2B0];
	v1 =	vadd.f32 v1, v6  }
0x97: {  	v2 =	vadd.f32 v2, v7;
	v7 =	vld [tilespmem:$0x3C0];
	v6 =	vmul.f32 $2.000000030e-01, v3  }
0x98: {  	v5 =	vadd.f32 v8, v5;
	vm0 =	vgt.f32 v3, $0.0e+00;
	v8 =	vmul.f32 $2.000000030e-01, v1  }
0x99: {  	v58 =	vld [tilespmem:$0x3D0];
	v57 =	vmul.f32 $2.000000030e-01, v2;
	v3 =	vsel vm0, v3, v6;
	vm0 =	vgt.f32 v1, $0.0e+00  }
0x9a: {  	v59 =	vmul.f32 $2.000000030e-01, v5;
	v6 =	vld [tilespmem:$0x2D0];
	v3 =	vmul.f32 $1.442695020e+00, v3;
	v1 =	vsel vm0, v1, v8  }
0x9b: {  	v60 =	vld [tilespmem:$0x3E0];
	v4 =	vadd.f32 v55, v4;
	vm0 =	vgt.f32 v5, $0.0e+00;
	v1 =	vmul.f32 $1.442695020e+00, v1  }
0x9c: {  	v8 =	vld [tilespmem:$0x2E0];
	(erf) = vpow2.f32 v3;
	v3 =	vsel vm0, v5, v59;
	v5 =	vadd.f32 v7, v56  }
0x9d: {  	vm0 =	vgt.f32 v2, $0.0e+00;
	v7 =	vmul.f32 $2.000000030e-01, v4;
	vm1 =	vgt.f32 v4, $0.0e+00  }
0x9e: {  	v3 =	vmul.f32 $1.442695020e+00, v3;
	v61 =	vsel vm0, v2, v57;
	v62 =	vmul.f32 $2.000000030e-01, v5  }
0x9f: {  	s14 =	simm.s32 $0x2;
	v2 =	vadd.f32 v58, v6;
	v4 =	vsel vm1, v4, v7;
	vm0 =	vgt.f32 v5, $0.0e+00  }
0xa0: {  	s28 =	simm.s32 $0x180;
	s20 =	simm.s32 $0xC;
	s12 =	simm.s32 $0x400;
	v7 =	vmul.f32 $1.442695020e+00, v61;
	(erf) = vpow2.f32 v3;
	v5 =	vsel vm0, v5, v62  }
0xa1: {  	s0 =	simm.s32 $0x6;
	s4 =	simm.s32 $0x8;
	s8 =	simm.s32 $0x9;
	v3 =	vmul.f32 $1.442695020e+00, v4;
	v4 =	vadd.f32 v60, v8;
	v63 =	vmul.f32 $1.442695020e+00, v5  }
0xa2: {  	s23 =	simm.s32 $0x100;
	s17 =	sadd.s32 $0x20, s15;
	s15 =	rddreg [dreg:$0xe];
	v6 =	vmul.f32 $2.000000030e-01, v2;
	vm1 =	vgt.f32 v2, $0.0e+00;
	(erf) = vpow2.f32 v7  }
0xa3: {  	s10 =	simm.s32 $0xB;
	s26 =	simm.s32 $0x7;
	s9 =	smov.u32 s15;
	vm0 =	vgt.f32 v4, $0.0e+00;
	v5 =	vmul.f32 $2.000000030e-01, v4;
	(erf) = vpow2.f32 v63  }
.LBB2_7:
0xa4: {  	_ = 	snop  }
0xa5: {  	v2 =	vsel vm1, v2, v6;
	v6 =	vpop (erf)  }
0xa6: {  	(erf) = vpow2.f32 v3;
	v3 =	vsel vm0, v4, v5;
	[tilespmem:$0x490] =	vst v6;
	v6 =	vmul.f32 $1.442695020e+00, v2  }
0xa7: {  	(erf) = vpow2.f32 v1;
	v1 =	vmul.f32 $1.442695020e+00, v3  }
0xa8: {  	(erf) = vpow2.f32 v6  }
0xa9: {  	v2 =	vpop (erf);
	(erf) = vpow2.f32 v1;
	_ =	sdelay $0x3  }
0xaa: {  	[tilespmem:$0x4A0] =	vst v2;
	v1 =	vpop (erf)  }
0xab: {  	[tilespmem:$0x480] =	vst v1;
	v1 =	vpop (erf)  }
0xac: {  	[tilespmem:$0x4C0] =	vst v1;
	v1 =	vpop (erf)  }
0xad: {  	[tilespmem:$0x4B0] =	vst v1;
	v1 =	vpop (erf)  }
0xae: {  	[tilespmem:$0x4F0] =	vst v1;
	v1 =	vpop (erf)  }
0xaf: {  	[tilespmem:$0x4D0] =	vst v1;
	v1 =	vpop (erf)  }
0xb0: {  	[tilespmem:$0x4E0] =	vst v1  }
0xb1: {  	_ =	swait.ge [sflag:s11], $0x80  }
0xb2: {  	[sflag:s11] =	ssyncset.done $0x0  }
0xb3: {  	[sflag:s11] =	ssyncadd.s32 $0xFFFFFF80  }
0xb4: {  	_ =	swait.ge [sflag:s13], $0x80  }
0xb5: {  	[sflag:s13] =	ssyncset.done $0x0  }
0xb6: {  	[sflag:s13] =	ssyncadd.s32 $0xFFFFFF80  }
0xb7: {  	[tilespmem:s30], [sflag:$0x5] =	stream.indirect.gather [hbm4b:s6+s21], $0x1, s3, s21, $0xb8;
	[tilespmem:$0x2C90] =	vst v63  }
0xb8: {  	s5 =	simm.s32 $0x300  }
0xb9: {  	[tilespmem:s5], [sflag:$0x7] =	stream.indirect.gather [hbm4b:s7+s21], $0x1, s23, s21, $0xb8;
	[tilespmem:$0x2C90] =	vst v63  }
0xba: {  	s5 =	simm.s32 $0x480  }
0xbb: {  	[hbm4b:s15+s3] =	stream.linear.scatter [tilespmem:s5], [sflag:$0xA], $0x80, $0x38;
	[tilespmem:$0x2C90] =	vst v63  }
0xbc: {  	_ = 	snop  }
0xbd: {  	[spmem:s2] =	stream.indirect.scatter.add.f32 [tilespmem:s5], [sflag:$0xC], $0x1, s28, s21, $0xb8;
	[tilespmem:$0x2C90] =	vst v63  }
0xbe: {  	_ =	swait.ge [sflag:s25], $0x80  }
0xbf: {  	[sflag:s25] =	ssyncset.done $0x0  }
0xc0: {  	[sflag:s25] =	ssyncadd.s32 $0xFFFFFF80  }
0xc1: {  	_ =	swait.ge [sflag:s26], $0x80  }
0xc2: {  	[sflag:s26] =	ssyncset.done $0x0  }
0xc3: {  	[sflag:s26] =	ssyncadd.s32 $0xFFFFFF80  }
0xc4: {  	_ =	swait.ge [sflag:s18], $0x80  }
0xc5: {  	[sflag:s18] =	ssyncset.done $0x0  }
0xc6: {  	[sflag:s18] =	ssyncadd.s32 $0xFFFFFF80  }
0xc7: {  	_ =	swait.ge [sflag:s20], $0x80  }
0xc8: {  	[sflag:s20] =	ssyncset.done $0x0  }
0xc9: {  	[sflag:s20] =	ssyncadd.s32 $0xFFFFFF80  }
0xca: {  	[tilespmem:s21], [sflag:$0x2] =	stream.linear.gather [hbm4b:s17+s3], $0x80, $0x38;
	[tilespmem:$0x2C90] =	vst v63  }
0xcb: {  	s19 =	sadd.s32 $0x20, s19  }
0xcc: {  	[tilespmem:s28], [sflag:$0x4] =	stream.linear.gather [hbm4b:s19+s3], $0x80, $0x38;
	[tilespmem:$0x2C90] =	vst v63  }
0xcd: {  	v1 =	vld [tilespmem:$0x340]  }
0xce: {  	v2 =	vld [tilespmem:$0x370]  }
0xcf: {  	v3 =	vld [tilespmem:$0x240]  }
0xd0: {  	v4 =	vld [tilespmem:$0x330]  }
0xd1: {  	v6 =	vld [tilespmem:$0x320]  }
0xd2: {  	v7 =	vld [tilespmem:$0x230]  }
0xd3: {  	v8 =	vld [tilespmem:$0x310]  }
0xd4: {  	v9 =	vld [tilespmem:$0x220]  }
0xd5: {  	v10 =	vld [tilespmem:$0x210]  }
0xd6: {  	v12 =	vld [tilespmem:$0x200]  }
0xd7: {  	v13 =	vld [tilespmem:$0x300]  }
0xd8: {  	v53 =	vld [tilespmem:$0x270];
	_ =	sdelay $0x1  }
0xd9: {  	v5 =	vld [tilespmem:$0x360]  }
0xda: {  	v11 =	vld [tilespmem:$0x350];
	v4 =	vadd.f32 v4, v7;
	v6 =	vadd.f32 v6, v9  }
0xdb: {  	v8 =	vadd.f32 v8, v10;
	v1 =	vadd.f32 v1, v3;
	v3 =	vld [tilespmem:$0x260]  }
0xdc: {  	v7 =	vld [tilespmem:$0x250];
	v54 =	vadd.f32 v13, v12;
	v2 =	vadd.f32 v2, v53  }
0xdd: {  	v51 =	vmul.f32 $2.000000030e-01, v4;
	vm1 =	vgt.f32 v4, $0.0e+00;
	v14 =	vmul.f32 $2.000000030e-01, v8  }
0xde: {  	v52 =	vmul.f32 $2.000000030e-01, v6;
	v15 =	vmul.f32 $2.000000030e-01, v1;
	vm2 =	vgt.f32 v8, $0.0e+00  }
0xdf: {  	v4 =	vsel vm1, v4, v51;
	vm1 =	vgt.f32 v1, $0.0e+00;
	v8 =	vsel vm2, v8, v14  }
0xe0: {  	v4 =	vmul.f32 $1.442695020e+00, v4;
	v1 =	vsel vm1, v1, v15;
	v3 =	vadd.f32 v5, v3  }
0xe1: {  	v7 =	vadd.f32 v11, v7;
	v5 =	vmul.f32 $2.000000030e-01, v54;
	v1 =	vmul.f32 $1.442695020e+00, v1  }
0xe2: {  	vm2 =	vgt.f32 v54, $0.0e+00;
	v8 =	vmul.f32 $1.442695020e+00, v8;
	v55 =	vmul.f32 $2.000000030e-01, v3  }
0xe3: {  	(erf) = vpow2.f32 v1;
	v1 =	vsel vm2, v54, v5;
	v5 =	vmul.f32 $2.000000030e-01, v7  }
0xe4: {  	vm1 =	vgt.f32 v7, $0.0e+00;
	vm2 =	vgt.f32 v3, $0.0e+00;
	v1 =	vmul.f32 $1.442695020e+00, v1  }
0xe5: {  	v3 =	vsel vm2, v3, v55;
	(erf) = vpow2.f32 v4;
	v5 =	vsel vm1, v7, v5  }
0xe6: {  	v3 =	vmul.f32 $1.442695020e+00, v3;
	v5 =	vmul.f32 $1.442695020e+00, v5  }
0xe7: {  	vm0 =	vgt.f32 v6, $0.0e+00;
	(erf) = vpow2.f32 v1;
	v1 =	vmul.f32 $2.000000030e-01, v2  }
0xe8: {  	vm2 =	vgt.f32 v2, $0.0e+00;
	v4 =	vsel vm0, v6, v52;
	(erf) = vpow2.f32 v3  }
0xe9: {  	v3 =	vmul.f32 $1.442695020e+00, v4;
	(erf) = vpow2.f32 v5;
	v1 =	vsel vm2, v2, v1  }
0xea: {  	(erf) = vpow2.f32 v8;
	v1 =	vmul.f32 $1.442695020e+00, v1  }
0xeb: {  	(erf) = vpow2.f32 v3  }
0xec: {  	v2 =	vpop (erf);
	(erf) = vpow2.f32 v1;
	_ =	sdelay $0x2  }
0xed: {  	[tilespmem:$0x440] =	vst v2;
	v1 =	vpop (erf)  }
0xee: {  	[tilespmem:$0x430] =	vst v1;
	v1 =	vpop (erf)  }
0xef: {  	[tilespmem:$0x400] =	vst v1;
	v1 =	vpop (erf)  }
0xf0: {  	[tilespmem:$0x460] =	vst v1;
	v1 =	vpop (erf)  }
0xf1: {  	[tilespmem:$0x450] =	vst v1;
	v1 =	vpop (erf)  }
0xf2: {  	[tilespmem:$0x410] =	vst v1;
	v1 =	vpop (erf)  }
0xf3: {  	[tilespmem:$0x420] =	vst v1;
	v1 =	vpop (erf)  }
0xf4: {  	[tilespmem:$0x470] =	vst v1  }
0xf5: {  	_ =	swait.ge [sflag:s29], $0x80  }
0xf6: {  	[sflag:s29] =	ssyncset.done $0x0  }
0xf7: {  	[sflag:s29] =	ssyncadd.s32 $0xFFFFFF80  }
0xf8: {  	_ =	swait.ge [sflag:s31], $0x80  }
0xf9: {  	[sflag:s31] =	ssyncset.done $0x0  }
0xfa: {  	s30 =	smov.u32 s22;
	s22 =	rddreg [dreg:$0x5];
	[sflag:s31] =	ssyncadd.s32 $0xFFFFFF80  }
0xfb: {  	[tilespmem:s22], [sflag:$0x6] =	stream.indirect.gather [hbm4b:s6+s21], $0x1, s21, s21, $0xb8;
	[tilespmem:$0x2C90] =	vst v63  }
0xfc: {  	s5 =	smov.u32 s2;
	s2 =	smov.u32 s24;
	s24 =	rddreg [dreg:$0x6]  }
0xfd: {  	[tilespmem:s24], [sflag:$0x8] =	stream.indirect.gather [hbm4b:s7+s21], $0x1, s28, s21, $0xb8;
	[tilespmem:$0x2C90] =	vst v63  }
0xfe: {  	s16 =	sadd.s32 $0x20, s16  }
0xff: {  	[hbm4b:s16+s3] =	stream.linear.scatter [tilespmem:s12], [sflag:$0x9], $0x80, $0x38;
	[tilespmem:$0x2C90] =	vst v63  }
0x100: {  	_ = 	snop  }
0x101: {  	[spmem:s5] =	stream.indirect.scatter.add.f32 [tilespmem:s12], [sflag:$0xB], $0x1, s23, s21, $0xb8;
	[tilespmem:$0x2C90] =	vst v63  }
0x102: {  	_ =	swait.ge [sflag:s0], $0x80  }
0x103: {  	[sflag:s0] =	ssyncset.done $0x0  }
0x104: {  	[sflag:s0] =	ssyncadd.s32 $0xFFFFFF80  }
0x105: {  	_ =	swait.ge [sflag:s4], $0x80  }
0x106: {  	[sflag:s4] =	ssyncset.done $0x0  }
0x107: {  	[sflag:s4] =	ssyncadd.s32 $0xFFFFFF80  }
0x108: {  	_ =	swait.ge [sflag:s8], $0x80  }
0x109: {  	s1 =	smov.u32 s14;
	[sflag:s8] =	ssyncset.done $0x0  }
0x10a: {  	s1 =	smin.u32 s1, $0x4D;
	[sflag:s8] =	ssyncadd.s32 $0xFFFFFF80  }
0x10b: {  	s1 =	sshll.u32 s1, $0x7;
	_ =	swait.ge [sflag:s10], $0x80  }
0x10c: {  	s24 =	smov.u32 s2;
	s2 =	smov.u32 s5;
	s5 =	rddreg [dreg:$0x4]  }
0x10d: {  	s1 =	sadd.s32 s1, s5  }
0x10e: {  	[sflag:s10] =	ssyncset.done $0x0;
	s1 =	sshrl.u32 s1, $0x3  }
0x10f: {  	s22 =	smov.u32 s30;
	[sflag:s10] =	ssyncadd.s32 $0xFFFFFF80;
	s5 =	sadd.s32 s24, s1  }
0x110: {  	[tilespmem:s3], [sflag:$0x1] =	stream.linear.gather [hbm4b:s5+s3], $0x80, $0x38;
	[tilespmem:$0x2C90] =	vst v63  }
0x111: {  	s1 =	sadd.s32 s22, s1  }
0x112: {  	[tilespmem:s23], [sflag:$0x3] =	stream.linear.gather [hbm4b:s1+s3], $0x80, $0x38;
	[tilespmem:$0x2C90] =	vst v63  }
0x113: {  	v1 =	vld [tilespmem:$0x3F0]  }
0x114: {  	v2 =	vld [tilespmem:$0x380]  }
0x115: {  	v3 =	vld [tilespmem:$0x290]  }
0x116: {  	v4 =	vld [tilespmem:$0x390]  }
0x117: {  	v5 =	vld [tilespmem:$0x2A0]  }
0x118: {  	v6 =	vld [tilespmem:$0x2F0]  }
0x119: {  	v7 =	vld [tilespmem:$0x280]  }
0x11a: {  	v8 =	vld [tilespmem:$0x3A0]  }
0x11b: {  	v56 =	vld [tilespmem:$0x2B0]  }
0x11c: {  	v58 =	vld [tilespmem:$0x2C0]  }
0x11d: {  	v60 =	vld [tilespmem:$0x3D0];
	v3 =	vadd.f32 v4, v3  }
0x11e: {  	v4 =	vld [tilespmem:$0x3B0];
	v1 =	vadd.f32 v1, v6  }
0x11f: {  	v2 =	vadd.f32 v2, v7;
	v6 =	vld [tilespmem:$0x3C0];
	v5 =	vadd.f32 v8, v5;
	v57 =	vmul.f32 $2.000000030e-01, v3  }
0x120: {  	v7 =	vld [tilespmem:$0x2D0];
	vm0 =	vgt.f32 v3, $0.0e+00;
	v8 =	vmul.f32 $2.000000030e-01, v1  }
0x121: {  	v59 =	vmul.f32 $2.000000030e-01, v2;
	v61 =	vmul.f32 $2.000000030e-01, v5;
	v3 =	vsel vm0, v3, v57  }
0x122: {  	vm1 =	vgt.f32 v2, $0.0e+00;
	vm0 =	vgt.f32 v1, $0.0e+00;
	v3 =	vmul.f32 $1.442695020e+00, v3  }
0x123: {  	v62 =	vld [tilespmem:$0x2E0];
	v4 =	vadd.f32 v4, v56;
	v1 =	vsel vm0, v1, v8;
	vm0 =	vgt.f32 v5, $0.0e+00  }
0x124: {  	v8 =	vld [tilespmem:$0x3E0];
	(erf) = vpow2.f32 v3;
	v3 =	vsel vm0, v5, v61;
	v5 =	vadd.f32 v6, v58  }
0x125: {  	v10 =	vsel vm1, v2, v59;
	v2 =	vadd.f32 v60, v7;
	v6 =	vmul.f32 $2.000000030e-01, v4  }
0x126: {  	p1 =	sne.s32 s14, $0x4E;
	vm0 =	vgt.f32 v4, $0.0e+00;
	v3 =	vmul.f32 $1.442695020e+00, v3;
	v11 =	vmul.f32 $2.000000030e-01, v5  }
.Ltmp3:
0x127: {  	v7 =	vmul.f32 $1.442695020e+00, v10;
	v4 =	vsel vm0, v4, v6;
	vm0 =	vgt.f32 v5, $0.0e+00;
	(pc) =	sbr.rel @p1 .LBB2_7-.Ltmp3, $4  }
0x128: {  	(erf) = vpow2.f32 v3;
	v3 =	vmul.f32 $1.442695020e+00, v4;
	v4 =	vsel vm0, v5, v11  }
0x129: {  	v1 =	vmul.f32 $1.442695020e+00, v1;
	v63 =	vmul.f32 $1.442695020e+00, v4;
	v4 =	vadd.f32 v8, v62  }
0x12a: {  	s9 =	sadd.s32 $0x20, s9;
	s14 =	sadd.s32 $0x2, s14;
	vm1 =	vgt.f32 v2, $0.0e+00;
	v6 =	vmul.f32 $2.000000030e-01, v2;
	(erf) = vpow2.f32 v7  }
0x12b: {  	s15 =	smov.u32 s9;
	s17 =	sadd.s32 $0x20, s17;
	s30 =	simm.s32 $0x200;
	vm0 =	vgt.f32 v4, $0.0e+00;
	v5 =	vmul.f32 $2.000000030e-01, v4;
	(erf) = vpow2.f32 v63  }
0x12c: {  	v2 =	vsel vm1, v2, v6  }
0x12d: {  	(erf) = vpow2.f32 v3;
	v2 =	vmul.f32 $1.442695020e+00, v2;
	v3 =	vsel vm0, v4, v5  }
0x12e: {  	(erf) = vpow2.f32 v1;
	v1 =	vmul.f32 $1.442695020e+00, v3  }
0x12f: {  	(erf) = vpow2.f32 v2  }
0x130: {  	(erf) = vpow2.f32 v1;
	_ =	sdelay $0x1  }
0x131: {  	v1 =	vpop (erf)  }
0x132: {  	v2 =	vpop (erf);
	[tilespmem:$0x490] =	vst v1  }
0x133: {  	[tilespmem:$0x4A0] =	vst v2;
	v1 =	vpop (erf)  }
0x134: {  	[tilespmem:$0x480] =	vst v1;
	v1 =	vpop (erf)  }
0x135: {  	[tilespmem:$0x4C0] =	vst v1;
	v1 =	vpop (erf)  }
0x136: {  	[tilespmem:$0x4B0] =	vst v1;
	v1 =	vpop (erf)  }
0x137: {  	[tilespmem:$0x4F0] =	vst v1;
	v1 =	vpop (erf)  }
0x138: {  	[tilespmem:$0x4D0] =	vst v1;
	v1 =	vpop (erf)  }
0x139: {  	[tilespmem:$0x4E0] =	vst v1  }
0x13a: {  	_ =	swait.ge [sflag:s11], $0x80  }
0x13b: {  	[sflag:s11] =	ssyncset.done $0x0  }
0x13c: {  	[sflag:s11] =	ssyncadd.s32 $0xFFFFFF80  }
0x13d: {  	_ =	swait.ge [sflag:s13], $0x80  }
0x13e: {  	[sflag:s13] =	ssyncset.done $0x0  }
0x13f: {  	[sflag:s13] =	ssyncadd.s32 $0xFFFFFF80  }
0x140: {  	[tilespmem:s30], [sflag:$0x5] =	stream.indirect.gather [hbm4b:s6+s21], $0x1, s3, s21, $0xb8;
	[tilespmem:$0x2C90] =	vst v63  }
0x141: {  	s0 =	simm.s32 $0x300  }
0x142: {  	[tilespmem:s0], [sflag:$0x7] =	stream.indirect.gather [hbm4b:s7+s21], $0x1, s23, s21, $0xb8;
	[tilespmem:$0x2C90] =	vst v63  }
0x143: {  	s23 =	simm.s32 $0x480  }
0x144: {  	[hbm4b:s15+s3] =	stream.linear.scatter [tilespmem:s23], [sflag:$0xA], $0x80, $0x38;
	[tilespmem:$0x2C90] =	vst v63  }
0x145: {  	_ = 	snop  }
0x146: {  	[spmem:s2] =	stream.indirect.scatter.add.f32 [tilespmem:s23], [sflag:$0xC], $0x1, s28, s21, $0xb8;
	[tilespmem:$0x2C90] =	vst v63  }
0x147: {  	_ =	swait.ge [sflag:s25], $0x80  }
0x148: {  	[sflag:s25] =	ssyncset.done $0x0  }
0x149: {  	[sflag:s25] =	ssyncadd.s32 $0xFFFFFF80  }
0x14a: {  	_ =	swait.ge [sflag:s26], $0x80  }
0x14b: {  	[sflag:s26] =	ssyncset.done $0x0  }
0x14c: {  	[sflag:s26] =	ssyncadd.s32 $0xFFFFFF80  }
0x14d: {  	_ =	swait.ge [sflag:s18], $0x80  }
0x14e: {  	[sflag:s18] =	ssyncset.done $0x0  }
0x14f: {  	[sflag:s18] =	ssyncadd.s32 $0xFFFFFF80  }
0x150: {  	_ =	swait.ge [sflag:s20], $0x80  }
0x151: {  	[sflag:s20] =	ssyncset.done $0x0  }
0x152: {  	[sflag:s20] =	ssyncadd.s32 $0xFFFFFF80  }
0x153: {  	[bflag:$0x0] =	sbarrier.arrive $0xFFFF  }
0x154: {  	s5 =	simm.s32 $0x500;
	s15 =	simm.s32 $0xD;
	s14 =	rddreg [dreg:$0x8]  }
0x155: {  	[tilespmem:s5], [sflag:$0xD] =	stream.linear.gather [spmem:s14], $0x1390, $0x38;
	[tilespmem:$0x2C90] =	vst v63  }
0x156: {  	_ =	swait.ge [sflag:s15], $0x1390  }
0x157: {  	[sflag:s15] =	ssyncset.done $0x0  }
0x158: {  	s1 =	rddreg [dreg:$0xc];
	[sflag:s15] =	ssyncadd.s32 $0xFFFFEC70  }
0x159: {  	[hbm4b:s1+s3] =	stream.linear.scatter [tilespmem:s5], [sflag:$0xD], $0x1390, $0x38;
	[tilespmem:$0x2C90] =	vst v63  }
0x15a: {  	_ =	swait.ge [sflag:s15], $0x1390  }
0x15b: {  	s9 =	rddreg [dreg:$0x11]  }
0x15c: {  	s26 =	rddreg [dreg:$0xb];
	s9 =	sadd.s32 $0x1, s9  }
0x15d: {  	p1 =	sne.s32 s9, s26  }
.Ltmp4:
0x15e: {  	s16 =	simm.s32 $0x300;
	s12 =	simm.s32 $0x400;
	(pc) =	sbr.rel @p1 .LBB2_1-.Ltmp4, $4  }
0x15f: {  	s17 =	simm.s32 $0x100;
	s19 =	simm.s32 $0x5;
	s4 =	simm.s32 $0x8  }
0x160: {  	s8 =	simm.s32 $0x9;
	s10 =	simm.s32 $0xB;
	s0 =	simm.s32 $0x6  }
0x161: {  	s23 =	simm.s32 $0x180;
	s28 =	simm.s32 $0x4;
	[sflag:s15] =	ssyncset.done $0x0  }
0x162: {  	s20 =	simm.s32 $0x7;
	[sflag:s15] =	ssyncadd.s32 $0xFFFFEC70;
	s26 =	simm.s32 $0x2  }
0x163: {  	_ =	sfence.sel $0x180000  }
0x164: {  	[bflag:$0x0] =	sbarrier.arrive $0xFFFF  }
0x165: {  	_ =	strace $0x90000047  }
0x166: {  	s0 =	stileid.u32;
	[bflag:$0x2] =	sbarrier.arrive $0xFFFF  }
0x167: {  	p0 =	sne.s32 s0, $0x0;
	s0 =	rddreg [dreg:$0x3]  }
0x168: {  	s0 =	sadd.s32 @!p0 $0x100000, s0  }
0x169: {  	[sflag:s0] =	ssyncadd.tile.s32 @!p0 $0x1;
	_ =	shalt  }
.Lfunc_end2:
_tile_overlayer_lowered:
.L_overlay_start_2:
0x16a: {  	(tag) =	ssettag $0x2  }
0x16b: {  	s0 =	rddreg [dreg:$0x0];
	s2 =	stileid.u32  }
0x16c: {  	s1 =	rddreg [dreg:$0x1];
	p0 =	sne.s32 s2, $0x0  }
0x16d: {  	s3 =	rddreg [dreg:$0x2];
	[bflag:$0x3] =	sbarrier.arrive $0xFFFF;
	s2 =	simm.s32 @!p0 $0x1C0D  }
0x16e: {  	[timem:s3], [sflag:s2] =	dma.local @!p0 [hbm:s0], s1  }
0x16f: {  	s0 =	simm.s32 @!p0 $0xD  }
0x170: {  	_ =	swait.ge @!p0 [sflag:s0], s1  }
0x171: {  	s1 =	ssub.s32 @!p0 $0x0, s1;
	[sflag:s0] =	ssyncset.done @!p0 $0x0  }
0x172: {  	[sflag:s0] =	ssyncadd.s32 @!p0 s1  }
0x173: {  	[bflag:$0x3] =	sbarrier.arrive $0xFFFF  }
0x174: {  	_ =	shalt  }

</sc_bundles>
